<compile_context>
chip_gen: v7x
topology: tpu7x:2x2x1
jax: 0.10.2.dev20260603
libtpu: 0.0.44.dev20260713+nightly
codegen_flags: <defaults>
</compile_context>

<pallas_src>
import functools
import jax
import jax.numpy as jnp
from jax import lax
from jax.experimental import pallas as pl
from jax.experimental.pallas import tpu as pltpu
from jax.experimental.pallas import tpu_sc as plsc

EMB = 64
SCALE = 8.0
NC = 2
NS = 16
NW = NC * NS
G = 128
NBUF = 4
D = 2


@functools.partial(jax.jit, static_argnums=(2,))
def _transpose(table_t, tail2, v):
    hb = v // G
    ring = (hb // NW) * NW
    per_w = ring // NW
    extras = hb - ring
    mesh = plsc.VectorSubcoreMesh(core_axis_name="c", subcore_axis_name="s")

    @functools.partial(
        pl.kernel,
        mesh=mesh,
        out_type=jax.ShapeDtypeStruct((v // 2, 2 * EMB), jnp.float32),
        scratch_types=[
            pltpu.VMEM((4, EMB, G), jnp.float32),
            pltpu.VMEM((4, EMB, G), jnp.float32),
            pltpu.VMEM((EMB // 2, G), jnp.float32),
        ]
        + [pltpu.SemaphoreType.DMA] * 8,
        compiler_params=pltpu.CompilerParams(needs_layout_passes=False),
    )
    def k1(tab_hbm, tail_hbm, scr_hbm, src_v, dst_v, tl_v, *sems):
        in_sems = sems[:4]
        out_sems = sems[4:]
        wid = lax.axis_index("s") * NC + lax.axis_index("c")
        base = wid * per_w

        def get(i, b):
            return pltpu.async_copy(
                tab_hbm.at[:, pl.ds((base + i) * G, G)], src_v.at[b], in_sems[b]
            )

        def wait_get(b):
            pltpu.make_async_copy(
                tab_hbm.at[:, pl.ds(0, G)], src_v.at[b], in_sems[b]
            ).wait()

        def put(i, b):
            return pltpu.async_copy(
                dst_v.at[b], scr_hbm.at[pl.ds((base + i) * EMB, EMB)], out_sems[b]
            )

        def wait_put(b):
            pltpu.make_async_copy(
                dst_v.at[b], scr_hbm.at[pl.ds(0, EMB)], out_sems[b]
            ).wait()

        lanes = lax.iota(jnp.int32, 16)
        lanes9 = lanes * 9
        jv = [jc * 16 + lanes for jc in range(8)]
        pv = [(jc * 16 + lanes) >> 1 for jc in range(8)]
        qoff = [((jc * 16 + lanes) & 1) << 6 for jc in range(8)]

        def xpose(sb, db):
            def body(c0, carry):
                cvec = (c0 + lanes9) & 63
                vs = [
                    plsc.load_gather(src_v.at[sb], [cvec, jv[jc]])
                    for jc in range(8)
                ]
                for jc in range(8):
                    plsc.store_scatter(
                        dst_v.at[db], [pv[jc], cvec + qoff[jc]], vs[jc]
                    )
                return carry

            lax.fori_loop(0, EMB, body, 0)

        get(0, 0)
        get(1, 1)
        for i in range(2):
            get(i + 2, i + 2)
            wait_get(i)
            xpose(i, i)
            put(i, i)

        def steady(t, c):
            for b in range(4):
                i = 2 + 4 * t + b
                cb = (2 + b) % 4
                wait_put(b)
                get(i + 2, b)
                wait_get(cb)
                xpose(cb, cb)
                put(i, cb)
            return c

        lax.fori_loop(0, (per_w - 4) // 4, steady, 0)

        for i in range(per_w - 2, per_w):
            cb = i % 4
            wait_get(cb)
            xpose(cb, cb)
            put(i, cb)
        for b in range(4):
            wait_put(b)

        for w in range(extras):

            @pl.when(wid == w)
            def _():
                h = ring + w
                pltpu.sync_copy(tab_hbm.at[:, pl.ds(h * G, G)], src_v.at[0])
                xpose(0, 0)
                pltpu.sync_copy(dst_v.at[0], scr_hbm.at[pl.ds(h * EMB, EMB)])

        @pl.when(wid == NW - 1)
        def _():
            pltpu.sync_copy(tail_hbm, tl_v)
            pltpu.sync_copy(tl_v, scr_hbm.at[pl.ds(hb * EMB, EMB // 2)])

    return k1(table_t, tail2)


@functools.partial(jax.jit, static_argnums=(2,))
def _run(idx3, table, ns):
    mesh = plsc.VectorSubcoreMesh(core_axis_name="c", subcore_axis_name="s")

    @functools.partial(
        pl.kernel,
        mesh=mesh,
        out_type=jax.ShapeDtypeStruct((ns, 8, NW, 8, G), jnp.float32),
        scratch_types=[
            pltpu.VMEM((ns, G), jnp.int32),
            pltpu.VMEM((NBUF, G, EMB), jnp.float32),
            pltpu.VMEM((NBUF, 8, 8, G), jnp.float32),
        ]
        + [pltpu.SemaphoreType.DMA] * (2 * NBUF),
        compiler_params=pltpu.CompilerParams(
            use_tc_tiling_on_sc=False, needs_layout_passes=False
        ),
    )
    def k(idx_hbm, table_hbm, out_hbm, idx_v, rows_v, stg_v, *sems):
        in_sems = sems[:NBUF]
        out_sems = sems[NBUF:]
        wid = lax.axis_index("s") * NC + lax.axis_index("c")
        pltpu.sync_copy(idx_hbm.at[wid], idx_v)

        def gather(s, b):
            return pltpu.async_copy(
                table_hbm.at[idx_v.at[s]], rows_v.at[b], in_sems[b]
            )

        def wait_gather(s, b):
            pltpu.make_async_copy(
                table_hbm.at[idx_v.at[s]], rows_v.at[b], in_sems[b]
            ).wait()

        def put(s, b):
            return pltpu.async_copy(
                stg_v.at[b], out_hbm.at[s, :, wid], out_sems[b]
            )

        def wait_put(b):
            pltpu.make_async_copy(
                stg_v.at[b], out_hbm.at[0, :, wid], out_sems[b]
            ).wait()

        lanes = lax.iota(jnp.int32, 16)
        lanes9 = lanes * 9
        rowv = [lc * 16 + lanes for lc in range(8)]

        def xpose_scale(b):
            def body(c0, carry):
                cvec = (c0 + lanes9) & 63
                gvec = cvec >> 3
                clovec = cvec & 7
                vs = [
                    plsc.load_gather(rows_v.at[b], [rowv[lc], cvec])
                    for lc in range(8)
                ]
                for lc in range(8):
                    plsc.store_scatter(
                        stg_v.at[b], [gvec, clovec, rowv[lc]], vs[lc] * SCALE
                    )
                return carry

            lax.fori_loop(0, EMB, body, 0)

        gather(0, 0)
        gather(1, 1)
        for s in range(D):
            gather(s + D, s + D)
            wait_gather(s, s)
            xpose_scale(s)
            put(s, s)

        def steady(t, c):
            for b in range(NBUF):
                s = D + t * NBUF + b
                cb = (D + b) % NBUF
                wait_put(b)
                gather(s + D, b)
                wait_gather(s, cb)
                xpose_scale(cb)
                put(s, cb)
            return c

        lax.fori_loop(0, (ns - 2 * D) // NBUF, steady, 0)

        for i in range(D):
            s = ns - D + i
            cb = s % NBUF
            wait_gather(s, cb)
            xpose_scale(cb)
            put(s, cb)
        for b in range(NBUF):
            wait_put(b)

    return k(idx3, table)


def kernel(tokens, table):
    nb, ns = tokens.shape
    v = table.shape[0]
    idx3 = tokens.astype(jnp.int32).T.reshape(ns, NW, G).transpose(1, 0, 2)
    table_t = table.T
    tail_lo = (v // G) * G
    tail2 = table[tail_lo:].reshape((v - tail_lo) // 2, 2 * EMB)
    pairs = _transpose(table_t, tail2, v)
    table_lin = pairs.reshape(v, EMB)
    out5 = _run(idx3, table_lin, ns)
    return jnp.transpose(out5, (2, 4, 0, 1, 3)).reshape(nb, ns, EMB)

# --- scband reference (transcript-rebuilt; emitter-appended) ---
"""Pipeline reference for scband-token-embedding-1906965479875 (READ-ONLY COPY).

The authoritative reference and input builder live on the scoring server;
editing this copy changes nothing except your own understanding.
"""

import jax, jax.numpy as jnp
import numpy as np
import math

PAD_IDX = 1
VOCAB = 1000000
EMB = 64

def setup_inputs(seed: int = 0) -> dict:
    key = jax.random.key(seed)
    k_tok, k_tab = jax.random.split(key)
    tokens = jax.random.randint(k_tok, (4096, 200), 0, VOCAB, dtype=jnp.int64 if jax.config.jax_enable_x64 else jnp.int32)
    table = jax.random.normal(k_tab, (VOCAB, EMB), dtype=jnp.float32)
    # padding_idx row is zero-initialized in nn.Embedding
    table = table.at[PAD_IDX].set(0.0)
    return {"tokens": tokens, "table": table}

def reference(tokens, table):
    emb = jnp.take(table, tokens, axis=0)
    return emb * math.sqrt(EMB)

if __name__ == "__main__":
    import jax
    _d = setup_inputs()
    print(jax.jit(kernel)(*tuple(_d.values())))

</pallas_src>

<mosaic_0001>
#map = affine_map<(d0, d1) -> (0, 0)>
module attributes {stable_mosaic.version = 14 : i64} {
  func.func @k1(%arg0: i32, %arg1: i32, %arg2: memref<64x1000000xf32, #tpu.memory_space<hbm>>, %arg3: memref<32x128xf32, #tpu.memory_space<hbm>>, %arg4: memref<500000x128xf32, #tpu.memory_space<hbm>>, %arg5: memref<4x64x128xf32, #tpu.memory_space<vmem>>, %arg6: memref<4x64x128xf32, #tpu.memory_space<vmem>>, %arg7: memref<32x128xf32, #tpu.memory_space<vmem>>, %arg8: memref<!tpu.dma_semaphore, #tpu.memory_space<semaphore_mem>>, %arg9: memref<!tpu.dma_semaphore, #tpu.memory_space<semaphore_mem>>, %arg10: memref<!tpu.dma_semaphore, #tpu.memory_space<semaphore_mem>>, %arg11: memref<!tpu.dma_semaphore, #tpu.memory_space<semaphore_mem>>, %arg12: memref<!tpu.dma_semaphore, #tpu.memory_space<semaphore_mem>>, %arg13: memref<!tpu.dma_semaphore, #tpu.memory_space<semaphore_mem>>, %arg14: memref<!tpu.dma_semaphore, #tpu.memory_space<semaphore_mem>>, %arg15: memref<!tpu.dma_semaphore, #tpu.memory_space<semaphore_mem>>) attributes {dimension_semantics = [#tpu.dimension_semantics<core_parallel>, #tpu.dimension_semantics<subcore_parallel>], iteration_bounds = array<i64: 2, 16>, scalar_prefetch = 0 : i64, scratch_operands = 11 : i64, tpu.core_type = #tpu.core_type<sc_vector_subcore>, window_params = [{transform_indices = #map}, {transform_indices = #map}, {transform_indices = #map}]} {
    %mul3A = arith.constant 2 : i32
    %mul3A_0 = arith.muli %arg1, %mul3A : i32
    %add3A = arith.addi %mul3A_0, %arg0 : i32
    %mul3A_1 = arith.constant 244 : i32
    %mul3A_2 = arith.muli %add3A, %mul3A_1 : i32
    %iota3A = tpu.iota {dimensions = array<i32: 0>} : vector<16xi32>
    %mul3A_3 = arith.constant 9 : i32
    %mul3A_4 = vector.broadcast %mul3A_3 : i32 to vector<16xi32>
    %mul3A_5 = arith.muli %iota3A, %mul3A_4 : vector<16xi32>
    %add3A_6 = arith.constant 0 : i32
    %add3A_7 = vector.broadcast %add3A_6 : i32 to vector<16xi32>
    %add3A_8 = arith.addi %add3A_7, %iota3A : vector<16xi32>
    %add3A_9 = arith.constant 16 : i32
    %add3A_10 = vector.broadcast %add3A_9 : i32 to vector<16xi32>
    %add3A_11 = arith.addi %add3A_10, %iota3A : vector<16xi32>
    %add3A_12 = arith.constant 32 : i32
    %add3A_13 = vector.broadcast %add3A_12 : i32 to vector<16xi32>
    %add3A_14 = arith.addi %add3A_13, %iota3A : vector<16xi32>
    %add3A_15 = arith.constant 48 : i32
    %add3A_16 = vector.broadcast %add3A_15 : i32 to vector<16xi32>
    %add3A_17 = arith.addi %add3A_16, %iota3A : vector<16xi32>
    %add3A_18 = arith.constant 64 : i32
    %add3A_19 = vector.broadcast %add3A_18 : i32 to vector<16xi32>
    %add3A_20 = arith.addi %add3A_19, %iota3A : vector<16xi32>
    %add3A_21 = arith.constant 80 : i32
    %add3A_22 = vector.broadcast %add3A_21 : i32 to vector<16xi32>
    %add3A_23 = arith.addi %add3A_22, %iota3A : vector<16xi32>
    %add3A_24 = arith.constant 96 : i32
    %add3A_25 = vector.broadcast %add3A_24 : i32 to vector<16xi32>
    %add3A_26 = arith.addi %add3A_25, %iota3A : vector<16xi32>
    %add3A_27 = arith.constant 112 : i32
    %add3A_28 = vector.broadcast %add3A_27 : i32 to vector<16xi32>
    %add3A_29 = arith.addi %add3A_28, %iota3A : vector<16xi32>
    %add3A_30 = arith.constant 0 : i32
    %add3A_31 = vector.broadcast %add3A_30 : i32 to vector<16xi32>
    %add3A_32 = arith.addi %add3A_31, %iota3A : vector<16xi32>
    %shift_right_arithmetic3A = arith.constant 1 : i32
    %shift_right_arithmetic3A_33 = vector.broadcast %shift_right_arithmetic3A : i32 to vector<16xi32>
    %shift_right_arithmetic3A_34 = arith.shrsi %add3A_32, %shift_right_arithmetic3A_33 : vector<16xi32>
    %add3A_35 = arith.constant 16 : i32
    %add3A_36 = vector.broadcast %add3A_35 : i32 to vector<16xi32>
    %add3A_37 = arith.addi %add3A_36, %iota3A : vector<16xi32>
    %shift_right_arithmetic3A_38 = arith.constant 1 : i32
    %shift_right_arithmetic3A_39 = vector.broadcast %shift_right_arithmetic3A_38 : i32 to vector<16xi32>
    %shift_right_arithmetic3A_40 = arith.shrsi %add3A_37, %shift_right_arithmetic3A_39 : vector<16xi32>
    %add3A_41 = arith.constant 32 : i32
    %add3A_42 = vector.broadcast %add3A_41 : i32 to vector<16xi32>
    %add3A_43 = arith.addi %add3A_42, %iota3A : vector<16xi32>
    %shift_right_arithmetic3A_44 = arith.constant 1 : i32
    %shift_right_arithmetic3A_45 = vector.broadcast %shift_right_arithmetic3A_44 : i32 to vector<16xi32>
    %shift_right_arithmetic3A_46 = arith.shrsi %add3A_43, %shift_right_arithmetic3A_45 : vector<16xi32>
    %add3A_47 = arith.constant 48 : i32
    %add3A_48 = vector.broadcast %add3A_47 : i32 to vector<16xi32>
    %add3A_49 = arith.addi %add3A_48, %iota3A : vector<16xi32>
    %shift_right_arithmetic3A_50 = arith.constant 1 : i32
    %shift_right_arithmetic3A_51 = vector.broadcast %shift_right_arithmetic3A_50 : i32 to vector<16xi32>
    %shift_right_arithmetic3A_52 = arith.shrsi %add3A_49, %shift_right_arithmetic3A_51 : vector<16xi32>
    %add3A_53 = arith.constant 64 : i32
    %add3A_54 = vector.broadcast %add3A_53 : i32 to vector<16xi32>
    %add3A_55 = arith.addi %add3A_54, %iota3A : vector<16xi32>
    %shift_right_arithmetic3A_56 = arith.constant 1 : i32
    %shift_right_arithmetic3A_57 = vector.broadcast %shift_right_arithmetic3A_56 : i32 to vector<16xi32>
    %shift_right_arithmetic3A_58 = arith.shrsi %add3A_55, %shift_right_arithmetic3A_57 : vector<16xi32>
    %add3A_59 = arith.constant 80 : i32
    %add3A_60 = vector.broadcast %add3A_59 : i32 to vector<16xi32>
    %add3A_61 = arith.addi %add3A_60, %iota3A : vector<16xi32>
    %shift_right_arithmetic3A_62 = arith.constant 1 : i32
    %shift_right_arithmetic3A_63 = vector.broadcast %shift_right_arithmetic3A_62 : i32 to vector<16xi32>
    %shift_right_arithmetic3A_64 = arith.shrsi %add3A_61, %shift_right_arithmetic3A_63 : vector<16xi32>
    %add3A_65 = arith.constant 96 : i32
    %add3A_66 = vector.broadcast %add3A_65 : i32 to vector<16xi32>
    %add3A_67 = arith.addi %add3A_66, %iota3A : vector<16xi32>
    %shift_right_arithmetic3A_68 = arith.constant 1 : i32
    %shift_right_arithmetic3A_69 = vector.broadcast %shift_right_arithmetic3A_68 : i32 to vector<16xi32>
    %shift_right_arithmetic3A_70 = arith.shrsi %add3A_67, %shift_right_arithmetic3A_69 : vector<16xi32>
    %add3A_71 = arith.constant 112 : i32
    %add3A_72 = vector.broadcast %add3A_71 : i32 to vector<16xi32>
    %add3A_73 = arith.addi %add3A_72, %iota3A : vector<16xi32>
    %shift_right_arithmetic3A_74 = arith.constant 1 : i32
    %shift_right_arithmetic3A_75 = vector.broadcast %shift_right_arithmetic3A_74 : i32 to vector<16xi32>
    %shift_right_arithmetic3A_76 = arith.shrsi %add3A_73, %shift_right_arithmetic3A_75 : vector<16xi32>
    %add3A_77 = arith.constant 0 : i32
    %add3A_78 = vector.broadcast %add3A_77 : i32 to vector<16xi32>
    %add3A_79 = arith.addi %add3A_78, %iota3A : vector<16xi32>
    %and3A = arith.constant 1 : i32
    %and3A_80 = vector.broadcast %and3A : i32 to vector<16xi32>
    %and3A_81 = arith.andi %add3A_79, %and3A_80 : vector<16xi32>
    %shift_left3A = arith.constant 6 : i32
    %shift_left3A_82 = vector.broadcast %shift_left3A : i32 to vector<16xi32>
    %shift_left3A_83 = arith.shli %and3A_81, %shift_left3A_82 : vector<16xi32>
    %add3A_84 = arith.constant 16 : i32
    %add3A_85 = vector.broadcast %add3A_84 : i32 to vector<16xi32>
    %add3A_86 = arith.addi %add3A_85, %iota3A : vector<16xi32>
    %and3A_87 = arith.constant 1 : i32
    %and3A_88 = vector.broadcast %and3A_87 : i32 to vector<16xi32>
    %and3A_89 = arith.andi %add3A_86, %and3A_88 : vector<16xi32>
    %shift_left3A_90 = arith.constant 6 : i32
    %shift_left3A_91 = vector.broadcast %shift_left3A_90 : i32 to vector<16xi32>
    %shift_left3A_92 = arith.shli %and3A_89, %shift_left3A_91 : vector<16xi32>
    %add3A_93 = arith.constant 32 : i32
    %add3A_94 = vector.broadcast %add3A_93 : i32 to vector<16xi32>
    %add3A_95 = arith.addi %add3A_94, %iota3A : vector<16xi32>
    %and3A_96 = arith.constant 1 : i32
    %and3A_97 = vector.broadcast %and3A_96 : i32 to vector<16xi32>
    %and3A_98 = arith.andi %add3A_95, %and3A_97 : vector<16xi32>
    %shift_left3A_99 = arith.constant 6 : i32
    %shift_left3A_100 = vector.broadcast %shift_left3A_99 : i32 to vector<16xi32>
    %shift_left3A_101 = arith.shli %and3A_98, %shift_left3A_100 : vector<16xi32>
    %add3A_102 = arith.constant 48 : i32
    %add3A_103 = vector.broadcast %add3A_102 : i32 to vector<16xi32>
    %add3A_104 = arith.addi %add3A_103, %iota3A : vector<16xi32>
    %and3A_105 = arith.constant 1 : i32
    %and3A_106 = vector.broadcast %and3A_105 : i32 to vector<16xi32>
    %and3A_107 = arith.andi %add3A_104, %and3A_106 : vector<16xi32>
    %shift_left3A_108 = arith.constant 6 : i32
    %shift_left3A_109 = vector.broadcast %shift_left3A_108 : i32 to vector<16xi32>
    %shift_left3A_110 = arith.shli %and3A_107, %shift_left3A_109 : vector<16xi32>
    %add3A_111 = arith.constant 64 : i32
    %add3A_112 = vector.broadcast %add3A_111 : i32 to vector<16xi32>
    %add3A_113 = arith.addi %add3A_112, %iota3A : vector<16xi32>
    %and3A_114 = arith.constant 1 : i32
    %and3A_115 = vector.broadcast %and3A_114 : i32 to vector<16xi32>
    %and3A_116 = arith.andi %add3A_113, %and3A_115 : vector<16xi32>
    %shift_left3A_117 = arith.constant 6 : i32
    %shift_left3A_118 = vector.broadcast %shift_left3A_117 : i32 to vector<16xi32>
    %shift_left3A_119 = arith.shli %and3A_116, %shift_left3A_118 : vector<16xi32>
    %add3A_120 = arith.constant 80 : i32
    %add3A_121 = vector.broadcast %add3A_120 : i32 to vector<16xi32>
    %add3A_122 = arith.addi %add3A_121, %iota3A : vector<16xi32>
    %and3A_123 = arith.constant 1 : i32
    %and3A_124 = vector.broadcast %and3A_123 : i32 to vector<16xi32>
    %and3A_125 = arith.andi %add3A_122, %and3A_124 : vector<16xi32>
    %shift_left3A_126 = arith.constant 6 : i32
    %shift_left3A_127 = vector.broadcast %shift_left3A_126 : i32 to vector<16xi32>
    %shift_left3A_128 = arith.shli %and3A_125, %shift_left3A_127 : vector<16xi32>
    %add3A_129 = arith.constant 96 : i32
    %add3A_130 = vector.broadcast %add3A_129 : i32 to vector<16xi32>
    %add3A_131 = arith.addi %add3A_130, %iota3A : vector<16xi32>
    %and3A_132 = arith.constant 1 : i32
    %and3A_133 = vector.broadcast %and3A_132 : i32 to vector<16xi32>
    %and3A_134 = arith.andi %add3A_131, %and3A_133 : vector<16xi32>
    %shift_left3A_135 = arith.constant 6 : i32
    %shift_left3A_136 = vector.broadcast %shift_left3A_135 : i32 to vector<16xi32>
    %shift_left3A_137 = arith.shli %and3A_134, %shift_left3A_136 : vector<16xi32>
    %add3A_138 = arith.constant 112 : i32
    %add3A_139 = vector.broadcast %add3A_138 : i32 to vector<16xi32>
    %add3A_140 = arith.addi %add3A_139, %iota3A : vector<16xi32>
    %and3A_141 = arith.constant 1 : i32
    %and3A_142 = vector.broadcast %and3A_141 : i32 to vector<16xi32>
    %and3A_143 = arith.andi %add3A_140, %and3A_142 : vector<16xi32>
    %shift_left3A_144 = arith.constant 6 : i32
    %shift_left3A_145 = vector.broadcast %shift_left3A_144 : i32 to vector<16xi32>
    %shift_left3A_146 = arith.shli %and3A_143, %shift_left3A_145 : vector<16xi32>
    %add3A_147 = arith.constant 0 : i32
    %add3A_148 = arith.addi %mul3A_2, %add3A_147 : i32
    %mul3A_149 = arith.constant 128 : i32
    %mul3A_150 = arith.muli %add3A_148, %mul3A_149 : i32
    %dma_start3A = arith.constant 0 : i32
    %dma_start3A_151 = arith.constant 0 : i32
    %dma_start3A_152 = arith.constant 0 : i32
    %dma_start3A_153 = tpu.memref_slice %arg5[%dma_start3A, %dma_start3A_151, %dma_start3A_152] : memref<4x64x128xf32, #tpu.memory_space<vmem>> -> memref<1x64x128xf32, #tpu.memory_space<vmem>>
    %dma_start3A_154 = tpu.memref_squeeze %dma_start3A_153 : memref<1x64x128xf32, #tpu.memory_space<vmem>> -> memref<64x128xf32, #tpu.memory_space<vmem>>
    %dma_start3A_155 = arith.constant 0 : i32
    %dma_start3A_156 = tpu.memref_slice %arg2[%dma_start3A_155, %mul3A_150] : memref<64x1000000xf32, #tpu.memory_space<hbm>> -> memref<64x128xf32, #tpu.memory_space<hbm>>
    %dma_start3A_157 = arith.constant 0 : i32
    %dma_start3A_158 = arith.constant 0 : i32
    %dma_start3A_159 = tpu.memref_slice %arg5[%dma_start3A, %dma_start3A_157, %dma_start3A_158] : memref<4x64x128xf32, #tpu.memory_space<vmem>> -> memref<1x64x128xf32, #tpu.memory_space<vmem>>
    %dma_start3A_160 = tpu.memref_squeeze %dma_start3A_159 : memref<1x64x128xf32, #tpu.memory_space<vmem>> -> memref<64x128xf32, #tpu.memory_space<vmem>>
    %dma_start3A_161 = arith.constant 0 : i32
    %dma_start3A_162 = tpu.memref_slice %arg2[%dma_start3A_161, %mul3A_150] : memref<64x1000000xf32, #tpu.memory_space<hbm>> -> memref<64x128xf32, #tpu.memory_space<hbm>>
    tpu.enqueue_dma source(%dma_start3A_162 : memref<64x128xf32, #tpu.memory_space<hbm>>) target(%dma_start3A_160 : memref<64x128xf32, #tpu.memory_space<vmem>>) target_semaphore(%arg8 : memref<!tpu.dma_semaphore, #tpu.memory_space<semaphore_mem>>)
    %add3A_163 = arith.constant 1 : i32
    %add3A_164 = arith.addi %mul3A_2, %add3A_163 : i32
    %mul3A_165 = arith.constant 128 : i32
    %mul3A_166 = arith.muli %add3A_164, %mul3A_165 : i32
    %dma_start3A_167 = arith.constant 1 : i32
    %dma_start3A_168 = arith.constant 0 : i32
    %dma_start3A_169 = arith.constant 0 : i32
    %dma_start3A_170 = tpu.memref_slice %arg5[%dma_start3A_167, %dma_start3A_168, %dma_start3A_169] : memref<4x64x128xf32, #tpu.memory_space<vmem>> -> memref<1x64x128xf32, #tpu.memory_space<vmem>>
    %dma_start3A_171 = tpu.memref_squeeze %dma_start3A_170 : memref<1x64x128xf32, #tpu.memory_space<vmem>> -> memref<64x128xf32, #tpu.memory_space<vmem>>
    %dma_start3A_172 = arith.constant 0 : i32
    %dma_start3A_173 = tpu.memref_slice %arg2[%dma_start3A_172, %mul3A_166] : memref<64x1000000xf32, #tpu.memory_space<hbm>> -> memref<64x128xf32, #tpu.memory_space<hbm>>
    %dma_start3A_174 = arith.constant 0 : i32
    %dma_start3A_175 = arith.constant 0 : i32
    %dma_start3A_176 = tpu.memref_slice %arg5[%dma_start3A_167, %dma_start3A_174, %dma_start3A_175] : memref<4x64x128xf32, #tpu.memory_space<vmem>> -> memref<1x64x128xf32, #tpu.memory_space<vmem>>
    %dma_start3A_177 = tpu.memref_squeeze %dma_start3A_176 : memref<1x64x128xf32, #tpu.memory_space<vmem>> -> memref<64x128xf32, #tpu.memory_space<vmem>>
    %dma_start3A_178 = arith.constant 0 : i32
    %dma_start3A_179 = tpu.memref_slice %arg2[%dma_start3A_178, %mul3A_166] : memref<64x1000000xf32, #tpu.memory_space<hbm>> -> memref<64x128xf32, #tpu.memory_space<hbm>>
    tpu.enqueue_dma source(%dma_start3A_179 : memref<64x128xf32, #tpu.memory_space<hbm>>) target(%dma_start3A_177 : memref<64x128xf32, #tpu.memory_space<vmem>>) target_semaphore(%arg9 : memref<!tpu.dma_semaphore, #tpu.memory_space<semaphore_mem>>)
    %add3A_180 = arith.constant 2 : i32
    %add3A_181 = arith.addi %mul3A_2, %add3A_180 : i32
    %mul3A_182 = arith.constant 128 : i32
    %mul3A_183 = arith.muli %add3A_181, %mul3A_182 : i32
    %dma_start3A_184 = arith.constant 2 : i32
    %dma_start3A_185 = arith.constant 0 : i32
    %dma_start3A_186 = arith.constant 0 : i32
    %dma_start3A_187 = tpu.memref_slice %arg5[%dma_start3A_184, %dma_start3A_185, %dma_start3A_186] : memref<4x64x128xf32, #tpu.memory_space<vmem>> -> memref<1x64x128xf32, #tpu.memory_space<vmem>>
    %dma_start3A_188 = tpu.memref_squeeze %dma_start3A_187 : memref<1x64x128xf32, #tpu.memory_space<vmem>> -> memref<64x128xf32, #tpu.memory_space<vmem>>
    %dma_start3A_189 = arith.constant 0 : i32
    %dma_start3A_190 = tpu.memref_slice %arg2[%dma_start3A_189, %mul3A_183] : memref<64x1000000xf32, #tpu.memory_space<hbm>> -> memref<64x128xf32, #tpu.memory_space<hbm>>
    %dma_start3A_191 = arith.constant 0 : i32
    %dma_start3A_192 = arith.constant 0 : i32
    %dma_start3A_193 = tpu.memref_slice %arg5[%dma_start3A_184, %dma_start3A_191, %dma_start3A_192] : memref<4x64x128xf32, #tpu.memory_space<vmem>> -> memref<1x64x128xf32, #tpu.memory_space<vmem>>
    %dma_start3A_194 = tpu.memref_squeeze %dma_start3A_193 : memref<1x64x128xf32, #tpu.memory_space<vmem>> -> memref<64x128xf32, #tpu.memory_space<vmem>>
    %dma_start3A_195 = arith.constant 0 : i32
    %dma_start3A_196 = tpu.memref_slice %arg2[%dma_start3A_195, %mul3A_183] : memref<64x1000000xf32, #tpu.memory_space<hbm>> -> memref<64x128xf32, #tpu.memory_space<hbm>>
    tpu.enqueue_dma source(%dma_start3A_196 : memref<64x128xf32, #tpu.memory_space<hbm>>) target(%dma_start3A_194 : memref<64x128xf32, #tpu.memory_space<vmem>>) target_semaphore(%arg10 : memref<!tpu.dma_semaphore, #tpu.memory_space<semaphore_mem>>)
    %dma_wait3A = arith.constant 0 : i32
    %dma_wait3A_197 = arith.constant 0 : i32
    %dma_wait3A_198 = arith.constant 0 : i32
    %dma_wait3A_199 = tpu.memref_slice %arg5[%dma_wait3A, %dma_wait3A_197, %dma_wait3A_198] : memref<4x64x128xf32, #tpu.memory_space<vmem>> -> memref<1x64x128xf32, #tpu.memory_space<vmem>>
    %dma_wait3A_200 = tpu.memref_squeeze %dma_wait3A_199 : memref<1x64x128xf32, #tpu.memory_space<vmem>> -> memref<64x128xf32, #tpu.memory_space<vmem>>
    %dma_wait3A_201 = arith.constant 0 : i32
    %dma_wait3A_202 = arith.constant 0 : i32
    %dma_wait3A_203 = tpu.memref_slice %arg2[%dma_wait3A_201, %dma_wait3A_202] : memref<64x1000000xf32, #tpu.memory_space<hbm>> -> memref<64x128xf32, #tpu.memory_space<hbm>>
    %dma_wait3A_204 = arith.constant 0 : i32
    %dma_wait3A_205 = arith.constant 0 : i32
    %dma_wait3A_206 = tpu.memref_slice %arg5[%dma_wait3A, %dma_wait3A_204, %dma_wait3A_205] : memref<4x64x128xf32, #tpu.memory_space<vmem>> -> memref<1x64x128xf32, #tpu.memory_space<vmem>>
    %dma_wait3A_207 = tpu.memref_squeeze %dma_wait3A_206 : memref<1x64x128xf32, #tpu.memory_space<vmem>> -> memref<64x128xf32, #tpu.memory_space<vmem>>
    %dma_wait3A_208 = arith.constant 0 : i32
    %dma_wait3A_209 = arith.constant 0 : i32
    %dma_wait3A_210 = tpu.memref_slice %arg2[%dma_wait3A_208, %dma_wait3A_209] : memref<64x1000000xf32, #tpu.memory_space<hbm>> -> memref<64x128xf32, #tpu.memory_space<hbm>>
    tpu.wait_dma2 semaphore(%arg8 : memref<!tpu.dma_semaphore, #tpu.memory_space<semaphore_mem>>) src(%dma_wait3A_210 : memref<64x128xf32, #tpu.memory_space<hbm>>) dst(%dma_wait3A_207 : memref<64x128xf32, #tpu.memory_space<vmem>>)
    %scan3A = arith.constant 0 : i32
    %scan3A_211 = arith.constant 0 : i32
    %scan3A_212 = arith.constant 64 : i32
    %scan3A_213 = arith.addi %scan3A_211, %scan3A_212 : i32
    %scan3A_214 = arith.constant 1 : i32
    scf.for %scan3A_452 = %scan3A_211 to %scan3A_213 step %scan3A_214  : i32 {
      %add3A_453 = vector.broadcast %scan3A_452 : i32 to vector<16xi32>
      %add3A_454 = arith.addi %add3A_453, %mul3A_5 : vector<16xi32>
      %and3A_455 = arith.constant 63 : i32
      %and3A_456 = vector.broadcast %and3A_455 : i32 to vector<16xi32>
      %and3A_457 = arith.andi %add3A_454, %and3A_456 : vector<16xi32>
      %gather3A = arith.constant 0 : i32
      %gather3A_458 = arith.constant 0 : i32
      %gather3A_459 = arith.constant 0 : i32
      %gather3A_460 = tpu.memref_slice %arg5[%gather3A, %gather3A_458, %gather3A_459] : memref<4x64x128xf32, #tpu.memory_space<vmem>> -> memref<1x64x128xf32, #tpu.memory_space<vmem>>
      %gather3A_461 = tpu.memref_squeeze %gather3A_460 : memref<1x64x128xf32, #tpu.memory_space<vmem>> -> memref<64x128xf32, #tpu.memory_space<vmem>>
      %gather3A_462 = tpu.vector_load_idx %gather3A_461[%and3A_457, %add3A_8] : memref<64x128xf32, #tpu.memory_space<vmem>>[vector<16xi32>, vector<16xi32>], vector<16xf32>,
      %gather3A_463 = arith.constant 0 : i32
      %gather3A_464 = arith.constant 0 : i32
      %gather3A_465 = arith.constant 0 : i32
      %gather3A_466 = tpu.memref_slice %arg5[%gather3A_463, %gather3A_464, %gather3A_465] : memref<4x64x128xf32, #tpu.memory_space<vmem>> -> memref<1x64x128xf32, #tpu.memory_space<vmem>>
      %gather3A_467 = tpu.memref_squeeze %gather3A_466 : memref<1x64x128xf32, #tpu.memory_space<vmem>> -> memref<64x128xf32, #tpu.memory_space<vmem>>
      %gather3A_468 = tpu.vector_load_idx %gather3A_467[%and3A_457, %add3A_11] : memref<64x128xf32, #tpu.memory_space<vmem>>[vector<16xi32>, vector<16xi32>], vector<16xf32>,
      %gather3A_469 = arith.constant 0 : i32
      %gather3A_470 = arith.constant 0 : i32
      %gather3A_471 = arith.constant 0 : i32
      %gather3A_472 = tpu.memref_slice %arg5[%gather3A_469, %gather3A_470, %gather3A_471] : memref<4x64x128xf32, #tpu.memory_space<vmem>> -> memref<1x64x128xf32, #tpu.memory_space<vmem>>
      %gather3A_473 = tpu.memref_squeeze %gather3A_472 : memref<1x64x128xf32, #tpu.memory_space<vmem>> -> memref<64x128xf32, #tpu.memory_space<vmem>>
      %gather3A_474 = tpu.vector_load_idx %gather3A_473[%and3A_457, %add3A_14] : memref<64x128xf32, #tpu.memory_space<vmem>>[vector<16xi32>, vector<16xi32>], vector<16xf32>,
      %gather3A_475 = arith.constant 0 : i32
      %gather3A_476 = arith.constant 0 : i32
      %gather3A_477 = arith.constant 0 : i32
      %gather3A_478 = tpu.memref_slice %arg5[%gather3A_475, %gather3A_476, %gather3A_477] : memref<4x64x128xf32, #tpu.memory_space<vmem>> -> memref<1x64x128xf32, #tpu.memory_space<vmem>>
      %gather3A_479 = tpu.memref_squeeze %gather3A_478 : memref<1x64x128xf32, #tpu.memory_space<vmem>> -> memref<64x128xf32, #tpu.memory_space<vmem>>
      %gather3A_480 = tpu.vector_load_idx %gather3A_479[%and3A_457, %add3A_17] : memref<64x128xf32, #tpu.memory_space<vmem>>[vector<16xi32>, vector<16xi32>], vector<16xf32>,
      %gather3A_481 = arith.constant 0 : i32
      %gather3A_482 = arith.constant 0 : i32
      %gather3A_483 = arith.constant 0 : i32
      %gather3A_484 = tpu.memref_slice %arg5[%gather3A_481, %gather3A_482, %gather3A_483] : memref<4x64x128xf32, #tpu.memory_space<vmem>> -> memref<1x64x128xf32, #tpu.memory_space<vmem>>
      %gather3A_485 = tpu.memref_squeeze %gather3A_484 : memref<1x64x128xf32, #tpu.memory_space<vmem>> -> memref<64x128xf32, #tpu.memory_space<vmem>>
      %gather3A_486 = tpu.vector_load_idx %gather3A_485[%and3A_457, %add3A_20] : memref<64x128xf32, #tpu.memory_space<vmem>>[vector<16xi32>, vector<16xi32>], vector<16xf32>,
      %gather3A_487 = arith.constant 0 : i32
      %gather3A_488 = arith.constant 0 : i32
      %gather3A_489 = arith.constant 0 : i32
      %gather3A_490 = tpu.memref_slice %arg5[%gather3A_487, %gather3A_488, %gather3A_489] : memref<4x64x128xf32, #tpu.memory_space<vmem>> -> memref<1x64x128xf32, #tpu.memory_space<vmem>>
      %gather3A_491 = tpu.memref_squeeze %gather3A_490 : memref<1x64x128xf32, #tpu.memory_space<vmem>> -> memref<64x128xf32, #tpu.memory_space<vmem>>
      %gather3A_492 = tpu.vector_load_idx %gather3A_491[%and3A_457, %add3A_23] : memref<64x128xf32, #tpu.memory_space<vmem>>[vector<16xi32>, vector<16xi32>], vector<16xf32>,
      %gather3A_493 = arith.constant 0 : i32
      %gather3A_494 = arith.constant 0 : i32
      %gather3A_495 = arith.constant 0 : i32
      %gather3A_496 = tpu.memref_slice %arg5[%gather3A_493, %gather3A_494, %gather3A_495] : memref<4x64x128xf32, #tpu.memory_space<vmem>> -> memref<1x64x128xf32, #tpu.memory_space<vmem>>
      %gather3A_497 = tpu.memref_squeeze %gather3A_496 : memref<1x64x128xf32, #tpu.memory_space<vmem>> -> memref<64x128xf32, #tpu.memory_space<vmem>>
      %gather3A_498 = tpu.vector_load_idx %gather3A_497[%and3A_457, %add3A_26] : memref<64x128xf32, #tpu.memory_space<vmem>>[vector<16xi32>, vector<16xi32>], vector<16xf32>,
      %gather3A_499 = arith.constant 0 : i32
      %gather3A_500 = arith.constant 0 : i32
      %gather3A_501 = arith.constant 0 : i32
      %gather3A_502 = tpu.memref_slice %arg5[%gather3A_499, %gather3A_500, %gather3A_501] : memref<4x64x128xf32, #tpu.memory_space<vmem>> -> memref<1x64x128xf32, #tpu.memory_space<vmem>>
      %gather3A_503 = tpu.memref_squeeze %gather3A_502 : memref<1x64x128xf32, #tpu.memory_space<vmem>> -> memref<64x128xf32, #tpu.memory_space<vmem>>
      %gather3A_504 = tpu.vector_load_idx %gather3A_503[%and3A_457, %add3A_29] : memref<64x128xf32, #tpu.memory_space<vmem>>[vector<16xi32>, vector<16xi32>], vector<16xf32>,
      %add3A_505 = arith.addi %and3A_457, %shift_left3A_83 : vector<16xi32>
      %scatter3A = arith.constant 0 : i32
      %scatter3A_506 = arith.constant 0 : i32
      %scatter3A_507 = arith.constant 0 : i32
      %scatter3A_508 = tpu.memref_slice %arg6[%scatter3A, %scatter3A_506, %scatter3A_507] : memref<4x64x128xf32, #tpu.memory_space<vmem>> -> memref<1x64x128xf32, #tpu.memory_space<vmem>>
      %scatter3A_509 = tpu.memref_squeeze %scatter3A_508 : memref<1x64x128xf32, #tpu.memory_space<vmem>> -> memref<64x128xf32, #tpu.memory_space<vmem>>
      tpu.vector_store_idx %scatter3A_509[%shift_right_arithmetic3A_34, %add3A_505], %gather3A_462 : memref<64x128xf32, #tpu.memory_space<vmem>>[vector<16xi32>, vector<16xi32>], vector<16xf32>,
      %add3A_510 = arith.addi %and3A_457, %shift_left3A_92 : vector<16xi32>
      %scatter3A_511 = arith.constant 0 : i32
      %scatter3A_512 = arith.constant 0 : i32
      %scatter3A_513 = arith.constant 0 : i32
      %scatter3A_514 = tpu.memref_slice %arg6[%scatter3A_511, %scatter3A_512, %scatter3A_513] : memref<4x64x128xf32, #tpu.memory_space<vmem>> -> memref<1x64x128xf32, #tpu.memory_space<vmem>>
      %scatter3A_515 = tpu.memref_squeeze %scatter3A_514 : memref<1x64x128xf32, #tpu.memory_space<vmem>> -> memref<64x128xf32, #tpu.memory_space<vmem>>
      tpu.vector_store_idx %scatter3A_515[%shift_right_arithmetic3A_40, %add3A_510], %gather3A_468 : memref<64x128xf32, #tpu.memory_space<vmem>>[vector<16xi32>, vector<16xi32>], vector<16xf32>,
      %add3A_516 = arith.addi %and3A_457, %shift_left3A_101 : vector<16xi32>
      %scatter3A_517 = arith.constant 0 : i32
      %scatter3A_518 = arith.constant 0 : i32
      %scatter3A_519 = arith.constant 0 : i32
      %scatter3A_520 = tpu.memref_slice %arg6[%scatter3A_517, %scatter3A_518, %scatter3A_519] : memref<4x64x128xf32, #tpu.memory_space<vmem>> -> memref<1x64x128xf32, #tpu.memory_space<vmem>>
      %scatter3A_521 = tpu.memref_squeeze %scatter3A_520 : memref<1x64x128xf32, #tpu.memory_space<vmem>> -> memref<64x128xf32, #tpu.memory_space<vmem>>
      tpu.vector_store_idx %scatter3A_521[%shift_right_arithmetic3A_46, %add3A_516], %gather3A_474 : memref<64x128xf32, #tpu.memory_space<vmem>>[vector<16xi32>, vector<16xi32>], vector<16xf32>,
      %add3A_522 = arith.addi %and3A_457, %shift_left3A_110 : vector<16xi32>
      %scatter3A_523 = arith.constant 0 : i32
      %scatter3A_524 = arith.constant 0 : i32
      %scatter3A_525 = arith.constant 0 : i32
      %scatter3A_526 = tpu.memref_slice %arg6[%scatter3A_523, %scatter3A_524, %scatter3A_525] : memref<4x64x128xf32, #tpu.memory_space<vmem>> -> memref<1x64x128xf32, #tpu.memory_space<vmem>>
      %scatter3A_527 = tpu.memref_squeeze %scatter3A_526 : memref<1x64x128xf32, #tpu.memory_space<vmem>> -> memref<64x128xf32, #tpu.memory_space<vmem>>
      tpu.vector_store_idx %scatter3A_527[%shift_right_arithmetic3A_52, %add3A_522], %gather3A_480 : memref<64x128xf32, #tpu.memory_space<vmem>>[vector<16xi32>, vector<16xi32>], vector<16xf32>,
      %add3A_528 = arith.addi %and3A_457, %shift_left3A_119 : vector<16xi32>
      %scatter3A_529 = arith.constant 0 : i32
      %scatter3A_530 = arith.constant 0 : i32
      %scatter3A_531 = arith.constant 0 : i32
      %scatter3A_532 = tpu.memref_slice %arg6[%scatter3A_529, %scatter3A_530, %scatter3A_531] : memref<4x64x128xf32, #tpu.memory_space<vmem>> -> memref<1x64x128xf32, #tpu.memory_space<vmem>>
      %scatter3A_533 = tpu.memref_squeeze %scatter3A_532 : memref<1x64x128xf32, #tpu.memory_space<vmem>> -> memref<64x128xf32, #tpu.memory_space<vmem>>
      tpu.vector_store_idx %scatter3A_533[%shift_right_arithmetic3A_58, %add3A_528], %gather3A_486 : memref<64x128xf32, #tpu.memory_space<vmem>>[vector<16xi32>, vector<16xi32>], vector<16xf32>,
      %add3A_534 = arith.addi %and3A_457, %shift_left3A_128 : vector<16xi32>
      %scatter3A_535 = arith.constant 0 : i32
      %scatter3A_536 = arith.constant 0 : i32
      %scatter3A_537 = arith.constant 0 : i32
      %scatter3A_538 = tpu.memref_slice %arg6[%scatter3A_535, %scatter3A_536, %scatter3A_537] : memref<4x64x128xf32, #tpu.memory_space<vmem>> -> memref<1x64x128xf32, #tpu.memory_space<vmem>>
      %scatter3A_539 = tpu.memref_squeeze %scatter3A_538 : memref<1x64x128xf32, #tpu.memory_space<vmem>> -> memref<64x128xf32, #tpu.memory_space<vmem>>
      tpu.vector_store_idx %scatter3A_539[%shift_right_arithmetic3A_64, %add3A_534], %gather3A_492 : memref<64x128xf32, #tpu.memory_space<vmem>>[vector<16xi32>, vector<16xi32>], vector<16xf32>,
      %add3A_540 = arith.addi %and3A_457, %shift_left3A_137 : vector<16xi32>
      %scatter3A_541 = arith.constant 0 : i32
      %scatter3A_542 = arith.constant 0 : i32
      %scatter3A_543 = arith.constant 0 : i32
      %scatter3A_544 = tpu.memref_slice %arg6[%scatter3A_541, %scatter3A_542, %scatter3A_543] : memref<4x64x128xf32, #tpu.memory_space<vmem>> -> memref<1x64x128xf32, #tpu.memory_space<vmem>>
      %scatter3A_545 = tpu.memref_squeeze %scatter3A_544 : memref<1x64x128xf32, #tpu.memory_space<vmem>> -> memref<64x128xf32, #tpu.memory_space<vmem>>
      tpu.vector_store_idx %scatter3A_545[%shift_right_arithmetic3A_70, %add3A_540], %gather3A_498 : memref<64x128xf32, #tpu.memory_space<vmem>>[vector<16xi32>, vector<16xi32>], vector<16xf32>,
      %add3A_546 = arith.addi %and3A_457, %shift_left3A_146 : vector<16xi32>
      %scatter3A_547 = arith.constant 0 : i32
      %scatter3A_548 = arith.constant 0 : i32
      %scatter3A_549 = arith.constant 0 : i32
      %scatter3A_550 = tpu.memref_slice %arg6[%scatter3A_547, %scatter3A_548, %scatter3A_549] : memref<4x64x128xf32, #tpu.memory_space<vmem>> -> memref<1x64x128xf32, #tpu.memory_space<vmem>>
      %scatter3A_551 = tpu.memref_squeeze %scatter3A_550 : memref<1x64x128xf32, #tpu.memory_space<vmem>> -> memref<64x128xf32, #tpu.memory_space<vmem>>
      tpu.vector_store_idx %scatter3A_551[%shift_right_arithmetic3A_76, %add3A_546], %gather3A_504 : memref<64x128xf32, #tpu.memory_space<vmem>>[vector<16xi32>, vector<16xi32>], vector<16xf32>,
    }
    %scan3A_215 = arith.constant 64 : i32
    %add3A_216 = arith.constant 0 : i32
    %add3A_217 = arith.addi %mul3A_2, %add3A_216 : i32
    %mul3A_218 = arith.constant 64 : i32
    %mul3A_219 = arith.muli %add3A_217, %mul3A_218 : i32
    %dma_start3A_220 = arith.constant 0 : i32
    %dma_start3A_221 = arith.constant 0 : i32
    %dma_start3A_222 = arith.constant 0 : i32
    %dma_start3A_223 = tpu.memref_slice %arg6[%dma_start3A_220, %dma_start3A_221, %dma_start3A_222] : memref<4x64x128xf32, #tpu.memory_space<vmem>> -> memref<1x64x128xf32, #tpu.memory_space<vmem>>
    %dma_start3A_224 = tpu.memref_squeeze %dma_start3A_223 : memref<1x64x128xf32, #tpu.memory_space<vmem>> -> memref<64x128xf32, #tpu.memory_space<vmem>>
    %dma_start3A_225 = arith.constant 0 : i32
    %dma_start3A_226 = tpu.memref_slice %arg4[%mul3A_219, %dma_start3A_225] : memref<500000x128xf32, #tpu.memory_space<hbm>> -> memref<64x128xf32, #tpu.memory_space<hbm>>
    %dma_start3A_227 = arith.constant 0 : i32
    %dma_start3A_228 = tpu.memref_slice %arg4[%mul3A_219, %dma_start3A_227] : memref<500000x128xf32, #tpu.memory_space<hbm>> -> memref<64x128xf32, #tpu.memory_space<hbm>>
    %dma_start3A_229 = arith.constant 0 : i32
    %dma_start3A_230 = arith.constant 0 : i32
    %dma_start3A_231 = tpu.memref_slice %arg6[%dma_start3A_220, %dma_start3A_229, %dma_start3A_230] : memref<4x64x128xf32, #tpu.memory_space<vmem>> -> memref<1x64x128xf32, #tpu.memory_space<vmem>>
    %dma_start3A_232 = tpu.memref_squeeze %dma_start3A_231 : memref<1x64x128xf32, #tpu.memory_space<vmem>> -> memref<64x128xf32, #tpu.memory_space<vmem>>
    tpu.enqueue_dma source(%dma_start3A_232 : memref<64x128xf32, #tpu.memory_space<vmem>>) target(%dma_start3A_228 : memref<64x128xf32, #tpu.memory_space<hbm>>) target_semaphore(%arg12 : memref<!tpu.dma_semaphore, #tpu.memory_space<semaphore_mem>>)
    %add3A_233 = arith.constant 3 : i32
    %add3A_234 = arith.addi %mul3A_2, %add3A_233 : i32
    %mul3A_235 = arith.constant 128 : i32
    %mul3A_236 = arith.muli %add3A_234, %mul3A_235 : i32
    %dma_start3A_237 = arith.constant 3 : i32
    %dma_start3A_238 = arith.constant 0 : i32
    %dma_start3A_239 = arith.constant 0 : i32
    %dma_start3A_240 = tpu.memref_slice %arg5[%dma_start3A_237, %dma_start3A_238, %dma_start3A_239] : memref<4x64x128xf32, #tpu.memory_space<vmem>> -> memref<1x64x128xf32, #tpu.memory_space<vmem>>
    %dma_start3A_241 = tpu.memref_squeeze %dma_start3A_240 : memref<1x64x128xf32, #tpu.memory_space<vmem>> -> memref<64x128xf32, #tpu.memory_space<vmem>>
    %dma_start3A_242 = arith.constant 0 : i32
    %dma_start3A_243 = tpu.memref_slice %arg2[%dma_start3A_242, %mul3A_236] : memref<64x1000000xf32, #tpu.memory_space<hbm>> -> memref<64x128xf32, #tpu.memory_space<hbm>>
    %dma_start3A_244 = arith.constant 0 : i32
    %dma_start3A_245 = arith.constant 0 : i32
    %dma_start3A_246 = tpu.memref_slice %arg5[%dma_start3A_237, %dma_start3A_244, %dma_start3A_245] : memref<4x64x128xf32, #tpu.memory_space<vmem>> -> memref<1x64x128xf32, #tpu.memory_space<vmem>>
    %dma_start3A_247 = tpu.memref_squeeze %dma_start3A_246 : memref<1x64x128xf32, #tpu.memory_space<vmem>> -> memref<64x128xf32, #tpu.memory_space<vmem>>
    %dma_start3A_248 = arith.constant 0 : i32
    %dma_start3A_249 = tpu.memref_slice %arg2[%dma_start3A_248, %mul3A_236] : memref<64x1000000xf32, #tpu.memory_space<hbm>> -> memref<64x128xf32, #tpu.memory_space<hbm>>
    tpu.enqueue_dma source(%dma_start3A_249 : memref<64x128xf32, #tpu.memory_space<hbm>>) target(%dma_start3A_247 : memref<64x128xf32, #tpu.memory_space<vmem>>) target_semaphore(%arg11 : memref<!tpu.dma_semaphore, #tpu.memory_space<semaphore_mem>>)
    %dma_wait3A_250 = arith.constant 1 : i32
    %dma_wait3A_251 = arith.constant 0 : i32
    %dma_wait3A_252 = arith.constant 0 : i32
    %dma_wait3A_253 = tpu.memref_slice %arg5[%dma_wait3A_250, %dma_wait3A_251, %dma_wait3A_252] : memref<4x64x128xf32, #tpu.memory_space<vmem>> -> memref<1x64x128xf32, #tpu.memory_space<vmem>>
    %dma_wait3A_254 = tpu.memref_squeeze %dma_wait3A_253 : memref<1x64x128xf32, #tpu.memory_space<vmem>> -> memref<64x128xf32, #tpu.memory_space<vmem>>
    %dma_wait3A_255 = arith.constant 0 : i32
    %dma_wait3A_256 = arith.constant 0 : i32
    %dma_wait3A_257 = tpu.memref_slice %arg2[%dma_wait3A_255, %dma_wait3A_256] : memref<64x1000000xf32, #tpu.memory_space<hbm>> -> memref<64x128xf32, #tpu.memory_space<hbm>>
    %dma_wait3A_258 = arith.constant 0 : i32
    %dma_wait3A_259 = arith.constant 0 : i32
    %dma_wait3A_260 = tpu.memref_slice %arg5[%dma_wait3A_250, %dma_wait3A_258, %dma_wait3A_259] : memref<4x64x128xf32, #tpu.memory_space<vmem>> -> memref<1x64x128xf32, #tpu.memory_space<vmem>>
    %dma_wait3A_261 = tpu.memref_squeeze %dma_wait3A_260 : memref<1x64x128xf32, #tpu.memory_space<vmem>> -> memref<64x128xf32, #tpu.memory_space<vmem>>
    %dma_wait3A_262 = arith.constant 0 : i32
    %dma_wait3A_263 = arith.constant 0 : i32
    %dma_wait3A_264 = tpu.memref_slice %arg2[%dma_wait3A_262, %dma_wait3A_263] : memref<64x1000000xf32, #tpu.memory_space<hbm>> -> memref<64x128xf32, #tpu.memory_space<hbm>>
    tpu.wait_dma2 semaphore(%arg9 : memref<!tpu.dma_semaphore, #tpu.memory_space<semaphore_mem>>) src(%dma_wait3A_264 : memref<64x128xf32, #tpu.memory_space<hbm>>) dst(%dma_wait3A_261 : memref<64x128xf32, #tpu.memory_space<vmem>>)
    %scan3A_265 = arith.constant 0 : i32
    %scan3A_266 = arith.constant 0 : i32
    %scan3A_267 = arith.constant 64 : i32
    %scan3A_268 = arith.addi %scan3A_266, %scan3A_267 : i32
    %scan3A_269 = arith.constant 1 : i32
    scf.for %scan3A_452 = %scan3A_266 to %scan3A_268 step %scan3A_269  : i32 {
      %add3A_453 = vector.broadcast %scan3A_452 : i32 to vector<16xi32>
      %add3A_454 = arith.addi %add3A_453, %mul3A_5 : vector<16xi32>
      %and3A_455 = arith.constant 63 : i32
      %and3A_456 = vector.broadcast %and3A_455 : i32 to vector<16xi32>
      %and3A_457 = arith.andi %add3A_454, %and3A_456 : vector<16xi32>
      %gather3A = arith.constant 1 : i32
      %gather3A_458 = arith.constant 0 : i32
      %gather3A_459 = arith.constant 0 : i32
      %gather3A_460 = tpu.memref_slice %arg5[%gather3A, %gather3A_458, %gather3A_459] : memref<4x64x128xf32, #tpu.memory_space<vmem>> -> memref<1x64x128xf32, #tpu.memory_space<vmem>>
      %gather3A_461 = tpu.memref_squeeze %gather3A_460 : memref<1x64x128xf32, #tpu.memory_space<vmem>> -> memref<64x128xf32, #tpu.memory_space<vmem>>
      %gather3A_462 = tpu.vector_load_idx %gather3A_461[%and3A_457, %add3A_8] : memref<64x128xf32, #tpu.memory_space<vmem>>[vector<16xi32>, vector<16xi32>], vector<16xf32>,
      %gather3A_463 = arith.constant 1 : i32
      %gather3A_464 = arith.constant 0 : i32
      %gather3A_465 = arith.constant 0 : i32
      %gather3A_466 = tpu.memref_slice %arg5[%gather3A_463, %gather3A_464, %gather3A_465] : memref<4x64x128xf32, #tpu.memory_space<vmem>> -> memref<1x64x128xf32, #tpu.memory_space<vmem>>
      %gather3A_467 = tpu.memref_squeeze %gather3A_466 : memref<1x64x128xf32, #tpu.memory_space<vmem>> -> memref<64x128xf32, #tpu.memory_space<vmem>>
      %gather3A_468 = tpu.vector_load_idx %gather3A_467[%and3A_457, %add3A_11] : memref<64x128xf32, #tpu.memory_space<vmem>>[vector<16xi32>, vector<16xi32>], vector<16xf32>,
      %gather3A_469 = arith.constant 1 : i32
      %gather3A_470 = arith.constant 0 : i32
      %gather3A_471 = arith.constant 0 : i32
      %gather3A_472 = tpu.memref_slice %arg5[%gather3A_469, %gather3A_470, %gather3A_471] : memref<4x64x128xf32, #tpu.memory_space<vmem>> -> memref<1x64x128xf32, #tpu.memory_space<vmem>>
      %gather3A_473 = tpu.memref_squeeze %gather3A_472 : memref<1x64x128xf32, #tpu.memory_space<vmem>> -> memref<64x128xf32, #tpu.memory_space<vmem>>
      %gather3A_474 = tpu.vector_load_idx %gather3A_473[%and3A_457, %add3A_14] : memref<64x128xf32, #tpu.memory_space<vmem>>[vector<16xi32>, vector<16xi32>], vector<16xf32>,
      %gather3A_475 = arith.constant 1 : i32
      %gather3A_476 = arith.constant 0 : i32
      %gather3A_477 = arith.constant 0 : i32
      %gather3A_478 = tpu.memref_slice %arg5[%gather3A_475, %gather3A_476, %gather3A_477] : memref<4x64x128xf32, #tpu.memory_space<vmem>> -> memref<1x64x128xf32, #tpu.memory_space<vmem>>
      %gather3A_479 = tpu.memref_squeeze %gather3A_478 : memref<1x64x128xf32, #tpu.memory_space<vmem>> -> memref<64x128xf32, #tpu.memory_space<vmem>>
      %gather3A_480 = tpu.vector_load_idx %gather3A_479[%and3A_457, %add3A_17] : memref<64x128xf32, #tpu.memory_space<vmem>>[vector<16xi32>, vector<16xi32>], vector<16xf32>,
      %gather3A_481 = arith.constant 1 : i32
      %gather3A_482 = arith.constant 0 : i32
      %gather3A_483 = arith.constant 0 : i32
      %gather3A_484 = tpu.memref_slice %arg5[%gather3A_481, %gather3A_482, %gather3A_483] : memref<4x64x128xf32, #tpu.memory_space<vmem>> -> memref<1x64x128xf32, #tpu.memory_space<vmem>>
      %gather3A_485 = tpu.memref_squeeze %gather3A_484 : memref<1x64x128xf32, #tpu.memory_space<vmem>> -> memref<64x128xf32, #tpu.memory_space<vmem>>
      %gather3A_486 = tpu.vector_load_idx %gather3A_485[%and3A_457, %add3A_20] : memref<64x128xf32, #tpu.memory_space<vmem>>[vector<16xi32>, vector<16xi32>], vector<16xf32>,
      %gather3A_487 = arith.constant 1 : i32
      %gather3A_488 = arith.constant 0 : i32
      %gather3A_489 = arith.constant 0 : i32
      %gather3A_490 = tpu.memref_slice %arg5[%gather3A_487, %gather3A_488, %gather3A_489] : memref<4x64x128xf32, #tpu.memory_space<vmem>> -> memref<1x64x128xf32, #tpu.memory_space<vmem>>
      %gather3A_491 = tpu.memref_squeeze %gather3A_490 : memref<1x64x128xf32, #tpu.memory_space<vmem>> -> memref<64x128xf32, #tpu.memory_space<vmem>>
      %gather3A_492 = tpu.vector_load_idx %gather3A_491[%and3A_457, %add3A_23] : memref<64x128xf32, #tpu.memory_space<vmem>>[vector<16xi32>, vector<16xi32>], vector<16xf32>,
      %gather3A_493 = arith.constant 1 : i32
      %gather3A_494 = arith.constant 0 : i32
      %gather3A_495 = arith.constant 0 : i32
      %gather3A_496 = tpu.memref_slice %arg5[%gather3A_493, %gather3A_494, %gather3A_495] : memref<4x64x128xf32, #tpu.memory_space<vmem>> -> memref<1x64x128xf32, #tpu.memory_space<vmem>>
      %gather3A_497 = tpu.memref_squeeze %gather3A_496 : memref<1x64x128xf32, #tpu.memory_space<vmem>> -> memref<64x128xf32, #tpu.memory_space<vmem>>
      %gather3A_498 = tpu.vector_load_idx %gather3A_497[%and3A_457, %add3A_26] : memref<64x128xf32, #tpu.memory_space<vmem>>[vector<16xi32>, vector<16xi32>], vector<16xf32>,
      %gather3A_499 = arith.constant 1 : i32
      %gather3A_500 = arith.constant 0 : i32
      %gather3A_501 = arith.constant 0 : i32
      %gather3A_502 = tpu.memref_slice %arg5[%gather3A_499, %gather3A_500, %gather3A_501] : memref<4x64x128xf32, #tpu.memory_space<vmem>> -> memref<1x64x128xf32, #tpu.memory_space<vmem>>
      %gather3A_503 = tpu.memref_squeeze %gather3A_502 : memref<1x64x128xf32, #tpu.memory_space<vmem>> -> memref<64x128xf32, #tpu.memory_space<vmem>>
      %gather3A_504 = tpu.vector_load_idx %gather3A_503[%and3A_457, %add3A_29] : memref<64x128xf32, #tpu.memory_space<vmem>>[vector<16xi32>, vector<16xi32>], vector<16xf32>,
      %add3A_505 = arith.addi %and3A_457, %shift_left3A_83 : vector<16xi32>
      %scatter3A = arith.constant 1 : i32
      %scatter3A_506 = arith.constant 0 : i32
      %scatter3A_507 = arith.constant 0 : i32
      %scatter3A_508 = tpu.memref_slice %arg6[%scatter3A, %scatter3A_506, %scatter3A_507] : memref<4x64x128xf32, #tpu.memory_space<vmem>> -> memref<1x64x128xf32, #tpu.memory_space<vmem>>
      %scatter3A_509 = tpu.memref_squeeze %scatter3A_508 : memref<1x64x128xf32, #tpu.memory_space<vmem>> -> memref<64x128xf32, #tpu.memory_space<vmem>>
      tpu.vector_store_idx %scatter3A_509[%shift_right_arithmetic3A_34, %add3A_505], %gather3A_462 : memref<64x128xf32, #tpu.memory_space<vmem>>[vector<16xi32>, vector<16xi32>], vector<16xf32>,
      %add3A_510 = arith.addi %and3A_457, %shift_left3A_92 : vector<16xi32>
      %scatter3A_511 = arith.constant 1 : i32
      %scatter3A_512 = arith.constant 0 : i32
      %scatter3A_513 = arith.constant 0 : i32
      %scatter3A_514 = tpu.memref_slice %arg6[%scatter3A_511, %scatter3A_512, %scatter3A_513] : memref<4x64x128xf32, #tpu.memory_space<vmem>> -> memref<1x64x128xf32, #tpu.memory_space<vmem>>
      %scatter3A_515 = tpu.memref_squeeze %scatter3A_514 : memref<1x64x128xf32, #tpu.memory_space<vmem>> -> memref<64x128xf32, #tpu.memory_space<vmem>>
      tpu.vector_store_idx %scatter3A_515[%shift_right_arithmetic3A_40, %add3A_510], %gather3A_468 : memref<64x128xf32, #tpu.memory_space<vmem>>[vector<16xi32>, vector<16xi32>], vector<16xf32>,
      %add3A_516 = arith.addi %and3A_457, %shift_left3A_101 : vector<16xi32>
      %scatter3A_517 = arith.constant 1 : i32
      %scatter3A_518 = arith.constant 0 : i32
      %scatter3A_519 = arith.constant 0 : i32
      %scatter3A_520 = tpu.memref_slice %arg6[%scatter3A_517, %scatter3A_518, %scatter3A_519] : memref<4x64x128xf32, #tpu.memory_space<vmem>> -> memref<1x64x128xf32, #tpu.memory_space<vmem>>
      %scatter3A_521 = tpu.memref_squeeze %scatter3A_520 : memref<1x64x128xf32, #tpu.memory_space<vmem>> -> memref<64x128xf32, #tpu.memory_space<vmem>>
      tpu.vector_store_idx %scatter3A_521[%shift_right_arithmetic3A_46, %add3A_516], %gather3A_474 : memref<64x128xf32, #tpu.memory_space<vmem>>[vector<16xi32>, vector<16xi32>], vector<16xf32>,
      %add3A_522 = arith.addi %and3A_457, %shift_left3A_110 : vector<16xi32>
      %scatter3A_523 = arith.constant 1 : i32
      %scatter3A_524 = arith.constant 0 : i32
      %scatter3A_525 = arith.constant 0 : i32
      %scatter3A_526 = tpu.memref_slice %arg6[%scatter3A_523, %scatter3A_524, %scatter3A_525] : memref<4x64x128xf32, #tpu.memory_space<vmem>> -> memref<1x64x128xf32, #tpu.memory_space<vmem>>
      %scatter3A_527 = tpu.memref_squeeze %scatter3A_526 : memref<1x64x128xf32, #tpu.memory_space<vmem>> -> memref<64x128xf32, #tpu.memory_space<vmem>>
      tpu.vector_store_idx %scatter3A_527[%shift_right_arithmetic3A_52, %add3A_522], %gather3A_480 : memref<64x128xf32, #tpu.memory_space<vmem>>[vector<16xi32>, vector<16xi32>], vector<16xf32>,
      %add3A_528 = arith.addi %and3A_457, %shift_left3A_119 : vector<16xi32>
      %scatter3A_529 = arith.constant 1 : i32
      %scatter3A_530 = arith.constant 0 : i32
      %scatter3A_531 = arith.constant 0 : i32
      %scatter3A_532 = tpu.memref_slice %arg6[%scatter3A_529, %scatter3A_530, %scatter3A_531] : memref<4x64x128xf32, #tpu.memory_space<vmem>> -> memref<1x64x128xf32, #tpu.memory_space<vmem>>
      %scatter3A_533 = tpu.memref_squeeze %scatter3A_532 : memref<1x64x128xf32, #tpu.memory_space<vmem>> -> memref<64x128xf32, #tpu.memory_space<vmem>>
      tpu.vector_store_idx %scatter3A_533[%shift_right_arithmetic3A_58, %add3A_528], %gather3A_486 : memref<64x128xf32, #tpu.memory_space<vmem>>[vector<16xi32>, vector<16xi32>], vector<16xf32>,
      %add3A_534 = arith.addi %and3A_457, %shift_left3A_128 : vector<16xi32>
      %scatter3A_535 = arith.constant 1 : i32
      %scatter3A_536 = arith.constant 0 : i32
      %scatter3A_537 = arith.constant 0 : i32
      %scatter3A_538 = tpu.memref_slice %arg6[%scatter3A_535, %scatter3A_536, %scatter3A_537] : memref<4x64x128xf32, #tpu.memory_space<vmem>> -> memref<1x64x128xf32, #tpu.memory_space<vmem>>
      %scatter3A_539 = tpu.memref_squeeze %scatter3A_538 : memref<1x64x128xf32, #tpu.memory_space<vmem>> -> memref<64x128xf32, #tpu.memory_space<vmem>>
      tpu.vector_store_idx %scatter3A_539[%shift_right_arithmetic3A_64, %add3A_534], %gather3A_492 : memref<64x128xf32, #tpu.memory_space<vmem>>[vector<16xi32>, vector<16xi32>], vector<16xf32>,
      %add3A_540 = arith.addi %and3A_457, %shift_left3A_137 : vector<16xi32>
      %scatter3A_541 = arith.constant 1 : i32
      %scatter3A_542 = arith.constant 0 : i32
      %scatter3A_543 = arith.constant 0 : i32
      %scatter3A_544 = tpu.memref_slice %arg6[%scatter3A_541, %scatter3A_542, %scatter3A_543] : memref<4x64x128xf32, #tpu.memory_space<vmem>> -> memref<1x64x128xf32, #tpu.memory_space<vmem>>
      %scatter3A_545 = tpu.memref_squeeze %scatter3A_544 : memref<1x64x128xf32, #tpu.memory_space<vmem>> -> memref<64x128xf32, #tpu.memory_space<vmem>>
      tpu.vector_store_idx %scatter3A_545[%shift_right_arithmetic3A_70, %add3A_540], %gather3A_498 : memref<64x128xf32, #tpu.memory_space<vmem>>[vector<16xi32>, vector<16xi32>], vector<16xf32>,
      %add3A_546 = arith.addi %and3A_457, %shift_left3A_146 : vector<16xi32>
      %scatter3A_547 = arith.constant 1 : i32
      %scatter3A_548 = arith.constant 0 : i32
      %scatter3A_549 = arith.constant 0 : i32
      %scatter3A_550 = tpu.memref_slice %arg6[%scatter3A_547, %scatter3A_548, %scatter3A_549] : memref<4x64x128xf32, #tpu.memory_space<vmem>> -> memref<1x64x128xf32, #tpu.memory_space<vmem>>
      %scatter3A_551 = tpu.memref_squeeze %scatter3A_550 : memref<1x64x128xf32, #tpu.memory_space<vmem>> -> memref<64x128xf32, #tpu.memory_space<vmem>>
      tpu.vector_store_idx %scatter3A_551[%shift_right_arithmetic3A_76, %add3A_546], %gather3A_504 : memref<64x128xf32, #tpu.memory_space<vmem>>[vector<16xi32>, vector<16xi32>], vector<16xf32>,
    }
    %scan3A_270 = arith.constant 64 : i32
    %add3A_271 = arith.constant 1 : i32
    %add3A_272 = arith.addi %mul3A_2, %add3A_271 : i32
    %mul3A_273 = arith.constant 64 : i32
    %mul3A_274 = arith.muli %add3A_272, %mul3A_273 : i32
    %dma_start3A_275 = arith.constant 1 : i32
    %dma_start3A_276 = arith.constant 0 : i32
    %dma_start3A_277 = arith.constant 0 : i32
    %dma_start3A_278 = tpu.memref_slice %arg6[%dma_start3A_275, %dma_start3A_276, %dma_start3A_277] : memref<4x64x128xf32, #tpu.memory_space<vmem>> -> memref<1x64x128xf32, #tpu.memory_space<vmem>>
    %dma_start3A_279 = tpu.memref_squeeze %dma_start3A_278 : memref<1x64x128xf32, #tpu.memory_space<vmem>> -> memref<64x128xf32, #tpu.memory_space<vmem>>
    %dma_start3A_280 = arith.constant 0 : i32
    %dma_start3A_281 = tpu.memref_slice %arg4[%mul3A_274, %dma_start3A_280] : memref<500000x128xf32, #tpu.memory_space<hbm>> -> memref<64x128xf32, #tpu.memory_space<hbm>>
    %dma_start3A_282 = arith.constant 0 : i32
    %dma_start3A_283 = tpu.memref_slice %arg4[%mul3A_274, %dma_start3A_282] : memref<500000x128xf32, #tpu.memory_space<hbm>> -> memref<64x128xf32, #tpu.memory_space<hbm>>
    %dma_start3A_284 = arith.constant 0 : i32
    %dma_start3A_285 = arith.constant 0 : i32
    %dma_start3A_286 = tpu.memref_slice %arg6[%dma_start3A_275, %dma_start3A_284, %dma_start3A_285] : memref<4x64x128xf32, #tpu.memory_space<vmem>> -> memref<1x64x128xf32, #tpu.memory_space<vmem>>
    %dma_start3A_287 = tpu.memref_squeeze %dma_start3A_286 : memref<1x64x128xf32, #tpu.memory_space<vmem>> -> memref<64x128xf32, #tpu.memory_space<vmem>>
    tpu.enqueue_dma source(%dma_start3A_287 : memref<64x128xf32, #tpu.memory_space<vmem>>) target(%dma_start3A_283 : memref<64x128xf32, #tpu.memory_space<hbm>>) target_semaphore(%arg13 : memref<!tpu.dma_semaphore, #tpu.memory_space<semaphore_mem>>)
    %scan3A_288 = arith.constant 0 : i32
    %scan3A_289 = arith.constant 0 : i32
    %scan3A_290 = arith.constant 60 : i32
    %scan3A_291 = arith.addi %scan3A_289, %scan3A_290 : i32
    %scan3A_292 = arith.constant 1 : i32
    scf.for %scan3A_452 = %scan3A_289 to %scan3A_291 step %scan3A_292  : i32 {
      %mul3A_453 = arith.constant 4 : i32
      %mul3A_454 = arith.muli %mul3A_453, %scan3A_452 : i32
      %add3A_455 = arith.constant 2 : i32
      %add3A_456 = arith.addi %add3A_455, %mul3A_454 : i32
      %add3A_457 = arith.constant 0 : i32
      %add3A_458 = arith.addi %add3A_456, %add3A_457 : i32
      %dma_wait3A_459 = arith.constant 0 : i32
      %dma_wait3A_460 = arith.constant 0 : i32
      %dma_wait3A_461 = arith.constant 0 : i32
      %dma_wait3A_462 = tpu.memref_slice %arg6[%dma_wait3A_459, %dma_wait3A_460, %dma_wait3A_461] : memref<4x64x128xf32, #tpu.memory_space<vmem>> -> memref<1x64x128xf32, #tpu.memory_space<vmem>>
      %dma_wait3A_463 = tpu.memref_squeeze %dma_wait3A_462 : memref<1x64x128xf32, #tpu.memory_space<vmem>> -> memref<64x128xf32, #tpu.memory_space<vmem>>
      %dma_wait3A_464 = arith.constant 0 : i32
      %dma_wait3A_465 = arith.constant 0 : i32
      %dma_wait3A_466 = tpu.memref_slice %arg4[%dma_wait3A_464, %dma_wait3A_465] : memref<500000x128xf32, #tpu.memory_space<hbm>> -> memref<64x128xf32, #tpu.memory_space<hbm>>
      %dma_wait3A_467 = arith.constant 0 : i32
      %dma_wait3A_468 = arith.constant 0 : i32
      %dma_wait3A_469 = tpu.memref_slice %arg4[%dma_wait3A_467, %dma_wait3A_468] : memref<500000x128xf32, #tpu.memory_space<hbm>> -> memref<64x128xf32, #tpu.memory_space<hbm>>
      %dma_wait3A_470 = arith.constant 0 : i32
      %dma_wait3A_471 = arith.constant 0 : i32
      %dma_wait3A_472 = tpu.memref_slice %arg6[%dma_wait3A_459, %dma_wait3A_470, %dma_wait3A_471] : memref<4x64x128xf32, #tpu.memory_space<vmem>> -> memref<1x64x128xf32, #tpu.memory_space<vmem>>
      %dma_wait3A_473 = tpu.memref_squeeze %dma_wait3A_472 : memref<1x64x128xf32, #tpu.memory_space<vmem>> -> memref<64x128xf32, #tpu.memory_space<vmem>>
      tpu.wait_dma2 semaphore(%arg12 : memref<!tpu.dma_semaphore, #tpu.memory_space<semaphore_mem>>) src(%dma_wait3A_473 : memref<64x128xf32, #tpu.memory_space<vmem>>) dst(%dma_wait3A_469 : memref<64x128xf32, #tpu.memory_space<hbm>>)
      %add3A_474 = arith.constant 2 : i32
      %add3A_475 = arith.addi %add3A_458, %add3A_474 : i32
      %add3A_476 = arith.addi %mul3A_2, %add3A_475 : i32
      %mul3A_477 = arith.constant 128 : i32
      %mul3A_478 = arith.muli %add3A_476, %mul3A_477 : i32
      %dma_start3A_479 = arith.constant 0 : i32
      %dma_start3A_480 = arith.constant 0 : i32
      %dma_start3A_481 = arith.constant 0 : i32
      %dma_start3A_482 = tpu.memref_slice %arg5[%dma_start3A_479, %dma_start3A_480, %dma_start3A_481] : memref<4x64x128xf32, #tpu.memory_space<vmem>> -> memref<1x64x128xf32, #tpu.memory_space<vmem>>
      %dma_start3A_483 = tpu.memref_squeeze %dma_start3A_482 : memref<1x64x128xf32, #tpu.memory_space<vmem>> -> memref<64x128xf32, #tpu.memory_space<vmem>>
      %dma_start3A_484 = arith.constant 0 : i32
      %dma_start3A_485 = tpu.memref_slice %arg2[%dma_start3A_484, %mul3A_478] : memref<64x1000000xf32, #tpu.memory_space<hbm>> -> memref<64x128xf32, #tpu.memory_space<hbm>>
      %dma_start3A_486 = arith.constant 0 : i32
      %dma_start3A_487 = arith.constant 0 : i32
      %dma_start3A_488 = tpu.memref_slice %arg5[%dma_start3A_479, %dma_start3A_486, %dma_start3A_487] : memref<4x64x128xf32, #tpu.memory_space<vmem>> -> memref<1x64x128xf32, #tpu.memory_space<vmem>>
      %dma_start3A_489 = tpu.memref_squeeze %dma_start3A_488 : memref<1x64x128xf32, #tpu.memory_space<vmem>> -> memref<64x128xf32, #tpu.memory_space<vmem>>
      %dma_start3A_490 = arith.constant 0 : i32
      %dma_start3A_491 = tpu.memref_slice %arg2[%dma_start3A_490, %mul3A_478] : memref<64x1000000xf32, #tpu.memory_space<hbm>> -> memref<64x128xf32, #tpu.memory_space<hbm>>
      tpu.enqueue_dma source(%dma_start3A_491 : memref<64x128xf32, #tpu.memory_space<hbm>>) target(%dma_start3A_489 : memref<64x128xf32, #tpu.memory_space<vmem>>) target_semaphore(%arg8 : memref<!tpu.dma_semaphore, #tpu.memory_space<semaphore_mem>>)
      %dma_wait3A_492 = arith.constant 2 : i32
      %dma_wait3A_493 = arith.constant 0 : i32
      %dma_wait3A_494 = arith.constant 0 : i32
      %dma_wait3A_495 = tpu.memref_slice %arg5[%dma_wait3A_492, %dma_wait3A_493, %dma_wait3A_494] : memref<4x64x128xf32, #tpu.memory_space<vmem>> -> memref<1x64x128xf32, #tpu.memory_space<vmem>>
      %dma_wait3A_496 = tpu.memref_squeeze %dma_wait3A_495 : memref<1x64x128xf32, #tpu.memory_space<vmem>> -> memref<64x128xf32, #tpu.memory_space<vmem>>
      %dma_wait3A_497 = arith.constant 0 : i32
      %dma_wait3A_498 = arith.constant 0 : i32
      %dma_wait3A_499 = tpu.memref_slice %arg2[%dma_wait3A_497, %dma_wait3A_498] : memref<64x1000000xf32, #tpu.memory_space<hbm>> -> memref<64x128xf32, #tpu.memory_space<hbm>>
      %dma_wait3A_500 = arith.constant 0 : i32
      %dma_wait3A_501 = arith.constant 0 : i32
      %dma_wait3A_502 = tpu.memref_slice %arg5[%dma_wait3A_492, %dma_wait3A_500, %dma_wait3A_501] : memref<4x64x128xf32, #tpu.memory_space<vmem>> -> memref<1x64x128xf32, #tpu.memory_space<vmem>>
      %dma_wait3A_503 = tpu.memref_squeeze %dma_wait3A_502 : memref<1x64x128xf32, #tpu.memory_space<vmem>> -> memref<64x128xf32, #tpu.memory_space<vmem>>
      %dma_wait3A_504 = arith.constant 0 : i32
      %dma_wait3A_505 = arith.constant 0 : i32
      %dma_wait3A_506 = tpu.memref_slice %arg2[%dma_wait3A_504, %dma_wait3A_505] : memref<64x1000000xf32, #tpu.memory_space<hbm>> -> memref<64x128xf32, #tpu.memory_space<hbm>>
      tpu.wait_dma2 semaphore(%arg10 : memref<!tpu.dma_semaphore, #tpu.memory_space<semaphore_mem>>) src(%dma_wait3A_506 : memref<64x128xf32, #tpu.memory_space<hbm>>) dst(%dma_wait3A_503 : memref<64x128xf32, #tpu.memory_space<vmem>>)
      %scan3A_507 = arith.constant 0 : i32
      %scan3A_508 = arith.constant 0 : i32
      %scan3A_509 = arith.constant 64 : i32
      %scan3A_510 = arith.addi %scan3A_508, %scan3A_509 : i32
      %scan3A_511 = arith.constant 1 : i32
      scf.for %scan3A_757 = %scan3A_508 to %scan3A_510 step %scan3A_511  : i32 {
        %add3A_758 = vector.broadcast %scan3A_757 : i32 to vector<16xi32>
        %add3A_759 = arith.addi %add3A_758, %mul3A_5 : vector<16xi32>
        %and3A_760 = arith.constant 63 : i32
        %and3A_761 = vector.broadcast %and3A_760 : i32 to vector<16xi32>
        %and3A_762 = arith.andi %add3A_759, %and3A_761 : vector<16xi32>
        %gather3A = arith.constant 2 : i32
        %gather3A_763 = arith.constant 0 : i32
        %gather3A_764 = arith.constant 0 : i32
        %gather3A_765 = tpu.memref_slice %arg5[%gather3A, %gather3A_763, %gather3A_764] : memref<4x64x128xf32, #tpu.memory_space<vmem>> -> memref<1x64x128xf32, #tpu.memory_space<vmem>>
        %gather3A_766 = tpu.memref_squeeze %gather3A_765 : memref<1x64x128xf32, #tpu.memory_space<vmem>> -> memref<64x128xf32, #tpu.memory_space<vmem>>
        %gather3A_767 = tpu.vector_load_idx %gather3A_766[%and3A_762, %add3A_8] : memref<64x128xf32, #tpu.memory_space<vmem>>[vector<16xi32>, vector<16xi32>], vector<16xf32>,
        %gather3A_768 = arith.constant 2 : i32
        %gather3A_769 = arith.constant 0 : i32
        %gather3A_770 = arith.constant 0 : i32
        %gather3A_771 = tpu.memref_slice %arg5[%gather3A_768, %gather3A_769, %gather3A_770] : memref<4x64x128xf32, #tpu.memory_space<vmem>> -> memref<1x64x128xf32, #tpu.memory_space<vmem>>
        %gather3A_772 = tpu.memref_squeeze %gather3A_771 : memref<1x64x128xf32, #tpu.memory_space<vmem>> -> memref<64x128xf32, #tpu.memory_space<vmem>>
        %gather3A_773 = tpu.vector_load_idx %gather3A_772[%and3A_762, %add3A_11] : memref<64x128xf32, #tpu.memory_space<vmem>>[vector<16xi32>, vector<16xi32>], vector<16xf32>,
        %gather3A_774 = arith.constant 2 : i32
        %gather3A_775 = arith.constant 0 : i32
        %gather3A_776 = arith.constant 0 : i32
        %gather3A_777 = tpu.memref_slice %arg5[%gather3A_774, %gather3A_775, %gather3A_776] : memref<4x64x128xf32, #tpu.memory_space<vmem>> -> memref<1x64x128xf32, #tpu.memory_space<vmem>>
        %gather3A_778 = tpu.memref_squeeze %gather3A_777 : memref<1x64x128xf32, #tpu.memory_space<vmem>> -> memref<64x128xf32, #tpu.memory_space<vmem>>
        %gather3A_779 = tpu.vector_load_idx %gather3A_778[%and3A_762, %add3A_14] : memref<64x128xf32, #tpu.memory_space<vmem>>[vector<16xi32>, vector<16xi32>], vector<16xf32>,
        %gather3A_780 = arith.constant 2 : i32
        %gather3A_781 = arith.constant 0 : i32
        %gather3A_782 = arith.constant 0 : i32
        %gather3A_783 = tpu.memref_slice %arg5[%gather3A_780, %gather3A_781, %gather3A_782] : memref<4x64x128xf32, #tpu.memory_space<vmem>> -> memref<1x64x128xf32, #tpu.memory_space<vmem>>
        %gather3A_784 = tpu.memref_squeeze %gather3A_783 : memref<1x64x128xf32, #tpu.memory_space<vmem>> -> memref<64x128xf32, #tpu.memory_space<vmem>>
        %gather3A_785 = tpu.vector_load_idx %gather3A_784[%and3A_762, %add3A_17] : memref<64x128xf32, #tpu.memory_space<vmem>>[vector<16xi32>, vector<16xi32>], vector<16xf32>,
        %gather3A_786 = arith.constant 2 : i32
        %gather3A_787 = arith.constant 0 : i32
        %gather3A_788 = arith.constant 0 : i32
        %gather3A_789 = tpu.memref_slice %arg5[%gather3A_786, %gather3A_787, %gather3A_788] : memref<4x64x128xf32, #tpu.memory_space<vmem>> -> memref<1x64x128xf32, #tpu.memory_space<vmem>>
        %gather3A_790 = tpu.memref_squeeze %gather3A_789 : memref<1x64x128xf32, #tpu.memory_space<vmem>> -> memref<64x128xf32, #tpu.memory_space<vmem>>
        %gather3A_791 = tpu.vector_load_idx %gather3A_790[%and3A_762, %add3A_20] : memref<64x128xf32, #tpu.memory_space<vmem>>[vector<16xi32>, vector<16xi32>], vector<16xf32>,
        %gather3A_792 = arith.constant 2 : i32
        %gather3A_793 = arith.constant 0 : i32
        %gather3A_794 = arith.constant 0 : i32
        %gather3A_795 = tpu.memref_slice %arg5[%gather3A_792, %gather3A_793, %gather3A_794] : memref<4x64x128xf32, #tpu.memory_space<vmem>> -> memref<1x64x128xf32, #tpu.memory_space<vmem>>
        %gather3A_796 = tpu.memref_squeeze %gather3A_795 : memref<1x64x128xf32, #tpu.memory_space<vmem>> -> memref<64x128xf32, #tpu.memory_space<vmem>>
        %gather3A_797 = tpu.vector_load_idx %gather3A_796[%and3A_762, %add3A_23] : memref<64x128xf32, #tpu.memory_space<vmem>>[vector<16xi32>, vector<16xi32>], vector<16xf32>,
        %gather3A_798 = arith.constant 2 : i32
        %gather3A_799 = arith.constant 0 : i32
        %gather3A_800 = arith.constant 0 : i32
        %gather3A_801 = tpu.memref_slice %arg5[%gather3A_798, %gather3A_799, %gather3A_800] : memref<4x64x128xf32, #tpu.memory_space<vmem>> -> memref<1x64x128xf32, #tpu.memory_space<vmem>>
        %gather3A_802 = tpu.memref_squeeze %gather3A_801 : memref<1x64x128xf32, #tpu.memory_space<vmem>> -> memref<64x128xf32, #tpu.memory_space<vmem>>
        %gather3A_803 = tpu.vector_load_idx %gather3A_802[%and3A_762, %add3A_26] : memref<64x128xf32, #tpu.memory_space<vmem>>[vector<16xi32>, vector<16xi32>], vector<16xf32>,
        %gather3A_804 = arith.constant 2 : i32
        %gather3A_805 = arith.constant 0 : i32
        %gather3A_806 = arith.constant 0 : i32
        %gather3A_807 = tpu.memref_slice %arg5[%gather3A_804, %gather3A_805, %gather3A_806] : memref<4x64x128xf32, #tpu.memory_space<vmem>> -> memref<1x64x128xf32, #tpu.memory_space<vmem>>
        %gather3A_808 = tpu.memref_squeeze %gather3A_807 : memref<1x64x128xf32, #tpu.memory_space<vmem>> -> memref<64x128xf32, #tpu.memory_space<vmem>>
        %gather3A_809 = tpu.vector_load_idx %gather3A_808[%and3A_762, %add3A_29] : memref<64x128xf32, #tpu.memory_space<vmem>>[vector<16xi32>, vector<16xi32>], vector<16xf32>,
        %add3A_810 = arith.addi %and3A_762, %shift_left3A_83 : vector<16xi32>
        %scatter3A = arith.constant 2 : i32
        %scatter3A_811 = arith.constant 0 : i32
        %scatter3A_812 = arith.constant 0 : i32
        %scatter3A_813 = tpu.memref_slice %arg6[%scatter3A, %scatter3A_811, %scatter3A_812] : memref<4x64x128xf32, #tpu.memory_space<vmem>> -> memref<1x64x128xf32, #tpu.memory_space<vmem>>
        %scatter3A_814 = tpu.memref_squeeze %scatter3A_813 : memref<1x64x128xf32, #tpu.memory_space<vmem>> -> memref<64x128xf32, #tpu.memory_space<vmem>>
        tpu.vector_store_idx %scatter3A_814[%shift_right_arithmetic3A_34, %add3A_810], %gather3A_767 : memref<64x128xf32, #tpu.memory_space<vmem>>[vector<16xi32>, vector<16xi32>], vector<16xf32>,
        %add3A_815 = arith.addi %and3A_762, %shift_left3A_92 : vector<16xi32>
        %scatter3A_816 = arith.constant 2 : i32
        %scatter3A_817 = arith.constant 0 : i32
        %scatter3A_818 = arith.constant 0 : i32
        %scatter3A_819 = tpu.memref_slice %arg6[%scatter3A_816, %scatter3A_817, %scatter3A_818] : memref<4x64x128xf32, #tpu.memory_space<vmem>> -> memref<1x64x128xf32, #tpu.memory_space<vmem>>
        %scatter3A_820 = tpu.memref_squeeze %scatter3A_819 : memref<1x64x128xf32, #tpu.memory_space<vmem>> -> memref<64x128xf32, #tpu.memory_space<vmem>>
        tpu.vector_store_idx %scatter3A_820[%shift_right_arithmetic3A_40, %add3A_815], %gather3A_773 : memref<64x128xf32, #tpu.memory_space<vmem>>[vector<16xi32>, vector<16xi32>], vector<16xf32>,
        %add3A_821 = arith.addi %and3A_762, %shift_left3A_101 : vector<16xi32>
        %scatter3A_822 = arith.constant 2 : i32
        %scatter3A_823 = arith.constant 0 : i32
        %scatter3A_824 = arith.constant 0 : i32
        %scatter3A_825 = tpu.memref_slice %arg6[%scatter3A_822, %scatter3A_823, %scatter3A_824] : memref<4x64x128xf32, #tpu.memory_space<vmem>> -> memref<1x64x128xf32, #tpu.memory_space<vmem>>
        %scatter3A_826 = tpu.memref_squeeze %scatter3A_825 : memref<1x64x128xf32, #tpu.memory_space<vmem>> -> memref<64x128xf32, #tpu.memory_space<vmem>>
        tpu.vector_store_idx %scatter3A_826[%shift_right_arithmetic3A_46, %add3A_821], %gather3A_779 : memref<64x128xf32, #tpu.memory_space<vmem>>[vector<16xi32>, vector<16xi32>], vector<16xf32>,
        %add3A_827 = arith.addi %and3A_762, %shift_left3A_110 : vector<16xi32>
        %scatter3A_828 = arith.constant 2 : i32
        %scatter3A_829 = arith.constant 0 : i32
        %scatter3A_830 = arith.constant 0 : i32
        %scatter3A_831 = tpu.memref_slice %arg6[%scatter3A_828, %scatter3A_829, %scatter3A_830] : memref<4x64x128xf32, #tpu.memory_space<vmem>> -> memref<1x64x128xf32, #tpu.memory_space<vmem>>
        %scatter3A_832 = tpu.memref_squeeze %scatter3A_831 : memref<1x64x128xf32, #tpu.memory_space<vmem>> -> memref<64x128xf32, #tpu.memory_space<vmem>>
        tpu.vector_store_idx %scatter3A_832[%shift_right_arithmetic3A_52, %add3A_827], %gather3A_785 : memref<64x128xf32, #tpu.memory_space<vmem>>[vector<16xi32>, vector<16xi32>], vector<16xf32>,
        %add3A_833 = arith.addi %and3A_762, %shift_left3A_119 : vector<16xi32>
        %scatter3A_834 = arith.constant 2 : i32
        %scatter3A_835 = arith.constant 0 : i32
        %scatter3A_836 = arith.constant 0 : i32
        %scatter3A_837 = tpu.memref_slice %arg6[%scatter3A_834, %scatter3A_835, %scatter3A_836] : memref<4x64x128xf32, #tpu.memory_space<vmem>> -> memref<1x64x128xf32, #tpu.memory_space<vmem>>
        %scatter3A_838 = tpu.memref_squeeze %scatter3A_837 : memref<1x64x128xf32, #tpu.memory_space<vmem>> -> memref<64x128xf32, #tpu.memory_space<vmem>>
        tpu.vector_store_idx %scatter3A_838[%shift_right_arithmetic3A_58, %add3A_833], %gather3A_791 : memref<64x128xf32, #tpu.memory_space<vmem>>[vector<16xi32>, vector<16xi32>], vector<16xf32>,
        %add3A_839 = arith.addi %and3A_762, %shift_left3A_128 : vector<16xi32>
        %scatter3A_840 = arith.constant 2 : i32
        %scatter3A_841 = arith.constant 0 : i32
        %scatter3A_842 = arith.constant 0 : i32
        %scatter3A_843 = tpu.memref_slice %arg6[%scatter3A_840, %scatter3A_841, %scatter3A_842] : memref<4x64x128xf32, #tpu.memory_space<vmem>> -> memref<1x64x128xf32, #tpu.memory_space<vmem>>
        %scatter3A_844 = tpu.memref_squeeze %scatter3A_843 : memref<1x64x128xf32, #tpu.memory_space<vmem>> -> memref<64x128xf32, #tpu.memory_space<vmem>>
        tpu.vector_store_idx %scatter3A_844[%shift_right_arithmetic3A_64, %add3A_839], %gather3A_797 : memref<64x128xf32, #tpu.memory_space<vmem>>[vector<16xi32>, vector<16xi32>], vector<16xf32>,
        %add3A_845 = arith.addi %and3A_762, %shift_left3A_137 : vector<16xi32>
        %scatter3A_846 = arith.constant 2 : i32
        %scatter3A_847 = arith.constant 0 : i32
        %scatter3A_848 = arith.constant 0 : i32
        %scatter3A_849 = tpu.memref_slice %arg6[%scatter3A_846, %scatter3A_847, %scatter3A_848] : memref<4x64x128xf32, #tpu.memory_space<vmem>> -> memref<1x64x128xf32, #tpu.memory_space<vmem>>
        %scatter3A_850 = tpu.memref_squeeze %scatter3A_849 : memref<1x64x128xf32, #tpu.memory_space<vmem>> -> memref<64x128xf32, #tpu.memory_space<vmem>>
        tpu.vector_store_idx %scatter3A_850[%shift_right_arithmetic3A_70, %add3A_845], %gather3A_803 : memref<64x128xf32, #tpu.memory_space<vmem>>[vector<16xi32>, vector<16xi32>], vector<16xf32>,
        %add3A_851 = arith.addi %and3A_762, %shift_left3A_146 : vector<16xi32>
        %scatter3A_852 = arith.constant 2 : i32
        %scatter3A_853 = arith.constant 0 : i32
        %scatter3A_854 = arith.constant 0 : i32
        %scatter3A_855 = tpu.memref_slice %arg6[%scatter3A_852, %scatter3A_853, %scatter3A_854] : memref<4x64x128xf32, #tpu.memory_space<vmem>> -> memref<1x64x128xf32, #tpu.memory_space<vmem>>
        %scatter3A_856 = tpu.memref_squeeze %scatter3A_855 : memref<1x64x128xf32, #tpu.memory_space<vmem>> -> memref<64x128xf32, #tpu.memory_space<vmem>>
        tpu.vector_store_idx %scatter3A_856[%shift_right_arithmetic3A_76, %add3A_851], %gather3A_809 : memref<64x128xf32, #tpu.memory_space<vmem>>[vector<16xi32>, vector<16xi32>], vector<16xf32>,
      }
      %scan3A_512 = arith.constant 64 : i32
      %add3A_513 = arith.addi %mul3A_2, %add3A_458 : i32
      %mul3A_514 = arith.constant 64 : i32
      %mul3A_515 = arith.muli %add3A_513, %mul3A_514 : i32
      %dma_start3A_516 = arith.constant 2 : i32
      %dma_start3A_517 = arith.constant 0 : i32
      %dma_start3A_518 = arith.constant 0 : i32
      %dma_start3A_519 = tpu.memref_slice %arg6[%dma_start3A_516, %dma_start3A_517, %dma_start3A_518] : memref<4x64x128xf32, #tpu.memory_space<vmem>> -> memref<1x64x128xf32, #tpu.memory_space<vmem>>
      %dma_start3A_520 = tpu.memref_squeeze %dma_start3A_519 : memref<1x64x128xf32, #tpu.memory_space<vmem>> -> memref<64x128xf32, #tpu.memory_space<vmem>>
      %dma_start3A_521 = arith.constant 0 : i32
      %dma_start3A_522 = tpu.memref_slice %arg4[%mul3A_515, %dma_start3A_521] : memref<500000x128xf32, #tpu.memory_space<hbm>> -> memref<64x128xf32, #tpu.memory_space<hbm>>
      %dma_start3A_523 = arith.constant 0 : i32
      %dma_start3A_524 = tpu.memref_slice %arg4[%mul3A_515, %dma_start3A_523] : memref<500000x128xf32, #tpu.memory_space<hbm>> -> memref<64x128xf32, #tpu.memory_space<hbm>>
      %dma_start3A_525 = arith.constant 0 : i32
      %dma_start3A_526 = arith.constant 0 : i32
      %dma_start3A_527 = tpu.memref_slice %arg6[%dma_start3A_516, %dma_start3A_525, %dma_start3A_526] : memref<4x64x128xf32, #tpu.memory_space<vmem>> -> memref<1x64x128xf32, #tpu.memory_space<vmem>>
      %dma_start3A_528 = tpu.memref_squeeze %dma_start3A_527 : memref<1x64x128xf32, #tpu.memory_space<vmem>> -> memref<64x128xf32, #tpu.memory_space<vmem>>
      tpu.enqueue_dma source(%dma_start3A_528 : memref<64x128xf32, #tpu.memory_space<vmem>>) target(%dma_start3A_524 : memref<64x128xf32, #tpu.memory_space<hbm>>) target_semaphore(%arg14 : memref<!tpu.dma_semaphore, #tpu.memory_space<semaphore_mem>>)
      %mul3A_529 = arith.constant 4 : i32
      %mul3A_530 = arith.muli %mul3A_529, %scan3A_452 : i32
      %add3A_531 = arith.constant 2 : i32
      %add3A_532 = arith.addi %add3A_531, %mul3A_530 : i32
      %add3A_533 = arith.constant 1 : i32
      %add3A_534 = arith.addi %add3A_532, %add3A_533 : i32
      %dma_wait3A_535 = arith.constant 1 : i32
      %dma_wait3A_536 = arith.constant 0 : i32
      %dma_wait3A_537 = arith.constant 0 : i32
      %dma_wait3A_538 = tpu.memref_slice %arg6[%dma_wait3A_535, %dma_wait3A_536, %dma_wait3A_537] : memref<4x64x128xf32, #tpu.memory_space<vmem>> -> memref<1x64x128xf32, #tpu.memory_space<vmem>>
      %dma_wait3A_539 = tpu.memref_squeeze %dma_wait3A_538 : memref<1x64x128xf32, #tpu.memory_space<vmem>> -> memref<64x128xf32, #tpu.memory_space<vmem>>
      %dma_wait3A_540 = arith.constant 0 : i32
      %dma_wait3A_541 = arith.constant 0 : i32
      %dma_wait3A_542 = tpu.memref_slice %arg4[%dma_wait3A_540, %dma_wait3A_541] : memref<500000x128xf32, #tpu.memory_space<hbm>> -> memref<64x128xf32, #tpu.memory_space<hbm>>
      %dma_wait3A_543 = arith.constant 0 : i32
      %dma_wait3A_544 = arith.constant 0 : i32
      %dma_wait3A_545 = tpu.memref_slice %arg4[%dma_wait3A_543, %dma_wait3A_544] : memref<500000x128xf32, #tpu.memory_space<hbm>> -> memref<64x128xf32, #tpu.memory_space<hbm>>
      %dma_wait3A_546 = arith.constant 0 : i32
      %dma_wait3A_547 = arith.constant 0 : i32
      %dma_wait3A_548 = tpu.memref_slice %arg6[%dma_wait3A_535, %dma_wait3A_546, %dma_wait3A_547] : memref<4x64x128xf32, #tpu.memory_space<vmem>> -> memref<1x64x128xf32, #tpu.memory_space<vmem>>
      %dma_wait3A_549 = tpu.memref_squeeze %dma_wait3A_548 : memref<1x64x128xf32, #tpu.memory_space<vmem>> -> memref<64x128xf32, #tpu.memory_space<vmem>>
      tpu.wait_dma2 semaphore(%arg13 : memref<!tpu.dma_semaphore, #tpu.memory_space<semaphore_mem>>) src(%dma_wait3A_549 : memref<64x128xf32, #tpu.memory_space<vmem>>) dst(%dma_wait3A_545 : memref<64x128xf32, #tpu.memory_space<hbm>>)
      %add3A_550 = arith.constant 2 : i32
      %add3A_551 = arith.addi %add3A_534, %add3A_550 : i32
      %add3A_552 = arith.addi %mul3A_2, %add3A_551 : i32
      %mul3A_553 = arith.constant 128 : i32
      %mul3A_554 = arith.muli %add3A_552, %mul3A_553 : i32
      %dma_start3A_555 = arith.constant 1 : i32
      %dma_start3A_556 = arith.constant 0 : i32
      %dma_start3A_557 = arith.constant 0 : i32
      %dma_start3A_558 = tpu.memref_slice %arg5[%dma_start3A_555, %dma_start3A_556, %dma_start3A_557] : memref<4x64x128xf32, #tpu.memory_space<vmem>> -> memref<1x64x128xf32, #tpu.memory_space<vmem>>
      %dma_start3A_559 = tpu.memref_squeeze %dma_start3A_558 : memref<1x64x128xf32, #tpu.memory_space<vmem>> -> memref<64x128xf32, #tpu.memory_space<vmem>>
      %dma_start3A_560 = arith.constant 0 : i32
      %dma_start3A_561 = tpu.memref_slice %arg2[%dma_start3A_560, %mul3A_554] : memref<64x1000000xf32, #tpu.memory_space<hbm>> -> memref<64x128xf32, #tpu.memory_space<hbm>>
      %dma_start3A_562 = arith.constant 0 : i32
      %dma_start3A_563 = arith.constant 0 : i32
      %dma_start3A_564 = tpu.memref_slice %arg5[%dma_start3A_555, %dma_start3A_562, %dma_start3A_563] : memref<4x64x128xf32, #tpu.memory_space<vmem>> -> memref<1x64x128xf32, #tpu.memory_space<vmem>>
      %dma_start3A_565 = tpu.memref_squeeze %dma_start3A_564 : memref<1x64x128xf32, #tpu.memory_space<vmem>> -> memref<64x128xf32, #tpu.memory_space<vmem>>
      %dma_start3A_566 = arith.constant 0 : i32
      %dma_start3A_567 = tpu.memref_slice %arg2[%dma_start3A_566, %mul3A_554] : memref<64x1000000xf32, #tpu.memory_space<hbm>> -> memref<64x128xf32, #tpu.memory_space<hbm>>
      tpu.enqueue_dma source(%dma_start3A_567 : memref<64x128xf32, #tpu.memory_space<hbm>>) target(%dma_start3A_565 : memref<64x128xf32, #tpu.memory_space<vmem>>) target_semaphore(%arg9 : memref<!tpu.dma_semaphore, #tpu.memory_space<semaphore_mem>>)
      %dma_wait3A_568 = arith.constant 3 : i32
      %dma_wait3A_569 = arith.constant 0 : i32
      %dma_wait3A_570 = arith.constant 0 : i32
      %dma_wait3A_571 = tpu.memref_slice %arg5[%dma_wait3A_568, %dma_wait3A_569, %dma_wait3A_570] : memref<4x64x128xf32, #tpu.memory_space<vmem>> -> memref<1x64x128xf32, #tpu.memory_space<vmem>>
      %dma_wait3A_572 = tpu.memref_squeeze %dma_wait3A_571 : memref<1x64x128xf32, #tpu.memory_space<vmem>> -> memref<64x128xf32, #tpu.memory_space<vmem>>
      %dma_wait3A_573 = arith.constant 0 : i32
      %dma_wait3A_574 = arith.constant 0 : i32
      %dma_wait3A_575 = tpu.memref_slice %arg2[%dma_wait3A_573, %dma_wait3A_574] : memref<64x1000000xf32, #tpu.memory_space<hbm>> -> memref<64x128xf32, #tpu.memory_space<hbm>>
      %dma_wait3A_576 = arith.constant 0 : i32
      %dma_wait3A_577 = arith.constant 0 : i32
      %dma_wait3A_578 = tpu.memref_slice %arg5[%dma_wait3A_568, %dma_wait3A_576, %dma_wait3A_577] : memref<4x64x128xf32, #tpu.memory_space<vmem>> -> memref<1x64x128xf32, #tpu.memory_space<vmem>>
      %dma_wait3A_579 = tpu.memref_squeeze %dma_wait3A_578 : memref<1x64x128xf32, #tpu.memory_space<vmem>> -> memref<64x128xf32, #tpu.memory_space<vmem>>
      %dma_wait3A_580 = arith.constant 0 : i32
      %dma_wait3A_581 = arith.constant 0 : i32
      %dma_wait3A_582 = tpu.memref_slice %arg2[%dma_wait3A_580, %dma_wait3A_581] : memref<64x1000000xf32, #tpu.memory_space<hbm>> -> memref<64x128xf32, #tpu.memory_space<hbm>>
      tpu.wait_dma2 semaphore(%arg11 : memref<!tpu.dma_semaphore, #tpu.memory_space<semaphore_mem>>) src(%dma_wait3A_582 : memref<64x128xf32, #tpu.memory_space<hbm>>) dst(%dma_wait3A_579 : memref<64x128xf32, #tpu.memory_space<vmem>>)
      %scan3A_583 = arith.constant 0 : i32
      %scan3A_584 = arith.constant 0 : i32
      %scan3A_585 = arith.constant 64 : i32
      %scan3A_586 = arith.addi %scan3A_584, %scan3A_585 : i32
      %scan3A_587 = arith.constant 1 : i32
      scf.for %scan3A_757 = %scan3A_584 to %scan3A_586 step %scan3A_587  : i32 {
        %add3A_758 = vector.broadcast %scan3A_757 : i32 to vector<16xi32>
        %add3A_759 = arith.addi %add3A_758, %mul3A_5 : vector<16xi32>
        %and3A_760 = arith.constant 63 : i32
        %and3A_761 = vector.broadcast %and3A_760 : i32 to vector<16xi32>
        %and3A_762 = arith.andi %add3A_759, %and3A_761 : vector<16xi32>
        %gather3A = arith.constant 3 : i32
        %gather3A_763 = arith.constant 0 : i32
        %gather3A_764 = arith.constant 0 : i32
        %gather3A_765 = tpu.memref_slice %arg5[%gather3A, %gather3A_763, %gather3A_764] : memref<4x64x128xf32, #tpu.memory_space<vmem>> -> memref<1x64x128xf32, #tpu.memory_space<vmem>>
        %gather3A_766 = tpu.memref_squeeze %gather3A_765 : memref<1x64x128xf32, #tpu.memory_space<vmem>> -> memref<64x128xf32, #tpu.memory_space<vmem>>
        %gather3A_767 = tpu.vector_load_idx %gather3A_766[%and3A_762, %add3A_8] : memref<64x128xf32, #tpu.memory_space<vmem>>[vector<16xi32>, vector<16xi32>], vector<16xf32>,
        %gather3A_768 = arith.constant 3 : i32
        %gather3A_769 = arith.constant 0 : i32
        %gather3A_770 = arith.constant 0 : i32
        %gather3A_771 = tpu.memref_slice %arg5[%gather3A_768, %gather3A_769, %gather3A_770] : memref<4x64x128xf32, #tpu.memory_space<vmem>> -> memref<1x64x128xf32, #tpu.memory_space<vmem>>
        %gather3A_772 = tpu.memref_squeeze %gather3A_771 : memref<1x64x128xf32, #tpu.memory_space<vmem>> -> memref<64x128xf32, #tpu.memory_space<vmem>>
        %gather3A_773 = tpu.vector_load_idx %gather3A_772[%and3A_762, %add3A_11] : memref<64x128xf32, #tpu.memory_space<vmem>>[vector<16xi32>, vector<16xi32>], vector<16xf32>,
        %gather3A_774 = arith.constant 3 : i32
        %gather3A_775 = arith.constant 0 : i32
        %gather3A_776 = arith.constant 0 : i32
        %gather3A_777 = tpu.memref_slice %arg5[%gather3A_774, %gather3A_775, %gather3A_776] : memref<4x64x128xf32, #tpu.memory_space<vmem>> -> memref<1x64x128xf32, #tpu.memory_space<vmem>>
        %gather3A_778 = tpu.memref_squeeze %gather3A_777 : memref<1x64x128xf32, #tpu.memory_space<vmem>> -> memref<64x128xf32, #tpu.memory_space<vmem>>
        %gather3A_779 = tpu.vector_load_idx %gather3A_778[%and3A_762, %add3A_14] : memref<64x128xf32, #tpu.memory_space<vmem>>[vector<16xi32>, vector<16xi32>], vector<16xf32>,
        %gather3A_780 = arith.constant 3 : i32
        %gather3A_781 = arith.constant 0 : i32
        %gather3A_782 = arith.constant 0 : i32
        %gather3A_783 = tpu.memref_slice %arg5[%gather3A_780, %gather3A_781, %gather3A_782] : memref<4x64x128xf32, #tpu.memory_space<vmem>> -> memref<1x64x128xf32, #tpu.memory_space<vmem>>
        %gather3A_784 = tpu.memref_squeeze %gather3A_783 : memref<1x64x128xf32, #tpu.memory_space<vmem>> -> memref<64x128xf32, #tpu.memory_space<vmem>>
        %gather3A_785 = tpu.vector_load_idx %gather3A_784[%and3A_762, %add3A_17] : memref<64x128xf32, #tpu.memory_space<vmem>>[vector<16xi32>, vector<16xi32>], vector<16xf32>,
        %gather3A_786 = arith.constant 3 : i32
        %gather3A_787 = arith.constant 0 : i32
        %gather3A_788 = arith.constant 0 : i32
        %gather3A_789 = tpu.memref_slice %arg5[%gather3A_786, %gather3A_787, %gather3A_788] : memref<4x64x128xf32, #tpu.memory_space<vmem>> -> memref<1x64x128xf32, #tpu.memory_space<vmem>>
        %gather3A_790 = tpu.memref_squeeze %gather3A_789 : memref<1x64x128xf32, #tpu.memory_space<vmem>> -> memref<64x128xf32, #tpu.memory_space<vmem>>
        %gather3A_791 = tpu.vector_load_idx %gather3A_790[%and3A_762, %add3A_20] : memref<64x128xf32, #tpu.memory_space<vmem>>[vector<16xi32>, vector<16xi32>], vector<16xf32>,
        %gather3A_792 = arith.constant 3 : i32
        %gather3A_793 = arith.constant 0 : i32
        %gather3A_794 = arith.constant 0 : i32
        %gather3A_795 = tpu.memref_slice %arg5[%gather3A_792, %gather3A_793, %gather3A_794] : memref<4x64x128xf32, #tpu.memory_space<vmem>> -> memref<1x64x128xf32, #tpu.memory_space<vmem>>
        %gather3A_796 = tpu.memref_squeeze %gather3A_795 : memref<1x64x128xf32, #tpu.memory_space<vmem>> -> memref<64x128xf32, #tpu.memory_space<vmem>>
        %gather3A_797 = tpu.vector_load_idx %gather3A_796[%and3A_762, %add3A_23] : memref<64x128xf32, #tpu.memory_space<vmem>>[vector<16xi32>, vector<16xi32>], vector<16xf32>,
        %gather3A_798 = arith.constant 3 : i32
        %gather3A_799 = arith.constant 0 : i32
        %gather3A_800 = arith.constant 0 : i32
        %gather3A_801 = tpu.memref_slice %arg5[%gather3A_798, %gather3A_799, %gather3A_800] : memref<4x64x128xf32, #tpu.memory_space<vmem>> -> memref<1x64x128xf32, #tpu.memory_space<vmem>>
        %gather3A_802 = tpu.memref_squeeze %gather3A_801 : memref<1x64x128xf32, #tpu.memory_space<vmem>> -> memref<64x128xf32, #tpu.memory_space<vmem>>
        %gather3A_803 = tpu.vector_load_idx %gather3A_802[%and3A_762, %add3A_26] : memref<64x128xf32, #tpu.memory_space<vmem>>[vector<16xi32>, vector<16xi32>], vector<16xf32>,
        %gather3A_804 = arith.constant 3 : i32
        %gather3A_805 = arith.constant 0 : i32
        %gather3A_806 = arith.constant 0 : i32
        %gather3A_807 = tpu.memref_slice %arg5[%gather3A_804, %gather3A_805, %gather3A_806] : memref<4x64x128xf32, #tpu.memory_space<vmem>> -> memref<1x64x128xf32, #tpu.memory_space<vmem>>
        %gather3A_808 = tpu.memref_squeeze %gather3A_807 : memref<1x64x128xf32, #tpu.memory_space<vmem>> -> memref<64x128xf32, #tpu.memory_space<vmem>>
        %gather3A_809 = tpu.vector_load_idx %gather3A_808[%and3A_762, %add3A_29] : memref<64x128xf32, #tpu.memory_space<vmem>>[vector<16xi32>, vector<16xi32>], vector<16xf32>,
        %add3A_810 = arith.addi %and3A_762, %shift_left3A_83 : vector<16xi32>
        %scatter3A = arith.constant 3 : i32
        %scatter3A_811 = arith.constant 0 : i32
        %scatter3A_812 = arith.constant 0 : i32
        %scatter3A_813 = tpu.memref_slice %arg6[%scatter3A, %scatter3A_811, %scatter3A_812] : memref<4x64x128xf32, #tpu.memory_space<vmem>> -> memref<1x64x128xf32, #tpu.memory_space<vmem>>
        %scatter3A_814 = tpu.memref_squeeze %scatter3A_813 : memref<1x64x128xf32, #tpu.memory_space<vmem>> -> memref<64x128xf32, #tpu.memory_space<vmem>>
        tpu.vector_store_idx %scatter3A_814[%shift_right_arithmetic3A_34, %add3A_810], %gather3A_767 : memref<64x128xf32, #tpu.memory_space<vmem>>[vector<16xi32>, vector<16xi32>], vector<16xf32>,
        %add3A_815 = arith.addi %and3A_762, %shift_left3A_92 : vector<16xi32>
        %scatter3A_816 = arith.constant 3 : i32
        %scatter3A_817 = arith.constant 0 : i32
        %scatter3A_818 = arith.constant 0 : i32
        %scatter3A_819 = tpu.memref_slice %arg6[%scatter3A_816, %scatter3A_817, %scatter3A_818] : memref<4x64x128xf32, #tpu.memory_space<vmem>> -> memref<1x64x128xf32, #tpu.memory_space<vmem>>
        %scatter3A_820 = tpu.memref_squeeze %scatter3A_819 : memref<1x64x128xf32, #tpu.memory_space<vmem>> -> memref<64x128xf32, #tpu.memory_space<vmem>>
        tpu.vector_store_idx %scatter3A_820[%shift_right_arithmetic3A_40, %add3A_815], %gather3A_773 : memref<64x128xf32, #tpu.memory_space<vmem>>[vector<16xi32>, vector<16xi32>], vector<16xf32>,
        %add3A_821 = arith.addi %and3A_762, %shift_left3A_101 : vector<16xi32>
        %scatter3A_822 = arith.constant 3 : i32
        %scatter3A_823 = arith.constant 0 : i32
        %scatter3A_824 = arith.constant 0 : i32
        %scatter3A_825 = tpu.memref_slice %arg6[%scatter3A_822, %scatter3A_823, %scatter3A_824] : memref<4x64x128xf32, #tpu.memory_space<vmem>> -> memref<1x64x128xf32, #tpu.memory_space<vmem>>
        %scatter3A_826 = tpu.memref_squeeze %scatter3A_825 : memref<1x64x128xf32, #tpu.memory_space<vmem>> -> memref<64x128xf32, #tpu.memory_space<vmem>>
        tpu.vector_store_idx %scatter3A_826[%shift_right_arithmetic3A_46, %add3A_821], %gather3A_779 : memref<64x128xf32, #tpu.memory_space<vmem>>[vector<16xi32>, vector<16xi32>], vector<16xf32>,
        %add3A_827 = arith.addi %and3A_762, %shift_left3A_110 : vector<16xi32>
        %scatter3A_828 = arith.constant 3 : i32
        %scatter3A_829 = arith.constant 0 : i32
        %scatter3A_830 = arith.constant 0 : i32
        %scatter3A_831 = tpu.memref_slice %arg6[%scatter3A_828, %scatter3A_829, %scatter3A_830] : memref<4x64x128xf32, #tpu.memory_space<vmem>> -> memref<1x64x128xf32, #tpu.memory_space<vmem>>
        %scatter3A_832 = tpu.memref_squeeze %scatter3A_831 : memref<1x64x128xf32, #tpu.memory_space<vmem>> -> memref<64x128xf32, #tpu.memory_space<vmem>>
        tpu.vector_store_idx %scatter3A_832[%shift_right_arithmetic3A_52, %add3A_827], %gather3A_785 : memref<64x128xf32, #tpu.memory_space<vmem>>[vector<16xi32>, vector<16xi32>], vector<16xf32>,
        %add3A_833 = arith.addi %and3A_762, %shift_left3A_119 : vector<16xi32>
        %scatter3A_834 = arith.constant 3 : i32
        %scatter3A_835 = arith.constant 0 : i32
        %scatter3A_836 = arith.constant 0 : i32
        %scatter3A_837 = tpu.memref_slice %arg6[%scatter3A_834, %scatter3A_835, %scatter3A_836] : memref<4x64x128xf32, #tpu.memory_space<vmem>> -> memref<1x64x128xf32, #tpu.memory_space<vmem>>
        %scatter3A_838 = tpu.memref_squeeze %scatter3A_837 : memref<1x64x128xf32, #tpu.memory_space<vmem>> -> memref<64x128xf32, #tpu.memory_space<vmem>>
        tpu.vector_store_idx %scatter3A_838[%shift_right_arithmetic3A_58, %add3A_833], %gather3A_791 : memref<64x128xf32, #tpu.memory_space<vmem>>[vector<16xi32>, vector<16xi32>], vector<16xf32>,
        %add3A_839 = arith.addi %and3A_762, %shift_left3A_128 : vector<16xi32>
        %scatter3A_840 = arith.constant 3 : i32
        %scatter3A_841 = arith.constant 0 : i32
        %scatter3A_842 = arith.constant 0 : i32
        %scatter3A_843 = tpu.memref_slice %arg6[%scatter3A_840, %scatter3A_841, %scatter3A_842] : memref<4x64x128xf32, #tpu.memory_space<vmem>> -> memref<1x64x128xf32, #tpu.memory_space<vmem>>
        %scatter3A_844 = tpu.memref_squeeze %scatter3A_843 : memref<1x64x128xf32, #tpu.memory_space<vmem>> -> memref<64x128xf32, #tpu.memory_space<vmem>>
        tpu.vector_store_idx %scatter3A_844[%shift_right_arithmetic3A_64, %add3A_839], %gather3A_797 : memref<64x128xf32, #tpu.memory_space<vmem>>[vector<16xi32>, vector<16xi32>], vector<16xf32>,
        %add3A_845 = arith.addi %and3A_762, %shift_left3A_137 : vector<16xi32>
        %scatter3A_846 = arith.constant 3 : i32
        %scatter3A_847 = arith.constant 0 : i32
        %scatter3A_848 = arith.constant 0 : i32
        %scatter3A_849 = tpu.memref_slice %arg6[%scatter3A_846, %scatter3A_847, %scatter3A_848] : memref<4x64x128xf32, #tpu.memory_space<vmem>> -> memref<1x64x128xf32, #tpu.memory_space<vmem>>
        %scatter3A_850 = tpu.memref_squeeze %scatter3A_849 : memref<1x64x128xf32, #tpu.memory_space<vmem>> -> memref<64x128xf32, #tpu.memory_space<vmem>>
        tpu.vector_store_idx %scatter3A_850[%shift_right_arithmetic3A_70, %add3A_845], %gather3A_803 : memref<64x128xf32, #tpu.memory_space<vmem>>[vector<16xi32>, vector<16xi32>], vector<16xf32>,
        %add3A_851 = arith.addi %and3A_762, %shift_left3A_146 : vector<16xi32>
        %scatter3A_852 = arith.constant 3 : i32
        %scatter3A_853 = arith.constant 0 : i32
        %scatter3A_854 = arith.constant 0 : i32
        %scatter3A_855 = tpu.memref_slice %arg6[%scatter3A_852, %scatter3A_853, %scatter3A_854] : memref<4x64x128xf32, #tpu.memory_space<vmem>> -> memref<1x64x128xf32, #tpu.memory_space<vmem>>
        %scatter3A_856 = tpu.memref_squeeze %scatter3A_855 : memref<1x64x128xf32, #tpu.memory_space<vmem>> -> memref<64x128xf32, #tpu.memory_space<vmem>>
        tpu.vector_store_idx %scatter3A_856[%shift_right_arithmetic3A_76, %add3A_851], %gather3A_809 : memref<64x128xf32, #tpu.memory_space<vmem>>[vector<16xi32>, vector<16xi32>], vector<16xf32>,
      }
      %scan3A_588 = arith.constant 64 : i32
      %add3A_589 = arith.addi %mul3A_2, %add3A_534 : i32
      %mul3A_590 = arith.constant 64 : i32
      %mul3A_591 = arith.muli %add3A_589, %mul3A_590 : i32
      %dma_start3A_592 = arith.constant 3 : i32
      %dma_start3A_593 = arith.constant 0 : i32
      %dma_start3A_594 = arith.constant 0 : i32
      %dma_start3A_595 = tpu.memref_slice %arg6[%dma_start3A_592, %dma_start3A_593, %dma_start3A_594] : memref<4x64x128xf32, #tpu.memory_space<vmem>> -> memref<1x64x128xf32, #tpu.memory_space<vmem>>
      %dma_start3A_596 = tpu.memref_squeeze %dma_start3A_595 : memref<1x64x128xf32, #tpu.memory_space<vmem>> -> memref<64x128xf32, #tpu.memory_space<vmem>>
      %dma_start3A_597 = arith.constant 0 : i32
      %dma_start3A_598 = tpu.memref_slice %arg4[%mul3A_591, %dma_start3A_597] : memref<500000x128xf32, #tpu.memory_space<hbm>> -> memref<64x128xf32, #tpu.memory_space<hbm>>
      %dma_start3A_599 = arith.constant 0 : i32
      %dma_start3A_600 = tpu.memref_slice %arg4[%mul3A_591, %dma_start3A_599] : memref<500000x128xf32, #tpu.memory_space<hbm>> -> memref<64x128xf32, #tpu.memory_space<hbm>>
      %dma_start3A_601 = arith.constant 0 : i32
      %dma_start3A_602 = arith.constant 0 : i32
      %dma_start3A_603 = tpu.memref_slice %arg6[%dma_start3A_592, %dma_start3A_601, %dma_start3A_602] : memref<4x64x128xf32, #tpu.memory_space<vmem>> -> memref<1x64x128xf32, #tpu.memory_space<vmem>>
      %dma_start3A_604 = tpu.memref_squeeze %dma_start3A_603 : memref<1x64x128xf32, #tpu.memory_space<vmem>> -> memref<64x128xf32, #tpu.memory_space<vmem>>
      tpu.enqueue_dma source(%dma_start3A_604 : memref<64x128xf32, #tpu.memory_space<vmem>>) target(%dma_start3A_600 : memref<64x128xf32, #tpu.memory_space<hbm>>) target_semaphore(%arg15 : memref<!tpu.dma_semaphore, #tpu.memory_space<semaphore_mem>>)
      %mul3A_605 = arith.constant 4 : i32
      %mul3A_606 = arith.muli %mul3A_605, %scan3A_452 : i32
      %add3A_607 = arith.constant 2 : i32
      %add3A_608 = arith.addi %add3A_607, %mul3A_606 : i32
      %add3A_609 = arith.constant 2 : i32
      %add3A_610 = arith.addi %add3A_608, %add3A_609 : i32
      %dma_wait3A_611 = arith.constant 2 : i32
      %dma_wait3A_612 = arith.constant 0 : i32
      %dma_wait3A_613 = arith.constant 0 : i32
      %dma_wait3A_614 = tpu.memref_slice %arg6[%dma_wait3A_611, %dma_wait3A_612, %dma_wait3A_613] : memref<4x64x128xf32, #tpu.memory_space<vmem>> -> memref<1x64x128xf32, #tpu.memory_space<vmem>>
      %dma_wait3A_615 = tpu.memref_squeeze %dma_wait3A_614 : memref<1x64x128xf32, #tpu.memory_space<vmem>> -> memref<64x128xf32, #tpu.memory_space<vmem>>
      %dma_wait3A_616 = arith.constant 0 : i32
      %dma_wait3A_617 = arith.constant 0 : i32
      %dma_wait3A_618 = tpu.memref_slice %arg4[%dma_wait3A_616, %dma_wait3A_617] : memref<500000x128xf32, #tpu.memory_space<hbm>> -> memref<64x128xf32, #tpu.memory_space<hbm>>
      %dma_wait3A_619 = arith.constant 0 : i32
      %dma_wait3A_620 = arith.constant 0 : i32
      %dma_wait3A_621 = tpu.memref_slice %arg4[%dma_wait3A_619, %dma_wait3A_620] : memref<500000x128xf32, #tpu.memory_space<hbm>> -> memref<64x128xf32, #tpu.memory_space<hbm>>
      %dma_wait3A_622 = arith.constant 0 : i32
      %dma_wait3A_623 = arith.constant 0 : i32
      %dma_wait3A_624 = tpu.memref_slice %arg6[%dma_wait3A_611, %dma_wait3A_622, %dma_wait3A_623] : memref<4x64x128xf32, #tpu.memory_space<vmem>> -> memref<1x64x128xf32, #tpu.memory_space<vmem>>
      %dma_wait3A_625 = tpu.memref_squeeze %dma_wait3A_624 : memref<1x64x128xf32, #tpu.memory_space<vmem>> -> memref<64x128xf32, #tpu.memory_space<vmem>>
      tpu.wait_dma2 semaphore(%arg14 : memref<!tpu.dma_semaphore, #tpu.memory_space<semaphore_mem>>) src(%dma_wait3A_625 : memref<64x128xf32, #tpu.memory_space<vmem>>) dst(%dma_wait3A_621 : memref<64x128xf32, #tpu.memory_space<hbm>>)
      %add3A_626 = arith.constant 2 : i32
      %add3A_627 = arith.addi %add3A_610, %add3A_626 : i32
      %add3A_628 = arith.addi %mul3A_2, %add3A_627 : i32
      %mul3A_629 = arith.constant 128 : i32
      %mul3A_630 = arith.muli %add3A_628, %mul3A_629 : i32
      %dma_start3A_631 = arith.constant 2 : i32
      %dma_start3A_632 = arith.constant 0 : i32
      %dma_start3A_633 = arith.constant 0 : i32
      %dma_start3A_634 = tpu.memref_slice %arg5[%dma_start3A_631, %dma_start3A_632, %dma_start3A_633] : memref<4x64x128xf32, #tpu.memory_space<vmem>> -> memref<1x64x128xf32, #tpu.memory_space<vmem>>
      %dma_start3A_635 = tpu.memref_squeeze %dma_start3A_634 : memref<1x64x128xf32, #tpu.memory_space<vmem>> -> memref<64x128xf32, #tpu.memory_space<vmem>>
      %dma_start3A_636 = arith.constant 0 : i32
      %dma_start3A_637 = tpu.memref_slice %arg2[%dma_start3A_636, %mul3A_630] : memref<64x1000000xf32, #tpu.memory_space<hbm>> -> memref<64x128xf32, #tpu.memory_space<hbm>>
      %dma_start3A_638 = arith.constant 0 : i32
      %dma_start3A_639 = arith.constant 0 : i32
      %dma_start3A_640 = tpu.memref_slice %arg5[%dma_start3A_631, %dma_start3A_638, %dma_start3A_639] : memref<4x64x128xf32, #tpu.memory_space<vmem>> -> memref<1x64x128xf32, #tpu.memory_space<vmem>>
      %dma_start3A_641 = tpu.memref_squeeze %dma_start3A_640 : memref<1x64x128xf32, #tpu.memory_space<vmem>> -> memref<64x128xf32, #tpu.memory_space<vmem>>
      %dma_start3A_642 = arith.constant 0 : i32
      %dma_start3A_643 = tpu.memref_slice %arg2[%dma_start3A_642, %mul3A_630] : memref<64x1000000xf32, #tpu.memory_space<hbm>> -> memref<64x128xf32, #tpu.memory_space<hbm>>
      tpu.enqueue_dma source(%dma_start3A_643 : memref<64x128xf32, #tpu.memory_space<hbm>>) target(%dma_start3A_641 : memref<64x128xf32, #tpu.memory_space<vmem>>) target_semaphore(%arg10 : memref<!tpu.dma_semaphore, #tpu.memory_space<semaphore_mem>>)
      %dma_wait3A_644 = arith.constant 0 : i32
      %dma_wait3A_645 = arith.constant 0 : i32
      %dma_wait3A_646 = arith.constant 0 : i32
      %dma_wait3A_647 = tpu.memref_slice %arg5[%dma_wait3A_644, %dma_wait3A_645, %dma_wait3A_646] : memref<4x64x128xf32, #tpu.memory_space<vmem>> -> memref<1x64x128xf32, #tpu.memory_space<vmem>>
      %dma_wait3A_648 = tpu.memref_squeeze %dma_wait3A_647 : memref<1x64x128xf32, #tpu.memory_space<vmem>> -> memref<64x128xf32, #tpu.memory_space<vmem>>
      %dma_wait3A_649 = arith.constant 0 : i32
      %dma_wait3A_650 = arith.constant 0 : i32
      %dma_wait3A_651 = tpu.memref_slice %arg2[%dma_wait3A_649, %dma_wait3A_650] : memref<64x1000000xf32, #tpu.memory_space<hbm>> -> memref<64x128xf32, #tpu.memory_space<hbm>>
      %dma_wait3A_652 = arith.constant 0 : i32
      %dma_wait3A_653 = arith.constant 0 : i32
      %dma_wait3A_654 = tpu.memref_slice %arg5[%dma_wait3A_644, %dma_wait3A_652, %dma_wait3A_653] : memref<4x64x128xf32, #tpu.memory_space<vmem>> -> memref<1x64x128xf32, #tpu.memory_space<vmem>>
      %dma_wait3A_655 = tpu.memref_squeeze %dma_wait3A_654 : memref<1x64x128xf32, #tpu.memory_space<vmem>> -> memref<64x128xf32, #tpu.memory_space<vmem>>
      %dma_wait3A_656 = arith.constant 0 : i32
      %dma_wait3A_657 = arith.constant 0 : i32
      %dma_wait3A_658 = tpu.memref_slice %arg2[%dma_wait3A_656, %dma_wait3A_657] : memref<64x1000000xf32, #tpu.memory_space<hbm>> -> memref<64x128xf32, #tpu.memory_space<hbm>>
      tpu.wait_dma2 semaphore(%arg8 : memref<!tpu.dma_semaphore, #tpu.memory_space<semaphore_mem>>) src(%dma_wait3A_658 : memref<64x128xf32, #tpu.memory_space<hbm>>) dst(%dma_wait3A_655 : memref<64x128xf32, #tpu.memory_space<vmem>>)
      %scan3A_659 = arith.constant 0 : i32
      %scan3A_660 = arith.constant 0 : i32
      %scan3A_661 = arith.constant 64 : i32
      %scan3A_662 = arith.addi %scan3A_660, %scan3A_661 : i32
      %scan3A_663 = arith.constant 1 : i32
      scf.for %scan3A_757 = %scan3A_660 to %scan3A_662 step %scan3A_663  : i32 {
        %add3A_758 = vector.broadcast %scan3A_757 : i32 to vector<16xi32>
        %add3A_759 = arith.addi %add3A_758, %mul3A_5 : vector<16xi32>
        %and3A_760 = arith.constant 63 : i32
        %and3A_761 = vector.broadcast %and3A_760 : i32 to vector<16xi32>
        %and3A_762 = arith.andi %add3A_759, %and3A_761 : vector<16xi32>
        %gather3A = arith.constant 0 : i32
        %gather3A_763 = arith.constant 0 : i32
        %gather3A_764 = arith.constant 0 : i32
        %gather3A_765 = tpu.memref_slice %arg5[%gather3A, %gather3A_763, %gather3A_764] : memref<4x64x128xf32, #tpu.memory_space<vmem>> -> memref<1x64x128xf32, #tpu.memory_space<vmem>>
        %gather3A_766 = tpu.memref_squeeze %gather3A_765 : memref<1x64x128xf32, #tpu.memory_space<vmem>> -> memref<64x128xf32, #tpu.memory_space<vmem>>
        %gather3A_767 = tpu.vector_load_idx %gather3A_766[%and3A_762, %add3A_8] : memref<64x128xf32, #tpu.memory_space<vmem>>[vector<16xi32>, vector<16xi32>], vector<16xf32>,
        %gather3A_768 = arith.constant 0 : i32
        %gather3A_769 = arith.constant 0 : i32
        %gather3A_770 = arith.constant 0 : i32
        %gather3A_771 = tpu.memref_slice %arg5[%gather3A_768, %gather3A_769, %gather3A_770] : memref<4x64x128xf32, #tpu.memory_space<vmem>> -> memref<1x64x128xf32, #tpu.memory_space<vmem>>
        %gather3A_772 = tpu.memref_squeeze %gather3A_771 : memref<1x64x128xf32, #tpu.memory_space<vmem>> -> memref<64x128xf32, #tpu.memory_space<vmem>>
        %gather3A_773 = tpu.vector_load_idx %gather3A_772[%and3A_762, %add3A_11] : memref<64x128xf32, #tpu.memory_space<vmem>>[vector<16xi32>, vector<16xi32>], vector<16xf32>,
        %gather3A_774 = arith.constant 0 : i32
        %gather3A_775 = arith.constant 0 : i32
        %gather3A_776 = arith.constant 0 : i32
        %gather3A_777 = tpu.memref_slice %arg5[%gather3A_774, %gather3A_775, %gather3A_776] : memref<4x64x128xf32, #tpu.memory_space<vmem>> -> memref<1x64x128xf32, #tpu.memory_space<vmem>>
        %gather3A_778 = tpu.memref_squeeze %gather3A_777 : memref<1x64x128xf32, #tpu.memory_space<vmem>> -> memref<64x128xf32, #tpu.memory_space<vmem>>
        %gather3A_779 = tpu.vector_load_idx %gather3A_778[%and3A_762, %add3A_14] : memref<64x128xf32, #tpu.memory_space<vmem>>[vector<16xi32>, vector<16xi32>], vector<16xf32>,
        %gather3A_780 = arith.constant 0 : i32
        %gather3A_781 = arith.constant 0 : i32
        %gather3A_782 = arith.constant 0 : i32
        %gather3A_783 = tpu.memref_slice %arg5[%gather3A_780, %gather3A_781, %gather3A_782] : memref<4x64x128xf32, #tpu.memory_space<vmem>> -> memref<1x64x128xf32, #tpu.memory_space<vmem>>
        %gather3A_784 = tpu.memref_squeeze %gather3A_783 : memref<1x64x128xf32, #tpu.memory_space<vmem>> -> memref<64x128xf32, #tpu.memory_space<vmem>>
        %gather3A_785 = tpu.vector_load_idx %gather3A_784[%and3A_762, %add3A_17] : memref<64x128xf32, #tpu.memory_space<vmem>>[vector<16xi32>, vector<16xi32>], vector<16xf32>,
        %gather3A_786 = arith.constant 0 : i32
        %gather3A_787 = arith.constant 0 : i32
        %gather3A_788 = arith.constant 0 : i32
        %gather3A_789 = tpu.memref_slice %arg5[%gather3A_786, %gather3A_787, %gather3A_788] : memref<4x64x128xf32, #tpu.memory_space<vmem>> -> memref<1x64x128xf32, #tpu.memory_space<vmem>>
        %gather3A_790 = tpu.memref_squeeze %gather3A_789 : memref<1x64x128xf32, #tpu.memory_space<vmem>> -> memref<64x128xf32, #tpu.memory_space<vmem>>
        %gather3A_791 = tpu.vector_load_idx %gather3A_790[%and3A_762, %add3A_20] : memref<64x128xf32, #tpu.memory_space<vmem>>[vector<16xi32>, vector<16xi32>], vector<16xf32>,
        %gather3A_792 = arith.constant 0 : i32
        %gather3A_793 = arith.constant 0 : i32
        %gather3A_794 = arith.constant 0 : i32
        %gather3A_795 = tpu.memref_slice %arg5[%gather3A_792, %gather3A_793, %gather3A_794] : memref<4x64x128xf32, #tpu.memory_space<vmem>> -> memref<1x64x128xf32, #tpu.memory_space<vmem>>
        %gather3A_796 = tpu.memref_squeeze %gather3A_795 : memref<1x64x128xf32, #tpu.memory_space<vmem>> -> memref<64x128xf32, #tpu.memory_space<vmem>>
        %gather3A_797 = tpu.vector_load_idx %gather3A_796[%and3A_762, %add3A_23] : memref<64x128xf32, #tpu.memory_space<vmem>>[vector<16xi32>, vector<16xi32>], vector<16xf32>,
        %gather3A_798 = arith.constant 0 : i32
        %gather3A_799 = arith.constant 0 : i32
        %gather3A_800 = arith.constant 0 : i32
        %gather3A_801 = tpu.memref_slice %arg5[%gather3A_798, %gather3A_799, %gather3A_800] : memref<4x64x128xf32, #tpu.memory_space<vmem>> -> memref<1x64x128xf32, #tpu.memory_space<vmem>>
        %gather3A_802 = tpu.memref_squeeze %gather3A_801 : memref<1x64x128xf32, #tpu.memory_space<vmem>> -> memref<64x128xf32, #tpu.memory_space<vmem>>
        %gather3A_803 = tpu.vector_load_idx %gather3A_802[%and3A_762, %add3A_26] : memref<64x128xf32, #tpu.memory_space<vmem>>[vector<16xi32>, vector<16xi32>], vector<16xf32>,
        %gather3A_804 = arith.constant 0 : i32
        %gather3A_805 = arith.constant 0 : i32
        %gather3A_806 = arith.constant 0 : i32
        %gather3A_807 = tpu.memref_slice %arg5[%gather3A_804, %gather3A_805, %gather3A_806] : memref<4x64x128xf32, #tpu.memory_space<vmem>> -> memref<1x64x128xf32, #tpu.memory_space<vmem>>
        %gather3A_808 = tpu.memref_squeeze %gather3A_807 : memref<1x64x128xf32, #tpu.memory_space<vmem>> -> memref<64x128xf32, #tpu.memory_space<vmem>>
        %gather3A_809 = tpu.vector_load_idx %gather3A_808[%and3A_762, %add3A_29] : memref<64x128xf32, #tpu.memory_space<vmem>>[vector<16xi32>, vector<16xi32>], vector<16xf32>,
        %add3A_810 = arith.addi %and3A_762, %shift_left3A_83 : vector<16xi32>
        %scatter3A = arith.constant 0 : i32
        %scatter3A_811 = arith.constant 0 : i32
        %scatter3A_812 = arith.constant 0 : i32
        %scatter3A_813 = tpu.memref_slice %arg6[%scatter3A, %scatter3A_811, %scatter3A_812] : memref<4x64x128xf32, #tpu.memory_space<vmem>> -> memref<1x64x128xf32, #tpu.memory_space<vmem>>
        %scatter3A_814 = tpu.memref_squeeze %scatter3A_813 : memref<1x64x128xf32, #tpu.memory_space<vmem>> -> memref<64x128xf32, #tpu.memory_space<vmem>>
        tpu.vector_store_idx %scatter3A_814[%shift_right_arithmetic3A_34, %add3A_810], %gather3A_767 : memref<64x128xf32, #tpu.memory_space<vmem>>[vector<16xi32>, vector<16xi32>], vector<16xf32>,
        %add3A_815 = arith.addi %and3A_762, %shift_left3A_92 : vector<16xi32>
        %scatter3A_816 = arith.constant 0 : i32
        %scatter3A_817 = arith.constant 0 : i32
        %scatter3A_818 = arith.constant 0 : i32
        %scatter3A_819 = tpu.memref_slice %arg6[%scatter3A_816, %scatter3A_817, %scatter3A_818] : memref<4x64x128xf32, #tpu.memory_space<vmem>> -> memref<1x64x128xf32, #tpu.memory_space<vmem>>
        %scatter3A_820 = tpu.memref_squeeze %scatter3A_819 : memref<1x64x128xf32, #tpu.memory_space<vmem>> -> memref<64x128xf32, #tpu.memory_space<vmem>>
        tpu.vector_store_idx %scatter3A_820[%shift_right_arithmetic3A_40, %add3A_815], %gather3A_773 : memref<64x128xf32, #tpu.memory_space<vmem>>[vector<16xi32>, vector<16xi32>], vector<16xf32>,
        %add3A_821 = arith.addi %and3A_762, %shift_left3A_101 : vector<16xi32>
        %scatter3A_822 = arith.constant 0 : i32
        %scatter3A_823 = arith.constant 0 : i32
        %scatter3A_824 = arith.constant 0 : i32
        %scatter3A_825 = tpu.memref_slice %arg6[%scatter3A_822, %scatter3A_823, %scatter3A_824] : memref<4x64x128xf32, #tpu.memory_space<vmem>> -> memref<1x64x128xf32, #tpu.memory_space<vmem>>
        %scatter3A_826 = tpu.memref_squeeze %scatter3A_825 : memref<1x64x128xf32, #tpu.memory_space<vmem>> -> memref<64x128xf32, #tpu.memory_space<vmem>>
        tpu.vector_store_idx %scatter3A_826[%shift_right_arithmetic3A_46, %add3A_821], %gather3A_779 : memref<64x128xf32, #tpu.memory_space<vmem>>[vector<16xi32>, vector<16xi32>], vector<16xf32>,
        %add3A_827 = arith.addi %and3A_762, %shift_left3A_110 : vector<16xi32>
        %scatter3A_828 = arith.constant 0 : i32
        %scatter3A_829 = arith.constant 0 : i32
        %scatter3A_830 = arith.constant 0 : i32
        %scatter3A_831 = tpu.memref_slice %arg6[%scatter3A_828, %scatter3A_829, %scatter3A_830] : memref<4x64x128xf32, #tpu.memory_space<vmem>> -> memref<1x64x128xf32, #tpu.memory_space<vmem>>
        %scatter3A_832 = tpu.memref_squeeze %scatter3A_831 : memref<1x64x128xf32, #tpu.memory_space<vmem>> -> memref<64x128xf32, #tpu.memory_space<vmem>>
        tpu.vector_store_idx %scatter3A_832[%shift_right_arithmetic3A_52, %add3A_827], %gather3A_785 : memref<64x128xf32, #tpu.memory_space<vmem>>[vector<16xi32>, vector<16xi32>], vector<16xf32>,
        %add3A_833 = arith.addi %and3A_762, %shift_left3A_119 : vector<16xi32>
        %scatter3A_834 = arith.constant 0 : i32
        %scatter3A_835 = arith.constant 0 : i32
        %scatter3A_836 = arith.constant 0 : i32
        %scatter3A_837 = tpu.memref_slice %arg6[%scatter3A_834, %scatter3A_835, %scatter3A_836] : memref<4x64x128xf32, #tpu.memory_space<vmem>> -> memref<1x64x128xf32, #tpu.memory_space<vmem>>
        %scatter3A_838 = tpu.memref_squeeze %scatter3A_837 : memref<1x64x128xf32, #tpu.memory_space<vmem>> -> memref<64x128xf32, #tpu.memory_space<vmem>>
        tpu.vector_store_idx %scatter3A_838[%shift_right_arithmetic3A_58, %add3A_833], %gather3A_791 : memref<64x128xf32, #tpu.memory_space<vmem>>[vector<16xi32>, vector<16xi32>], vector<16xf32>,
        %add3A_839 = arith.addi %and3A_762, %shift_left3A_128 : vector<16xi32>
        %scatter3A_840 = arith.constant 0 : i32
        %scatter3A_841 = arith.constant 0 : i32
        %scatter3A_842 = arith.constant 0 : i32
        %scatter3A_843 = tpu.memref_slice %arg6[%scatter3A_840, %scatter3A_841, %scatter3A_842] : memref<4x64x128xf32, #tpu.memory_space<vmem>> -> memref<1x64x128xf32, #tpu.memory_space<vmem>>
        %scatter3A_844 = tpu.memref_squeeze %scatter3A_843 : memref<1x64x128xf32, #tpu.memory_space<vmem>> -> memref<64x128xf32, #tpu.memory_space<vmem>>
        tpu.vector_store_idx %scatter3A_844[%shift_right_arithmetic3A_64, %add3A_839], %gather3A_797 : memref<64x128xf32, #tpu.memory_space<vmem>>[vector<16xi32>, vector<16xi32>], vector<16xf32>,
        %add3A_845 = arith.addi %and3A_762, %shift_left3A_137 : vector<16xi32>
        %scatter3A_846 = arith.constant 0 : i32
        %scatter3A_847 = arith.constant 0 : i32
        %scatter3A_848 = arith.constant 0 : i32
        %scatter3A_849 = tpu.memref_slice %arg6[%scatter3A_846, %scatter3A_847, %scatter3A_848] : memref<4x64x128xf32, #tpu.memory_space<vmem>> -> memref<1x64x128xf32, #tpu.memory_space<vmem>>
        %scatter3A_850 = tpu.memref_squeeze %scatter3A_849 : memref<1x64x128xf32, #tpu.memory_space<vmem>> -> memref<64x128xf32, #tpu.memory_space<vmem>>
        tpu.vector_store_idx %scatter3A_850[%shift_right_arithmetic3A_70, %add3A_845], %gather3A_803 : memref<64x128xf32, #tpu.memory_space<vmem>>[vector<16xi32>, vector<16xi32>], vector<16xf32>,
        %add3A_851 = arith.addi %and3A_762, %shift_left3A_146 : vector<16xi32>
        %scatter3A_852 = arith.constant 0 : i32
        %scatter3A_853 = arith.constant 0 : i32
        %scatter3A_854 = arith.constant 0 : i32
        %scatter3A_855 = tpu.memref_slice %arg6[%scatter3A_852, %scatter3A_853, %scatter3A_854] : memref<4x64x128xf32, #tpu.memory_space<vmem>> -> memref<1x64x128xf32, #tpu.memory_space<vmem>>
        %scatter3A_856 = tpu.memref_squeeze %scatter3A_855 : memref<1x64x128xf32, #tpu.memory_space<vmem>> -> memref<64x128xf32, #tpu.memory_space<vmem>>
        tpu.vector_store_idx %scatter3A_856[%shift_right_arithmetic3A_76, %add3A_851], %gather3A_809 : memref<64x128xf32, #tpu.memory_space<vmem>>[vector<16xi32>, vector<16xi32>], vector<16xf32>,
      }
      %scan3A_664 = arith.constant 64 : i32
      %add3A_665 = arith.addi %mul3A_2, %add3A_610 : i32
      %mul3A_666 = arith.constant 64 : i32
      %mul3A_667 = arith.muli %add3A_665, %mul3A_666 : i32
      %dma_start3A_668 = arith.constant 0 : i32
      %dma_start3A_669 = arith.constant 0 : i32
      %dma_start3A_670 = arith.constant 0 : i32
      %dma_start3A_671 = tpu.memref_slice %arg6[%dma_start3A_668, %dma_start3A_669, %dma_start3A_670] : memref<4x64x128xf32, #tpu.memory_space<vmem>> -> memref<1x64x128xf32, #tpu.memory_space<vmem>>
      %dma_start3A_672 = tpu.memref_squeeze %dma_start3A_671 : memref<1x64x128xf32, #tpu.memory_space<vmem>> -> memref<64x128xf32, #tpu.memory_space<vmem>>
      %dma_start3A_673 = arith.constant 0 : i32
      %dma_start3A_674 = tpu.memref_slice %arg4[%mul3A_667, %dma_start3A_673] : memref<500000x128xf32, #tpu.memory_space<hbm>> -> memref<64x128xf32, #tpu.memory_space<hbm>>
      %dma_start3A_675 = arith.constant 0 : i32
      %dma_start3A_676 = tpu.memref_slice %arg4[%mul3A_667, %dma_start3A_675] : memref<500000x128xf32, #tpu.memory_space<hbm>> -> memref<64x128xf32, #tpu.memory_space<hbm>>
      %dma_start3A_677 = arith.constant 0 : i32
      %dma_start3A_678 = arith.constant 0 : i32
      %dma_start3A_679 = tpu.memref_slice %arg6[%dma_start3A_668, %dma_start3A_677, %dma_start3A_678] : memref<4x64x128xf32, #tpu.memory_space<vmem>> -> memref<1x64x128xf32, #tpu.memory_space<vmem>>
      %dma_start3A_680 = tpu.memref_squeeze %dma_start3A_679 : memref<1x64x128xf32, #tpu.memory_space<vmem>> -> memref<64x128xf32, #tpu.memory_space<vmem>>
      tpu.enqueue_dma source(%dma_start3A_680 : memref<64x128xf32, #tpu.memory_space<vmem>>) target(%dma_start3A_676 : memref<64x128xf32, #tpu.memory_space<hbm>>) target_semaphore(%arg12 : memref<!tpu.dma_semaphore, #tpu.memory_space<semaphore_mem>>)
      %mul3A_681 = arith.constant 4 : i32
      %mul3A_682 = arith.muli %mul3A_681, %scan3A_452 : i32
      %add3A_683 = arith.constant 2 : i32
      %add3A_684 = arith.addi %add3A_683, %mul3A_682 : i32
      %add3A_685 = arith.constant 3 : i32
      %add3A_686 = arith.addi %add3A_684, %add3A_685 : i32
      %dma_wait3A_687 = arith.constant 3 : i32
      %dma_wait3A_688 = arith.constant 0 : i32
      %dma_wait3A_689 = arith.constant 0 : i32
      %dma_wait3A_690 = tpu.memref_slice %arg6[%dma_wait3A_687, %dma_wait3A_688, %dma_wait3A_689] : memref<4x64x128xf32, #tpu.memory_space<vmem>> -> memref<1x64x128xf32, #tpu.memory_space<vmem>>
      %dma_wait3A_691 = tpu.memref_squeeze %dma_wait3A_690 : memref<1x64x128xf32, #tpu.memory_space<vmem>> -> memref<64x128xf32, #tpu.memory_space<vmem>>
      %dma_wait3A_692 = arith.constant 0 : i32
      %dma_wait3A_693 = arith.constant 0 : i32
      %dma_wait3A_694 = tpu.memref_slice %arg4[%dma_wait3A_692, %dma_wait3A_693] : memref<500000x128xf32, #tpu.memory_space<hbm>> -> memref<64x128xf32, #tpu.memory_space<hbm>>
      %dma_wait3A_695 = arith.constant 0 : i32
      %dma_wait3A_696 = arith.constant 0 : i32
      %dma_wait3A_697 = tpu.memref_slice %arg4[%dma_wait3A_695, %dma_wait3A_696] : memref<500000x128xf32, #tpu.memory_space<hbm>> -> memref<64x128xf32, #tpu.memory_space<hbm>>
      %dma_wait3A_698 = arith.constant 0 : i32
      %dma_wait3A_699 = arith.constant 0 : i32
      %dma_wait3A_700 = tpu.memref_slice %arg6[%dma_wait3A_687, %dma_wait3A_698, %dma_wait3A_699] : memref<4x64x128xf32, #tpu.memory_space<vmem>> -> memref<1x64x128xf32, #tpu.memory_space<vmem>>
      %dma_wait3A_701 = tpu.memref_squeeze %dma_wait3A_700 : memref<1x64x128xf32, #tpu.memory_space<vmem>> -> memref<64x128xf32, #tpu.memory_space<vmem>>
      tpu.wait_dma2 semaphore(%arg15 : memref<!tpu.dma_semaphore, #tpu.memory_space<semaphore_mem>>) src(%dma_wait3A_701 : memref<64x128xf32, #tpu.memory_space<vmem>>) dst(%dma_wait3A_697 : memref<64x128xf32, #tpu.memory_space<hbm>>)
      %add3A_702 = arith.constant 2 : i32
      %add3A_703 = arith.addi %add3A_686, %add3A_702 : i32
      %add3A_704 = arith.addi %mul3A_2, %add3A_703 : i32
      %mul3A_705 = arith.constant 128 : i32
      %mul3A_706 = arith.muli %add3A_704, %mul3A_705 : i32
      %dma_start3A_707 = arith.constant 3 : i32
      %dma_start3A_708 = arith.constant 0 : i32
      %dma_start3A_709 = arith.constant 0 : i32
      %dma_start3A_710 = tpu.memref_slice %arg5[%dma_start3A_707, %dma_start3A_708, %dma_start3A_709] : memref<4x64x128xf32, #tpu.memory_space<vmem>> -> memref<1x64x128xf32, #tpu.memory_space<vmem>>
      %dma_start3A_711 = tpu.memref_squeeze %dma_start3A_710 : memref<1x64x128xf32, #tpu.memory_space<vmem>> -> memref<64x128xf32, #tpu.memory_space<vmem>>
      %dma_start3A_712 = arith.constant 0 : i32
      %dma_start3A_713 = tpu.memref_slice %arg2[%dma_start3A_712, %mul3A_706] : memref<64x1000000xf32, #tpu.memory_space<hbm>> -> memref<64x128xf32, #tpu.memory_space<hbm>>
      %dma_start3A_714 = arith.constant 0 : i32
      %dma_start3A_715 = arith.constant 0 : i32
      %dma_start3A_716 = tpu.memref_slice %arg5[%dma_start3A_707, %dma_start3A_714, %dma_start3A_715] : memref<4x64x128xf32, #tpu.memory_space<vmem>> -> memref<1x64x128xf32, #tpu.memory_space<vmem>>
      %dma_start3A_717 = tpu.memref_squeeze %dma_start3A_716 : memref<1x64x128xf32, #tpu.memory_space<vmem>> -> memref<64x128xf32, #tpu.memory_space<vmem>>
      %dma_start3A_718 = arith.constant 0 : i32
      %dma_start3A_719 = tpu.memref_slice %arg2[%dma_start3A_718, %mul3A_706] : memref<64x1000000xf32, #tpu.memory_space<hbm>> -> memref<64x128xf32, #tpu.memory_space<hbm>>
      tpu.enqueue_dma source(%dma_start3A_719 : memref<64x128xf32, #tpu.memory_space<hbm>>) target(%dma_start3A_717 : memref<64x128xf32, #tpu.memory_space<vmem>>) target_semaphore(%arg11 : memref<!tpu.dma_semaphore, #tpu.memory_space<semaphore_mem>>)
      %dma_wait3A_720 = arith.constant 1 : i32
      %dma_wait3A_721 = arith.constant 0 : i32
      %dma_wait3A_722 = arith.constant 0 : i32
      %dma_wait3A_723 = tpu.memref_slice %arg5[%dma_wait3A_720, %dma_wait3A_721, %dma_wait3A_722] : memref<4x64x128xf32, #tpu.memory_space<vmem>> -> memref<1x64x128xf32, #tpu.memory_space<vmem>>
      %dma_wait3A_724 = tpu.memref_squeeze %dma_wait3A_723 : memref<1x64x128xf32, #tpu.memory_space<vmem>> -> memref<64x128xf32, #tpu.memory_space<vmem>>
      %dma_wait3A_725 = arith.constant 0 : i32
      %dma_wait3A_726 = arith.constant 0 : i32
      %dma_wait3A_727 = tpu.memref_slice %arg2[%dma_wait3A_725, %dma_wait3A_726] : memref<64x1000000xf32, #tpu.memory_space<hbm>> -> memref<64x128xf32, #tpu.memory_space<hbm>>
      %dma_wait3A_728 = arith.constant 0 : i32
      %dma_wait3A_729 = arith.constant 0 : i32
      %dma_wait3A_730 = tpu.memref_slice %arg5[%dma_wait3A_720, %dma_wait3A_728, %dma_wait3A_729] : memref<4x64x128xf32, #tpu.memory_space<vmem>> -> memref<1x64x128xf32, #tpu.memory_space<vmem>>
      %dma_wait3A_731 = tpu.memref_squeeze %dma_wait3A_730 : memref<1x64x128xf32, #tpu.memory_space<vmem>> -> memref<64x128xf32, #tpu.memory_space<vmem>>
      %dma_wait3A_732 = arith.constant 0 : i32
      %dma_wait3A_733 = arith.constant 0 : i32
      %dma_wait3A_734 = tpu.memref_slice %arg2[%dma_wait3A_732, %dma_wait3A_733] : memref<64x1000000xf32, #tpu.memory_space<hbm>> -> memref<64x128xf32, #tpu.memory_space<hbm>>
      tpu.wait_dma2 semaphore(%arg9 : memref<!tpu.dma_semaphore, #tpu.memory_space<semaphore_mem>>) src(%dma_wait3A_734 : memref<64x128xf32, #tpu.memory_space<hbm>>) dst(%dma_wait3A_731 : memref<64x128xf32, #tpu.memory_space<vmem>>)
      %scan3A_735 = arith.constant 0 : i32
      %scan3A_736 = arith.constant 0 : i32
      %scan3A_737 = arith.constant 64 : i32
      %scan3A_738 = arith.addi %scan3A_736, %scan3A_737 : i32
      %scan3A_739 = arith.constant 1 : i32
      scf.for %scan3A_757 = %scan3A_736 to %scan3A_738 step %scan3A_739  : i32 {
        %add3A_758 = vector.broadcast %scan3A_757 : i32 to vector<16xi32>
        %add3A_759 = arith.addi %add3A_758, %mul3A_5 : vector<16xi32>
        %and3A_760 = arith.constant 63 : i32
        %and3A_761 = vector.broadcast %and3A_760 : i32 to vector<16xi32>
        %and3A_762 = arith.andi %add3A_759, %and3A_761 : vector<16xi32>
        %gather3A = arith.constant 1 : i32
        %gather3A_763 = arith.constant 0 : i32
        %gather3A_764 = arith.constant 0 : i32
        %gather3A_765 = tpu.memref_slice %arg5[%gather3A, %gather3A_763, %gather3A_764] : memref<4x64x128xf32, #tpu.memory_space<vmem>> -> memref<1x64x128xf32, #tpu.memory_space<vmem>>
        %gather3A_766 = tpu.memref_squeeze %gather3A_765 : memref<1x64x128xf32, #tpu.memory_space<vmem>> -> memref<64x128xf32, #tpu.memory_space<vmem>>
        %gather3A_767 = tpu.vector_load_idx %gather3A_766[%and3A_762, %add3A_8] : memref<64x128xf32, #tpu.memory_space<vmem>>[vector<16xi32>, vector<16xi32>], vector<16xf32>,
        %gather3A_768 = arith.constant 1 : i32
        %gather3A_769 = arith.constant 0 : i32
        %gather3A_770 = arith.constant 0 : i32
        %gather3A_771 = tpu.memref_slice %arg5[%gather3A_768, %gather3A_769, %gather3A_770] : memref<4x64x128xf32, #tpu.memory_space<vmem>> -> memref<1x64x128xf32, #tpu.memory_space<vmem>>
        %gather3A_772 = tpu.memref_squeeze %gather3A_771 : memref<1x64x128xf32, #tpu.memory_space<vmem>> -> memref<64x128xf32, #tpu.memory_space<vmem>>
        %gather3A_773 = tpu.vector_load_idx %gather3A_772[%and3A_762, %add3A_11] : memref<64x128xf32, #tpu.memory_space<vmem>>[vector<16xi32>, vector<16xi32>], vector<16xf32>,
        %gather3A_774 = arith.constant 1 : i32
        %gather3A_775 = arith.constant 0 : i32
        %gather3A_776 = arith.constant 0 : i32
        %gather3A_777 = tpu.memref_slice %arg5[%gather3A_774, %gather3A_775, %gather3A_776] : memref<4x64x128xf32, #tpu.memory_space<vmem>> -> memref<1x64x128xf32, #tpu.memory_space<vmem>>
        %gather3A_778 = tpu.memref_squeeze %gather3A_777 : memref<1x64x128xf32, #tpu.memory_space<vmem>> -> memref<64x128xf32, #tpu.memory_space<vmem>>
        %gather3A_779 = tpu.vector_load_idx %gather3A_778[%and3A_762, %add3A_14] : memref<64x128xf32, #tpu.memory_space<vmem>>[vector<16xi32>, vector<16xi32>], vector<16xf32>,
        %gather3A_780 = arith.constant 1 : i32
        %gather3A_781 = arith.constant 0 : i32
        %gather3A_782 = arith.constant 0 : i32
        %gather3A_783 = tpu.memref_slice %arg5[%gather3A_780, %gather3A_781, %gather3A_782] : memref<4x64x128xf32, #tpu.memory_space<vmem>> -> memref<1x64x128xf32, #tpu.memory_space<vmem>>
        %gather3A_784 = tpu.memref_squeeze %gather3A_783 : memref<1x64x128xf32, #tpu.memory_space<vmem>> -> memref<64x128xf32, #tpu.memory_space<vmem>>
        %gather3A_785 = tpu.vector_load_idx %gather3A_784[%and3A_762, %add3A_17] : memref<64x128xf32, #tpu.memory_space<vmem>>[vector<16xi32>, vector<16xi32>], vector<16xf32>,
        %gather3A_786 = arith.constant 1 : i32
        %gather3A_787 = arith.constant 0 : i32
        %gather3A_788 = arith.constant 0 : i32
        %gather3A_789 = tpu.memref_slice %arg5[%gather3A_786, %gather3A_787, %gather3A_788] : memref<4x64x128xf32, #tpu.memory_space<vmem>> -> memref<1x64x128xf32, #tpu.memory_space<vmem>>
        %gather3A_790 = tpu.memref_squeeze %gather3A_789 : memref<1x64x128xf32, #tpu.memory_space<vmem>> -> memref<64x128xf32, #tpu.memory_space<vmem>>
        %gather3A_791 = tpu.vector_load_idx %gather3A_790[%and3A_762, %add3A_20] : memref<64x128xf32, #tpu.memory_space<vmem>>[vector<16xi32>, vector<16xi32>], vector<16xf32>,
        %gather3A_792 = arith.constant 1 : i32
        %gather3A_793 = arith.constant 0 : i32
        %gather3A_794 = arith.constant 0 : i32
        %gather3A_795 = tpu.memref_slice %arg5[%gather3A_792, %gather3A_793, %gather3A_794] : memref<4x64x128xf32, #tpu.memory_space<vmem>> -> memref<1x64x128xf32, #tpu.memory_space<vmem>>
        %gather3A_796 = tpu.memref_squeeze %gather3A_795 : memref<1x64x128xf32, #tpu.memory_space<vmem>> -> memref<64x128xf32, #tpu.memory_space<vmem>>
        %gather3A_797 = tpu.vector_load_idx %gather3A_796[%and3A_762, %add3A_23] : memref<64x128xf32, #tpu.memory_space<vmem>>[vector<16xi32>, vector<16xi32>], vector<16xf32>,
        %gather3A_798 = arith.constant 1 : i32
        %gather3A_799 = arith.constant 0 : i32
        %gather3A_800 = arith.constant 0 : i32
        %gather3A_801 = tpu.memref_slice %arg5[%gather3A_798, %gather3A_799, %gather3A_800] : memref<4x64x128xf32, #tpu.memory_space<vmem>> -> memref<1x64x128xf32, #tpu.memory_space<vmem>>
        %gather3A_802 = tpu.memref_squeeze %gather3A_801 : memref<1x64x128xf32, #tpu.memory_space<vmem>> -> memref<64x128xf32, #tpu.memory_space<vmem>>
        %gather3A_803 = tpu.vector_load_idx %gather3A_802[%and3A_762, %add3A_26] : memref<64x128xf32, #tpu.memory_space<vmem>>[vector<16xi32>, vector<16xi32>], vector<16xf32>,
        %gather3A_804 = arith.constant 1 : i32
        %gather3A_805 = arith.constant 0 : i32
        %gather3A_806 = arith.constant 0 : i32
        %gather3A_807 = tpu.memref_slice %arg5[%gather3A_804, %gather3A_805, %gather3A_806] : memref<4x64x128xf32, #tpu.memory_space<vmem>> -> memref<1x64x128xf32, #tpu.memory_space<vmem>>
        %gather3A_808 = tpu.memref_squeeze %gather3A_807 : memref<1x64x128xf32, #tpu.memory_space<vmem>> -> memref<64x128xf32, #tpu.memory_space<vmem>>
        %gather3A_809 = tpu.vector_load_idx %gather3A_808[%and3A_762, %add3A_29] : memref<64x128xf32, #tpu.memory_space<vmem>>[vector<16xi32>, vector<16xi32>], vector<16xf32>,
        %add3A_810 = arith.addi %and3A_762, %shift_left3A_83 : vector<16xi32>
        %scatter3A = arith.constant 1 : i32
        %scatter3A_811 = arith.constant 0 : i32
        %scatter3A_812 = arith.constant 0 : i32
        %scatter3A_813 = tpu.memref_slice %arg6[%scatter3A, %scatter3A_811, %scatter3A_812] : memref<4x64x128xf32, #tpu.memory_space<vmem>> -> memref<1x64x128xf32, #tpu.memory_space<vmem>>
        %scatter3A_814 = tpu.memref_squeeze %scatter3A_813 : memref<1x64x128xf32, #tpu.memory_space<vmem>> -> memref<64x128xf32, #tpu.memory_space<vmem>>
        tpu.vector_store_idx %scatter3A_814[%shift_right_arithmetic3A_34, %add3A_810], %gather3A_767 : memref<64x128xf32, #tpu.memory_space<vmem>>[vector<16xi32>, vector<16xi32>], vector<16xf32>,
        %add3A_815 = arith.addi %and3A_762, %shift_left3A_92 : vector<16xi32>
        %scatter3A_816 = arith.constant 1 : i32
        %scatter3A_817 = arith.constant 0 : i32
        %scatter3A_818 = arith.constant 0 : i32
        %scatter3A_819 = tpu.memref_slice %arg6[%scatter3A_816, %scatter3A_817, %scatter3A_818] : memref<4x64x128xf32, #tpu.memory_space<vmem>> -> memref<1x64x128xf32, #tpu.memory_space<vmem>>
        %scatter3A_820 = tpu.memref_squeeze %scatter3A_819 : memref<1x64x128xf32, #tpu.memory_space<vmem>> -> memref<64x128xf32, #tpu.memory_space<vmem>>
        tpu.vector_store_idx %scatter3A_820[%shift_right_arithmetic3A_40, %add3A_815], %gather3A_773 : memref<64x128xf32, #tpu.memory_space<vmem>>[vector<16xi32>, vector<16xi32>], vector<16xf32>,
        %add3A_821 = arith.addi %and3A_762, %shift_left3A_101 : vector<16xi32>
        %scatter3A_822 = arith.constant 1 : i32
        %scatter3A_823 = arith.constant 0 : i32
        %scatter3A_824 = arith.constant 0 : i32
        %scatter3A_825 = tpu.memref_slice %arg6[%scatter3A_822, %scatter3A_823, %scatter3A_824] : memref<4x64x128xf32, #tpu.memory_space<vmem>> -> memref<1x64x128xf32, #tpu.memory_space<vmem>>
        %scatter3A_826 = tpu.memref_squeeze %scatter3A_825 : memref<1x64x128xf32, #tpu.memory_space<vmem>> -> memref<64x128xf32, #tpu.memory_space<vmem>>
        tpu.vector_store_idx %scatter3A_826[%shift_right_arithmetic3A_46, %add3A_821], %gather3A_779 : memref<64x128xf32, #tpu.memory_space<vmem>>[vector<16xi32>, vector<16xi32>], vector<16xf32>,
        %add3A_827 = arith.addi %and3A_762, %shift_left3A_110 : vector<16xi32>
        %scatter3A_828 = arith.constant 1 : i32
        %scatter3A_829 = arith.constant 0 : i32
        %scatter3A_830 = arith.constant 0 : i32
        %scatter3A_831 = tpu.memref_slice %arg6[%scatter3A_828, %scatter3A_829, %scatter3A_830] : memref<4x64x128xf32, #tpu.memory_space<vmem>> -> memref<1x64x128xf32, #tpu.memory_space<vmem>>
        %scatter3A_832 = tpu.memref_squeeze %scatter3A_831 : memref<1x64x128xf32, #tpu.memory_space<vmem>> -> memref<64x128xf32, #tpu.memory_space<vmem>>
        tpu.vector_store_idx %scatter3A_832[%shift_right_arithmetic3A_52, %add3A_827], %gather3A_785 : memref<64x128xf32, #tpu.memory_space<vmem>>[vector<16xi32>, vector<16xi32>], vector<16xf32>,
        %add3A_833 = arith.addi %and3A_762, %shift_left3A_119 : vector<16xi32>
        %scatter3A_834 = arith.constant 1 : i32
        %scatter3A_835 = arith.constant 0 : i32
        %scatter3A_836 = arith.constant 0 : i32
        %scatter3A_837 = tpu.memref_slice %arg6[%scatter3A_834, %scatter3A_835, %scatter3A_836] : memref<4x64x128xf32, #tpu.memory_space<vmem>> -> memref<1x64x128xf32, #tpu.memory_space<vmem>>
        %scatter3A_838 = tpu.memref_squeeze %scatter3A_837 : memref<1x64x128xf32, #tpu.memory_space<vmem>> -> memref<64x128xf32, #tpu.memory_space<vmem>>
        tpu.vector_store_idx %scatter3A_838[%shift_right_arithmetic3A_58, %add3A_833], %gather3A_791 : memref<64x128xf32, #tpu.memory_space<vmem>>[vector<16xi32>, vector<16xi32>], vector<16xf32>,
        %add3A_839 = arith.addi %and3A_762, %shift_left3A_128 : vector<16xi32>
        %scatter3A_840 = arith.constant 1 : i32
        %scatter3A_841 = arith.constant 0 : i32
        %scatter3A_842 = arith.constant 0 : i32
        %scatter3A_843 = tpu.memref_slice %arg6[%scatter3A_840, %scatter3A_841, %scatter3A_842] : memref<4x64x128xf32, #tpu.memory_space<vmem>> -> memref<1x64x128xf32, #tpu.memory_space<vmem>>
        %scatter3A_844 = tpu.memref_squeeze %scatter3A_843 : memref<1x64x128xf32, #tpu.memory_space<vmem>> -> memref<64x128xf32, #tpu.memory_space<vmem>>
        tpu.vector_store_idx %scatter3A_844[%shift_right_arithmetic3A_64, %add3A_839], %gather3A_797 : memref<64x128xf32, #tpu.memory_space<vmem>>[vector<16xi32>, vector<16xi32>], vector<16xf32>,
        %add3A_845 = arith.addi %and3A_762, %shift_left3A_137 : vector<16xi32>
        %scatter3A_846 = arith.constant 1 : i32
        %scatter3A_847 = arith.constant 0 : i32
        %scatter3A_848 = arith.constant 0 : i32
        %scatter3A_849 = tpu.memref_slice %arg6[%scatter3A_846, %scatter3A_847, %scatter3A_848] : memref<4x64x128xf32, #tpu.memory_space<vmem>> -> memref<1x64x128xf32, #tpu.memory_space<vmem>>
        %scatter3A_850 = tpu.memref_squeeze %scatter3A_849 : memref<1x64x128xf32, #tpu.memory_space<vmem>> -> memref<64x128xf32, #tpu.memory_space<vmem>>
        tpu.vector_store_idx %scatter3A_850[%shift_right_arithmetic3A_70, %add3A_845], %gather3A_803 : memref<64x128xf32, #tpu.memory_space<vmem>>[vector<16xi32>, vector<16xi32>], vector<16xf32>,
        %add3A_851 = arith.addi %and3A_762, %shift_left3A_146 : vector<16xi32>
        %scatter3A_852 = arith.constant 1 : i32
        %scatter3A_853 = arith.constant 0 : i32
        %scatter3A_854 = arith.constant 0 : i32
        %scatter3A_855 = tpu.memref_slice %arg6[%scatter3A_852, %scatter3A_853, %scatter3A_854] : memref<4x64x128xf32, #tpu.memory_space<vmem>> -> memref<1x64x128xf32, #tpu.memory_space<vmem>>
        %scatter3A_856 = tpu.memref_squeeze %scatter3A_855 : memref<1x64x128xf32, #tpu.memory_space<vmem>> -> memref<64x128xf32, #tpu.memory_space<vmem>>
        tpu.vector_store_idx %scatter3A_856[%shift_right_arithmetic3A_76, %add3A_851], %gather3A_809 : memref<64x128xf32, #tpu.memory_space<vmem>>[vector<16xi32>, vector<16xi32>], vector<16xf32>,
      }
      %scan3A_740 = arith.constant 64 : i32
      %add3A_741 = arith.addi %mul3A_2, %add3A_686 : i32
      %mul3A_742 = arith.constant 64 : i32
      %mul3A_743 = arith.muli %add3A_741, %mul3A_742 : i32
      %dma_start3A_744 = arith.constant 1 : i32
      %dma_start3A_745 = arith.constant 0 : i32
      %dma_start3A_746 = arith.constant 0 : i32
      %dma_start3A_747 = tpu.memref_slice %arg6[%dma_start3A_744, %dma_start3A_745, %dma_start3A_746] : memref<4x64x128xf32, #tpu.memory_space<vmem>> -> memref<1x64x128xf32, #tpu.memory_space<vmem>>
      %dma_start3A_748 = tpu.memref_squeeze %dma_start3A_747 : memref<1x64x128xf32, #tpu.memory_space<vmem>> -> memref<64x128xf32, #tpu.memory_space<vmem>>
      %dma_start3A_749 = arith.constant 0 : i32
      %dma_start3A_750 = tpu.memref_slice %arg4[%mul3A_743, %dma_start3A_749] : memref<500000x128xf32, #tpu.memory_space<hbm>> -> memref<64x128xf32, #tpu.memory_space<hbm>>
      %dma_start3A_751 = arith.constant 0 : i32
      %dma_start3A_752 = tpu.memref_slice %arg4[%mul3A_743, %dma_start3A_751] : memref<500000x128xf32, #tpu.memory_space<hbm>> -> memref<64x128xf32, #tpu.memory_space<hbm>>
      %dma_start3A_753 = arith.constant 0 : i32
      %dma_start3A_754 = arith.constant 0 : i32
      %dma_start3A_755 = tpu.memref_slice %arg6[%dma_start3A_744, %dma_start3A_753, %dma_start3A_754] : memref<4x64x128xf32, #tpu.memory_space<vmem>> -> memref<1x64x128xf32, #tpu.memory_space<vmem>>
      %dma_start3A_756 = tpu.memref_squeeze %dma_start3A_755 : memref<1x64x128xf32, #tpu.memory_space<vmem>> -> memref<64x128xf32, #tpu.memory_space<vmem>>
      tpu.enqueue_dma source(%dma_start3A_756 : memref<64x128xf32, #tpu.memory_space<vmem>>) target(%dma_start3A_752 : memref<64x128xf32, #tpu.memory_space<hbm>>) target_semaphore(%arg13 : memref<!tpu.dma_semaphore, #tpu.memory_space<semaphore_mem>>)
    }
    %scan3A_293 = arith.constant 60 : i32
    %dma_wait3A_294 = arith.constant 2 : i32
    %dma_wait3A_295 = arith.constant 0 : i32
    %dma_wait3A_296 = arith.constant 0 : i32
    %dma_wait3A_297 = tpu.memref_slice %arg5[%dma_wait3A_294, %dma_wait3A_295, %dma_wait3A_296] : memref<4x64x128xf32, #tpu.memory_space<vmem>> -> memref<1x64x128xf32, #tpu.memory_space<vmem>>
    %dma_wait3A_298 = tpu.memref_squeeze %dma_wait3A_297 : memref<1x64x128xf32, #tpu.memory_space<vmem>> -> memref<64x128xf32, #tpu.memory_space<vmem>>
    %dma_wait3A_299 = arith.constant 0 : i32
    %dma_wait3A_300 = arith.constant 0 : i32
    %dma_wait3A_301 = tpu.memref_slice %arg2[%dma_wait3A_299, %dma_wait3A_300] : memref<64x1000000xf32, #tpu.memory_space<hbm>> -> memref<64x128xf32, #tpu.memory_space<hbm>>
    %dma_wait3A_302 = arith.constant 0 : i32
    %dma_wait3A_303 = arith.constant 0 : i32
    %dma_wait3A_304 = tpu.memref_slice %arg5[%dma_wait3A_294, %dma_wait3A_302, %dma_wait3A_303] : memref<4x64x128xf32, #tpu.memory_space<vmem>> -> memref<1x64x128xf32, #tpu.memory_space<vmem>>
    %dma_wait3A_305 = tpu.memref_squeeze %dma_wait3A_304 : memref<1x64x128xf32, #tpu.memory_space<vmem>> -> memref<64x128xf32, #tpu.memory_space<vmem>>
    %dma_wait3A_306 = arith.constant 0 : i32
    %dma_wait3A_307 = arith.constant 0 : i32
    %dma_wait3A_308 = tpu.memref_slice %arg2[%dma_wait3A_306, %dma_wait3A_307] : memref<64x1000000xf32, #tpu.memory_space<hbm>> -> memref<64x128xf32, #tpu.memory_space<hbm>>
    tpu.wait_dma2 semaphore(%arg10 : memref<!tpu.dma_semaphore, #tpu.memory_space<semaphore_mem>>) src(%dma_wait3A_308 : memref<64x128xf32, #tpu.memory_space<hbm>>) dst(%dma_wait3A_305 : memref<64x128xf32, #tpu.memory_space<vmem>>)
    %scan3A_309 = arith.constant 0 : i32
    %scan3A_310 = arith.constant 0 : i32
    %scan3A_311 = arith.constant 64 : i32
    %scan3A_312 = arith.addi %scan3A_310, %scan3A_311 : i32
    %scan3A_313 = arith.constant 1 : i32
    scf.for %scan3A_452 = %scan3A_310 to %scan3A_312 step %scan3A_313  : i32 {
      %add3A_453 = vector.broadcast %scan3A_452 : i32 to vector<16xi32>
      %add3A_454 = arith.addi %add3A_453, %mul3A_5 : vector<16xi32>
      %and3A_455 = arith.constant 63 : i32
      %and3A_456 = vector.broadcast %and3A_455 : i32 to vector<16xi32>
      %and3A_457 = arith.andi %add3A_454, %and3A_456 : vector<16xi32>
      %gather3A = arith.constant 2 : i32
      %gather3A_458 = arith.constant 0 : i32
      %gather3A_459 = arith.constant 0 : i32
      %gather3A_460 = tpu.memref_slice %arg5[%gather3A, %gather3A_458, %gather3A_459] : memref<4x64x128xf32, #tpu.memory_space<vmem>> -> memref<1x64x128xf32, #tpu.memory_space<vmem>>
      %gather3A_461 = tpu.memref_squeeze %gather3A_460 : memref<1x64x128xf32, #tpu.memory_space<vmem>> -> memref<64x128xf32, #tpu.memory_space<vmem>>
      %gather3A_462 = tpu.vector_load_idx %gather3A_461[%and3A_457, %add3A_8] : memref<64x128xf32, #tpu.memory_space<vmem>>[vector<16xi32>, vector<16xi32>], vector<16xf32>,
      %gather3A_463 = arith.constant 2 : i32
      %gather3A_464 = arith.constant 0 : i32
      %gather3A_465 = arith.constant 0 : i32
      %gather3A_466 = tpu.memref_slice %arg5[%gather3A_463, %gather3A_464, %gather3A_465] : memref<4x64x128xf32, #tpu.memory_space<vmem>> -> memref<1x64x128xf32, #tpu.memory_space<vmem>>
      %gather3A_467 = tpu.memref_squeeze %gather3A_466 : memref<1x64x128xf32, #tpu.memory_space<vmem>> -> memref<64x128xf32, #tpu.memory_space<vmem>>
      %gather3A_468 = tpu.vector_load_idx %gather3A_467[%and3A_457, %add3A_11] : memref<64x128xf32, #tpu.memory_space<vmem>>[vector<16xi32>, vector<16xi32>], vector<16xf32>,
      %gather3A_469 = arith.constant 2 : i32
      %gather3A_470 = arith.constant 0 : i32
      %gather3A_471 = arith.constant 0 : i32
      %gather3A_472 = tpu.memref_slice %arg5[%gather3A_469, %gather3A_470, %gather3A_471] : memref<4x64x128xf32, #tpu.memory_space<vmem>> -> memref<1x64x128xf32, #tpu.memory_space<vmem>>
      %gather3A_473 = tpu.memref_squeeze %gather3A_472 : memref<1x64x128xf32, #tpu.memory_space<vmem>> -> memref<64x128xf32, #tpu.memory_space<vmem>>
      %gather3A_474 = tpu.vector_load_idx %gather3A_473[%and3A_457, %add3A_14] : memref<64x128xf32, #tpu.memory_space<vmem>>[vector<16xi32>, vector<16xi32>], vector<16xf32>,
      %gather3A_475 = arith.constant 2 : i32
      %gather3A_476 = arith.constant 0 : i32
      %gather3A_477 = arith.constant 0 : i32
      %gather3A_478 = tpu.memref_slice %arg5[%gather3A_475, %gather3A_476, %gather3A_477] : memref<4x64x128xf32, #tpu.memory_space<vmem>> -> memref<1x64x128xf32, #tpu.memory_space<vmem>>
      %gather3A_479 = tpu.memref_squeeze %gather3A_478 : memref<1x64x128xf32, #tpu.memory_space<vmem>> -> memref<64x128xf32, #tpu.memory_space<vmem>>
      %gather3A_480 = tpu.vector_load_idx %gather3A_479[%and3A_457, %add3A_17] : memref<64x128xf32, #tpu.memory_space<vmem>>[vector<16xi32>, vector<16xi32>], vector<16xf32>,
      %gather3A_481 = arith.constant 2 : i32
      %gather3A_482 = arith.constant 0 : i32
      %gather3A_483 = arith.constant 0 : i32
      %gather3A_484 = tpu.memref_slice %arg5[%gather3A_481, %gather3A_482, %gather3A_483] : memref<4x64x128xf32, #tpu.memory_space<vmem>> -> memref<1x64x128xf32, #tpu.memory_space<vmem>>
      %gather3A_485 = tpu.memref_squeeze %gather3A_484 : memref<1x64x128xf32, #tpu.memory_space<vmem>> -> memref<64x128xf32, #tpu.memory_space<vmem>>
      %gather3A_486 = tpu.vector_load_idx %gather3A_485[%and3A_457, %add3A_20] : memref<64x128xf32, #tpu.memory_space<vmem>>[vector<16xi32>, vector<16xi32>], vector<16xf32>,
      %gather3A_487 = arith.constant 2 : i32
      %gather3A_488 = arith.constant 0 : i32
      %gather3A_489 = arith.constant 0 : i32
      %gather3A_490 = tpu.memref_slice %arg5[%gather3A_487, %gather3A_488, %gather3A_489] : memref<4x64x128xf32, #tpu.memory_space<vmem>> -> memref<1x64x128xf32, #tpu.memory_space<vmem>>
      %gather3A_491 = tpu.memref_squeeze %gather3A_490 : memref<1x64x128xf32, #tpu.memory_space<vmem>> -> memref<64x128xf32, #tpu.memory_space<vmem>>
      %gather3A_492 = tpu.vector_load_idx %gather3A_491[%and3A_457, %add3A_23] : memref<64x128xf32, #tpu.memory_space<vmem>>[vector<16xi32>, vector<16xi32>], vector<16xf32>,
      %gather3A_493 = arith.constant 2 : i32
      %gather3A_494 = arith.constant 0 : i32
      %gather3A_495 = arith.constant 0 : i32
      %gather3A_496 = tpu.memref_slice %arg5[%gather3A_493, %gather3A_494, %gather3A_495] : memref<4x64x128xf32, #tpu.memory_space<vmem>> -> memref<1x64x128xf32, #tpu.memory_space<vmem>>
      %gather3A_497 = tpu.memref_squeeze %gather3A_496 : memref<1x64x128xf32, #tpu.memory_space<vmem>> -> memref<64x128xf32, #tpu.memory_space<vmem>>
      %gather3A_498 = tpu.vector_load_idx %gather3A_497[%and3A_457, %add3A_26] : memref<64x128xf32, #tpu.memory_space<vmem>>[vector<16xi32>, vector<16xi32>], vector<16xf32>,
      %gather3A_499 = arith.constant 2 : i32
      %gather3A_500 = arith.constant 0 : i32
      %gather3A_501 = arith.constant 0 : i32
      %gather3A_502 = tpu.memref_slice %arg5[%gather3A_499, %gather3A_500, %gather3A_501] : memref<4x64x128xf32, #tpu.memory_space<vmem>> -> memref<1x64x128xf32, #tpu.memory_space<vmem>>
      %gather3A_503 = tpu.memref_squeeze %gather3A_502 : memref<1x64x128xf32, #tpu.memory_space<vmem>> -> memref<64x128xf32, #tpu.memory_space<vmem>>
      %gather3A_504 = tpu.vector_load_idx %gather3A_503[%and3A_457, %add3A_29] : memref<64x128xf32, #tpu.memory_space<vmem>>[vector<16xi32>, vector<16xi32>], vector<16xf32>,
      %add3A_505 = arith.addi %and3A_457, %shift_left3A_83 : vector<16xi32>
      %scatter3A = arith.constant 2 : i32
      %scatter3A_506 = arith.constant 0 : i32
      %scatter3A_507 = arith.constant 0 : i32
      %scatter3A_508 = tpu.memref_slice %arg6[%scatter3A, %scatter3A_506, %scatter3A_507] : memref<4x64x128xf32, #tpu.memory_space<vmem>> -> memref<1x64x128xf32, #tpu.memory_space<vmem>>
      %scatter3A_509 = tpu.memref_squeeze %scatter3A_508 : memref<1x64x128xf32, #tpu.memory_space<vmem>> -> memref<64x128xf32, #tpu.memory_space<vmem>>
      tpu.vector_store_idx %scatter3A_509[%shift_right_arithmetic3A_34, %add3A_505], %gather3A_462 : memref<64x128xf32, #tpu.memory_space<vmem>>[vector<16xi32>, vector<16xi32>], vector<16xf32>,
      %add3A_510 = arith.addi %and3A_457, %shift_left3A_92 : vector<16xi32>
      %scatter3A_511 = arith.constant 2 : i32
      %scatter3A_512 = arith.constant 0 : i32
      %scatter3A_513 = arith.constant 0 : i32
      %scatter3A_514 = tpu.memref_slice %arg6[%scatter3A_511, %scatter3A_512, %scatter3A_513] : memref<4x64x128xf32, #tpu.memory_space<vmem>> -> memref<1x64x128xf32, #tpu.memory_space<vmem>>
      %scatter3A_515 = tpu.memref_squeeze %scatter3A_514 : memref<1x64x128xf32, #tpu.memory_space<vmem>> -> memref<64x128xf32, #tpu.memory_space<vmem>>
      tpu.vector_store_idx %scatter3A_515[%shift_right_arithmetic3A_40, %add3A_510], %gather3A_468 : memref<64x128xf32, #tpu.memory_space<vmem>>[vector<16xi32>, vector<16xi32>], vector<16xf32>,
      %add3A_516 = arith.addi %and3A_457, %shift_left3A_101 : vector<16xi32>
      %scatter3A_517 = arith.constant 2 : i32
      %scatter3A_518 = arith.constant 0 : i32
      %scatter3A_519 = arith.constant 0 : i32
      %scatter3A_520 = tpu.memref_slice %arg6[%scatter3A_517, %scatter3A_518, %scatter3A_519] : memref<4x64x128xf32, #tpu.memory_space<vmem>> -> memref<1x64x128xf32, #tpu.memory_space<vmem>>
      %scatter3A_521 = tpu.memref_squeeze %scatter3A_520 : memref<1x64x128xf32, #tpu.memory_space<vmem>> -> memref<64x128xf32, #tpu.memory_space<vmem>>
      tpu.vector_store_idx %scatter3A_521[%shift_right_arithmetic3A_46, %add3A_516], %gather3A_474 : memref<64x128xf32, #tpu.memory_space<vmem>>[vector<16xi32>, vector<16xi32>], vector<16xf32>,
      %add3A_522 = arith.addi %and3A_457, %shift_left3A_110 : vector<16xi32>
      %scatter3A_523 = arith.constant 2 : i32
      %scatter3A_524 = arith.constant 0 : i32
      %scatter3A_525 = arith.constant 0 : i32
      %scatter3A_526 = tpu.memref_slice %arg6[%scatter3A_523, %scatter3A_524, %scatter3A_525] : memref<4x64x128xf32, #tpu.memory_space<vmem>> -> memref<1x64x128xf32, #tpu.memory_space<vmem>>
      %scatter3A_527 = tpu.memref_squeeze %scatter3A_526 : memref<1x64x128xf32, #tpu.memory_space<vmem>> -> memref<64x128xf32, #tpu.memory_space<vmem>>
      tpu.vector_store_idx %scatter3A_527[%shift_right_arithmetic3A_52, %add3A_522], %gather3A_480 : memref<64x128xf32, #tpu.memory_space<vmem>>[vector<16xi32>, vector<16xi32>], vector<16xf32>,
      %add3A_528 = arith.addi %and3A_457, %shift_left3A_119 : vector<16xi32>
      %scatter3A_529 = arith.constant 2 : i32
      %scatter3A_530 = arith.constant 0 : i32
      %scatter3A_531 = arith.constant 0 : i32
      %scatter3A_532 = tpu.memref_slice %arg6[%scatter3A_529, %scatter3A_530, %scatter3A_531] : memref<4x64x128xf32, #tpu.memory_space<vmem>> -> memref<1x64x128xf32, #tpu.memory_space<vmem>>
      %scatter3A_533 = tpu.memref_squeeze %scatter3A_532 : memref<1x64x128xf32, #tpu.memory_space<vmem>> -> memref<64x128xf32, #tpu.memory_space<vmem>>
      tpu.vector_store_idx %scatter3A_533[%shift_right_arithmetic3A_58, %add3A_528], %gather3A_486 : memref<64x128xf32, #tpu.memory_space<vmem>>[vector<16xi32>, vector<16xi32>], vector<16xf32>,
      %add3A_534 = arith.addi %and3A_457, %shift_left3A_128 : vector<16xi32>
      %scatter3A_535 = arith.constant 2 : i32
      %scatter3A_536 = arith.constant 0 : i32
      %scatter3A_537 = arith.constant 0 : i32
      %scatter3A_538 = tpu.memref_slice %arg6[%scatter3A_535, %scatter3A_536, %scatter3A_537] : memref<4x64x128xf32, #tpu.memory_space<vmem>> -> memref<1x64x128xf32, #tpu.memory_space<vmem>>
      %scatter3A_539 = tpu.memref_squeeze %scatter3A_538 : memref<1x64x128xf32, #tpu.memory_space<vmem>> -> memref<64x128xf32, #tpu.memory_space<vmem>>
      tpu.vector_store_idx %scatter3A_539[%shift_right_arithmetic3A_64, %add3A_534], %gather3A_492 : memref<64x128xf32, #tpu.memory_space<vmem>>[vector<16xi32>, vector<16xi32>], vector<16xf32>,
      %add3A_540 = arith.addi %and3A_457, %shift_left3A_137 : vector<16xi32>
      %scatter3A_541 = arith.constant 2 : i32
      %scatter3A_542 = arith.constant 0 : i32
      %scatter3A_543 = arith.constant 0 : i32
      %scatter3A_544 = tpu.memref_slice %arg6[%scatter3A_541, %scatter3A_542, %scatter3A_543] : memref<4x64x128xf32, #tpu.memory_space<vmem>> -> memref<1x64x128xf32, #tpu.memory_space<vmem>>
      %scatter3A_545 = tpu.memref_squeeze %scatter3A_544 : memref<1x64x128xf32, #tpu.memory_space<vmem>> -> memref<64x128xf32, #tpu.memory_space<vmem>>
      tpu.vector_store_idx %scatter3A_545[%shift_right_arithmetic3A_70, %add3A_540], %gather3A_498 : memref<64x128xf32, #tpu.memory_space<vmem>>[vector<16xi32>, vector<16xi32>], vector<16xf32>,
      %add3A_546 = arith.addi %and3A_457, %shift_left3A_146 : vector<16xi32>
      %scatter3A_547 = arith.constant 2 : i32
      %scatter3A_548 = arith.constant 0 : i32
      %scatter3A_549 = arith.constant 0 : i32
      %scatter3A_550 = tpu.memref_slice %arg6[%scatter3A_547, %scatter3A_548, %scatter3A_549] : memref<4x64x128xf32, #tpu.memory_space<vmem>> -> memref<1x64x128xf32, #tpu.memory_space<vmem>>
      %scatter3A_551 = tpu.memref_squeeze %scatter3A_550 : memref<1x64x128xf32, #tpu.memory_space<vmem>> -> memref<64x128xf32, #tpu.memory_space<vmem>>
      tpu.vector_store_idx %scatter3A_551[%shift_right_arithmetic3A_76, %add3A_546], %gather3A_504 : memref<64x128xf32, #tpu.memory_space<vmem>>[vector<16xi32>, vector<16xi32>], vector<16xf32>,
    }
    %scan3A_314 = arith.constant 64 : i32
    %add3A_315 = arith.constant 242 : i32
    %add3A_316 = arith.addi %mul3A_2, %add3A_315 : i32
    %mul3A_317 = arith.constant 64 : i32
    %mul3A_318 = arith.muli %add3A_316, %mul3A_317 : i32
    %dma_start3A_319 = arith.constant 2 : i32
    %dma_start3A_320 = arith.constant 0 : i32
    %dma_start3A_321 = arith.constant 0 : i32
    %dma_start3A_322 = tpu.memref_slice %arg6[%dma_start3A_319, %dma_start3A_320, %dma_start3A_321] : memref<4x64x128xf32, #tpu.memory_space<vmem>> -> memref<1x64x128xf32, #tpu.memory_space<vmem>>
    %dma_start3A_323 = tpu.memref_squeeze %dma_start3A_322 : memref<1x64x128xf32, #tpu.memory_space<vmem>> -> memref<64x128xf32, #tpu.memory_space<vmem>>
    %dma_start3A_324 = arith.constant 0 : i32
    %dma_start3A_325 = tpu.memref_slice %arg4[%mul3A_318, %dma_start3A_324] : memref<500000x128xf32, #tpu.memory_space<hbm>> -> memref<64x128xf32, #tpu.memory_space<hbm>>
    %dma_start3A_326 = arith.constant 0 : i32
    %dma_start3A_327 = tpu.memref_slice %arg4[%mul3A_318, %dma_start3A_326] : memref<500000x128xf32, #tpu.memory_space<hbm>> -> memref<64x128xf32, #tpu.memory_space<hbm>>
    %dma_start3A_328 = arith.constant 0 : i32
    %dma_start3A_329 = arith.constant 0 : i32
    %dma_start3A_330 = tpu.memref_slice %arg6[%dma_start3A_319, %dma_start3A_328, %dma_start3A_329] : memref<4x64x128xf32, #tpu.memory_space<vmem>> -> memref<1x64x128xf32, #tpu.memory_space<vmem>>
    %dma_start3A_331 = tpu.memref_squeeze %dma_start3A_330 : memref<1x64x128xf32, #tpu.memory_space<vmem>> -> memref<64x128xf32, #tpu.memory_space<vmem>>
    tpu.enqueue_dma source(%dma_start3A_331 : memref<64x128xf32, #tpu.memory_space<vmem>>) target(%dma_start3A_327 : memref<64x128xf32, #tpu.memory_space<hbm>>) target_semaphore(%arg14 : memref<!tpu.dma_semaphore, #tpu.memory_space<semaphore_mem>>)
    %dma_wait3A_332 = arith.constant 3 : i32
    %dma_wait3A_333 = arith.constant 0 : i32
    %dma_wait3A_334 = arith.constant 0 : i32
    %dma_wait3A_335 = tpu.memref_slice %arg5[%dma_wait3A_332, %dma_wait3A_333, %dma_wait3A_334] : memref<4x64x128xf32, #tpu.memory_space<vmem>> -> memref<1x64x128xf32, #tpu.memory_space<vmem>>
    %dma_wait3A_336 = tpu.memref_squeeze %dma_wait3A_335 : memref<1x64x128xf32, #tpu.memory_space<vmem>> -> memref<64x128xf32, #tpu.memory_space<vmem>>
    %dma_wait3A_337 = arith.constant 0 : i32
    %dma_wait3A_338 = arith.constant 0 : i32
    %dma_wait3A_339 = tpu.memref_slice %arg2[%dma_wait3A_337, %dma_wait3A_338] : memref<64x1000000xf32, #tpu.memory_space<hbm>> -> memref<64x128xf32, #tpu.memory_space<hbm>>
    %dma_wait3A_340 = arith.constant 0 : i32
    %dma_wait3A_341 = arith.constant 0 : i32
    %dma_wait3A_342 = tpu.memref_slice %arg5[%dma_wait3A_332, %dma_wait3A_340, %dma_wait3A_341] : memref<4x64x128xf32, #tpu.memory_space<vmem>> -> memref<1x64x128xf32, #tpu.memory_space<vmem>>
    %dma_wait3A_343 = tpu.memref_squeeze %dma_wait3A_342 : memref<1x64x128xf32, #tpu.memory_space<vmem>> -> memref<64x128xf32, #tpu.memory_space<vmem>>
    %dma_wait3A_344 = arith.constant 0 : i32
    %dma_wait3A_345 = arith.constant 0 : i32
    %dma_wait3A_346 = tpu.memref_slice %arg2[%dma_wait3A_344, %dma_wait3A_345] : memref<64x1000000xf32, #tpu.memory_space<hbm>> -> memref<64x128xf32, #tpu.memory_space<hbm>>
    tpu.wait_dma2 semaphore(%arg11 : memref<!tpu.dma_semaphore, #tpu.memory_space<semaphore_mem>>) src(%dma_wait3A_346 : memref<64x128xf32, #tpu.memory_space<hbm>>) dst(%dma_wait3A_343 : memref<64x128xf32, #tpu.memory_space<vmem>>)
    %scan3A_347 = arith.constant 0 : i32
    %scan3A_348 = arith.constant 0 : i32
    %scan3A_349 = arith.constant 64 : i32
    %scan3A_350 = arith.addi %scan3A_348, %scan3A_349 : i32
    %scan3A_351 = arith.constant 1 : i32
    scf.for %scan3A_452 = %scan3A_348 to %scan3A_350 step %scan3A_351  : i32 {
      %add3A_453 = vector.broadcast %scan3A_452 : i32 to vector<16xi32>
      %add3A_454 = arith.addi %add3A_453, %mul3A_5 : vector<16xi32>
      %and3A_455 = arith.constant 63 : i32
      %and3A_456 = vector.broadcast %and3A_455 : i32 to vector<16xi32>
      %and3A_457 = arith.andi %add3A_454, %and3A_456 : vector<16xi32>
      %gather3A = arith.constant 3 : i32
      %gather3A_458 = arith.constant 0 : i32
      %gather3A_459 = arith.constant 0 : i32
      %gather3A_460 = tpu.memref_slice %arg5[%gather3A, %gather3A_458, %gather3A_459] : memref<4x64x128xf32, #tpu.memory_space<vmem>> -> memref<1x64x128xf32, #tpu.memory_space<vmem>>
      %gather3A_461 = tpu.memref_squeeze %gather3A_460 : memref<1x64x128xf32, #tpu.memory_space<vmem>> -> memref<64x128xf32, #tpu.memory_space<vmem>>
      %gather3A_462 = tpu.vector_load_idx %gather3A_461[%and3A_457, %add3A_8] : memref<64x128xf32, #tpu.memory_space<vmem>>[vector<16xi32>, vector<16xi32>], vector<16xf32>,
      %gather3A_463 = arith.constant 3 : i32
      %gather3A_464 = arith.constant 0 : i32
      %gather3A_465 = arith.constant 0 : i32
      %gather3A_466 = tpu.memref_slice %arg5[%gather3A_463, %gather3A_464, %gather3A_465] : memref<4x64x128xf32, #tpu.memory_space<vmem>> -> memref<1x64x128xf32, #tpu.memory_space<vmem>>
      %gather3A_467 = tpu.memref_squeeze %gather3A_466 : memref<1x64x128xf32, #tpu.memory_space<vmem>> -> memref<64x128xf32, #tpu.memory_space<vmem>>
      %gather3A_468 = tpu.vector_load_idx %gather3A_467[%and3A_457, %add3A_11] : memref<64x128xf32, #tpu.memory_space<vmem>>[vector<16xi32>, vector<16xi32>], vector<16xf32>,
      %gather3A_469 = arith.constant 3 : i32
      %gather3A_470 = arith.constant 0 : i32
      %gather3A_471 = arith.constant 0 : i32
      %gather3A_472 = tpu.memref_slice %arg5[%gather3A_469, %gather3A_470, %gather3A_471] : memref<4x64x128xf32, #tpu.memory_space<vmem>> -> memref<1x64x128xf32, #tpu.memory_space<vmem>>
      %gather3A_473 = tpu.memref_squeeze %gather3A_472 : memref<1x64x128xf32, #tpu.memory_space<vmem>> -> memref<64x128xf32, #tpu.memory_space<vmem>>
      %gather3A_474 = tpu.vector_load_idx %gather3A_473[%and3A_457, %add3A_14] : memref<64x128xf32, #tpu.memory_space<vmem>>[vector<16xi32>, vector<16xi32>], vector<16xf32>,
      %gather3A_475 = arith.constant 3 : i32
      %gather3A_476 = arith.constant 0 : i32
      %gather3A_477 = arith.constant 0 : i32
      %gather3A_478 = tpu.memref_slice %arg5[%gather3A_475, %gather3A_476, %gather3A_477] : memref<4x64x128xf32, #tpu.memory_space<vmem>> -> memref<1x64x128xf32, #tpu.memory_space<vmem>>
      %gather3A_479 = tpu.memref_squeeze %gather3A_478 : memref<1x64x128xf32, #tpu.memory_space<vmem>> -> memref<64x128xf32, #tpu.memory_space<vmem>>
      %gather3A_480 = tpu.vector_load_idx %gather3A_479[%and3A_457, %add3A_17] : memref<64x128xf32, #tpu.memory_space<vmem>>[vector<16xi32>, vector<16xi32>], vector<16xf32>,
      %gather3A_481 = arith.constant 3 : i32
      %gather3A_482 = arith.constant 0 : i32
      %gather3A_483 = arith.constant 0 : i32
      %gather3A_484 = tpu.memref_slice %arg5[%gather3A_481, %gather3A_482, %gather3A_483] : memref<4x64x128xf32, #tpu.memory_space<vmem>> -> memref<1x64x128xf32, #tpu.memory_space<vmem>>
      %gather3A_485 = tpu.memref_squeeze %gather3A_484 : memref<1x64x128xf32, #tpu.memory_space<vmem>> -> memref<64x128xf32, #tpu.memory_space<vmem>>
      %gather3A_486 = tpu.vector_load_idx %gather3A_485[%and3A_457, %add3A_20] : memref<64x128xf32, #tpu.memory_space<vmem>>[vector<16xi32>, vector<16xi32>], vector<16xf32>,
      %gather3A_487 = arith.constant 3 : i32
      %gather3A_488 = arith.constant 0 : i32
      %gather3A_489 = arith.constant 0 : i32
      %gather3A_490 = tpu.memref_slice %arg5[%gather3A_487, %gather3A_488, %gather3A_489] : memref<4x64x128xf32, #tpu.memory_space<vmem>> -> memref<1x64x128xf32, #tpu.memory_space<vmem>>
      %gather3A_491 = tpu.memref_squeeze %gather3A_490 : memref<1x64x128xf32, #tpu.memory_space<vmem>> -> memref<64x128xf32, #tpu.memory_space<vmem>>
      %gather3A_492 = tpu.vector_load_idx %gather3A_491[%and3A_457, %add3A_23] : memref<64x128xf32, #tpu.memory_space<vmem>>[vector<16xi32>, vector<16xi32>], vector<16xf32>,
      %gather3A_493 = arith.constant 3 : i32
      %gather3A_494 = arith.constant 0 : i32
      %gather3A_495 = arith.constant 0 : i32
      %gather3A_496 = tpu.memref_slice %arg5[%gather3A_493, %gather3A_494, %gather3A_495] : memref<4x64x128xf32, #tpu.memory_space<vmem>> -> memref<1x64x128xf32, #tpu.memory_space<vmem>>
      %gather3A_497 = tpu.memref_squeeze %gather3A_496 : memref<1x64x128xf32, #tpu.memory_space<vmem>> -> memref<64x128xf32, #tpu.memory_space<vmem>>
      %gather3A_498 = tpu.vector_load_idx %gather3A_497[%and3A_457, %add3A_26] : memref<64x128xf32, #tpu.memory_space<vmem>>[vector<16xi32>, vector<16xi32>], vector<16xf32>,
      %gather3A_499 = arith.constant 3 : i32
      %gather3A_500 = arith.constant 0 : i32
      %gather3A_501 = arith.constant 0 : i32
      %gather3A_502 = tpu.memref_slice %arg5[%gather3A_499, %gather3A_500, %gather3A_501] : memref<4x64x128xf32, #tpu.memory_space<vmem>> -> memref<1x64x128xf32, #tpu.memory_space<vmem>>
      %gather3A_503 = tpu.memref_squeeze %gather3A_502 : memref<1x64x128xf32, #tpu.memory_space<vmem>> -> memref<64x128xf32, #tpu.memory_space<vmem>>
      %gather3A_504 = tpu.vector_load_idx %gather3A_503[%and3A_457, %add3A_29] : memref<64x128xf32, #tpu.memory_space<vmem>>[vector<16xi32>, vector<16xi32>], vector<16xf32>,
      %add3A_505 = arith.addi %and3A_457, %shift_left3A_83 : vector<16xi32>
      %scatter3A = arith.constant 3 : i32
      %scatter3A_506 = arith.constant 0 : i32
      %scatter3A_507 = arith.constant 0 : i32
      %scatter3A_508 = tpu.memref_slice %arg6[%scatter3A, %scatter3A_506, %scatter3A_507] : memref<4x64x128xf32, #tpu.memory_space<vmem>> -> memref<1x64x128xf32, #tpu.memory_space<vmem>>
      %scatter3A_509 = tpu.memref_squeeze %scatter3A_508 : memref<1x64x128xf32, #tpu.memory_space<vmem>> -> memref<64x128xf32, #tpu.memory_space<vmem>>
      tpu.vector_store_idx %scatter3A_509[%shift_right_arithmetic3A_34, %add3A_505], %gather3A_462 : memref<64x128xf32, #tpu.memory_space<vmem>>[vector<16xi32>, vector<16xi32>], vector<16xf32>,
      %add3A_510 = arith.addi %and3A_457, %shift_left3A_92 : vector<16xi32>
      %scatter3A_511 = arith.constant 3 : i32
      %scatter3A_512 = arith.constant 0 : i32
      %scatter3A_513 = arith.constant 0 : i32
      %scatter3A_514 = tpu.memref_slice %arg6[%scatter3A_511, %scatter3A_512, %scatter3A_513] : memref<4x64x128xf32, #tpu.memory_space<vmem>> -> memref<1x64x128xf32, #tpu.memory_space<vmem>>
      %scatter3A_515 = tpu.memref_squeeze %scatter3A_514 : memref<1x64x128xf32, #tpu.memory_space<vmem>> -> memref<64x128xf32, #tpu.memory_space<vmem>>
      tpu.vector_store_idx %scatter3A_515[%shift_right_arithmetic3A_40, %add3A_510], %gather3A_468 : memref<64x128xf32, #tpu.memory_space<vmem>>[vector<16xi32>, vector<16xi32>], vector<16xf32>,
      %add3A_516 = arith.addi %and3A_457, %shift_left3A_101 : vector<16xi32>
      %scatter3A_517 = arith.constant 3 : i32
      %scatter3A_518 = arith.constant 0 : i32
      %scatter3A_519 = arith.constant 0 : i32
      %scatter3A_520 = tpu.memref_slice %arg6[%scatter3A_517, %scatter3A_518, %scatter3A_519] : memref<4x64x128xf32, #tpu.memory_space<vmem>> -> memref<1x64x128xf32, #tpu.memory_space<vmem>>
      %scatter3A_521 = tpu.memref_squeeze %scatter3A_520 : memref<1x64x128xf32, #tpu.memory_space<vmem>> -> memref<64x128xf32, #tpu.memory_space<vmem>>
      tpu.vector_store_idx %scatter3A_521[%shift_right_arithmetic3A_46, %add3A_516], %gather3A_474 : memref<64x128xf32, #tpu.memory_space<vmem>>[vector<16xi32>, vector<16xi32>], vector<16xf32>,
      %add3A_522 = arith.addi %and3A_457, %shift_left3A_110 : vector<16xi32>
      %scatter3A_523 = arith.constant 3 : i32
      %scatter3A_524 = arith.constant 0 : i32
      %scatter3A_525 = arith.constant 0 : i32
      %scatter3A_526 = tpu.memref_slice %arg6[%scatter3A_523, %scatter3A_524, %scatter3A_525] : memref<4x64x128xf32, #tpu.memory_space<vmem>> -> memref<1x64x128xf32, #tpu.memory_space<vmem>>
      %scatter3A_527 = tpu.memref_squeeze %scatter3A_526 : memref<1x64x128xf32, #tpu.memory_space<vmem>> -> memref<64x128xf32, #tpu.memory_space<vmem>>
      tpu.vector_store_idx %scatter3A_527[%shift_right_arithmetic3A_52, %add3A_522], %gather3A_480 : memref<64x128xf32, #tpu.memory_space<vmem>>[vector<16xi32>, vector<16xi32>], vector<16xf32>,
      %add3A_528 = arith.addi %and3A_457, %shift_left3A_119 : vector<16xi32>
      %scatter3A_529 = arith.constant 3 : i32
      %scatter3A_530 = arith.constant 0 : i32
      %scatter3A_531 = arith.constant 0 : i32
      %scatter3A_532 = tpu.memref_slice %arg6[%scatter3A_529, %scatter3A_530, %scatter3A_531] : memref<4x64x128xf32, #tpu.memory_space<vmem>> -> memref<1x64x128xf32, #tpu.memory_space<vmem>>
      %scatter3A_533 = tpu.memref_squeeze %scatter3A_532 : memref<1x64x128xf32, #tpu.memory_space<vmem>> -> memref<64x128xf32, #tpu.memory_space<vmem>>
      tpu.vector_store_idx %scatter3A_533[%shift_right_arithmetic3A_58, %add3A_528], %gather3A_486 : memref<64x128xf32, #tpu.memory_space<vmem>>[vector<16xi32>, vector<16xi32>], vector<16xf32>,
      %add3A_534 = arith.addi %and3A_457, %shift_left3A_128 : vector<16xi32>
      %scatter3A_535 = arith.constant 3 : i32
      %scatter3A_536 = arith.constant 0 : i32
      %scatter3A_537 = arith.constant 0 : i32
      %scatter3A_538 = tpu.memref_slice %arg6[%scatter3A_535, %scatter3A_536, %scatter3A_537] : memref<4x64x128xf32, #tpu.memory_space<vmem>> -> memref<1x64x128xf32, #tpu.memory_space<vmem>>
      %scatter3A_539 = tpu.memref_squeeze %scatter3A_538 : memref<1x64x128xf32, #tpu.memory_space<vmem>> -> memref<64x128xf32, #tpu.memory_space<vmem>>
      tpu.vector_store_idx %scatter3A_539[%shift_right_arithmetic3A_64, %add3A_534], %gather3A_492 : memref<64x128xf32, #tpu.memory_space<vmem>>[vector<16xi32>, vector<16xi32>], vector<16xf32>,
      %add3A_540 = arith.addi %and3A_457, %shift_left3A_137 : vector<16xi32>
      %scatter3A_541 = arith.constant 3 : i32
      %scatter3A_542 = arith.constant 0 : i32
      %scatter3A_543 = arith.constant 0 : i32
      %scatter3A_544 = tpu.memref_slice %arg6[%scatter3A_541, %scatter3A_542, %scatter3A_543] : memref<4x64x128xf32, #tpu.memory_space<vmem>> -> memref<1x64x128xf32, #tpu.memory_space<vmem>>
      %scatter3A_545 = tpu.memref_squeeze %scatter3A_544 : memref<1x64x128xf32, #tpu.memory_space<vmem>> -> memref<64x128xf32, #tpu.memory_space<vmem>>
      tpu.vector_store_idx %scatter3A_545[%shift_right_arithmetic3A_70, %add3A_540], %gather3A_498 : memref<64x128xf32, #tpu.memory_space<vmem>>[vector<16xi32>, vector<16xi32>], vector<16xf32>,
      %add3A_546 = arith.addi %and3A_457, %shift_left3A_146 : vector<16xi32>
      %scatter3A_547 = arith.constant 3 : i32
      %scatter3A_548 = arith.constant 0 : i32
      %scatter3A_549 = arith.constant 0 : i32
      %scatter3A_550 = tpu.memref_slice %arg6[%scatter3A_547, %scatter3A_548, %scatter3A_549] : memref<4x64x128xf32, #tpu.memory_space<vmem>> -> memref<1x64x128xf32, #tpu.memory_space<vmem>>
      %scatter3A_551 = tpu.memref_squeeze %scatter3A_550 : memref<1x64x128xf32, #tpu.memory_space<vmem>> -> memref<64x128xf32, #tpu.memory_space<vmem>>
      tpu.vector_store_idx %scatter3A_551[%shift_right_arithmetic3A_76, %add3A_546], %gather3A_504 : memref<64x128xf32, #tpu.memory_space<vmem>>[vector<16xi32>, vector<16xi32>], vector<16xf32>,
    }
    %scan3A_352 = arith.constant 64 : i32
    %add3A_353 = arith.constant 243 : i32
    %add3A_354 = arith.addi %mul3A_2, %add3A_353 : i32
    %mul3A_355 = arith.constant 64 : i32
    %mul3A_356 = arith.muli %add3A_354, %mul3A_355 : i32
    %dma_start3A_357 = arith.constant 3 : i32
    %dma_start3A_358 = arith.constant 0 : i32
    %dma_start3A_359 = arith.constant 0 : i32
    %dma_start3A_360 = tpu.memref_slice %arg6[%dma_start3A_357, %dma_start3A_358, %dma_start3A_359] : memref<4x64x128xf32, #tpu.memory_space<vmem>> -> memref<1x64x128xf32, #tpu.memory_space<vmem>>
    %dma_start3A_361 = tpu.memref_squeeze %dma_start3A_360 : memref<1x64x128xf32, #tpu.memory_space<vmem>> -> memref<64x128xf32, #tpu.memory_space<vmem>>
    %dma_start3A_362 = arith.constant 0 : i32
    %dma_start3A_363 = tpu.memref_slice %arg4[%mul3A_356, %dma_start3A_362] : memref<500000x128xf32, #tpu.memory_space<hbm>> -> memref<64x128xf32, #tpu.memory_space<hbm>>
    %dma_start3A_364 = arith.constant 0 : i32
    %dma_start3A_365 = tpu.memref_slice %arg4[%mul3A_356, %dma_start3A_364] : memref<500000x128xf32, #tpu.memory_space<hbm>> -> memref<64x128xf32, #tpu.memory_space<hbm>>
    %dma_start3A_366 = arith.constant 0 : i32
    %dma_start3A_367 = arith.constant 0 : i32
    %dma_start3A_368 = tpu.memref_slice %arg6[%dma_start3A_357, %dma_start3A_366, %dma_start3A_367] : memref<4x64x128xf32, #tpu.memory_space<vmem>> -> memref<1x64x128xf32, #tpu.memory_space<vmem>>
    %dma_start3A_369 = tpu.memref_squeeze %dma_start3A_368 : memref<1x64x128xf32, #tpu.memory_space<vmem>> -> memref<64x128xf32, #tpu.memory_space<vmem>>
    tpu.enqueue_dma source(%dma_start3A_369 : memref<64x128xf32, #tpu.memory_space<vmem>>) target(%dma_start3A_365 : memref<64x128xf32, #tpu.memory_space<hbm>>) target_semaphore(%arg15 : memref<!tpu.dma_semaphore, #tpu.memory_space<semaphore_mem>>)
    %dma_wait3A_370 = arith.constant 0 : i32
    %dma_wait3A_371 = arith.constant 0 : i32
    %dma_wait3A_372 = arith.constant 0 : i32
    %dma_wait3A_373 = tpu.memref_slice %arg6[%dma_wait3A_370, %dma_wait3A_371, %dma_wait3A_372] : memref<4x64x128xf32, #tpu.memory_space<vmem>> -> memref<1x64x128xf32, #tpu.memory_space<vmem>>
    %dma_wait3A_374 = tpu.memref_squeeze %dma_wait3A_373 : memref<1x64x128xf32, #tpu.memory_space<vmem>> -> memref<64x128xf32, #tpu.memory_space<vmem>>
    %dma_wait3A_375 = arith.constant 0 : i32
    %dma_wait3A_376 = arith.constant 0 : i32
    %dma_wait3A_377 = tpu.memref_slice %arg4[%dma_wait3A_375, %dma_wait3A_376] : memref<500000x128xf32, #tpu.memory_space<hbm>> -> memref<64x128xf32, #tpu.memory_space<hbm>>
    %dma_wait3A_378 = arith.constant 0 : i32
    %dma_wait3A_379 = arith.constant 0 : i32
    %dma_wait3A_380 = tpu.memref_slice %arg4[%dma_wait3A_378, %dma_wait3A_379] : memref<500000x128xf32, #tpu.memory_space<hbm>> -> memref<64x128xf32, #tpu.memory_space<hbm>>
    %dma_wait3A_381 = arith.constant 0 : i32
    %dma_wait3A_382 = arith.constant 0 : i32
    %dma_wait3A_383 = tpu.memref_slice %arg6[%dma_wait3A_370, %dma_wait3A_381, %dma_wait3A_382] : memref<4x64x128xf32, #tpu.memory_space<vmem>> -> memref<1x64x128xf32, #tpu.memory_space<vmem>>
    %dma_wait3A_384 = tpu.memref_squeeze %dma_wait3A_383 : memref<1x64x128xf32, #tpu.memory_space<vmem>> -> memref<64x128xf32, #tpu.memory_space<vmem>>
    tpu.wait_dma2 semaphore(%arg12 : memref<!tpu.dma_semaphore, #tpu.memory_space<semaphore_mem>>) src(%dma_wait3A_384 : memref<64x128xf32, #tpu.memory_space<vmem>>) dst(%dma_wait3A_380 : memref<64x128xf32, #tpu.memory_space<hbm>>)
    %dma_wait3A_385 = arith.constant 1 : i32
    %dma_wait3A_386 = arith.constant 0 : i32
    %dma_wait3A_387 = arith.constant 0 : i32
    %dma_wait3A_388 = tpu.memref_slice %arg6[%dma_wait3A_385, %dma_wait3A_386, %dma_wait3A_387] : memref<4x64x128xf32, #tpu.memory_space<vmem>> -> memref<1x64x128xf32, #tpu.memory_space<vmem>>
    %dma_wait3A_389 = tpu.memref_squeeze %dma_wait3A_388 : memref<1x64x128xf32, #tpu.memory_space<vmem>> -> memref<64x128xf32, #tpu.memory_space<vmem>>
    %dma_wait3A_390 = arith.constant 0 : i32
    %dma_wait3A_391 = arith.constant 0 : i32
    %dma_wait3A_392 = tpu.memref_slice %arg4[%dma_wait3A_390, %dma_wait3A_391] : memref<500000x128xf32, #tpu.memory_space<hbm>> -> memref<64x128xf32, #tpu.memory_space<hbm>>
    %dma_wait3A_393 = arith.constant 0 : i32
    %dma_wait3A_394 = arith.constant 0 : i32
    %dma_wait3A_395 = tpu.memref_slice %arg4[%dma_wait3A_393, %dma_wait3A_394] : memref<500000x128xf32, #tpu.memory_space<hbm>> -> memref<64x128xf32, #tpu.memory_space<hbm>>
    %dma_wait3A_396 = arith.constant 0 : i32
    %dma_wait3A_397 = arith.constant 0 : i32
    %dma_wait3A_398 = tpu.memref_slice %arg6[%dma_wait3A_385, %dma_wait3A_396, %dma_wait3A_397] : memref<4x64x128xf32, #tpu.memory_space<vmem>> -> memref<1x64x128xf32, #tpu.memory_space<vmem>>
    %dma_wait3A_399 = tpu.memref_squeeze %dma_wait3A_398 : memref<1x64x128xf32, #tpu.memory_space<vmem>> -> memref<64x128xf32, #tpu.memory_space<vmem>>
    tpu.wait_dma2 semaphore(%arg13 : memref<!tpu.dma_semaphore, #tpu.memory_space<semaphore_mem>>) src(%dma_wait3A_399 : memref<64x128xf32, #tpu.memory_space<vmem>>) dst(%dma_wait3A_395 : memref<64x128xf32, #tpu.memory_space<hbm>>)
    %dma_wait3A_400 = arith.constant 2 : i32
    %dma_wait3A_401 = arith.constant 0 : i32
    %dma_wait3A_402 = arith.constant 0 : i32
    %dma_wait3A_403 = tpu.memref_slice %arg6[%dma_wait3A_400, %dma_wait3A_401, %dma_wait3A_402] : memref<4x64x128xf32, #tpu.memory_space<vmem>> -> memref<1x64x128xf32, #tpu.memory_space<vmem>>
    %dma_wait3A_404 = tpu.memref_squeeze %dma_wait3A_403 : memref<1x64x128xf32, #tpu.memory_space<vmem>> -> memref<64x128xf32, #tpu.memory_space<vmem>>
    %dma_wait3A_405 = arith.constant 0 : i32
    %dma_wait3A_406 = arith.constant 0 : i32
    %dma_wait3A_407 = tpu.memref_slice %arg4[%dma_wait3A_405, %dma_wait3A_406] : memref<500000x128xf32, #tpu.memory_space<hbm>> -> memref<64x128xf32, #tpu.memory_space<hbm>>
    %dma_wait3A_408 = arith.constant 0 : i32
    %dma_wait3A_409 = arith.constant 0 : i32
    %dma_wait3A_410 = tpu.memref_slice %arg4[%dma_wait3A_408, %dma_wait3A_409] : memref<500000x128xf32, #tpu.memory_space<hbm>> -> memref<64x128xf32, #tpu.memory_space<hbm>>
    %dma_wait3A_411 = arith.constant 0 : i32
    %dma_wait3A_412 = arith.constant 0 : i32
    %dma_wait3A_413 = tpu.memref_slice %arg6[%dma_wait3A_400, %dma_wait3A_411, %dma_wait3A_412] : memref<4x64x128xf32, #tpu.memory_space<vmem>> -> memref<1x64x128xf32, #tpu.memory_space<vmem>>
    %dma_wait3A_414 = tpu.memref_squeeze %dma_wait3A_413 : memref<1x64x128xf32, #tpu.memory_space<vmem>> -> memref<64x128xf32, #tpu.memory_space<vmem>>
    tpu.wait_dma2 semaphore(%arg14 : memref<!tpu.dma_semaphore, #tpu.memory_space<semaphore_mem>>) src(%dma_wait3A_414 : memref<64x128xf32, #tpu.memory_space<vmem>>) dst(%dma_wait3A_410 : memref<64x128xf32, #tpu.memory_space<hbm>>)
    %dma_wait3A_415 = arith.constant 3 : i32
    %dma_wait3A_416 = arith.constant 0 : i32
    %dma_wait3A_417 = arith.constant 0 : i32
    %dma_wait3A_418 = tpu.memref_slice %arg6[%dma_wait3A_415, %dma_wait3A_416, %dma_wait3A_417] : memref<4x64x128xf32, #tpu.memory_space<vmem>> -> memref<1x64x128xf32, #tpu.memory_space<vmem>>
    %dma_wait3A_419 = tpu.memref_squeeze %dma_wait3A_418 : memref<1x64x128xf32, #tpu.memory_space<vmem>> -> memref<64x128xf32, #tpu.memory_space<vmem>>
    %dma_wait3A_420 = arith.constant 0 : i32
    %dma_wait3A_421 = arith.constant 0 : i32
    %dma_wait3A_422 = tpu.memref_slice %arg4[%dma_wait3A_420, %dma_wait3A_421] : memref<500000x128xf32, #tpu.memory_space<hbm>> -> memref<64x128xf32, #tpu.memory_space<hbm>>
    %dma_wait3A_423 = arith.constant 0 : i32
    %dma_wait3A_424 = arith.constant 0 : i32
    %dma_wait3A_425 = tpu.memref_slice %arg4[%dma_wait3A_423, %dma_wait3A_424] : memref<500000x128xf32, #tpu.memory_space<hbm>> -> memref<64x128xf32, #tpu.memory_space<hbm>>
    %dma_wait3A_426 = arith.constant 0 : i32
    %dma_wait3A_427 = arith.constant 0 : i32
    %dma_wait3A_428 = tpu.memref_slice %arg6[%dma_wait3A_415, %dma_wait3A_426, %dma_wait3A_427] : memref<4x64x128xf32, #tpu.memory_space<vmem>> -> memref<1x64x128xf32, #tpu.memory_space<vmem>>
    %dma_wait3A_429 = tpu.memref_squeeze %dma_wait3A_428 : memref<1x64x128xf32, #tpu.memory_space<vmem>> -> memref<64x128xf32, #tpu.memory_space<vmem>>
    tpu.wait_dma2 semaphore(%arg15 : memref<!tpu.dma_semaphore, #tpu.memory_space<semaphore_mem>>) src(%dma_wait3A_429 : memref<64x128xf32, #tpu.memory_space<vmem>>) dst(%dma_wait3A_425 : memref<64x128xf32, #tpu.memory_space<hbm>>)
    %eq3A = arith.constant 0 : i32
    %eq3A_430 = arith.cmpi eq, %add3A, %eq3A : i32
    %convert_element_type3A = arith.extui %eq3A_430 : i1 to i32
    %cond3A = arith.constant 0 : i32
    %cond3A_431 = arith.cmpi ne, %convert_element_type3A, %cond3A : i32
    scf.if %cond3A_431 {
      %run_scoped3A = arith.constant 0 : i32
      "tpu.region"() ({
        %run_scoped3A_459 = tpu.sem_alloc : memref<!tpu.dma_semaphore, #tpu.memory_space<semaphore_mem>>
        %dma_start3A_460 = arith.constant 0 : i32
        %dma_start3A_461 = arith.constant 0 : i32
        %dma_start3A_462 = tpu.memref_slice %arg5[%run_scoped3A, %dma_start3A_460, %dma_start3A_461] : memref<4x64x128xf32, #tpu.memory_space<vmem>> -> memref<1x64x128xf32, #tpu.memory_space<vmem>>
        %dma_start3A_463 = tpu.memref_squeeze %dma_start3A_462 : memref<1x64x128xf32, #tpu.memory_space<vmem>> -> memref<64x128xf32, #tpu.memory_space<vmem>>
        %dma_start3A_464 = arith.constant 0 : i32
        %dma_start3A_465 = arith.constant 999424 : i32
        %dma_start3A_466 = tpu.memref_slice %arg2[%dma_start3A_464, %dma_start3A_465] : memref<64x1000000xf32, #tpu.memory_space<hbm>> -> memref<64x128xf32, #tpu.memory_space<hbm>>
        %dma_start3A_467 = arith.constant 0 : i32
        %dma_start3A_468 = arith.constant 0 : i32
        %dma_start3A_469 = tpu.memref_slice %arg5[%run_scoped3A, %dma_start3A_467, %dma_start3A_468] : memref<4x64x128xf32, #tpu.memory_space<vmem>> -> memref<1x64x128xf32, #tpu.memory_space<vmem>>
        %dma_start3A_470 = tpu.memref_squeeze %dma_start3A_469 : memref<1x64x128xf32, #tpu.memory_space<vmem>> -> memref<64x128xf32, #tpu.memory_space<vmem>>
        %dma_start3A_471 = arith.constant 0 : i32
        %dma_start3A_472 = arith.constant 999424 : i32
        %dma_start3A_473 = tpu.memref_slice %arg2[%dma_start3A_471, %dma_start3A_472] : memref<64x1000000xf32, #tpu.memory_space<hbm>> -> memref<64x128xf32, #tpu.memory_space<hbm>>
        tpu.enqueue_dma source(%dma_start3A_473 : memref<64x128xf32, #tpu.memory_space<hbm>>) target(%dma_start3A_470 : memref<64x128xf32, #tpu.memory_space<vmem>>) target_semaphore(%run_scoped3A_459 : memref<!tpu.dma_semaphore, #tpu.memory_space<semaphore_mem>>)
        %dma_wait3A_474 = arith.constant 0 : i32
        %dma_wait3A_475 = arith.constant 0 : i32
        %dma_wait3A_476 = tpu.memref_slice %arg5[%run_scoped3A, %dma_wait3A_474, %dma_wait3A_475] : memref<4x64x128xf32, #tpu.memory_space<vmem>> -> memref<1x64x128xf32, #tpu.memory_space<vmem>>
        %dma_wait3A_477 = tpu.memref_squeeze %dma_wait3A_476 : memref<1x64x128xf32, #tpu.memory_space<vmem>> -> memref<64x128xf32, #tpu.memory_space<vmem>>
        %dma_wait3A_478 = arith.constant 0 : i32
        %dma_wait3A_479 = arith.constant 999424 : i32
        %dma_wait3A_480 = tpu.memref_slice %arg2[%dma_wait3A_478, %dma_wait3A_479] : memref<64x1000000xf32, #tpu.memory_space<hbm>> -> memref<64x128xf32, #tpu.memory_space<hbm>>
        %dma_wait3A_481 = arith.constant 0 : i32
        %dma_wait3A_482 = arith.constant 0 : i32
        %dma_wait3A_483 = tpu.memref_slice %arg5[%run_scoped3A, %dma_wait3A_481, %dma_wait3A_482] : memref<4x64x128xf32, #tpu.memory_space<vmem>> -> memref<1x64x128xf32, #tpu.memory_space<vmem>>
        %dma_wait3A_484 = tpu.memref_squeeze %dma_wait3A_483 : memref<1x64x128xf32, #tpu.memory_space<vmem>> -> memref<64x128xf32, #tpu.memory_space<vmem>>
        %dma_wait3A_485 = arith.constant 0 : i32
        %dma_wait3A_486 = arith.constant 999424 : i32
        %dma_wait3A_487 = tpu.memref_slice %arg2[%dma_wait3A_485, %dma_wait3A_486] : memref<64x1000000xf32, #tpu.memory_space<hbm>> -> memref<64x128xf32, #tpu.memory_space<hbm>>
        tpu.wait_dma2 semaphore(%run_scoped3A_459 : memref<!tpu.dma_semaphore, #tpu.memory_space<semaphore_mem>>) src(%dma_wait3A_487 : memref<64x128xf32, #tpu.memory_space<hbm>>) dst(%dma_wait3A_484 : memref<64x128xf32, #tpu.memory_space<vmem>>)
        tpu.yield
      }) : () -> ()
      %scan3A_452 = arith.constant 0 : i32
      %scan3A_453 = arith.constant 0 : i32
      %scan3A_454 = arith.constant 64 : i32
      %scan3A_455 = arith.addi %scan3A_453, %scan3A_454 : i32
      %scan3A_456 = arith.constant 1 : i32
      scf.for %scan3A_459 = %scan3A_453 to %scan3A_455 step %scan3A_456  : i32 {
        %add3A_460 = vector.broadcast %scan3A_459 : i32 to vector<16xi32>
        %add3A_461 = arith.addi %add3A_460, %mul3A_5 : vector<16xi32>
        %and3A_462 = arith.constant 63 : i32
        %and3A_463 = vector.broadcast %and3A_462 : i32 to vector<16xi32>
        %and3A_464 = arith.andi %add3A_461, %and3A_463 : vector<16xi32>
        %gather3A = arith.constant 0 : i32
        %gather3A_465 = arith.constant 0 : i32
        %gather3A_466 = arith.constant 0 : i32
        %gather3A_467 = tpu.memref_slice %arg5[%gather3A, %gather3A_465, %gather3A_466] : memref<4x64x128xf32, #tpu.memory_space<vmem>> -> memref<1x64x128xf32, #tpu.memory_space<vmem>>
        %gather3A_468 = tpu.memref_squeeze %gather3A_467 : memref<1x64x128xf32, #tpu.memory_space<vmem>> -> memref<64x128xf32, #tpu.memory_space<vmem>>
        %gather3A_469 = tpu.vector_load_idx %gather3A_468[%and3A_464, %add3A_8] : memref<64x128xf32, #tpu.memory_space<vmem>>[vector<16xi32>, vector<16xi32>], vector<16xf32>,
        %gather3A_470 = arith.constant 0 : i32
        %gather3A_471 = arith.constant 0 : i32
        %gather3A_472 = arith.constant 0 : i32
        %gather3A_473 = tpu.memref_slice %arg5[%gather3A_470, %gather3A_471, %gather3A_472] : memref<4x64x128xf32, #tpu.memory_space<vmem>> -> memref<1x64x128xf32, #tpu.memory_space<vmem>>
        %gather3A_474 = tpu.memref_squeeze %gather3A_473 : memref<1x64x128xf32, #tpu.memory_space<vmem>> -> memref<64x128xf32, #tpu.memory_space<vmem>>
        %gather3A_475 = tpu.vector_load_idx %gather3A_474[%and3A_464, %add3A_11] : memref<64x128xf32, #tpu.memory_space<vmem>>[vector<16xi32>, vector<16xi32>], vector<16xf32>,
        %gather3A_476 = arith.constant 0 : i32
        %gather3A_477 = arith.constant 0 : i32
        %gather3A_478 = arith.constant 0 : i32
        %gather3A_479 = tpu.memref_slice %arg5[%gather3A_476, %gather3A_477, %gather3A_478] : memref<4x64x128xf32, #tpu.memory_space<vmem>> -> memref<1x64x128xf32, #tpu.memory_space<vmem>>
        %gather3A_480 = tpu.memref_squeeze %gather3A_479 : memref<1x64x128xf32, #tpu.memory_space<vmem>> -> memref<64x128xf32, #tpu.memory_space<vmem>>
        %gather3A_481 = tpu.vector_load_idx %gather3A_480[%and3A_464, %add3A_14] : memref<64x128xf32, #tpu.memory_space<vmem>>[vector<16xi32>, vector<16xi32>], vector<16xf32>,
        %gather3A_482 = arith.constant 0 : i32
        %gather3A_483 = arith.constant 0 : i32
        %gather3A_484 = arith.constant 0 : i32
        %gather3A_485 = tpu.memref_slice %arg5[%gather3A_482, %gather3A_483, %gather3A_484] : memref<4x64x128xf32, #tpu.memory_space<vmem>> -> memref<1x64x128xf32, #tpu.memory_space<vmem>>
        %gather3A_486 = tpu.memref_squeeze %gather3A_485 : memref<1x64x128xf32, #tpu.memory_space<vmem>> -> memref<64x128xf32, #tpu.memory_space<vmem>>
        %gather3A_487 = tpu.vector_load_idx %gather3A_486[%and3A_464, %add3A_17] : memref<64x128xf32, #tpu.memory_space<vmem>>[vector<16xi32>, vector<16xi32>], vector<16xf32>,
        %gather3A_488 = arith.constant 0 : i32
        %gather3A_489 = arith.constant 0 : i32
        %gather3A_490 = arith.constant 0 : i32
        %gather3A_491 = tpu.memref_slice %arg5[%gather3A_488, %gather3A_489, %gather3A_490] : memref<4x64x128xf32, #tpu.memory_space<vmem>> -> memref<1x64x128xf32, #tpu.memory_space<vmem>>
        %gather3A_492 = tpu.memref_squeeze %gather3A_491 : memref<1x64x128xf32, #tpu.memory_space<vmem>> -> memref<64x128xf32, #tpu.memory_space<vmem>>
        %gather3A_493 = tpu.vector_load_idx %gather3A_492[%and3A_464, %add3A_20] : memref<64x128xf32, #tpu.memory_space<vmem>>[vector<16xi32>, vector<16xi32>], vector<16xf32>,
        %gather3A_494 = arith.constant 0 : i32
        %gather3A_495 = arith.constant 0 : i32
        %gather3A_496 = arith.constant 0 : i32
        %gather3A_497 = tpu.memref_slice %arg5[%gather3A_494, %gather3A_495, %gather3A_496] : memref<4x64x128xf32, #tpu.memory_space<vmem>> -> memref<1x64x128xf32, #tpu.memory_space<vmem>>
        %gather3A_498 = tpu.memref_squeeze %gather3A_497 : memref<1x64x128xf32, #tpu.memory_space<vmem>> -> memref<64x128xf32, #tpu.memory_space<vmem>>
        %gather3A_499 = tpu.vector_load_idx %gather3A_498[%and3A_464, %add3A_23] : memref<64x128xf32, #tpu.memory_space<vmem>>[vector<16xi32>, vector<16xi32>], vector<16xf32>,
        %gather3A_500 = arith.constant 0 : i32
        %gather3A_501 = arith.constant 0 : i32
        %gather3A_502 = arith.constant 0 : i32
        %gather3A_503 = tpu.memref_slice %arg5[%gather3A_500, %gather3A_501, %gather3A_502] : memref<4x64x128xf32, #tpu.memory_space<vmem>> -> memref<1x64x128xf32, #tpu.memory_space<vmem>>
        %gather3A_504 = tpu.memref_squeeze %gather3A_503 : memref<1x64x128xf32, #tpu.memory_space<vmem>> -> memref<64x128xf32, #tpu.memory_space<vmem>>
        %gather3A_505 = tpu.vector_load_idx %gather3A_504[%and3A_464, %add3A_26] : memref<64x128xf32, #tpu.memory_space<vmem>>[vector<16xi32>, vector<16xi32>], vector<16xf32>,
        %gather3A_506 = arith.constant 0 : i32
        %gather3A_507 = arith.constant 0 : i32
        %gather3A_508 = arith.constant 0 : i32
        %gather3A_509 = tpu.memref_slice %arg5[%gather3A_506, %gather3A_507, %gather3A_508] : memref<4x64x128xf32, #tpu.memory_space<vmem>> -> memref<1x64x128xf32, #tpu.memory_space<vmem>>
        %gather3A_510 = tpu.memref_squeeze %gather3A_509 : memref<1x64x128xf32, #tpu.memory_space<vmem>> -> memref<64x128xf32, #tpu.memory_space<vmem>>
        %gather3A_511 = tpu.vector_load_idx %gather3A_510[%and3A_464, %add3A_29] : memref<64x128xf32, #tpu.memory_space<vmem>>[vector<16xi32>, vector<16xi32>], vector<16xf32>,
        %add3A_512 = arith.addi %and3A_464, %shift_left3A_83 : vector<16xi32>
        %scatter3A = arith.constant 0 : i32
        %scatter3A_513 = arith.constant 0 : i32
        %scatter3A_514 = arith.constant 0 : i32
        %scatter3A_515 = tpu.memref_slice %arg6[%scatter3A, %scatter3A_513, %scatter3A_514] : memref<4x64x128xf32, #tpu.memory_space<vmem>> -> memref<1x64x128xf32, #tpu.memory_space<vmem>>
        %scatter3A_516 = tpu.memref_squeeze %scatter3A_515 : memref<1x64x128xf32, #tpu.memory_space<vmem>> -> memref<64x128xf32, #tpu.memory_space<vmem>>
        tpu.vector_store_idx %scatter3A_516[%shift_right_arithmetic3A_34, %add3A_512], %gather3A_469 : memref<64x128xf32, #tpu.memory_space<vmem>>[vector<16xi32>, vector<16xi32>], vector<16xf32>,
        %add3A_517 = arith.addi %and3A_464, %shift_left3A_92 : vector<16xi32>
        %scatter3A_518 = arith.constant 0 : i32
        %scatter3A_519 = arith.constant 0 : i32
        %scatter3A_520 = arith.constant 0 : i32
        %scatter3A_521 = tpu.memref_slice %arg6[%scatter3A_518, %scatter3A_519, %scatter3A_520] : memref<4x64x128xf32, #tpu.memory_space<vmem>> -> memref<1x64x128xf32, #tpu.memory_space<vmem>>
        %scatter3A_522 = tpu.memref_squeeze %scatter3A_521 : memref<1x64x128xf32, #tpu.memory_space<vmem>> -> memref<64x128xf32, #tpu.memory_space<vmem>>
        tpu.vector_store_idx %scatter3A_522[%shift_right_arithmetic3A_40, %add3A_517], %gather3A_475 : memref<64x128xf32, #tpu.memory_space<vmem>>[vector<16xi32>, vector<16xi32>], vector<16xf32>,
        %add3A_523 = arith.addi %and3A_464, %shift_left3A_101 : vector<16xi32>
        %scatter3A_524 = arith.constant 0 : i32
        %scatter3A_525 = arith.constant 0 : i32
        %scatter3A_526 = arith.constant 0 : i32
        %scatter3A_527 = tpu.memref_slice %arg6[%scatter3A_524, %scatter3A_525, %scatter3A_526] : memref<4x64x128xf32, #tpu.memory_space<vmem>> -> memref<1x64x128xf32, #tpu.memory_space<vmem>>
        %scatter3A_528 = tpu.memref_squeeze %scatter3A_527 : memref<1x64x128xf32, #tpu.memory_space<vmem>> -> memref<64x128xf32, #tpu.memory_space<vmem>>
        tpu.vector_store_idx %scatter3A_528[%shift_right_arithmetic3A_46, %add3A_523], %gather3A_481 : memref<64x128xf32, #tpu.memory_space<vmem>>[vector<16xi32>, vector<16xi32>], vector<16xf32>,
        %add3A_529 = arith.addi %and3A_464, %shift_left3A_110 : vector<16xi32>
        %scatter3A_530 = arith.constant 0 : i32
        %scatter3A_531 = arith.constant 0 : i32
        %scatter3A_532 = arith.constant 0 : i32
        %scatter3A_533 = tpu.memref_slice %arg6[%scatter3A_530, %scatter3A_531, %scatter3A_532] : memref<4x64x128xf32, #tpu.memory_space<vmem>> -> memref<1x64x128xf32, #tpu.memory_space<vmem>>
        %scatter3A_534 = tpu.memref_squeeze %scatter3A_533 : memref<1x64x128xf32, #tpu.memory_space<vmem>> -> memref<64x128xf32, #tpu.memory_space<vmem>>
        tpu.vector_store_idx %scatter3A_534[%shift_right_arithmetic3A_52, %add3A_529], %gather3A_487 : memref<64x128xf32, #tpu.memory_space<vmem>>[vector<16xi32>, vector<16xi32>], vector<16xf32>,
        %add3A_535 = arith.addi %and3A_464, %shift_left3A_119 : vector<16xi32>
        %scatter3A_536 = arith.constant 0 : i32
        %scatter3A_537 = arith.constant 0 : i32
        %scatter3A_538 = arith.constant 0 : i32
        %scatter3A_539 = tpu.memref_slice %arg6[%scatter3A_536, %scatter3A_537, %scatter3A_538] : memref<4x64x128xf32, #tpu.memory_space<vmem>> -> memref<1x64x128xf32, #tpu.memory_space<vmem>>
        %scatter3A_540 = tpu.memref_squeeze %scatter3A_539 : memref<1x64x128xf32, #tpu.memory_space<vmem>> -> memref<64x128xf32, #tpu.memory_space<vmem>>
        tpu.vector_store_idx %scatter3A_540[%shift_right_arithmetic3A_58, %add3A_535], %gather3A_493 : memref<64x128xf32, #tpu.memory_space<vmem>>[vector<16xi32>, vector<16xi32>], vector<16xf32>,
        %add3A_541 = arith.addi %and3A_464, %shift_left3A_128 : vector<16xi32>
        %scatter3A_542 = arith.constant 0 : i32
        %scatter3A_543 = arith.constant 0 : i32
        %scatter3A_544 = arith.constant 0 : i32
        %scatter3A_545 = tpu.memref_slice %arg6[%scatter3A_542, %scatter3A_543, %scatter3A_544] : memref<4x64x128xf32, #tpu.memory_space<vmem>> -> memref<1x64x128xf32, #tpu.memory_space<vmem>>
        %scatter3A_546 = tpu.memref_squeeze %scatter3A_545 : memref<1x64x128xf32, #tpu.memory_space<vmem>> -> memref<64x128xf32, #tpu.memory_space<vmem>>
        tpu.vector_store_idx %scatter3A_546[%shift_right_arithmetic3A_64, %add3A_541], %gather3A_499 : memref<64x128xf32, #tpu.memory_space<vmem>>[vector<16xi32>, vector<16xi32>], vector<16xf32>,
        %add3A_547 = arith.addi %and3A_464, %shift_left3A_137 : vector<16xi32>
        %scatter3A_548 = arith.constant 0 : i32
        %scatter3A_549 = arith.constant 0 : i32
        %scatter3A_550 = arith.constant 0 : i32
        %scatter3A_551 = tpu.memref_slice %arg6[%scatter3A_548, %scatter3A_549, %scatter3A_550] : memref<4x64x128xf32, #tpu.memory_space<vmem>> -> memref<1x64x128xf32, #tpu.memory_space<vmem>>
        %scatter3A_552 = tpu.memref_squeeze %scatter3A_551 : memref<1x64x128xf32, #tpu.memory_space<vmem>> -> memref<64x128xf32, #tpu.memory_space<vmem>>
        tpu.vector_store_idx %scatter3A_552[%shift_right_arithmetic3A_70, %add3A_547], %gather3A_505 : memref<64x128xf32, #tpu.memory_space<vmem>>[vector<16xi32>, vector<16xi32>], vector<16xf32>,
        %add3A_553 = arith.addi %and3A_464, %shift_left3A_146 : vector<16xi32>
        %scatter3A_554 = arith.constant 0 : i32
        %scatter3A_555 = arith.constant 0 : i32
        %scatter3A_556 = arith.constant 0 : i32
        %scatter3A_557 = tpu.memref_slice %arg6[%scatter3A_554, %scatter3A_555, %scatter3A_556] : memref<4x64x128xf32, #tpu.memory_space<vmem>> -> memref<1x64x128xf32, #tpu.memory_space<vmem>>
        %scatter3A_558 = tpu.memref_squeeze %scatter3A_557 : memref<1x64x128xf32, #tpu.memory_space<vmem>> -> memref<64x128xf32, #tpu.memory_space<vmem>>
        tpu.vector_store_idx %scatter3A_558[%shift_right_arithmetic3A_76, %add3A_553], %gather3A_511 : memref<64x128xf32, #tpu.memory_space<vmem>>[vector<16xi32>, vector<16xi32>], vector<16xf32>,
      }
      %scan3A_457 = arith.constant 64 : i32
      %run_scoped3A_458 = arith.constant 0 : i32
      "tpu.region"() ({
        %run_scoped3A_459 = tpu.sem_alloc : memref<!tpu.dma_semaphore, #tpu.memory_space<semaphore_mem>>
        %dma_start3A_460 = arith.constant 0 : i32
        %dma_start3A_461 = arith.constant 0 : i32
        %dma_start3A_462 = tpu.memref_slice %arg6[%run_scoped3A_458, %dma_start3A_460, %dma_start3A_461] : memref<4x64x128xf32, #tpu.memory_space<vmem>> -> memref<1x64x128xf32, #tpu.memory_space<vmem>>
        %dma_start3A_463 = tpu.memref_squeeze %dma_start3A_462 : memref<1x64x128xf32, #tpu.memory_space<vmem>> -> memref<64x128xf32, #tpu.memory_space<vmem>>
        %dma_start3A_464 = arith.constant 499712 : i32
        %dma_start3A_465 = arith.constant 0 : i32
        %dma_start3A_466 = tpu.memref_slice %arg4[%dma_start3A_464, %dma_start3A_465] : memref<500000x128xf32, #tpu.memory_space<hbm>> -> memref<64x128xf32, #tpu.memory_space<hbm>>
        %dma_start3A_467 = arith.constant 499712 : i32
        %dma_start3A_468 = arith.constant 0 : i32
        %dma_start3A_469 = tpu.memref_slice %arg4[%dma_start3A_467, %dma_start3A_468] : memref<500000x128xf32, #tpu.memory_space<hbm>> -> memref<64x128xf32, #tpu.memory_space<hbm>>
        %dma_start3A_470 = arith.constant 0 : i32
        %dma_start3A_471 = arith.constant 0 : i32
        %dma_start3A_472 = tpu.memref_slice %arg6[%run_scoped3A_458, %dma_start3A_470, %dma_start3A_471] : memref<4x64x128xf32, #tpu.memory_space<vmem>> -> memref<1x64x128xf32, #tpu.memory_space<vmem>>
        %dma_start3A_473 = tpu.memref_squeeze %dma_start3A_472 : memref<1x64x128xf32, #tpu.memory_space<vmem>> -> memref<64x128xf32, #tpu.memory_space<vmem>>
        tpu.enqueue_dma source(%dma_start3A_473 : memref<64x128xf32, #tpu.memory_space<vmem>>) target(%dma_start3A_469 : memref<64x128xf32, #tpu.memory_space<hbm>>) target_semaphore(%run_scoped3A_459 : memref<!tpu.dma_semaphore, #tpu.memory_space<semaphore_mem>>)
        %dma_wait3A_474 = arith.constant 0 : i32
        %dma_wait3A_475 = arith.constant 0 : i32
        %dma_wait3A_476 = tpu.memref_slice %arg6[%run_scoped3A_458, %dma_wait3A_474, %dma_wait3A_475] : memref<4x64x128xf32, #tpu.memory_space<vmem>> -> memref<1x64x128xf32, #tpu.memory_space<vmem>>
        %dma_wait3A_477 = tpu.memref_squeeze %dma_wait3A_476 : memref<1x64x128xf32, #tpu.memory_space<vmem>> -> memref<64x128xf32, #tpu.memory_space<vmem>>
        %dma_wait3A_478 = arith.constant 499712 : i32
        %dma_wait3A_479 = arith.constant 0 : i32
        %dma_wait3A_480 = tpu.memref_slice %arg4[%dma_wait3A_478, %dma_wait3A_479] : memref<500000x128xf32, #tpu.memory_space<hbm>> -> memref<64x128xf32, #tpu.memory_space<hbm>>
        %dma_wait3A_481 = arith.constant 499712 : i32
        %dma_wait3A_482 = arith.constant 0 : i32
        %dma_wait3A_483 = tpu.memref_slice %arg4[%dma_wait3A_481, %dma_wait3A_482] : memref<500000x128xf32, #tpu.memory_space<hbm>> -> memref<64x128xf32, #tpu.memory_space<hbm>>
        %dma_wait3A_484 = arith.constant 0 : i32
        %dma_wait3A_485 = arith.constant 0 : i32
        %dma_wait3A_486 = tpu.memref_slice %arg6[%run_scoped3A_458, %dma_wait3A_484, %dma_wait3A_485] : memref<4x64x128xf32, #tpu.memory_space<vmem>> -> memref<1x64x128xf32, #tpu.memory_space<vmem>>
        %dma_wait3A_487 = tpu.memref_squeeze %dma_wait3A_486 : memref<1x64x128xf32, #tpu.memory_space<vmem>> -> memref<64x128xf32, #tpu.memory_space<vmem>>
        tpu.wait_dma2 semaphore(%run_scoped3A_459 : memref<!tpu.dma_semaphore, #tpu.memory_space<semaphore_mem>>) src(%dma_wait3A_487 : memref<64x128xf32, #tpu.memory_space<vmem>>) dst(%dma_wait3A_483 : memref<64x128xf32, #tpu.memory_space<hbm>>)
        tpu.yield
      }) : () -> ()
    } else {
    }
    %eq3A_432 = arith.constant 1 : i32
    %eq3A_433 = arith.cmpi eq, %add3A, %eq3A_432 : i32
    %convert_element_type3A_434 = arith.extui %eq3A_433 : i1 to i32
    %cond3A_435 = arith.constant 0 : i32
    %cond3A_436 = arith.cmpi ne, %convert_element_type3A_434, %cond3A_435 : i32
    scf.if %cond3A_436 {
      %run_scoped3A = arith.constant 0 : i32
      "tpu.region"() ({
        %run_scoped3A_459 = tpu.sem_alloc : memref<!tpu.dma_semaphore, #tpu.memory_space<semaphore_mem>>
        %dma_start3A_460 = arith.constant 0 : i32
        %dma_start3A_461 = arith.constant 0 : i32
        %dma_start3A_462 = tpu.memref_slice %arg5[%run_scoped3A, %dma_start3A_460, %dma_start3A_461] : memref<4x64x128xf32, #tpu.memory_space<vmem>> -> memref<1x64x128xf32, #tpu.memory_space<vmem>>
        %dma_start3A_463 = tpu.memref_squeeze %dma_start3A_462 : memref<1x64x128xf32, #tpu.memory_space<vmem>> -> memref<64x128xf32, #tpu.memory_space<vmem>>
        %dma_start3A_464 = arith.constant 0 : i32
        %dma_start3A_465 = arith.constant 999552 : i32
        %dma_start3A_466 = tpu.memref_slice %arg2[%dma_start3A_464, %dma_start3A_465] : memref<64x1000000xf32, #tpu.memory_space<hbm>> -> memref<64x128xf32, #tpu.memory_space<hbm>>
        %dma_start3A_467 = arith.constant 0 : i32
        %dma_start3A_468 = arith.constant 0 : i32
        %dma_start3A_469 = tpu.memref_slice %arg5[%run_scoped3A, %dma_start3A_467, %dma_start3A_468] : memref<4x64x128xf32, #tpu.memory_space<vmem>> -> memref<1x64x128xf32, #tpu.memory_space<vmem>>
        %dma_start3A_470 = tpu.memref_squeeze %dma_start3A_469 : memref<1x64x128xf32, #tpu.memory_space<vmem>> -> memref<64x128xf32, #tpu.memory_space<vmem>>
        %dma_start3A_471 = arith.constant 0 : i32
        %dma_start3A_472 = arith.constant 999552 : i32
        %dma_start3A_473 = tpu.memref_slice %arg2[%dma_start3A_471, %dma_start3A_472] : memref<64x1000000xf32, #tpu.memory_space<hbm>> -> memref<64x128xf32, #tpu.memory_space<hbm>>
        tpu.enqueue_dma source(%dma_start3A_473 : memref<64x128xf32, #tpu.memory_space<hbm>>) target(%dma_start3A_470 : memref<64x128xf32, #tpu.memory_space<vmem>>) target_semaphore(%run_scoped3A_459 : memref<!tpu.dma_semaphore, #tpu.memory_space<semaphore_mem>>)
        %dma_wait3A_474 = arith.constant 0 : i32
        %dma_wait3A_475 = arith.constant 0 : i32
        %dma_wait3A_476 = tpu.memref_slice %arg5[%run_scoped3A, %dma_wait3A_474, %dma_wait3A_475] : memref<4x64x128xf32, #tpu.memory_space<vmem>> -> memref<1x64x128xf32, #tpu.memory_space<vmem>>
        %dma_wait3A_477 = tpu.memref_squeeze %dma_wait3A_476 : memref<1x64x128xf32, #tpu.memory_space<vmem>> -> memref<64x128xf32, #tpu.memory_space<vmem>>
        %dma_wait3A_478 = arith.constant 0 : i32
        %dma_wait3A_479 = arith.constant 999552 : i32
        %dma_wait3A_480 = tpu.memref_slice %arg2[%dma_wait3A_478, %dma_wait3A_479] : memref<64x1000000xf32, #tpu.memory_space<hbm>> -> memref<64x128xf32, #tpu.memory_space<hbm>>
        %dma_wait3A_481 = arith.constant 0 : i32
        %dma_wait3A_482 = arith.constant 0 : i32
        %dma_wait3A_483 = tpu.memref_slice %arg5[%run_scoped3A, %dma_wait3A_481, %dma_wait3A_482] : memref<4x64x128xf32, #tpu.memory_space<vmem>> -> memref<1x64x128xf32, #tpu.memory_space<vmem>>
        %dma_wait3A_484 = tpu.memref_squeeze %dma_wait3A_483 : memref<1x64x128xf32, #tpu.memory_space<vmem>> -> memref<64x128xf32, #tpu.memory_space<vmem>>
        %dma_wait3A_485 = arith.constant 0 : i32
        %dma_wait3A_486 = arith.constant 999552 : i32
        %dma_wait3A_487 = tpu.memref_slice %arg2[%dma_wait3A_485, %dma_wait3A_486] : memref<64x1000000xf32, #tpu.memory_space<hbm>> -> memref<64x128xf32, #tpu.memory_space<hbm>>
        tpu.wait_dma2 semaphore(%run_scoped3A_459 : memref<!tpu.dma_semaphore, #tpu.memory_space<semaphore_mem>>) src(%dma_wait3A_487 : memref<64x128xf32, #tpu.memory_space<hbm>>) dst(%dma_wait3A_484 : memref<64x128xf32, #tpu.memory_space<vmem>>)
        tpu.yield
      }) : () -> ()
      %scan3A_452 = arith.constant 0 : i32
      %scan3A_453 = arith.constant 0 : i32
      %scan3A_454 = arith.constant 64 : i32
      %scan3A_455 = arith.addi %scan3A_453, %scan3A_454 : i32
      %scan3A_456 = arith.constant 1 : i32
      scf.for %scan3A_459 = %scan3A_453 to %scan3A_455 step %scan3A_456  : i32 {
        %add3A_460 = vector.broadcast %scan3A_459 : i32 to vector<16xi32>
        %add3A_461 = arith.addi %add3A_460, %mul3A_5 : vector<16xi32>
        %and3A_462 = arith.constant 63 : i32
        %and3A_463 = vector.broadcast %and3A_462 : i32 to vector<16xi32>
        %and3A_464 = arith.andi %add3A_461, %and3A_463 : vector<16xi32>
        %gather3A = arith.constant 0 : i32
        %gather3A_465 = arith.constant 0 : i32
        %gather3A_466 = arith.constant 0 : i32
        %gather3A_467 = tpu.memref_slice %arg5[%gather3A, %gather3A_465, %gather3A_466] : memref<4x64x128xf32, #tpu.memory_space<vmem>> -> memref<1x64x128xf32, #tpu.memory_space<vmem>>
        %gather3A_468 = tpu.memref_squeeze %gather3A_467 : memref<1x64x128xf32, #tpu.memory_space<vmem>> -> memref<64x128xf32, #tpu.memory_space<vmem>>
        %gather3A_469 = tpu.vector_load_idx %gather3A_468[%and3A_464, %add3A_8] : memref<64x128xf32, #tpu.memory_space<vmem>>[vector<16xi32>, vector<16xi32>], vector<16xf32>,
        %gather3A_470 = arith.constant 0 : i32
        %gather3A_471 = arith.constant 0 : i32
        %gather3A_472 = arith.constant 0 : i32
        %gather3A_473 = tpu.memref_slice %arg5[%gather3A_470, %gather3A_471, %gather3A_472] : memref<4x64x128xf32, #tpu.memory_space<vmem>> -> memref<1x64x128xf32, #tpu.memory_space<vmem>>
        %gather3A_474 = tpu.memref_squeeze %gather3A_473 : memref<1x64x128xf32, #tpu.memory_space<vmem>> -> memref<64x128xf32, #tpu.memory_space<vmem>>
        %gather3A_475 = tpu.vector_load_idx %gather3A_474[%and3A_464, %add3A_11] : memref<64x128xf32, #tpu.memory_space<vmem>>[vector<16xi32>, vector<16xi32>], vector<16xf32>,
        %gather3A_476 = arith.constant 0 : i32
        %gather3A_477 = arith.constant 0 : i32
        %gather3A_478 = arith.constant 0 : i32
        %gather3A_479 = tpu.memref_slice %arg5[%gather3A_476, %gather3A_477, %gather3A_478] : memref<4x64x128xf32, #tpu.memory_space<vmem>> -> memref<1x64x128xf32, #tpu.memory_space<vmem>>
        %gather3A_480 = tpu.memref_squeeze %gather3A_479 : memref<1x64x128xf32, #tpu.memory_space<vmem>> -> memref<64x128xf32, #tpu.memory_space<vmem>>
        %gather3A_481 = tpu.vector_load_idx %gather3A_480[%and3A_464, %add3A_14] : memref<64x128xf32, #tpu.memory_space<vmem>>[vector<16xi32>, vector<16xi32>], vector<16xf32>,
        %gather3A_482 = arith.constant 0 : i32
        %gather3A_483 = arith.constant 0 : i32
        %gather3A_484 = arith.constant 0 : i32
        %gather3A_485 = tpu.memref_slice %arg5[%gather3A_482, %gather3A_483, %gather3A_484] : memref<4x64x128xf32, #tpu.memory_space<vmem>> -> memref<1x64x128xf32, #tpu.memory_space<vmem>>
        %gather3A_486 = tpu.memref_squeeze %gather3A_485 : memref<1x64x128xf32, #tpu.memory_space<vmem>> -> memref<64x128xf32, #tpu.memory_space<vmem>>
        %gather3A_487 = tpu.vector_load_idx %gather3A_486[%and3A_464, %add3A_17] : memref<64x128xf32, #tpu.memory_space<vmem>>[vector<16xi32>, vector<16xi32>], vector<16xf32>,
        %gather3A_488 = arith.constant 0 : i32
        %gather3A_489 = arith.constant 0 : i32
        %gather3A_490 = arith.constant 0 : i32
        %gather3A_491 = tpu.memref_slice %arg5[%gather3A_488, %gather3A_489, %gather3A_490] : memref<4x64x128xf32, #tpu.memory_space<vmem>> -> memref<1x64x128xf32, #tpu.memory_space<vmem>>
        %gather3A_492 = tpu.memref_squeeze %gather3A_491 : memref<1x64x128xf32, #tpu.memory_space<vmem>> -> memref<64x128xf32, #tpu.memory_space<vmem>>
        %gather3A_493 = tpu.vector_load_idx %gather3A_492[%and3A_464, %add3A_20] : memref<64x128xf32, #tpu.memory_space<vmem>>[vector<16xi32>, vector<16xi32>], vector<16xf32>,
        %gather3A_494 = arith.constant 0 : i32
        %gather3A_495 = arith.constant 0 : i32
        %gather3A_496 = arith.constant 0 : i32
        %gather3A_497 = tpu.memref_slice %arg5[%gather3A_494, %gather3A_495, %gather3A_496] : memref<4x64x128xf32, #tpu.memory_space<vmem>> -> memref<1x64x128xf32, #tpu.memory_space<vmem>>
        %gather3A_498 = tpu.memref_squeeze %gather3A_497 : memref<1x64x128xf32, #tpu.memory_space<vmem>> -> memref<64x128xf32, #tpu.memory_space<vmem>>
        %gather3A_499 = tpu.vector_load_idx %gather3A_498[%and3A_464, %add3A_23] : memref<64x128xf32, #tpu.memory_space<vmem>>[vector<16xi32>, vector<16xi32>], vector<16xf32>,
        %gather3A_500 = arith.constant 0 : i32
        %gather3A_501 = arith.constant 0 : i32
        %gather3A_502 = arith.constant 0 : i32
        %gather3A_503 = tpu.memref_slice %arg5[%gather3A_500, %gather3A_501, %gather3A_502] : memref<4x64x128xf32, #tpu.memory_space<vmem>> -> memref<1x64x128xf32, #tpu.memory_space<vmem>>
        %gather3A_504 = tpu.memref_squeeze %gather3A_503 : memref<1x64x128xf32, #tpu.memory_space<vmem>> -> memref<64x128xf32, #tpu.memory_space<vmem>>
        %gather3A_505 = tpu.vector_load_idx %gather3A_504[%and3A_464, %add3A_26] : memref<64x128xf32, #tpu.memory_space<vmem>>[vector<16xi32>, vector<16xi32>], vector<16xf32>,
        %gather3A_506 = arith.constant 0 : i32
        %gather3A_507 = arith.constant 0 : i32
        %gather3A_508 = arith.constant 0 : i32
        %gather3A_509 = tpu.memref_slice %arg5[%gather3A_506, %gather3A_507, %gather3A_508] : memref<4x64x128xf32, #tpu.memory_space<vmem>> -> memref<1x64x128xf32, #tpu.memory_space<vmem>>
        %gather3A_510 = tpu.memref_squeeze %gather3A_509 : memref<1x64x128xf32, #tpu.memory_space<vmem>> -> memref<64x128xf32, #tpu.memory_space<vmem>>
        %gather3A_511 = tpu.vector_load_idx %gather3A_510[%and3A_464, %add3A_29] : memref<64x128xf32, #tpu.memory_space<vmem>>[vector<16xi32>, vector<16xi32>], vector<16xf32>,
        %add3A_512 = arith.addi %and3A_464, %shift_left3A_83 : vector<16xi32>
        %scatter3A = arith.constant 0 : i32
        %scatter3A_513 = arith.constant 0 : i32
        %scatter3A_514 = arith.constant 0 : i32
        %scatter3A_515 = tpu.memref_slice %arg6[%scatter3A, %scatter3A_513, %scatter3A_514] : memref<4x64x128xf32, #tpu.memory_space<vmem>> -> memref<1x64x128xf32, #tpu.memory_space<vmem>>
        %scatter3A_516 = tpu.memref_squeeze %scatter3A_515 : memref<1x64x128xf32, #tpu.memory_space<vmem>> -> memref<64x128xf32, #tpu.memory_space<vmem>>
        tpu.vector_store_idx %scatter3A_516[%shift_right_arithmetic3A_34, %add3A_512], %gather3A_469 : memref<64x128xf32, #tpu.memory_space<vmem>>[vector<16xi32>, vector<16xi32>], vector<16xf32>,
        %add3A_517 = arith.addi %and3A_464, %shift_left3A_92 : vector<16xi32>
        %scatter3A_518 = arith.constant 0 : i32
        %scatter3A_519 = arith.constant 0 : i32
        %scatter3A_520 = arith.constant 0 : i32
        %scatter3A_521 = tpu.memref_slice %arg6[%scatter3A_518, %scatter3A_519, %scatter3A_520] : memref<4x64x128xf32, #tpu.memory_space<vmem>> -> memref<1x64x128xf32, #tpu.memory_space<vmem>>
        %scatter3A_522 = tpu.memref_squeeze %scatter3A_521 : memref<1x64x128xf32, #tpu.memory_space<vmem>> -> memref<64x128xf32, #tpu.memory_space<vmem>>
        tpu.vector_store_idx %scatter3A_522[%shift_right_arithmetic3A_40, %add3A_517], %gather3A_475 : memref<64x128xf32, #tpu.memory_space<vmem>>[vector<16xi32>, vector<16xi32>], vector<16xf32>,
        %add3A_523 = arith.addi %and3A_464, %shift_left3A_101 : vector<16xi32>
        %scatter3A_524 = arith.constant 0 : i32
        %scatter3A_525 = arith.constant 0 : i32
        %scatter3A_526 = arith.constant 0 : i32
        %scatter3A_527 = tpu.memref_slice %arg6[%scatter3A_524, %scatter3A_525, %scatter3A_526] : memref<4x64x128xf32, #tpu.memory_space<vmem>> -> memref<1x64x128xf32, #tpu.memory_space<vmem>>
        %scatter3A_528 = tpu.memref_squeeze %scatter3A_527 : memref<1x64x128xf32, #tpu.memory_space<vmem>> -> memref<64x128xf32, #tpu.memory_space<vmem>>
        tpu.vector_store_idx %scatter3A_528[%shift_right_arithmetic3A_46, %add3A_523], %gather3A_481 : memref<64x128xf32, #tpu.memory_space<vmem>>[vector<16xi32>, vector<16xi32>], vector<16xf32>,
        %add3A_529 = arith.addi %and3A_464, %shift_left3A_110 : vector<16xi32>
        %scatter3A_530 = arith.constant 0 : i32
        %scatter3A_531 = arith.constant 0 : i32
        %scatter3A_532 = arith.constant 0 : i32
        %scatter3A_533 = tpu.memref_slice %arg6[%scatter3A_530, %scatter3A_531, %scatter3A_532] : memref<4x64x128xf32, #tpu.memory_space<vmem>> -> memref<1x64x128xf32, #tpu.memory_space<vmem>>
        %scatter3A_534 = tpu.memref_squeeze %scatter3A_533 : memref<1x64x128xf32, #tpu.memory_space<vmem>> -> memref<64x128xf32, #tpu.memory_space<vmem>>
        tpu.vector_store_idx %scatter3A_534[%shift_right_arithmetic3A_52, %add3A_529], %gather3A_487 : memref<64x128xf32, #tpu.memory_space<vmem>>[vector<16xi32>, vector<16xi32>], vector<16xf32>,
        %add3A_535 = arith.addi %and3A_464, %shift_left3A_119 : vector<16xi32>
        %scatter3A_536 = arith.constant 0 : i32
        %scatter3A_537 = arith.constant 0 : i32
        %scatter3A_538 = arith.constant 0 : i32
        %scatter3A_539 = tpu.memref_slice %arg6[%scatter3A_536, %scatter3A_537, %scatter3A_538] : memref<4x64x128xf32, #tpu.memory_space<vmem>> -> memref<1x64x128xf32, #tpu.memory_space<vmem>>
        %scatter3A_540 = tpu.memref_squeeze %scatter3A_539 : memref<1x64x128xf32, #tpu.memory_space<vmem>> -> memref<64x128xf32, #tpu.memory_space<vmem>>
        tpu.vector_store_idx %scatter3A_540[%shift_right_arithmetic3A_58, %add3A_535], %gather3A_493 : memref<64x128xf32, #tpu.memory_space<vmem>>[vector<16xi32>, vector<16xi32>], vector<16xf32>,
        %add3A_541 = arith.addi %and3A_464, %shift_left3A_128 : vector<16xi32>
        %scatter3A_542 = arith.constant 0 : i32
        %scatter3A_543 = arith.constant 0 : i32
        %scatter3A_544 = arith.constant 0 : i32
        %scatter3A_545 = tpu.memref_slice %arg6[%scatter3A_542, %scatter3A_543, %scatter3A_544] : memref<4x64x128xf32, #tpu.memory_space<vmem>> -> memref<1x64x128xf32, #tpu.memory_space<vmem>>
        %scatter3A_546 = tpu.memref_squeeze %scatter3A_545 : memref<1x64x128xf32, #tpu.memory_space<vmem>> -> memref<64x128xf32, #tpu.memory_space<vmem>>
        tpu.vector_store_idx %scatter3A_546[%shift_right_arithmetic3A_64, %add3A_541], %gather3A_499 : memref<64x128xf32, #tpu.memory_space<vmem>>[vector<16xi32>, vector<16xi32>], vector<16xf32>,
        %add3A_547 = arith.addi %and3A_464, %shift_left3A_137 : vector<16xi32>
        %scatter3A_548 = arith.constant 0 : i32
        %scatter3A_549 = arith.constant 0 : i32
        %scatter3A_550 = arith.constant 0 : i32
        %scatter3A_551 = tpu.memref_slice %arg6[%scatter3A_548, %scatter3A_549, %scatter3A_550] : memref<4x64x128xf32, #tpu.memory_space<vmem>> -> memref<1x64x128xf32, #tpu.memory_space<vmem>>
        %scatter3A_552 = tpu.memref_squeeze %scatter3A_551 : memref<1x64x128xf32, #tpu.memory_space<vmem>> -> memref<64x128xf32, #tpu.memory_space<vmem>>
        tpu.vector_store_idx %scatter3A_552[%shift_right_arithmetic3A_70, %add3A_547], %gather3A_505 : memref<64x128xf32, #tpu.memory_space<vmem>>[vector<16xi32>, vector<16xi32>], vector<16xf32>,
        %add3A_553 = arith.addi %and3A_464, %shift_left3A_146 : vector<16xi32>
        %scatter3A_554 = arith.constant 0 : i32
        %scatter3A_555 = arith.constant 0 : i32
        %scatter3A_556 = arith.constant 0 : i32
        %scatter3A_557 = tpu.memref_slice %arg6[%scatter3A_554, %scatter3A_555, %scatter3A_556] : memref<4x64x128xf32, #tpu.memory_space<vmem>> -> memref<1x64x128xf32, #tpu.memory_space<vmem>>
        %scatter3A_558 = tpu.memref_squeeze %scatter3A_557 : memref<1x64x128xf32, #tpu.memory_space<vmem>> -> memref<64x128xf32, #tpu.memory_space<vmem>>
        tpu.vector_store_idx %scatter3A_558[%shift_right_arithmetic3A_76, %add3A_553], %gather3A_511 : memref<64x128xf32, #tpu.memory_space<vmem>>[vector<16xi32>, vector<16xi32>], vector<16xf32>,
      }
      %scan3A_457 = arith.constant 64 : i32
      %run_scoped3A_458 = arith.constant 0 : i32
      "tpu.region"() ({
        %run_scoped3A_459 = tpu.sem_alloc : memref<!tpu.dma_semaphore, #tpu.memory_space<semaphore_mem>>
        %dma_start3A_460 = arith.constant 0 : i32
        %dma_start3A_461 = arith.constant 0 : i32
        %dma_start3A_462 = tpu.memref_slice %arg6[%run_scoped3A_458, %dma_start3A_460, %dma_start3A_461] : memref<4x64x128xf32, #tpu.memory_space<vmem>> -> memref<1x64x128xf32, #tpu.memory_space<vmem>>
        %dma_start3A_463 = tpu.memref_squeeze %dma_start3A_462 : memref<1x64x128xf32, #tpu.memory_space<vmem>> -> memref<64x128xf32, #tpu.memory_space<vmem>>
        %dma_start3A_464 = arith.constant 499776 : i32
        %dma_start3A_465 = arith.constant 0 : i32
        %dma_start3A_466 = tpu.memref_slice %arg4[%dma_start3A_464, %dma_start3A_465] : memref<500000x128xf32, #tpu.memory_space<hbm>> -> memref<64x128xf32, #tpu.memory_space<hbm>>
        %dma_start3A_467 = arith.constant 499776 : i32
        %dma_start3A_468 = arith.constant 0 : i32
        %dma_start3A_469 = tpu.memref_slice %arg4[%dma_start3A_467, %dma_start3A_468] : memref<500000x128xf32, #tpu.memory_space<hbm>> -> memref<64x128xf32, #tpu.memory_space<hbm>>
        %dma_start3A_470 = arith.constant 0 : i32
        %dma_start3A_471 = arith.constant 0 : i32
        %dma_start3A_472 = tpu.memref_slice %arg6[%run_scoped3A_458, %dma_start3A_470, %dma_start3A_471] : memref<4x64x128xf32, #tpu.memory_space<vmem>> -> memref<1x64x128xf32, #tpu.memory_space<vmem>>
        %dma_start3A_473 = tpu.memref_squeeze %dma_start3A_472 : memref<1x64x128xf32, #tpu.memory_space<vmem>> -> memref<64x128xf32, #tpu.memory_space<vmem>>
        tpu.enqueue_dma source(%dma_start3A_473 : memref<64x128xf32, #tpu.memory_space<vmem>>) target(%dma_start3A_469 : memref<64x128xf32, #tpu.memory_space<hbm>>) target_semaphore(%run_scoped3A_459 : memref<!tpu.dma_semaphore, #tpu.memory_space<semaphore_mem>>)
        %dma_wait3A_474 = arith.constant 0 : i32
        %dma_wait3A_475 = arith.constant 0 : i32
        %dma_wait3A_476 = tpu.memref_slice %arg6[%run_scoped3A_458, %dma_wait3A_474, %dma_wait3A_475] : memref<4x64x128xf32, #tpu.memory_space<vmem>> -> memref<1x64x128xf32, #tpu.memory_space<vmem>>
        %dma_wait3A_477 = tpu.memref_squeeze %dma_wait3A_476 : memref<1x64x128xf32, #tpu.memory_space<vmem>> -> memref<64x128xf32, #tpu.memory_space<vmem>>
        %dma_wait3A_478 = arith.constant 499776 : i32
        %dma_wait3A_479 = arith.constant 0 : i32
        %dma_wait3A_480 = tpu.memref_slice %arg4[%dma_wait3A_478, %dma_wait3A_479] : memref<500000x128xf32, #tpu.memory_space<hbm>> -> memref<64x128xf32, #tpu.memory_space<hbm>>
        %dma_wait3A_481 = arith.constant 499776 : i32
        %dma_wait3A_482 = arith.constant 0 : i32
        %dma_wait3A_483 = tpu.memref_slice %arg4[%dma_wait3A_481, %dma_wait3A_482] : memref<500000x128xf32, #tpu.memory_space<hbm>> -> memref<64x128xf32, #tpu.memory_space<hbm>>
        %dma_wait3A_484 = arith.constant 0 : i32
        %dma_wait3A_485 = arith.constant 0 : i32
        %dma_wait3A_486 = tpu.memref_slice %arg6[%run_scoped3A_458, %dma_wait3A_484, %dma_wait3A_485] : memref<4x64x128xf32, #tpu.memory_space<vmem>> -> memref<1x64x128xf32, #tpu.memory_space<vmem>>
        %dma_wait3A_487 = tpu.memref_squeeze %dma_wait3A_486 : memref<1x64x128xf32, #tpu.memory_space<vmem>> -> memref<64x128xf32, #tpu.memory_space<vmem>>
        tpu.wait_dma2 semaphore(%run_scoped3A_459 : memref<!tpu.dma_semaphore, #tpu.memory_space<semaphore_mem>>) src(%dma_wait3A_487 : memref<64x128xf32, #tpu.memory_space<vmem>>) dst(%dma_wait3A_483 : memref<64x128xf32, #tpu.memory_space<hbm>>)
        tpu.yield
      }) : () -> ()
    } else {
    }
    %eq3A_437 = arith.constant 2 : i32
    %eq3A_438 = arith.cmpi eq, %add3A, %eq3A_437 : i32
    %convert_element_type3A_439 = arith.extui %eq3A_438 : i1 to i32
    %cond3A_440 = arith.constant 0 : i32
    %cond3A_441 = arith.cmpi ne, %convert_element_type3A_439, %cond3A_440 : i32
    scf.if %cond3A_441 {
      %run_scoped3A = arith.constant 0 : i32
      "tpu.region"() ({
        %run_scoped3A_459 = tpu.sem_alloc : memref<!tpu.dma_semaphore, #tpu.memory_space<semaphore_mem>>
        %dma_start3A_460 = arith.constant 0 : i32
        %dma_start3A_461 = arith.constant 0 : i32
        %dma_start3A_462 = tpu.memref_slice %arg5[%run_scoped3A, %dma_start3A_460, %dma_start3A_461] : memref<4x64x128xf32, #tpu.memory_space<vmem>> -> memref<1x64x128xf32, #tpu.memory_space<vmem>>
        %dma_start3A_463 = tpu.memref_squeeze %dma_start3A_462 : memref<1x64x128xf32, #tpu.memory_space<vmem>> -> memref<64x128xf32, #tpu.memory_space<vmem>>
        %dma_start3A_464 = arith.constant 0 : i32
        %dma_start3A_465 = arith.constant 999680 : i32
        %dma_start3A_466 = tpu.memref_slice %arg2[%dma_start3A_464, %dma_start3A_465] : memref<64x1000000xf32, #tpu.memory_space<hbm>> -> memref<64x128xf32, #tpu.memory_space<hbm>>
        %dma_start3A_467 = arith.constant 0 : i32
        %dma_start3A_468 = arith.constant 0 : i32
        %dma_start3A_469 = tpu.memref_slice %arg5[%run_scoped3A, %dma_start3A_467, %dma_start3A_468] : memref<4x64x128xf32, #tpu.memory_space<vmem>> -> memref<1x64x128xf32, #tpu.memory_space<vmem>>
        %dma_start3A_470 = tpu.memref_squeeze %dma_start3A_469 : memref<1x64x128xf32, #tpu.memory_space<vmem>> -> memref<64x128xf32, #tpu.memory_space<vmem>>
        %dma_start3A_471 = arith.constant 0 : i32
        %dma_start3A_472 = arith.constant 999680 : i32
        %dma_start3A_473 = tpu.memref_slice %arg2[%dma_start3A_471, %dma_start3A_472] : memref<64x1000000xf32, #tpu.memory_space<hbm>> -> memref<64x128xf32, #tpu.memory_space<hbm>>
        tpu.enqueue_dma source(%dma_start3A_473 : memref<64x128xf32, #tpu.memory_space<hbm>>) target(%dma_start3A_470 : memref<64x128xf32, #tpu.memory_space<vmem>>) target_semaphore(%run_scoped3A_459 : memref<!tpu.dma_semaphore, #tpu.memory_space<semaphore_mem>>)
        %dma_wait3A_474 = arith.constant 0 : i32
        %dma_wait3A_475 = arith.constant 0 : i32
        %dma_wait3A_476 = tpu.memref_slice %arg5[%run_scoped3A, %dma_wait3A_474, %dma_wait3A_475] : memref<4x64x128xf32, #tpu.memory_space<vmem>> -> memref<1x64x128xf32, #tpu.memory_space<vmem>>
        %dma_wait3A_477 = tpu.memref_squeeze %dma_wait3A_476 : memref<1x64x128xf32, #tpu.memory_space<vmem>> -> memref<64x128xf32, #tpu.memory_space<vmem>>
        %dma_wait3A_478 = arith.constant 0 : i32
        %dma_wait3A_479 = arith.constant 999680 : i32
        %dma_wait3A_480 = tpu.memref_slice %arg2[%dma_wait3A_478, %dma_wait3A_479] : memref<64x1000000xf32, #tpu.memory_space<hbm>> -> memref<64x128xf32, #tpu.memory_space<hbm>>
        %dma_wait3A_481 = arith.constant 0 : i32
        %dma_wait3A_482 = arith.constant 0 : i32
        %dma_wait3A_483 = tpu.memref_slice %arg5[%run_scoped3A, %dma_wait3A_481, %dma_wait3A_482] : memref<4x64x128xf32, #tpu.memory_space<vmem>> -> memref<1x64x128xf32, #tpu.memory_space<vmem>>
        %dma_wait3A_484 = tpu.memref_squeeze %dma_wait3A_483 : memref<1x64x128xf32, #tpu.memory_space<vmem>> -> memref<64x128xf32, #tpu.memory_space<vmem>>
        %dma_wait3A_485 = arith.constant 0 : i32
        %dma_wait3A_486 = arith.constant 999680 : i32
        %dma_wait3A_487 = tpu.memref_slice %arg2[%dma_wait3A_485, %dma_wait3A_486] : memref<64x1000000xf32, #tpu.memory_space<hbm>> -> memref<64x128xf32, #tpu.memory_space<hbm>>
        tpu.wait_dma2 semaphore(%run_scoped3A_459 : memref<!tpu.dma_semaphore, #tpu.memory_space<semaphore_mem>>) src(%dma_wait3A_487 : memref<64x128xf32, #tpu.memory_space<hbm>>) dst(%dma_wait3A_484 : memref<64x128xf32, #tpu.memory_space<vmem>>)
        tpu.yield
      }) : () -> ()
      %scan3A_452 = arith.constant 0 : i32
      %scan3A_453 = arith.constant 0 : i32
      %scan3A_454 = arith.constant 64 : i32
      %scan3A_455 = arith.addi %scan3A_453, %scan3A_454 : i32
      %scan3A_456 = arith.constant 1 : i32
      scf.for %scan3A_459 = %scan3A_453 to %scan3A_455 step %scan3A_456  : i32 {
        %add3A_460 = vector.broadcast %scan3A_459 : i32 to vector<16xi32>
        %add3A_461 = arith.addi %add3A_460, %mul3A_5 : vector<16xi32>
        %and3A_462 = arith.constant 63 : i32
        %and3A_463 = vector.broadcast %and3A_462 : i32 to vector<16xi32>
        %and3A_464 = arith.andi %add3A_461, %and3A_463 : vector<16xi32>
        %gather3A = arith.constant 0 : i32
        %gather3A_465 = arith.constant 0 : i32
        %gather3A_466 = arith.constant 0 : i32
        %gather3A_467 = tpu.memref_slice %arg5[%gather3A, %gather3A_465, %gather3A_466] : memref<4x64x128xf32, #tpu.memory_space<vmem>> -> memref<1x64x128xf32, #tpu.memory_space<vmem>>
        %gather3A_468 = tpu.memref_squeeze %gather3A_467 : memref<1x64x128xf32, #tpu.memory_space<vmem>> -> memref<64x128xf32, #tpu.memory_space<vmem>>
        %gather3A_469 = tpu.vector_load_idx %gather3A_468[%and3A_464, %add3A_8] : memref<64x128xf32, #tpu.memory_space<vmem>>[vector<16xi32>, vector<16xi32>], vector<16xf32>,
        %gather3A_470 = arith.constant 0 : i32
        %gather3A_471 = arith.constant 0 : i32
        %gather3A_472 = arith.constant 0 : i32
        %gather3A_473 = tpu.memref_slice %arg5[%gather3A_470, %gather3A_471, %gather3A_472] : memref<4x64x128xf32, #tpu.memory_space<vmem>> -> memref<1x64x128xf32, #tpu.memory_space<vmem>>
        %gather3A_474 = tpu.memref_squeeze %gather3A_473 : memref<1x64x128xf32, #tpu.memory_space<vmem>> -> memref<64x128xf32, #tpu.memory_space<vmem>>
        %gather3A_475 = tpu.vector_load_idx %gather3A_474[%and3A_464, %add3A_11] : memref<64x128xf32, #tpu.memory_space<vmem>>[vector<16xi32>, vector<16xi32>], vector<16xf32>,
        %gather3A_476 = arith.constant 0 : i32
        %gather3A_477 = arith.constant 0 : i32
        %gather3A_478 = arith.constant 0 : i32
        %gather3A_479 = tpu.memref_slice %arg5[%gather3A_476, %gather3A_477, %gather3A_478] : memref<4x64x128xf32, #tpu.memory_space<vmem>> -> memref<1x64x128xf32, #tpu.memory_space<vmem>>
        %gather3A_480 = tpu.memref_squeeze %gather3A_479 : memref<1x64x128xf32, #tpu.memory_space<vmem>> -> memref<64x128xf32, #tpu.memory_space<vmem>>
        %gather3A_481 = tpu.vector_load_idx %gather3A_480[%and3A_464, %add3A_14] : memref<64x128xf32, #tpu.memory_space<vmem>>[vector<16xi32>, vector<16xi32>], vector<16xf32>,
        %gather3A_482 = arith.constant 0 : i32
        %gather3A_483 = arith.constant 0 : i32
        %gather3A_484 = arith.constant 0 : i32
        %gather3A_485 = tpu.memref_slice %arg5[%gather3A_482, %gather3A_483, %gather3A_484] : memref<4x64x128xf32, #tpu.memory_space<vmem>> -> memref<1x64x128xf32, #tpu.memory_space<vmem>>
        %gather3A_486 = tpu.memref_squeeze %gather3A_485 : memref<1x64x128xf32, #tpu.memory_space<vmem>> -> memref<64x128xf32, #tpu.memory_space<vmem>>
        %gather3A_487 = tpu.vector_load_idx %gather3A_486[%and3A_464, %add3A_17] : memref<64x128xf32, #tpu.memory_space<vmem>>[vector<16xi32>, vector<16xi32>], vector<16xf32>,
        %gather3A_488 = arith.constant 0 : i32
        %gather3A_489 = arith.constant 0 : i32
        %gather3A_490 = arith.constant 0 : i32
        %gather3A_491 = tpu.memref_slice %arg5[%gather3A_488, %gather3A_489, %gather3A_490] : memref<4x64x128xf32, #tpu.memory_space<vmem>> -> memref<1x64x128xf32, #tpu.memory_space<vmem>>
        %gather3A_492 = tpu.memref_squeeze %gather3A_491 : memref<1x64x128xf32, #tpu.memory_space<vmem>> -> memref<64x128xf32, #tpu.memory_space<vmem>>
        %gather3A_493 = tpu.vector_load_idx %gather3A_492[%and3A_464, %add3A_20] : memref<64x128xf32, #tpu.memory_space<vmem>>[vector<16xi32>, vector<16xi32>], vector<16xf32>,
        %gather3A_494 = arith.constant 0 : i32
        %gather3A_495 = arith.constant 0 : i32
        %gather3A_496 = arith.constant 0 : i32
        %gather3A_497 = tpu.memref_slice %arg5[%gather3A_494, %gather3A_495, %gather3A_496] : memref<4x64x128xf32, #tpu.memory_space<vmem>> -> memref<1x64x128xf32, #tpu.memory_space<vmem>>
        %gather3A_498 = tpu.memref_squeeze %gather3A_497 : memref<1x64x128xf32, #tpu.memory_space<vmem>> -> memref<64x128xf32, #tpu.memory_space<vmem>>
        %gather3A_499 = tpu.vector_load_idx %gather3A_498[%and3A_464, %add3A_23] : memref<64x128xf32, #tpu.memory_space<vmem>>[vector<16xi32>, vector<16xi32>], vector<16xf32>,
        %gather3A_500 = arith.constant 0 : i32
        %gather3A_501 = arith.constant 0 : i32
        %gather3A_502 = arith.constant 0 : i32
        %gather3A_503 = tpu.memref_slice %arg5[%gather3A_500, %gather3A_501, %gather3A_502] : memref<4x64x128xf32, #tpu.memory_space<vmem>> -> memref<1x64x128xf32, #tpu.memory_space<vmem>>
        %gather3A_504 = tpu.memref_squeeze %gather3A_503 : memref<1x64x128xf32, #tpu.memory_space<vmem>> -> memref<64x128xf32, #tpu.memory_space<vmem>>
        %gather3A_505 = tpu.vector_load_idx %gather3A_504[%and3A_464, %add3A_26] : memref<64x128xf32, #tpu.memory_space<vmem>>[vector<16xi32>, vector<16xi32>], vector<16xf32>,
        %gather3A_506 = arith.constant 0 : i32
        %gather3A_507 = arith.constant 0 : i32
        %gather3A_508 = arith.constant 0 : i32
        %gather3A_509 = tpu.memref_slice %arg5[%gather3A_506, %gather3A_507, %gather3A_508] : memref<4x64x128xf32, #tpu.memory_space<vmem>> -> memref<1x64x128xf32, #tpu.memory_space<vmem>>
        %gather3A_510 = tpu.memref_squeeze %gather3A_509 : memref<1x64x128xf32, #tpu.memory_space<vmem>> -> memref<64x128xf32, #tpu.memory_space<vmem>>
        %gather3A_511 = tpu.vector_load_idx %gather3A_510[%and3A_464, %add3A_29] : memref<64x128xf32, #tpu.memory_space<vmem>>[vector<16xi32>, vector<16xi32>], vector<16xf32>,
        %add3A_512 = arith.addi %and3A_464, %shift_left3A_83 : vector<16xi32>
        %scatter3A = arith.constant 0 : i32
        %scatter3A_513 = arith.constant 0 : i32
        %scatter3A_514 = arith.constant 0 : i32
        %scatter3A_515 = tpu.memref_slice %arg6[%scatter3A, %scatter3A_513, %scatter3A_514] : memref<4x64x128xf32, #tpu.memory_space<vmem>> -> memref<1x64x128xf32, #tpu.memory_space<vmem>>
        %scatter3A_516 = tpu.memref_squeeze %scatter3A_515 : memref<1x64x128xf32, #tpu.memory_space<vmem>> -> memref<64x128xf32, #tpu.memory_space<vmem>>
        tpu.vector_store_idx %scatter3A_516[%shift_right_arithmetic3A_34, %add3A_512], %gather3A_469 : memref<64x128xf32, #tpu.memory_space<vmem>>[vector<16xi32>, vector<16xi32>], vector<16xf32>,
        %add3A_517 = arith.addi %and3A_464, %shift_left3A_92 : vector<16xi32>
        %scatter3A_518 = arith.constant 0 : i32
        %scatter3A_519 = arith.constant 0 : i32
        %scatter3A_520 = arith.constant 0 : i32
        %scatter3A_521 = tpu.memref_slice %arg6[%scatter3A_518, %scatter3A_519, %scatter3A_520] : memref<4x64x128xf32, #tpu.memory_space<vmem>> -> memref<1x64x128xf32, #tpu.memory_space<vmem>>
        %scatter3A_522 = tpu.memref_squeeze %scatter3A_521 : memref<1x64x128xf32, #tpu.memory_space<vmem>> -> memref<64x128xf32, #tpu.memory_space<vmem>>
        tpu.vector_store_idx %scatter3A_522[%shift_right_arithmetic3A_40, %add3A_517], %gather3A_475 : memref<64x128xf32, #tpu.memory_space<vmem>>[vector<16xi32>, vector<16xi32>], vector<16xf32>,
        %add3A_523 = arith.addi %and3A_464, %shift_left3A_101 : vector<16xi32>
        %scatter3A_524 = arith.constant 0 : i32
        %scatter3A_525 = arith.constant 0 : i32
        %scatter3A_526 = arith.constant 0 : i32
        %scatter3A_527 = tpu.memref_slice %arg6[%scatter3A_524, %scatter3A_525, %scatter3A_526] : memref<4x64x128xf32, #tpu.memory_space<vmem>> -> memref<1x64x128xf32, #tpu.memory_space<vmem>>
        %scatter3A_528 = tpu.memref_squeeze %scatter3A_527 : memref<1x64x128xf32, #tpu.memory_space<vmem>> -> memref<64x128xf32, #tpu.memory_space<vmem>>
        tpu.vector_store_idx %scatter3A_528[%shift_right_arithmetic3A_46, %add3A_523], %gather3A_481 : memref<64x128xf32, #tpu.memory_space<vmem>>[vector<16xi32>, vector<16xi32>], vector<16xf32>,
        %add3A_529 = arith.addi %and3A_464, %shift_left3A_110 : vector<16xi32>
        %scatter3A_530 = arith.constant 0 : i32
        %scatter3A_531 = arith.constant 0 : i32
        %scatter3A_532 = arith.constant 0 : i32
        %scatter3A_533 = tpu.memref_slice %arg6[%scatter3A_530, %scatter3A_531, %scatter3A_532] : memref<4x64x128xf32, #tpu.memory_space<vmem>> -> memref<1x64x128xf32, #tpu.memory_space<vmem>>
        %scatter3A_534 = tpu.memref_squeeze %scatter3A_533 : memref<1x64x128xf32, #tpu.memory_space<vmem>> -> memref<64x128xf32, #tpu.memory_space<vmem>>
        tpu.vector_store_idx %scatter3A_534[%shift_right_arithmetic3A_52, %add3A_529], %gather3A_487 : memref<64x128xf32, #tpu.memory_space<vmem>>[vector<16xi32>, vector<16xi32>], vector<16xf32>,
        %add3A_535 = arith.addi %and3A_464, %shift_left3A_119 : vector<16xi32>
        %scatter3A_536 = arith.constant 0 : i32
        %scatter3A_537 = arith.constant 0 : i32
        %scatter3A_538 = arith.constant 0 : i32
        %scatter3A_539 = tpu.memref_slice %arg6[%scatter3A_536, %scatter3A_537, %scatter3A_538] : memref<4x64x128xf32, #tpu.memory_space<vmem>> -> memref<1x64x128xf32, #tpu.memory_space<vmem>>
        %scatter3A_540 = tpu.memref_squeeze %scatter3A_539 : memref<1x64x128xf32, #tpu.memory_space<vmem>> -> memref<64x128xf32, #tpu.memory_space<vmem>>
        tpu.vector_store_idx %scatter3A_540[%shift_right_arithmetic3A_58, %add3A_535], %gather3A_493 : memref<64x128xf32, #tpu.memory_space<vmem>>[vector<16xi32>, vector<16xi32>], vector<16xf32>,
        %add3A_541 = arith.addi %and3A_464, %shift_left3A_128 : vector<16xi32>
        %scatter3A_542 = arith.constant 0 : i32
        %scatter3A_543 = arith.constant 0 : i32
        %scatter3A_544 = arith.constant 0 : i32
        %scatter3A_545 = tpu.memref_slice %arg6[%scatter3A_542, %scatter3A_543, %scatter3A_544] : memref<4x64x128xf32, #tpu.memory_space<vmem>> -> memref<1x64x128xf32, #tpu.memory_space<vmem>>
        %scatter3A_546 = tpu.memref_squeeze %scatter3A_545 : memref<1x64x128xf32, #tpu.memory_space<vmem>> -> memref<64x128xf32, #tpu.memory_space<vmem>>
        tpu.vector_store_idx %scatter3A_546[%shift_right_arithmetic3A_64, %add3A_541], %gather3A_499 : memref<64x128xf32, #tpu.memory_space<vmem>>[vector<16xi32>, vector<16xi32>], vector<16xf32>,
        %add3A_547 = arith.addi %and3A_464, %shift_left3A_137 : vector<16xi32>
        %scatter3A_548 = arith.constant 0 : i32
        %scatter3A_549 = arith.constant 0 : i32
        %scatter3A_550 = arith.constant 0 : i32
        %scatter3A_551 = tpu.memref_slice %arg6[%scatter3A_548, %scatter3A_549, %scatter3A_550] : memref<4x64x128xf32, #tpu.memory_space<vmem>> -> memref<1x64x128xf32, #tpu.memory_space<vmem>>
        %scatter3A_552 = tpu.memref_squeeze %scatter3A_551 : memref<1x64x128xf32, #tpu.memory_space<vmem>> -> memref<64x128xf32, #tpu.memory_space<vmem>>
        tpu.vector_store_idx %scatter3A_552[%shift_right_arithmetic3A_70, %add3A_547], %gather3A_505 : memref<64x128xf32, #tpu.memory_space<vmem>>[vector<16xi32>, vector<16xi32>], vector<16xf32>,
        %add3A_553 = arith.addi %and3A_464, %shift_left3A_146 : vector<16xi32>
        %scatter3A_554 = arith.constant 0 : i32
        %scatter3A_555 = arith.constant 0 : i32
        %scatter3A_556 = arith.constant 0 : i32
        %scatter3A_557 = tpu.memref_slice %arg6[%scatter3A_554, %scatter3A_555, %scatter3A_556] : memref<4x64x128xf32, #tpu.memory_space<vmem>> -> memref<1x64x128xf32, #tpu.memory_space<vmem>>
        %scatter3A_558 = tpu.memref_squeeze %scatter3A_557 : memref<1x64x128xf32, #tpu.memory_space<vmem>> -> memref<64x128xf32, #tpu.memory_space<vmem>>
        tpu.vector_store_idx %scatter3A_558[%shift_right_arithmetic3A_76, %add3A_553], %gather3A_511 : memref<64x128xf32, #tpu.memory_space<vmem>>[vector<16xi32>, vector<16xi32>], vector<16xf32>,
      }
      %scan3A_457 = arith.constant 64 : i32
      %run_scoped3A_458 = arith.constant 0 : i32
      "tpu.region"() ({
        %run_scoped3A_459 = tpu.sem_alloc : memref<!tpu.dma_semaphore, #tpu.memory_space<semaphore_mem>>
        %dma_start3A_460 = arith.constant 0 : i32
        %dma_start3A_461 = arith.constant 0 : i32
        %dma_start3A_462 = tpu.memref_slice %arg6[%run_scoped3A_458, %dma_start3A_460, %dma_start3A_461] : memref<4x64x128xf32, #tpu.memory_space<vmem>> -> memref<1x64x128xf32, #tpu.memory_space<vmem>>
        %dma_start3A_463 = tpu.memref_squeeze %dma_start3A_462 : memref<1x64x128xf32, #tpu.memory_space<vmem>> -> memref<64x128xf32, #tpu.memory_space<vmem>>
        %dma_start3A_464 = arith.constant 499840 : i32
        %dma_start3A_465 = arith.constant 0 : i32
        %dma_start3A_466 = tpu.memref_slice %arg4[%dma_start3A_464, %dma_start3A_465] : memref<500000x128xf32, #tpu.memory_space<hbm>> -> memref<64x128xf32, #tpu.memory_space<hbm>>
        %dma_start3A_467 = arith.constant 499840 : i32
        %dma_start3A_468 = arith.constant 0 : i32
        %dma_start3A_469 = tpu.memref_slice %arg4[%dma_start3A_467, %dma_start3A_468] : memref<500000x128xf32, #tpu.memory_space<hbm>> -> memref<64x128xf32, #tpu.memory_space<hbm>>
        %dma_start3A_470 = arith.constant 0 : i32
        %dma_start3A_471 = arith.constant 0 : i32
        %dma_start3A_472 = tpu.memref_slice %arg6[%run_scoped3A_458, %dma_start3A_470, %dma_start3A_471] : memref<4x64x128xf32, #tpu.memory_space<vmem>> -> memref<1x64x128xf32, #tpu.memory_space<vmem>>
        %dma_start3A_473 = tpu.memref_squeeze %dma_start3A_472 : memref<1x64x128xf32, #tpu.memory_space<vmem>> -> memref<64x128xf32, #tpu.memory_space<vmem>>
        tpu.enqueue_dma source(%dma_start3A_473 : memref<64x128xf32, #tpu.memory_space<vmem>>) target(%dma_start3A_469 : memref<64x128xf32, #tpu.memory_space<hbm>>) target_semaphore(%run_scoped3A_459 : memref<!tpu.dma_semaphore, #tpu.memory_space<semaphore_mem>>)
        %dma_wait3A_474 = arith.constant 0 : i32
        %dma_wait3A_475 = arith.constant 0 : i32
        %dma_wait3A_476 = tpu.memref_slice %arg6[%run_scoped3A_458, %dma_wait3A_474, %dma_wait3A_475] : memref<4x64x128xf32, #tpu.memory_space<vmem>> -> memref<1x64x128xf32, #tpu.memory_space<vmem>>
        %dma_wait3A_477 = tpu.memref_squeeze %dma_wait3A_476 : memref<1x64x128xf32, #tpu.memory_space<vmem>> -> memref<64x128xf32, #tpu.memory_space<vmem>>
        %dma_wait3A_478 = arith.constant 499840 : i32
        %dma_wait3A_479 = arith.constant 0 : i32
        %dma_wait3A_480 = tpu.memref_slice %arg4[%dma_wait3A_478, %dma_wait3A_479] : memref<500000x128xf32, #tpu.memory_space<hbm>> -> memref<64x128xf32, #tpu.memory_space<hbm>>
        %dma_wait3A_481 = arith.constant 499840 : i32
        %dma_wait3A_482 = arith.constant 0 : i32
        %dma_wait3A_483 = tpu.memref_slice %arg4[%dma_wait3A_481, %dma_wait3A_482] : memref<500000x128xf32, #tpu.memory_space<hbm>> -> memref<64x128xf32, #tpu.memory_space<hbm>>
        %dma_wait3A_484 = arith.constant 0 : i32
        %dma_wait3A_485 = arith.constant 0 : i32
        %dma_wait3A_486 = tpu.memref_slice %arg6[%run_scoped3A_458, %dma_wait3A_484, %dma_wait3A_485] : memref<4x64x128xf32, #tpu.memory_space<vmem>> -> memref<1x64x128xf32, #tpu.memory_space<vmem>>
        %dma_wait3A_487 = tpu.memref_squeeze %dma_wait3A_486 : memref<1x64x128xf32, #tpu.memory_space<vmem>> -> memref<64x128xf32, #tpu.memory_space<vmem>>
        tpu.wait_dma2 semaphore(%run_scoped3A_459 : memref<!tpu.dma_semaphore, #tpu.memory_space<semaphore_mem>>) src(%dma_wait3A_487 : memref<64x128xf32, #tpu.memory_space<vmem>>) dst(%dma_wait3A_483 : memref<64x128xf32, #tpu.memory_space<hbm>>)
        tpu.yield
      }) : () -> ()
    } else {
    }
    %eq3A_442 = arith.constant 3 : i32
    %eq3A_443 = arith.cmpi eq, %add3A, %eq3A_442 : i32
    %convert_element_type3A_444 = arith.extui %eq3A_443 : i1 to i32
    %cond3A_445 = arith.constant 0 : i32
    %cond3A_446 = arith.cmpi ne, %convert_element_type3A_444, %cond3A_445 : i32
    scf.if %cond3A_446 {
      %run_scoped3A = arith.constant 0 : i32
      "tpu.region"() ({
        %run_scoped3A_459 = tpu.sem_alloc : memref<!tpu.dma_semaphore, #tpu.memory_space<semaphore_mem>>
        %dma_start3A_460 = arith.constant 0 : i32
        %dma_start3A_461 = arith.constant 0 : i32
        %dma_start3A_462 = tpu.memref_slice %arg5[%run_scoped3A, %dma_start3A_460, %dma_start3A_461] : memref<4x64x128xf32, #tpu.memory_space<vmem>> -> memref<1x64x128xf32, #tpu.memory_space<vmem>>
        %dma_start3A_463 = tpu.memref_squeeze %dma_start3A_462 : memref<1x64x128xf32, #tpu.memory_space<vmem>> -> memref<64x128xf32, #tpu.memory_space<vmem>>
        %dma_start3A_464 = arith.constant 0 : i32
        %dma_start3A_465 = arith.constant 999808 : i32
        %dma_start3A_466 = tpu.memref_slice %arg2[%dma_start3A_464, %dma_start3A_465] : memref<64x1000000xf32, #tpu.memory_space<hbm>> -> memref<64x128xf32, #tpu.memory_space<hbm>>
        %dma_start3A_467 = arith.constant 0 : i32
        %dma_start3A_468 = arith.constant 0 : i32
        %dma_start3A_469 = tpu.memref_slice %arg5[%run_scoped3A, %dma_start3A_467, %dma_start3A_468] : memref<4x64x128xf32, #tpu.memory_space<vmem>> -> memref<1x64x128xf32, #tpu.memory_space<vmem>>
        %dma_start3A_470 = tpu.memref_squeeze %dma_start3A_469 : memref<1x64x128xf32, #tpu.memory_space<vmem>> -> memref<64x128xf32, #tpu.memory_space<vmem>>
        %dma_start3A_471 = arith.constant 0 : i32
        %dma_start3A_472 = arith.constant 999808 : i32
        %dma_start3A_473 = tpu.memref_slice %arg2[%dma_start3A_471, %dma_start3A_472] : memref<64x1000000xf32, #tpu.memory_space<hbm>> -> memref<64x128xf32, #tpu.memory_space<hbm>>
        tpu.enqueue_dma source(%dma_start3A_473 : memref<64x128xf32, #tpu.memory_space<hbm>>) target(%dma_start3A_470 : memref<64x128xf32, #tpu.memory_space<vmem>>) target_semaphore(%run_scoped3A_459 : memref<!tpu.dma_semaphore, #tpu.memory_space<semaphore_mem>>)
        %dma_wait3A_474 = arith.constant 0 : i32
        %dma_wait3A_475 = arith.constant 0 : i32
        %dma_wait3A_476 = tpu.memref_slice %arg5[%run_scoped3A, %dma_wait3A_474, %dma_wait3A_475] : memref<4x64x128xf32, #tpu.memory_space<vmem>> -> memref<1x64x128xf32, #tpu.memory_space<vmem>>
        %dma_wait3A_477 = tpu.memref_squeeze %dma_wait3A_476 : memref<1x64x128xf32, #tpu.memory_space<vmem>> -> memref<64x128xf32, #tpu.memory_space<vmem>>
        %dma_wait3A_478 = arith.constant 0 : i32
        %dma_wait3A_479 = arith.constant 999808 : i32
        %dma_wait3A_480 = tpu.memref_slice %arg2[%dma_wait3A_478, %dma_wait3A_479] : memref<64x1000000xf32, #tpu.memory_space<hbm>> -> memref<64x128xf32, #tpu.memory_space<hbm>>
        %dma_wait3A_481 = arith.constant 0 : i32
        %dma_wait3A_482 = arith.constant 0 : i32
        %dma_wait3A_483 = tpu.memref_slice %arg5[%run_scoped3A, %dma_wait3A_481, %dma_wait3A_482] : memref<4x64x128xf32, #tpu.memory_space<vmem>> -> memref<1x64x128xf32, #tpu.memory_space<vmem>>
        %dma_wait3A_484 = tpu.memref_squeeze %dma_wait3A_483 : memref<1x64x128xf32, #tpu.memory_space<vmem>> -> memref<64x128xf32, #tpu.memory_space<vmem>>
        %dma_wait3A_485 = arith.constant 0 : i32
        %dma_wait3A_486 = arith.constant 999808 : i32
        %dma_wait3A_487 = tpu.memref_slice %arg2[%dma_wait3A_485, %dma_wait3A_486] : memref<64x1000000xf32, #tpu.memory_space<hbm>> -> memref<64x128xf32, #tpu.memory_space<hbm>>
        tpu.wait_dma2 semaphore(%run_scoped3A_459 : memref<!tpu.dma_semaphore, #tpu.memory_space<semaphore_mem>>) src(%dma_wait3A_487 : memref<64x128xf32, #tpu.memory_space<hbm>>) dst(%dma_wait3A_484 : memref<64x128xf32, #tpu.memory_space<vmem>>)
        tpu.yield
      }) : () -> ()
      %scan3A_452 = arith.constant 0 : i32
      %scan3A_453 = arith.constant 0 : i32
      %scan3A_454 = arith.constant 64 : i32
      %scan3A_455 = arith.addi %scan3A_453, %scan3A_454 : i32
      %scan3A_456 = arith.constant 1 : i32
      scf.for %scan3A_459 = %scan3A_453 to %scan3A_455 step %scan3A_456  : i32 {
        %add3A_460 = vector.broadcast %scan3A_459 : i32 to vector<16xi32>
        %add3A_461 = arith.addi %add3A_460, %mul3A_5 : vector<16xi32>
        %and3A_462 = arith.constant 63 : i32
        %and3A_463 = vector.broadcast %and3A_462 : i32 to vector<16xi32>
        %and3A_464 = arith.andi %add3A_461, %and3A_463 : vector<16xi32>
        %gather3A = arith.constant 0 : i32
        %gather3A_465 = arith.constant 0 : i32
        %gather3A_466 = arith.constant 0 : i32
        %gather3A_467 = tpu.memref_slice %arg5[%gather3A, %gather3A_465, %gather3A_466] : memref<4x64x128xf32, #tpu.memory_space<vmem>> -> memref<1x64x128xf32, #tpu.memory_space<vmem>>
        %gather3A_468 = tpu.memref_squeeze %gather3A_467 : memref<1x64x128xf32, #tpu.memory_space<vmem>> -> memref<64x128xf32, #tpu.memory_space<vmem>>
        %gather3A_469 = tpu.vector_load_idx %gather3A_468[%and3A_464, %add3A_8] : memref<64x128xf32, #tpu.memory_space<vmem>>[vector<16xi32>, vector<16xi32>], vector<16xf32>,
        %gather3A_470 = arith.constant 0 : i32
        %gather3A_471 = arith.constant 0 : i32
        %gather3A_472 = arith.constant 0 : i32
        %gather3A_473 = tpu.memref_slice %arg5[%gather3A_470, %gather3A_471, %gather3A_472] : memref<4x64x128xf32, #tpu.memory_space<vmem>> -> memref<1x64x128xf32, #tpu.memory_space<vmem>>
        %gather3A_474 = tpu.memref_squeeze %gather3A_473 : memref<1x64x128xf32, #tpu.memory_space<vmem>> -> memref<64x128xf32, #tpu.memory_space<vmem>>
        %gather3A_475 = tpu.vector_load_idx %gather3A_474[%and3A_464, %add3A_11] : memref<64x128xf32, #tpu.memory_space<vmem>>[vector<16xi32>, vector<16xi32>], vector<16xf32>,
        %gather3A_476 = arith.constant 0 : i32
        %gather3A_477 = arith.constant 0 : i32
        %gather3A_478 = arith.constant 0 : i32
        %gather3A_479 = tpu.memref_slice %arg5[%gather3A_476, %gather3A_477, %gather3A_478] : memref<4x64x128xf32, #tpu.memory_space<vmem>> -> memref<1x64x128xf32, #tpu.memory_space<vmem>>
        %gather3A_480 = tpu.memref_squeeze %gather3A_479 : memref<1x64x128xf32, #tpu.memory_space<vmem>> -> memref<64x128xf32, #tpu.memory_space<vmem>>
        %gather3A_481 = tpu.vector_load_idx %gather3A_480[%and3A_464, %add3A_14] : memref<64x128xf32, #tpu.memory_space<vmem>>[vector<16xi32>, vector<16xi32>], vector<16xf32>,
        %gather3A_482 = arith.constant 0 : i32
        %gather3A_483 = arith.constant 0 : i32
        %gather3A_484 = arith.constant 0 : i32
        %gather3A_485 = tpu.memref_slice %arg5[%gather3A_482, %gather3A_483, %gather3A_484] : memref<4x64x128xf32, #tpu.memory_space<vmem>> -> memref<1x64x128xf32, #tpu.memory_space<vmem>>
        %gather3A_486 = tpu.memref_squeeze %gather3A_485 : memref<1x64x128xf32, #tpu.memory_space<vmem>> -> memref<64x128xf32, #tpu.memory_space<vmem>>
        %gather3A_487 = tpu.vector_load_idx %gather3A_486[%and3A_464, %add3A_17] : memref<64x128xf32, #tpu.memory_space<vmem>>[vector<16xi32>, vector<16xi32>], vector<16xf32>,
        %gather3A_488 = arith.constant 0 : i32
        %gather3A_489 = arith.constant 0 : i32
        %gather3A_490 = arith.constant 0 : i32
        %gather3A_491 = tpu.memref_slice %arg5[%gather3A_488, %gather3A_489, %gather3A_490] : memref<4x64x128xf32, #tpu.memory_space<vmem>> -> memref<1x64x128xf32, #tpu.memory_space<vmem>>
        %gather3A_492 = tpu.memref_squeeze %gather3A_491 : memref<1x64x128xf32, #tpu.memory_space<vmem>> -> memref<64x128xf32, #tpu.memory_space<vmem>>
        %gather3A_493 = tpu.vector_load_idx %gather3A_492[%and3A_464, %add3A_20] : memref<64x128xf32, #tpu.memory_space<vmem>>[vector<16xi32>, vector<16xi32>], vector<16xf32>,
        %gather3A_494 = arith.constant 0 : i32
        %gather3A_495 = arith.constant 0 : i32
        %gather3A_496 = arith.constant 0 : i32
        %gather3A_497 = tpu.memref_slice %arg5[%gather3A_494, %gather3A_495, %gather3A_496] : memref<4x64x128xf32, #tpu.memory_space<vmem>> -> memref<1x64x128xf32, #tpu.memory_space<vmem>>
        %gather3A_498 = tpu.memref_squeeze %gather3A_497 : memref<1x64x128xf32, #tpu.memory_space<vmem>> -> memref<64x128xf32, #tpu.memory_space<vmem>>
        %gather3A_499 = tpu.vector_load_idx %gather3A_498[%and3A_464, %add3A_23] : memref<64x128xf32, #tpu.memory_space<vmem>>[vector<16xi32>, vector<16xi32>], vector<16xf32>,
        %gather3A_500 = arith.constant 0 : i32
        %gather3A_501 = arith.constant 0 : i32
        %gather3A_502 = arith.constant 0 : i32
        %gather3A_503 = tpu.memref_slice %arg5[%gather3A_500, %gather3A_501, %gather3A_502] : memref<4x64x128xf32, #tpu.memory_space<vmem>> -> memref<1x64x128xf32, #tpu.memory_space<vmem>>
        %gather3A_504 = tpu.memref_squeeze %gather3A_503 : memref<1x64x128xf32, #tpu.memory_space<vmem>> -> memref<64x128xf32, #tpu.memory_space<vmem>>
        %gather3A_505 = tpu.vector_load_idx %gather3A_504[%and3A_464, %add3A_26] : memref<64x128xf32, #tpu.memory_space<vmem>>[vector<16xi32>, vector<16xi32>], vector<16xf32>,
        %gather3A_506 = arith.constant 0 : i32
        %gather3A_507 = arith.constant 0 : i32
        %gather3A_508 = arith.constant 0 : i32
        %gather3A_509 = tpu.memref_slice %arg5[%gather3A_506, %gather3A_507, %gather3A_508] : memref<4x64x128xf32, #tpu.memory_space<vmem>> -> memref<1x64x128xf32, #tpu.memory_space<vmem>>
        %gather3A_510 = tpu.memref_squeeze %gather3A_509 : memref<1x64x128xf32, #tpu.memory_space<vmem>> -> memref<64x128xf32, #tpu.memory_space<vmem>>
        %gather3A_511 = tpu.vector_load_idx %gather3A_510[%and3A_464, %add3A_29] : memref<64x128xf32, #tpu.memory_space<vmem>>[vector<16xi32>, vector<16xi32>], vector<16xf32>,
        %add3A_512 = arith.addi %and3A_464, %shift_left3A_83 : vector<16xi32>
        %scatter3A = arith.constant 0 : i32
        %scatter3A_513 = arith.constant 0 : i32
        %scatter3A_514 = arith.constant 0 : i32
        %scatter3A_515 = tpu.memref_slice %arg6[%scatter3A, %scatter3A_513, %scatter3A_514] : memref<4x64x128xf32, #tpu.memory_space<vmem>> -> memref<1x64x128xf32, #tpu.memory_space<vmem>>
        %scatter3A_516 = tpu.memref_squeeze %scatter3A_515 : memref<1x64x128xf32, #tpu.memory_space<vmem>> -> memref<64x128xf32, #tpu.memory_space<vmem>>
        tpu.vector_store_idx %scatter3A_516[%shift_right_arithmetic3A_34, %add3A_512], %gather3A_469 : memref<64x128xf32, #tpu.memory_space<vmem>>[vector<16xi32>, vector<16xi32>], vector<16xf32>,
        %add3A_517 = arith.addi %and3A_464, %shift_left3A_92 : vector<16xi32>
        %scatter3A_518 = arith.constant 0 : i32
        %scatter3A_519 = arith.constant 0 : i32
        %scatter3A_520 = arith.constant 0 : i32
        %scatter3A_521 = tpu.memref_slice %arg6[%scatter3A_518, %scatter3A_519, %scatter3A_520] : memref<4x64x128xf32, #tpu.memory_space<vmem>> -> memref<1x64x128xf32, #tpu.memory_space<vmem>>
        %scatter3A_522 = tpu.memref_squeeze %scatter3A_521 : memref<1x64x128xf32, #tpu.memory_space<vmem>> -> memref<64x128xf32, #tpu.memory_space<vmem>>
        tpu.vector_store_idx %scatter3A_522[%shift_right_arithmetic3A_40, %add3A_517], %gather3A_475 : memref<64x128xf32, #tpu.memory_space<vmem>>[vector<16xi32>, vector<16xi32>], vector<16xf32>,
        %add3A_523 = arith.addi %and3A_464, %shift_left3A_101 : vector<16xi32>
        %scatter3A_524 = arith.constant 0 : i32
        %scatter3A_525 = arith.constant 0 : i32
        %scatter3A_526 = arith.constant 0 : i32
        %scatter3A_527 = tpu.memref_slice %arg6[%scatter3A_524, %scatter3A_525, %scatter3A_526] : memref<4x64x128xf32, #tpu.memory_space<vmem>> -> memref<1x64x128xf32, #tpu.memory_space<vmem>>
        %scatter3A_528 = tpu.memref_squeeze %scatter3A_527 : memref<1x64x128xf32, #tpu.memory_space<vmem>> -> memref<64x128xf32, #tpu.memory_space<vmem>>
        tpu.vector_store_idx %scatter3A_528[%shift_right_arithmetic3A_46, %add3A_523], %gather3A_481 : memref<64x128xf32, #tpu.memory_space<vmem>>[vector<16xi32>, vector<16xi32>], vector<16xf32>,
        %add3A_529 = arith.addi %and3A_464, %shift_left3A_110 : vector<16xi32>
        %scatter3A_530 = arith.constant 0 : i32
        %scatter3A_531 = arith.constant 0 : i32
        %scatter3A_532 = arith.constant 0 : i32
        %scatter3A_533 = tpu.memref_slice %arg6[%scatter3A_530, %scatter3A_531, %scatter3A_532] : memref<4x64x128xf32, #tpu.memory_space<vmem>> -> memref<1x64x128xf32, #tpu.memory_space<vmem>>
        %scatter3A_534 = tpu.memref_squeeze %scatter3A_533 : memref<1x64x128xf32, #tpu.memory_space<vmem>> -> memref<64x128xf32, #tpu.memory_space<vmem>>
        tpu.vector_store_idx %scatter3A_534[%shift_right_arithmetic3A_52, %add3A_529], %gather3A_487 : memref<64x128xf32, #tpu.memory_space<vmem>>[vector<16xi32>, vector<16xi32>], vector<16xf32>,
        %add3A_535 = arith.addi %and3A_464, %shift_left3A_119 : vector<16xi32>
        %scatter3A_536 = arith.constant 0 : i32
        %scatter3A_537 = arith.constant 0 : i32
        %scatter3A_538 = arith.constant 0 : i32
        %scatter3A_539 = tpu.memref_slice %arg6[%scatter3A_536, %scatter3A_537, %scatter3A_538] : memref<4x64x128xf32, #tpu.memory_space<vmem>> -> memref<1x64x128xf32, #tpu.memory_space<vmem>>
        %scatter3A_540 = tpu.memref_squeeze %scatter3A_539 : memref<1x64x128xf32, #tpu.memory_space<vmem>> -> memref<64x128xf32, #tpu.memory_space<vmem>>
        tpu.vector_store_idx %scatter3A_540[%shift_right_arithmetic3A_58, %add3A_535], %gather3A_493 : memref<64x128xf32, #tpu.memory_space<vmem>>[vector<16xi32>, vector<16xi32>], vector<16xf32>,
        %add3A_541 = arith.addi %and3A_464, %shift_left3A_128 : vector<16xi32>
        %scatter3A_542 = arith.constant 0 : i32
        %scatter3A_543 = arith.constant 0 : i32
        %scatter3A_544 = arith.constant 0 : i32
        %scatter3A_545 = tpu.memref_slice %arg6[%scatter3A_542, %scatter3A_543, %scatter3A_544] : memref<4x64x128xf32, #tpu.memory_space<vmem>> -> memref<1x64x128xf32, #tpu.memory_space<vmem>>
        %scatter3A_546 = tpu.memref_squeeze %scatter3A_545 : memref<1x64x128xf32, #tpu.memory_space<vmem>> -> memref<64x128xf32, #tpu.memory_space<vmem>>
        tpu.vector_store_idx %scatter3A_546[%shift_right_arithmetic3A_64, %add3A_541], %gather3A_499 : memref<64x128xf32, #tpu.memory_space<vmem>>[vector<16xi32>, vector<16xi32>], vector<16xf32>,
        %add3A_547 = arith.addi %and3A_464, %shift_left3A_137 : vector<16xi32>
        %scatter3A_548 = arith.constant 0 : i32
        %scatter3A_549 = arith.constant 0 : i32
        %scatter3A_550 = arith.constant 0 : i32
        %scatter3A_551 = tpu.memref_slice %arg6[%scatter3A_548, %scatter3A_549, %scatter3A_550] : memref<4x64x128xf32, #tpu.memory_space<vmem>> -> memref<1x64x128xf32, #tpu.memory_space<vmem>>
        %scatter3A_552 = tpu.memref_squeeze %scatter3A_551 : memref<1x64x128xf32, #tpu.memory_space<vmem>> -> memref<64x128xf32, #tpu.memory_space<vmem>>
        tpu.vector_store_idx %scatter3A_552[%shift_right_arithmetic3A_70, %add3A_547], %gather3A_505 : memref<64x128xf32, #tpu.memory_space<vmem>>[vector<16xi32>, vector<16xi32>], vector<16xf32>,
        %add3A_553 = arith.addi %and3A_464, %shift_left3A_146 : vector<16xi32>
        %scatter3A_554 = arith.constant 0 : i32
        %scatter3A_555 = arith.constant 0 : i32
        %scatter3A_556 = arith.constant 0 : i32
        %scatter3A_557 = tpu.memref_slice %arg6[%scatter3A_554, %scatter3A_555, %scatter3A_556] : memref<4x64x128xf32, #tpu.memory_space<vmem>> -> memref<1x64x128xf32, #tpu.memory_space<vmem>>
        %scatter3A_558 = tpu.memref_squeeze %scatter3A_557 : memref<1x64x128xf32, #tpu.memory_space<vmem>> -> memref<64x128xf32, #tpu.memory_space<vmem>>
        tpu.vector_store_idx %scatter3A_558[%shift_right_arithmetic3A_76, %add3A_553], %gather3A_511 : memref<64x128xf32, #tpu.memory_space<vmem>>[vector<16xi32>, vector<16xi32>], vector<16xf32>,
      }
      %scan3A_457 = arith.constant 64 : i32
      %run_scoped3A_458 = arith.constant 0 : i32
      "tpu.region"() ({
        %run_scoped3A_459 = tpu.sem_alloc : memref<!tpu.dma_semaphore, #tpu.memory_space<semaphore_mem>>
        %dma_start3A_460 = arith.constant 0 : i32
        %dma_start3A_461 = arith.constant 0 : i32
        %dma_start3A_462 = tpu.memref_slice %arg6[%run_scoped3A_458, %dma_start3A_460, %dma_start3A_461] : memref<4x64x128xf32, #tpu.memory_space<vmem>> -> memref<1x64x128xf32, #tpu.memory_space<vmem>>
        %dma_start3A_463 = tpu.memref_squeeze %dma_start3A_462 : memref<1x64x128xf32, #tpu.memory_space<vmem>> -> memref<64x128xf32, #tpu.memory_space<vmem>>
        %dma_start3A_464 = arith.constant 499904 : i32
        %dma_start3A_465 = arith.constant 0 : i32
        %dma_start3A_466 = tpu.memref_slice %arg4[%dma_start3A_464, %dma_start3A_465] : memref<500000x128xf32, #tpu.memory_space<hbm>> -> memref<64x128xf32, #tpu.memory_space<hbm>>
        %dma_start3A_467 = arith.constant 499904 : i32
        %dma_start3A_468 = arith.constant 0 : i32
        %dma_start3A_469 = tpu.memref_slice %arg4[%dma_start3A_467, %dma_start3A_468] : memref<500000x128xf32, #tpu.memory_space<hbm>> -> memref<64x128xf32, #tpu.memory_space<hbm>>
        %dma_start3A_470 = arith.constant 0 : i32
        %dma_start3A_471 = arith.constant 0 : i32
        %dma_start3A_472 = tpu.memref_slice %arg6[%run_scoped3A_458, %dma_start3A_470, %dma_start3A_471] : memref<4x64x128xf32, #tpu.memory_space<vmem>> -> memref<1x64x128xf32, #tpu.memory_space<vmem>>
        %dma_start3A_473 = tpu.memref_squeeze %dma_start3A_472 : memref<1x64x128xf32, #tpu.memory_space<vmem>> -> memref<64x128xf32, #tpu.memory_space<vmem>>
        tpu.enqueue_dma source(%dma_start3A_473 : memref<64x128xf32, #tpu.memory_space<vmem>>) target(%dma_start3A_469 : memref<64x128xf32, #tpu.memory_space<hbm>>) target_semaphore(%run_scoped3A_459 : memref<!tpu.dma_semaphore, #tpu.memory_space<semaphore_mem>>)
        %dma_wait3A_474 = arith.constant 0 : i32
        %dma_wait3A_475 = arith.constant 0 : i32
        %dma_wait3A_476 = tpu.memref_slice %arg6[%run_scoped3A_458, %dma_wait3A_474, %dma_wait3A_475] : memref<4x64x128xf32, #tpu.memory_space<vmem>> -> memref<1x64x128xf32, #tpu.memory_space<vmem>>
        %dma_wait3A_477 = tpu.memref_squeeze %dma_wait3A_476 : memref<1x64x128xf32, #tpu.memory_space<vmem>> -> memref<64x128xf32, #tpu.memory_space<vmem>>
        %dma_wait3A_478 = arith.constant 499904 : i32
        %dma_wait3A_479 = arith.constant 0 : i32
        %dma_wait3A_480 = tpu.memref_slice %arg4[%dma_wait3A_478, %dma_wait3A_479] : memref<500000x128xf32, #tpu.memory_space<hbm>> -> memref<64x128xf32, #tpu.memory_space<hbm>>
        %dma_wait3A_481 = arith.constant 499904 : i32
        %dma_wait3A_482 = arith.constant 0 : i32
        %dma_wait3A_483 = tpu.memref_slice %arg4[%dma_wait3A_481, %dma_wait3A_482] : memref<500000x128xf32, #tpu.memory_space<hbm>> -> memref<64x128xf32, #tpu.memory_space<hbm>>
        %dma_wait3A_484 = arith.constant 0 : i32
        %dma_wait3A_485 = arith.constant 0 : i32
        %dma_wait3A_486 = tpu.memref_slice %arg6[%run_scoped3A_458, %dma_wait3A_484, %dma_wait3A_485] : memref<4x64x128xf32, #tpu.memory_space<vmem>> -> memref<1x64x128xf32, #tpu.memory_space<vmem>>
        %dma_wait3A_487 = tpu.memref_squeeze %dma_wait3A_486 : memref<1x64x128xf32, #tpu.memory_space<vmem>> -> memref<64x128xf32, #tpu.memory_space<vmem>>
        tpu.wait_dma2 semaphore(%run_scoped3A_459 : memref<!tpu.dma_semaphore, #tpu.memory_space<semaphore_mem>>) src(%dma_wait3A_487 : memref<64x128xf32, #tpu.memory_space<vmem>>) dst(%dma_wait3A_483 : memref<64x128xf32, #tpu.memory_space<hbm>>)
        tpu.yield
      }) : () -> ()
    } else {
    }
    %eq3A_447 = arith.constant 31 : i32
    %eq3A_448 = arith.cmpi eq, %add3A, %eq3A_447 : i32
    %convert_element_type3A_449 = arith.extui %eq3A_448 : i1 to i32
    %cond3A_450 = arith.constant 0 : i32
    %cond3A_451 = arith.cmpi ne, %convert_element_type3A_449, %cond3A_450 : i32
    scf.if %cond3A_451 {
      "tpu.region"() ({
        %run_scoped3A = tpu.sem_alloc : memref<!tpu.dma_semaphore, #tpu.memory_space<semaphore_mem>>
        tpu.enqueue_dma source(%arg3 : memref<32x128xf32, #tpu.memory_space<hbm>>) target(%arg7 : memref<32x128xf32, #tpu.memory_space<vmem>>) target_semaphore(%run_scoped3A : memref<!tpu.dma_semaphore, #tpu.memory_space<semaphore_mem>>)
        tpu.wait_dma2 semaphore(%run_scoped3A : memref<!tpu.dma_semaphore, #tpu.memory_space<semaphore_mem>>) src(%arg3 : memref<32x128xf32, #tpu.memory_space<hbm>>) dst(%arg7 : memref<32x128xf32, #tpu.memory_space<vmem>>)
        tpu.yield
      }) : () -> ()
      "tpu.region"() ({
        %run_scoped3A = tpu.sem_alloc : memref<!tpu.dma_semaphore, #tpu.memory_space<semaphore_mem>>
        %dma_start3A_452 = arith.constant 499968 : i32
        %dma_start3A_453 = arith.constant 0 : i32
        %dma_start3A_454 = tpu.memref_slice %arg4[%dma_start3A_452, %dma_start3A_453] : memref<500000x128xf32, #tpu.memory_space<hbm>> -> memref<32x128xf32, #tpu.memory_space<hbm>>
        %dma_start3A_455 = arith.constant 499968 : i32
        %dma_start3A_456 = arith.constant 0 : i32
        %dma_start3A_457 = tpu.memref_slice %arg4[%dma_start3A_455, %dma_start3A_456] : memref<500000x128xf32, #tpu.memory_space<hbm>> -> memref<32x128xf32, #tpu.memory_space<hbm>>
        tpu.enqueue_dma source(%arg7 : memref<32x128xf32, #tpu.memory_space<vmem>>) target(%dma_start3A_457 : memref<32x128xf32, #tpu.memory_space<hbm>>) target_semaphore(%run_scoped3A : memref<!tpu.dma_semaphore, #tpu.memory_space<semaphore_mem>>)
        %dma_wait3A_458 = arith.constant 499968 : i32
        %dma_wait3A_459 = arith.constant 0 : i32
        %dma_wait3A_460 = tpu.memref_slice %arg4[%dma_wait3A_458, %dma_wait3A_459] : memref<500000x128xf32, #tpu.memory_space<hbm>> -> memref<32x128xf32, #tpu.memory_space<hbm>>
        %dma_wait3A_461 = arith.constant 499968 : i32
        %dma_wait3A_462 = arith.constant 0 : i32
        %dma_wait3A_463 = tpu.memref_slice %arg4[%dma_wait3A_461, %dma_wait3A_462] : memref<500000x128xf32, #tpu.memory_space<hbm>> -> memref<32x128xf32, #tpu.memory_space<hbm>>
        tpu.wait_dma2 semaphore(%run_scoped3A : memref<!tpu.dma_semaphore, #tpu.memory_space<semaphore_mem>>) src(%arg7 : memref<32x128xf32, #tpu.memory_space<vmem>>) dst(%dma_wait3A_463 : memref<32x128xf32, #tpu.memory_space<hbm>>)
        tpu.yield
      }) : () -> ()
    } else {
    }
    return
  }
}

</mosaic_0001>

<sc_bundles>
// kernel: _transpose.3.cloned.1.call-start
scs
__scs_entry_jumppad:
0x0: {  	(pc) =	sbr.rel $0x88, $3  }
0x1: {  	(tag) =	ssettag $0x0;
	lr =	simm.s32 $0x1  }
0x2: {  	[smem:$0x3F9F] =	sst lr;
	_ =	strace $0xD0000000  }
0x3: {  	_ = 	snop  }
0x4: {  	_ = 	snop  }
0x5: {  	_ = 	snop  }
0x6: {  	_ = 	snop  }
0x7: {  	_ = 	snop  }
__scs_overlays_trampoline_lowered:
0x8: {  	[smem:$0x3FAE] =	sst s0  }
0x9: {  	[smem:$0x3FAF] =	sst s1  }
0xa: {  	[smem:$0x3FB0] =	sst s2  }
0xb: {  	[smem:$0x3FB1] =	sst s3  }
0xc: {  	[smem:$0x3FB2] =	sst s4  }
0xd: {  	[smem:$0x3FB3] =	sst s5  }
0xe: {  	[smem:$0x3FB4] =	sst s6  }
0xf: {  	[smem:$0x3FB5] =	sst s7  }
0x10: {  	[smem:$0x3FB6] =	sst s8  }
0x11: {  	[smem:$0x3FB7] =	sst s9;
	s0 =	simm.s32 @!p0 $0x0  }
0x12: {  	s1 =	sld [smem:$0x3F9D];
	s0 =	simm.s32 @p0 $0x1  }
0x13: {  	[smem:$0x3FB8] =	sst s0;
	s0 =	simm.s32 @!p1 $0x0  }
0x14: {  	s2 =	sld [smem:$0x3F9C];
	s0 =	simm.s32 @p1 $0x1  }
0x15: {  	[smem:$0x3FB9] =	sst s0;
	s0 =	simm.s32 @!p2 $0x0  }
0x16: {  	s3 =	sld [smem:$0x3FDB];
	s0 =	simm.s32 @p2 $0x1  }
0x17: {  	s4 =	simm.s32 $0x1BF5;
	[smem:$0x3FBB] =	sst s0  }
0x18: {  	s0 =	sld [smem:$0x3F9E];
	_ =	swait.ge [sflag:s4], $0x0  }
0x19: {  	s7 =	sld [smem:$0x3F9F]  }
0x1a: {  	s8 =	sadd.s32 $0xFFFFE003, lr  }
0x1b: {  	s9 =	sadd.s32 $0xFFFFFEF7, lr;
	s5 =	simm.s32 $0xFFFFFFFF;
	p2 =	slt.u32 s8, $0xFFFFF086  }
0x1c: {  	p1 =	slt.u32 s9, $0xF7A;
	s5 =	simm.s32 @!p2 $0x0  }
0x1d: {  	s5 =	simm.s32 @p1 $0x1;
	p0 =	seq.s32 s7, s2  }
0x1e: {  	s7 =	smul.u32 @!p0 $0xF7A, s2;
	p2 =	seq.s32 @!p0 s5, $0x0  }
0x1f: {  	s9 =	smul.u32 $0xF7A, s1;
	s8 =	simm.s32 @!p0 $0x1BF5;
	p2 =	por !p2, p0  }
0x20: {  	[sflag:s8] =	ssyncset.s32 @!p0 $0xFFFFF086;
	s6 =	sadd.s32 @!p0 s3, s7;
	s7 =	simm.s32 @!p0 $0x108  }
0x21: {  	s3 =	sadd.s32 s3, s9;
	s6 =	sadd.s32 @!p0 $0x88, s6;
	s7 =	simm.s32 @p2 $0x1082  }
0x22: {  	[simem:s7], [sflag:s8] =	dma.local @!p0 [hbm:s6], $0xF7A  }
0x23: {  	s9 =	sor.u32 $0xD0000000, s2;
	s6 =	simm.s32 $0x108;
	_ =	swait.ge @!p0 [sflag:s8], $0x0  }
0x24: {  	s3 =	sadd.s32 $0x88, s3;
	s6 =	simm.s32 @!p1 $0x1082;
	[sflag:s4] =	ssyncset.s32 $0xFFFFF086  }
0x25: {  	[simem:s6], [sflag:s4] =	dma.local [hbm:s3], $0xF7A  }
0x26: {  	[smem:$0x3F9F] =	sst s1;
	(tag) =	ssettag s2;
	_ =	strace s9  }
0x27: {  	s1 =	sld [smem:$0x3FAF]  }
0x28: {  	s2 =	sld [smem:$0x3FB0]  }
0x29: {  	s4 =	sld [smem:$0x3FB2]  }
0x2a: {  	p0 =	seq.s32 s5, $0x0;
	s5 =	sld [smem:$0x3FB3]  }
0x2b: {  	s6 =	sld [smem:$0x3FB4]  }
0x2c: {  	s7 =	sld [smem:$0x3FB5]  }
0x2d: {  	s3 =	simm.s32 $0x108;
	s8 =	sld [smem:$0x3FB6]  }
0x2e: {  	s3 =	simm.s32 @!p0 $0x1082;
	s9 =	sld [smem:$0x3FB7]  }
0x2f: {  	lr =	sadd.s32 s0, s3;
	s0 =	sld [smem:$0x3FAE]  }
0x30: {  	s3 =	sld [smem:$0x3FB1]  }
0x31: {  	[smem:$0x3FBA] =	sst s10  }
0x32: {  	s10 =	sld [smem:$0x3FB8];
	_ =	sdelay $0x3  }
0x33: {  	p0 =	seq.s32 s10, $0x1;
	s10 =	sld [smem:$0x3FBA];
	_ =	sdelay $0x3  }
0x34: {  	[smem:$0x3FBA] =	sst s10  }
0x35: {  	s10 =	sld [smem:$0x3FB9];
	_ =	sdelay $0x3  }
0x36: {  	p1 =	seq.s32 s10, $0x1;
	s10 =	sld [smem:$0x3FBA];
	_ =	sdelay $0x3  }
0x37: {  	[smem:$0x3FBA] =	sst s10  }
0x38: {  	s10 =	sld [smem:$0x3FBB]  }
0x39: {  	_ = 	snop;
	(pc) =	sbr.ind lr, $3  }
0x3a: {  	_ = 	snop  }
0x3b: {  	_ = 	snop  }
0x3c: {  	p2 =	seq.s32 s10, $0x1;
	s10 =	sld [smem:$0x3FBA]  }
0x3d: {  	_ =	shalt  }
0x3e: {  	_ =	shalt  }
0x3f: {  	_ =	shalt  }
0x40: {  	_ =	shalt  }
0x41: {  	_ =	shalt  }
0x42: {  	_ =	shalt  }
0x43: {  	_ =	shalt  }
0x44: {  	_ =	shalt  }
0x45: {  	_ =	shalt  }
0x46: {  	_ =	shalt  }
0x47: {  	_ =	shalt  }
0x48: {  	_ =	shalt  }
0x49: {  	_ =	shalt  }
0x4a: {  	_ =	shalt  }
0x4b: {  	_ =	shalt  }
0x4c: {  	_ =	shalt  }
0x4d: {  	_ =	shalt  }
0x4e: {  	_ =	shalt  }
0x4f: {  	_ =	shalt  }
0x50: {  	_ =	shalt  }
0x51: {  	_ =	shalt  }
0x52: {  	_ =	shalt  }
0x53: {  	_ =	shalt  }
0x54: {  	_ =	shalt  }
0x55: {  	_ =	shalt  }
0x56: {  	_ =	shalt  }
0x57: {  	_ =	shalt  }
0x58: {  	_ =	shalt  }
0x59: {  	_ =	shalt  }
0x5a: {  	_ =	shalt  }
0x5b: {  	_ =	shalt  }
0x5c: {  	_ =	shalt  }
0x5d: {  	_ =	shalt  }
0x5e: {  	_ =	shalt  }
0x5f: {  	_ =	shalt  }
0x60: {  	_ =	shalt  }
0x61: {  	_ =	shalt  }
0x62: {  	_ =	shalt  }
0x63: {  	_ =	shalt  }
0x64: {  	_ =	shalt  }
0x65: {  	_ =	shalt  }
0x66: {  	_ =	shalt  }
0x67: {  	_ =	shalt  }
0x68: {  	_ =	shalt  }
0x69: {  	_ =	shalt  }
0x6a: {  	_ =	shalt  }
0x6b: {  	_ =	shalt  }
0x6c: {  	_ =	shalt  }
0x6d: {  	_ =	shalt  }
0x6e: {  	_ =	shalt  }
0x6f: {  	_ =	shalt  }
0x70: {  	_ =	shalt  }
0x71: {  	_ =	shalt  }
0x72: {  	_ =	shalt  }
0x73: {  	_ =	shalt  }
0x74: {  	_ =	shalt  }
0x75: {  	_ =	shalt  }
0x76: {  	_ =	shalt  }
0x77: {  	_ =	shalt  }
0x78: {  	_ =	shalt  }
0x79: {  	_ =	shalt  }
0x7a: {  	_ =	shalt  }
0x7b: {  	_ =	shalt  }
0x7c: {  	_ =	shalt  }
0x7d: {  	_ =	shalt  }
0x7e: {  	_ =	shalt  }
0x7f: {  	_ =	shalt  }
0x80: {  	_ =	shalt  }
0x81: {  	_ =	shalt  }
0x82: {  	_ =	shalt  }
0x83: {  	_ =	shalt  }
0x84: {  	_ =	shalt  }
0x85: {  	_ =	shalt  }
0x86: {  	_ =	shalt  }
0x87: {  	_ =	shalt  }
.Lfunc_end0:
.L_simem_size_0:
called_computation_lowered:
.L_overlay_start_0:
0x88: {  	s2 =	sld [smem:$0x3FD9]  }
0x89: {  	s3 =	sld [smem:$0x3FFE];
	_ =	sdelay $0x1  }
0x8a: {  	s1 =	srdreg.scid  }
0x8b: {  	s0 =	sand.u32 $0x1, s1  }
0x8c: {  	s18 =	sshll.u32 s0, $0xA;
	s2 =	sadd.s32 s3, s2  }
0x8d: {  	s2 =	sadd.s32 s2, s18  }
0x8e: {  	[smem:$0x3FC6] =	sst s2  }
0x8f: {  	_ = 	snop  }
0x90: {  	s2 =	sld [smem:$0x3FC9]  }
0x91: {  	s19 =	sld [smem:$0x3FC8]  }
0x92: {  	s4 =	sld [smem:$0x3FD0];
	(tm) =	ssettm $0x1  }
0x93: {  	s5 =	sld [smem:$0x3FFB];
	_ =	sdelay $0x3  }
0x94: {  	_ =	strace s5  }
0x95: {  	s5 =	sld [smem:$0x3FFC];
	_ =	sdelay $0x3  }
0x96: {  	_ =	strace s5  }
0x97: {  	s5 =	sld [smem:$0x3FFD];
	_ =	sdelay $0x3  }
0x98: {  	_ =	strace s5  }
0x99: {  	_ =	strace $0x8FFFFFFF  }
0x9a: {  	s20 =	sld [smem:$0x3FDB];
	_ =	sdelay $0x1  }
0x9b: {  	s6 =	simm.s32 $_scs_section_size  }
0x9c: {  	s7 =	simm.s32 $_size__tile_overlayer_lowered;
	s8 =	simm.s32 $_tile_overlayer_lowered  }
0x9d: {  	s23 =	simm.s32 $0x1BFF;
	s22 =	sshll.u32 s8, $0x1;
	s5 =	sadd.s32 s6, s20  }
0x9e: {  	s9 =	simm.s32 $0x0;
	s21 =	sshll.u32 s7, $0x1;
	s7 =	sadd.s32 s22, s5  }
0x9f: {  	[timem:s9], [sflag:s23] =	dma.local [hbm:s7], s21  }
0xa0: {  	_ =	swait.ge [sflag:s23], s21  }
0xa1: {  	s6 =	ssub.s32 $0x0, s21;
	[sflag:s23] =	ssyncset.done $0x0  }
0xa2: {  	[sflag:s23] =	ssyncadd.s32 s6;
	_ =	sdelay $0x1  }
0xa3: {  	s24 =	simm.s32 $0x1B8B  }
0xa4: {  	_ =	swait.ge [sflag:s24], $0x1  }
0xa5: {  	[sflag:s24] =	ssyncset.done $0x0  }
0xa6: {  	s25 =	simm.s32 $0x1B8E;
	[sflag:s24] =	ssyncadd.s32 $0xFFFFFFFF  }
0xa7: {  	s26 =	simm.s32 $execute0_lowered;
	[smem:$0x3FD2] =	sst s25  }
0xa8: {  	s6 =	sshll.u32 s26, $0x1;
	_ =	strace $0x80000046;
	[dreg:$0x1] =	wrdreg $0xFFFFFFFF  }
0xa9: {  	s28 =	simm.s32 $_size_execute0_lowered;
	s5 =	sadd.s32 s5, s6;
	[dreg:$0x0] =	wrdreg $0x0  }
0xaa: {  	s6 =	sshll.u32 s28, $0x1;
	[dreg:$0x2] =	wrdreg s5  }
0xab: {  	[dreg:$0x3] =	wrdreg s6  }
0xac: {  	[dreg:$0x4] =	wrdreg $0xC0  }
0xad: {  	_ =	task [dreg:s9], $0x5FFFF  }
0xae: {  	[dreg:$0x1] =	wrdreg $0xFFFFFFFF  }
0xaf: {  	[dreg:$0x0] =	wrdreg $0x60  }
0xb0: {  	[dreg:$0x2] =	wrdreg s2  }
0xb1: {  	[dreg:$0x3] =	wrdreg s19  }
0xb2: {  	[dreg:$0x4] =	wrdreg s4  }
0xb3: {  	[dreg:$0x5] =	wrdreg $0x9  }
0xb4: {  	_ =	task.clear_ibuf [dreg:s9], $0x6FFFF;
	_ =	strace $0x90000046  }
0xb5: {  	s29 =	simm.s32 $0x9;
	_ =	strace $0x80000048  }
0xb6: {  	_ =	swait.ge [sflag:s29], $0x1  }
0xb7: {  	[sflag:s29] =	ssyncadd.s32 $0xFFFFFFFF  }
0xb8: {  	_ =	strace $0x90000048  }
0xb9: {  	_ =	sfence  }
0xba: {  	s30 =	sld [smem:$0x0];
	_ =	sdelay $0x2  }
0xbb: {  	s31 =	sshll.u32 s1, $0xD;
	s1 =	sshrl.u32 s1, $0x2  }
0xbc: {  	s3 =	sand.u32 $0x4000, s31;
	s1 =	sadd.s32 s1, s30  }
0xbd: {  	s0 =	sor.u32 s3, s0;
	s1 =	sshll.u32 s1, $0x11  }
0xbe: {  	s0 =	sor.u32 s1, s0  }
0xbf: {  	s0 =	sadd.s32 $0x8F2B, s0  }
0xc0: {  	[sflag:s0] =	ssyncadd.remote.s32 $0x1  }
0xc1: {  	_ =	sfence.sel $0xFFFF  }
0xc2: {  	[dreg:$0x0] =	wrdreg $0xFFFFFFFF;
	(pc) =	sbr.abs _section_cstart, $3  }
0xc3: {  	[dreg:$0x1] =	wrdreg $0xFFFFFFFF  }
0xc4: {  	_ =	task.clear_ibuf [dreg:s9], $0x2FFFF;
	_ =	strace $0x9FFFFFFF  }
0xc5: {  	(tm) =	ssettm $0x7FFFFFFF  }
tec
execute0_lowered:
.L_overlay_start_1:
0x0: {  	(tag) =	ssettag $0x1  }
0x1: {  	s1 =	rddreg [dreg:$0x0];
	s0 =	srdreg.scid  }
0x2: {  	s2 =	stileid.u32;
	s4 =	rddreg [dreg:$0x2];
	s5 =	simm.s32 $0x0  }
0x3: {  	s31 =	simm.s32 $0x400;
	s29 =	simm.s32 $0x3;
	s30 =	simm.s32 $0xC000  }
0x4: {  	s28 =	simm.s32 $0x6;
	s0 =	sand.u32 $0x1, s0;
	s2 =	sshll.u32 s2, $0x1  }
0x5: {  	[smem:$0x7FF] =	sst s5;
	s18 =	sadd.s32 $0xF4080, s1;
	s19 =	sadd.s32 $0x7A0400, s4  }
0x6: {  	s20 =	sadd.s32 $0xF4100, s1;
	_ =	strace $0x80000047;
	[dreg:$0xe] =	wrdreg s18  }
0x7: {  	s21 =	sadd.s32 $0x7A0800, s4;
	s2 =	sor.u32 s0, s2;
	[dreg:$0xf] =	wrdreg s19  }
0x8: {  	s0 =	ssub.s32 $0x2, s0;
	[dreg:$0x10] =	wrdreg s20;
	s3 =	smul.u32 $0xF4, s2  }
0x9: {  	[dreg:$0x11] =	wrdreg s21;
	s20 =	simm.s32 $0x1;
	s7 =	smul.u32 $0x7A00, s2  }
0xa: {  	s21 =	simm.s32 $0x8000;
	s19 =	simm.s32 $0x0;
	s23 =	smul.u32 $0x3D000, s2  }
0xb: {  	s6 =	sshrl.u32 s0, $0x1;
	s25 =	smul.u32 $0x1E8000, s2;
	p0 =	sgt.s32 s2, $0x1  }
0xc: {  	p1 =	seq.s32 s2, $0x0;
	p2 =	seq.s32 s2, $0x1;
	p3 =	seq.s32 s2, $0x2  }
0xd: {  	p4 =	seq.s32 s2, $0x3;
	p5 =	seq.s32 s2, $0x1F;
	s2 =	simm.s32 $0x7A1400  }
0xe: {  	s0 =	ssub.s32 s0, s6;
	s8 =	sor.u32 $0x1, s3;
	s9 =	sadd.s32 s1, s7  }
0xf: {  	s10 =	sor.u32 $0x2, s3;
	s11 =	sshrl.u32 s25, $0x3;
	s14 =	sadd.s32 $0x5, s3  }
0x10: {  	s15 =	sor.u32 $0x3, s3;
	s16 =	sadd.s32 $0x6, s3;
	[dreg:$0x4] =	wrdreg s9  }
0x11: {  	s17 =	sadd.s32 $0x7, s3;
	s0 =	smax.u32 s0, $0x1;
	[dreg:$0xb] =	wrdreg s10  }
0x12: {  	s25 =	sadd.s32 $0xF4000, s1;
	s22 =	sshll.u32 s8, $0x7;
	[dreg:$0x13] =	wrdreg s0  }
0x13: {  	s7 =	sadd.s32 $0x100, s9;
	s24 =	sshll.u32 s8, $0xA;
	[dreg:$0x16] =	wrdreg s25  }
0x14: {  	s26 =	sadd.s32 $0x180, s9;
	s9 =	sadd.s32 $0x4, s3;
	[dreg:$0x6] =	wrdreg s7  }
0x15: {  	s0 =	simm.s32 $0x2000;
	s3 =	simm.s32 $0x4000;
	[dreg:$0x8] =	wrdreg s26  }
0x16: {  	s8 =	simm.s32 $0xE000;
	s6 =	sadd.s32 s1, s22;
	[dreg:$0xa] =	wrdreg s9  }
0x17: {  	s10 =	simm.s32 $0x8;
	s7 =	sadd.s32 s4, s24;
	[dreg:$0x5] =	wrdreg s6  }
0x18: {  	s22 =	sadd.s32 $0xF4180, s1;
	s24 =	sadd.s32 $0x7A1000, s4;
	[dreg:$0x9] =	wrdreg s7  }
0x19: {  	v0 =	vlaneseq.u32;
	s26 =	sadd.s32 $0x7A0000, s4;
	s9 =	simm.s32 $0x7;
	[dreg:$0x12] =	wrdreg s22  }
0x1a: {  	v1 =	vmul.u32 $0x9, v0;
	s6 =	sadd.s32 s4, s23;
	s23 =	sadd.s32 $0x7A0C00, s4;
	[dreg:$0x15] =	wrdreg s24  }
.Ltmp0:
0x1b: {  	v2 =	vor.u32 $0x10, v0;
	v3 =	vor.u32 $0x20, v0;
	v4 =	vmul.u32 $0x40, v0;
	[dreg:$0x17] =	wrdreg s26;
	s22 =	simm.s32 $0x6000;
	(pc) =	sbr.rel .LBB2_1-.Ltmp0, $4  }
0x1c: {  	v5 =	vor.u32 $0x30, v0;
	v6 =	vor.u32 $0x40, v0;
	v7 =	vor.u32 $0x50, v0;
	s24 =	simm.s32 $0xA000;
	[dreg:$0x7] =	wrdreg s6;
	s6 =	sadd.s32 s4, s11  }
0x1d: {  	v8 =	vor.u32 $0x60, v0;
	v9 =	vor.u32 $0x70, v0;
	v10 =	vor.u32 $0x400, v4;
	s26 =	simm.s32 $0x5;
	[dreg:$0x14] =	wrdreg s23;
	s12 =	sadd.s32 $0x3C800, s6  }
0x1e: {  	v11 =	vor.u32 $0x800, v4;
	v12 =	vor.u32 $0xC00, v4;
	v13 =	vor.u32 $0x1000, v4;
	s7 =	simm.s32 $0x4;
	s13 =	sadd.s32 $0x3CC00, s6;
	[dreg:$0xc] =	wrdreg s12  }
0x1f: {  	v14 =	vor.u32 $0x1400, v4;
	v15 =	vor.u32 $0x1800, v4;
	v16 =	vor.u32 $0x1C00, v4;
	s23 =	simm.s32 $0x2;
	s11 =	simm.s32 $0x0;
	[dreg:$0xd] =	wrdreg s13  }
.LBB2_27:
0x20: {  	s6 =	simm.s32 @p5 $0x0;
	s11 =	simm.s32 @p5 $0x10000;
	s12 =	rddreg [dreg:$0x1]  }
0x21: {  	[tilespmem:s11], [sflag:$0x9] =	stream.linear.gather @p5 [hbm4b:s12+s6], $0x1000, $0x38;
	[tilespmem:$0x11000] =	vst v63  }
0x22: {  	s12 =	simm.s32 @p5 $0x9  }
0x23: {  	_ =	swait.ge @p5 [sflag:s12], $0x1000  }
0x24: {  	[sflag:s12] =	ssyncset.done @p5 $0x0  }
0x25: {  	s13 =	rddreg [dreg:$0x15];
	[sflag:s12] =	ssyncadd.s32 @p5 $0xFFFFF000  }
0x26: {  	[hbm4b:s13+s6] =	stream.linear.scatter @p5 [tilespmem:s11], [sflag:$0x9], $0x1000, $0x38;
	[tilespmem:$0x11000] =	vst v63  }
0x27: {  	_ =	swait.ge @p5 [sflag:s12], $0x1000  }
0x28: {  	[sflag:s12] =	ssyncset.done @p5 $0x0  }
0x29: {  	s11 =	rddreg [dreg:$0x18];
	[sflag:s12] =	ssyncadd.s32 @p5 $0xFFFFF000  }
.LBB2_37:
0x2a: {  	s11 =	sadd.s32 $0x1, s11;
	s6 =	rddreg [dreg:$0x13]  }
0x2b: {  	p6 =	sne.s32 s11, s6  }
.Ltmp1:
0x2c: {  	_ = 	snop;
	(pc) =	sbr.rel @!p6 .LBB2_38-.Ltmp1, $1  }
0x2d: {  	_ =	sdelay $0x3  }
.LBB2_1:
0x2e: {  	[dreg:$0x18] =	wrdreg s11  }
0x2f: {  	s6 =	rddreg [dreg:$0x4]  }
0x30: {  	v17 =	vadd.s32 s5, v1;
	[tilespmem:s5], [sflag:$0x1] =	stream.strided.gather [hbm4b:s6+s31], $0x2000, s2, s31, $0x38;
	[tilespmem:$0x11000] =	vst v63  }
0x31: {  	s13 =	rddreg [dreg:$0x5];
	v17 =	vand.u32 $0x3F, v17  }
0x32: {  	v18 =	vshll.u32 v17, $0x7;
	[tilespmem:s0], [sflag:$0x2] =	stream.strided.gather [hbm4b:s13+s31], $0x2000, s2, s31, $0x38;
	[tilespmem:$0x11000] =	vst v63  }
0x33: {  	s18 =	rddreg [dreg:$0x6];
	v19 =	vor.u32 v6, v18  }
0x34: {  	v20 =	vor.u32 v0, v18;
	[tilespmem:s3], [sflag:$0x3] =	stream.strided.gather [hbm4b:s18+s31], $0x2000, s2, s31, $0x38;
	[tilespmem:$0x11000] =	vst v63  }
0x35: {  	v22 =	vor.u32 v3, v18;
	_ =	swait.ge [sflag:s20], $0x2000  }
0x36: {  	v23 =	vor.u32 v2, v18;
	[sflag:s20] =	ssyncset.done $0x0  }
0x37: {  	v25 =	vor.u32 v5, v18;
	[sflag:s20] =	ssyncadd.s32 $0xFFFFE000  }
0x38: {  	v26 =	vor.u32 v7, v18;
	v21 =	vld.idx.msk [tilespmem:v19+s5+$0x0], $0xffff  }
0x39: {  	s25 =	simm.s32 $0x1;
	v34 =	vor.u32 v8, v18;
	v28 =	vld.idx.msk [tilespmem:v20+s5+$0x0], $0xffff  }
0x3a: {  	v24 =	vor.u32 v9, v18;
	v20 =	vadd.s32 s25, v1;
	v27 =	vld.idx.msk [tilespmem:v22+s5+$0x0], $0xffff  }
0x3b: {  	v33 =	vor.u32 v4, v17;
	v35 =	vor.u32 v10, v17;
	v32 =	vld.idx.msk [tilespmem:v23+s5+$0x0], $0xffff;
	v18 =	vand.u32 $0x3F, v20  }
0x3c: {  	v36 =	vor.u32 v11, v17;
	v37 =	vor.u32 v12, v17;
	v30 =	vld.idx.msk [tilespmem:v25+s5+$0x0], $0xffff;
	v29 =	vshll.u32 v18, $0x7  }
0x3d: {  	v19 =	vor.u32 v13, v17;
	v31 =	vld.idx.msk [tilespmem:v26+s5+$0x0], $0xffff;
	v20 =	vor.u32 v13, v18;
	v25 =	vor.u32 v0, v29  }
0x3e: {  	s6 =	simm.s32 $0x2;
	v34 =	vld.idx.msk [tilespmem:v34+s5+$0x0], $0xffff;
	v22 =	vor.u32 v2, v29;
	v26 =	vor.u32 v3, v29;
	v23 =	vor.u32 v5, v29  }
.LBB2_2:
0x3f: {  	p6 =	sne.s32 s6, $0x3F;
	v38 =	vor.u32 v6, v29;
	v39 =	vor.u32 v7, v29;
	v40 =	vld.idx.msk [tilespmem:v24+s5+$0x0], $0xffff;
	v41 =	vor.u32 v14, v17;
	s11 =	smov.u32 s6;
	s6 =	sadd.s32 $0x1, s6  }
0x40: {  	v42 =	vor.u32 v8, v29;
	v24 =	vor.u32 v9, v29;
	[tilespmem:v33+s21+$0x0] =	vst.idx.msk $0xffff, v28  }
0x41: {  	v28 =	vor.u32 v15, v17;
	[tilespmem:v35+s21+$0x0] =	vst.idx.msk $0xffff, v32  }
0x42: {  	[tilespmem:v36+s21+$0x0] =	vst.idx.msk $0xffff, v27;
	v27 =	vor.u32 v16, v17;
	v17 =	vmov v18  }
0x43: {  	[tilespmem:v37+s21+$0x0] =	vst.idx.msk $0xffff, v30  }
0x44: {  	[tilespmem:v19+s21+$0x0] =	vst.idx.msk $0xffff, v21;
	v19 =	vmov v20  }
0x45: {  	[tilespmem:v41+s21+$0x0] =	vst.idx.msk $0xffff, v31  }
0x46: {  	[tilespmem:v28+s21+$0x0] =	vst.idx.msk $0xffff, v34  }
0x47: {  	[tilespmem:v27+s21+$0x0] =	vst.idx.msk $0xffff, v40  }
0x48: {  	v21 =	vld.idx.msk [tilespmem:v38+s5+$0x0], $0xffff  }
0x49: {  	v28 =	vld.idx.msk [tilespmem:v25+s5+$0x0], $0xffff  }
.Ltmp2:
0x4a: {  	v18 =	vadd.s32 s11, v1;
	v27 =	vld.idx.msk [tilespmem:v26+s5+$0x0], $0xffff;
	(pc) =	sbr.rel @p6 .LBB2_2-.Ltmp2, $4  }
0x4b: {  	v18 =	vand.u32 $0x3F, v18;
	v33 =	vor.u32 v4, v17;
	v32 =	vld.idx.msk [tilespmem:v22+s5+$0x0], $0xffff  }
0x4c: {  	v35 =	vor.u32 v10, v17;
	v29 =	vshll.u32 v18, $0x7;
	v20 =	vor.u32 v13, v18;
	v30 =	vld.idx.msk [tilespmem:v23+s5+$0x0], $0xffff  }
0x4d: {  	v36 =	vor.u32 v11, v17;
	v25 =	vor.u32 v0, v29;
	v22 =	vor.u32 v2, v29;
	v31 =	vld.idx.msk [tilespmem:v39+s5+$0x0], $0xffff  }
0x4e: {  	v37 =	vor.u32 v12, v17;
	v26 =	vor.u32 v3, v29;
	v23 =	vor.u32 v5, v29;
	v34 =	vld.idx.msk [tilespmem:v42+s5+$0x0], $0xffff  }
0x4f: {  	_ =	sdelay $0x3  }
0x50: {  	v24 =	vld.idx.msk [tilespmem:v24+s5+$0x0], $0xffff;
	v38 =	vor.u32 v14, v17;
	[tilespmem:v33+s21+$0x0] =	vst.idx.msk $0xffff, v28  }
0x51: {  	v28 =	vor.u32 v15, v17;
	[tilespmem:v35+s21+$0x0] =	vst.idx.msk $0xffff, v32  }
0x52: {  	v17 =	vor.u32 v16, v17;
	[tilespmem:v36+s21+$0x0] =	vst.idx.msk $0xffff, v27  }
0x53: {  	v27 =	vor.u32 v6, v29;
	[tilespmem:v37+s21+$0x0] =	vst.idx.msk $0xffff, v30  }
0x54: {  	[tilespmem:v19+s21+$0x0] =	vst.idx.msk $0xffff, v21  }
0x55: {  	[tilespmem:v38+s21+$0x0] =	vst.idx.msk $0xffff, v31  }
0x56: {  	[tilespmem:v28+s21+$0x0] =	vst.idx.msk $0xffff, v34  }
0x57: {  	[tilespmem:v17+s21+$0x0] =	vst.idx.msk $0xffff, v24  }
0x58: {  	v21 =	vor.u32 v8, v29;
	v19 =	vld.idx.msk [tilespmem:v27+s5+$0x0], $0xffff  }
0x59: {  	v17 =	vor.u32 v7, v29;
	v24 =	vld.idx.msk [tilespmem:v25+s5+$0x0], $0xffff  }
0x5a: {  	v25 =	vor.u32 v9, v29;
	v26 =	vld.idx.msk [tilespmem:v26+s5+$0x0], $0xffff;
	v27 =	vor.u32 v4, v18  }
0x5b: {  	v28 =	vor.u32 v10, v18;
	v22 =	vld.idx.msk [tilespmem:v22+s5+$0x0], $0xffff  }
0x5c: {  	v23 =	vld.idx.msk [tilespmem:v23+s5+$0x0], $0xffff;
	v29 =	vor.u32 v11, v18  }
0x5d: {  	v30 =	vor.u32 v12, v18;
	v21 =	vld.idx.msk [tilespmem:v21+s5+$0x0], $0xffff  }
0x5e: {  	v17 =	vld.idx.msk [tilespmem:v17+s5+$0x0], $0xffff  }
0x5f: {  	v31 =	vor.u32 v14, v18;
	v25 =	vld.idx.msk [tilespmem:v25+s5+$0x0], $0xffff;
	[tilespmem:v27+s21+$0x0] =	vst.idx.msk $0xffff, v24  }
0x60: {  	[tilespmem:v28+s21+$0x0] =	vst.idx.msk $0xffff, v22;
	v22 =	vor.u32 v15, v18  }
0x61: {  	v18 =	vor.u32 v16, v18;
	[tilespmem:v29+s21+$0x0] =	vst.idx.msk $0xffff, v26  }
0x62: {  	[tilespmem:v30+s21+$0x0] =	vst.idx.msk $0xffff, v23  }
0x63: {  	[tilespmem:v20+s21+$0x0] =	vst.idx.msk $0xffff, v19  }
0x64: {  	s6 =	simm.s32 $0x0;
	[tilespmem:v31+s21+$0x0] =	vst.idx.msk $0xffff, v17  }
0x65: {  	v17 =	vadd.s32 s6, v1;
	[tilespmem:v22+s21+$0x0] =	vst.idx.msk $0xffff, v21  }
0x66: {  	s11 =	rddreg [dreg:$0x7];
	v17 =	vand.u32 $0x3F, v17;
	[tilespmem:v18+s21+$0x0] =	vst.idx.msk $0xffff, v25  }
0x67: {  	v18 =	vshll.u32 v17, $0x7;
	[hbm4b:s11+s6] =	stream.linear.scatter [tilespmem:s21], [sflag:$0x5], $0x2000, $0x38;
	[tilespmem:$0x11000] =	vst v63  }
0x68: {  	s18 =	rddreg [dreg:$0x8];
	v19 =	vor.u32 v6, v18  }
0x69: {  	v20 =	vor.u32 v0, v18;
	[tilespmem:s22], [sflag:$0x4] =	stream.strided.gather [hbm4b:s18+s31], $0x2000, s2, s31, $0x38;
	[tilespmem:$0x11000] =	vst v63  }
0x6a: {  	v22 =	vor.u32 v3, v18;
	_ =	swait.ge [sflag:s23], $0x2000  }
0x6b: {  	v23 =	vor.u32 v2, v18;
	[sflag:s23] =	ssyncset.done $0x0  }
0x6c: {  	v25 =	vor.u32 v5, v18;
	[sflag:s23] =	ssyncadd.s32 $0xFFFFE000  }
0x6d: {  	v26 =	vor.u32 v7, v18;
	v21 =	vld.idx.msk [tilespmem:v19+s0+$0x0], $0xffff  }
0x6e: {  	s25 =	simm.s32 $0x1;
	v63 =	vor.u32 v8, v18;
	v28 =	vld.idx.msk [tilespmem:v20+s0+$0x0], $0xffff  }
0x6f: {  	v24 =	vor.u32 v9, v18;
	v20 =	vadd.s32 s25, v1;
	v27 =	vld.idx.msk [tilespmem:v22+s0+$0x0], $0xffff  }
0x70: {  	v33 =	vor.u32 v4, v17;
	v35 =	vor.u32 v10, v17;
	v32 =	vld.idx.msk [tilespmem:v23+s0+$0x0], $0xffff;
	v18 =	vand.u32 $0x3F, v20  }
0x71: {  	v36 =	vor.u32 v11, v17;
	v37 =	vor.u32 v12, v17;
	v30 =	vld.idx.msk [tilespmem:v25+s0+$0x0], $0xffff;
	v29 =	vshll.u32 v18, $0x7  }
0x72: {  	v19 =	vor.u32 v13, v17;
	v31 =	vld.idx.msk [tilespmem:v26+s0+$0x0], $0xffff;
	v20 =	vor.u32 v13, v18;
	v25 =	vor.u32 v0, v29  }
0x73: {  	s6 =	simm.s32 $0x2;
	v34 =	vld.idx.msk [tilespmem:v63+s0+$0x0], $0xffff;
	v22 =	vor.u32 v2, v29;
	v26 =	vor.u32 v3, v29;
	v23 =	vor.u32 v5, v29  }
.LBB2_4:
0x74: {  	p6 =	sne.s32 s6, $0x3F;
	v38 =	vor.u32 v6, v29;
	v39 =	vor.u32 v7, v29;
	v40 =	vld.idx.msk [tilespmem:v24+s0+$0x0], $0xffff;
	v41 =	vor.u32 v14, v17;
	s11 =	smov.u32 s6;
	s6 =	sadd.s32 $0x1, s6  }
0x75: {  	v42 =	vor.u32 v8, v29;
	v24 =	vor.u32 v9, v29;
	[tilespmem:v33+s24+$0x0] =	vst.idx.msk $0xffff, v28  }
0x76: {  	v28 =	vor.u32 v15, v17;
	[tilespmem:v35+s24+$0x0] =	vst.idx.msk $0xffff, v32  }
0x77: {  	[tilespmem:v36+s24+$0x0] =	vst.idx.msk $0xffff, v27;
	v27 =	vor.u32 v16, v17;
	v17 =	vmov v18  }
0x78: {  	[tilespmem:v37+s24+$0x0] =	vst.idx.msk $0xffff, v30  }
0x79: {  	[tilespmem:v19+s24+$0x0] =	vst.idx.msk $0xffff, v21;
	v19 =	vmov v20  }
0x7a: {  	[tilespmem:v41+s24+$0x0] =	vst.idx.msk $0xffff, v31  }
0x7b: {  	[tilespmem:v28+s24+$0x0] =	vst.idx.msk $0xffff, v34  }
0x7c: {  	[tilespmem:v27+s24+$0x0] =	vst.idx.msk $0xffff, v40  }
0x7d: {  	v21 =	vld.idx.msk [tilespmem:v38+s0+$0x0], $0xffff  }
0x7e: {  	v28 =	vld.idx.msk [tilespmem:v25+s0+$0x0], $0xffff  }
.Ltmp3:
0x7f: {  	v18 =	vadd.s32 s11, v1;
	v27 =	vld.idx.msk [tilespmem:v26+s0+$0x0], $0xffff;
	(pc) =	sbr.rel @p6 .LBB2_4-.Ltmp3, $4  }
0x80: {  	v18 =	vand.u32 $0x3F, v18;
	v33 =	vor.u32 v4, v17;
	v32 =	vld.idx.msk [tilespmem:v22+s0+$0x0], $0xffff  }
0x81: {  	v35 =	vor.u32 v10, v17;
	v29 =	vshll.u32 v18, $0x7;
	v20 =	vor.u32 v13, v18;
	v30 =	vld.idx.msk [tilespmem:v23+s0+$0x0], $0xffff  }
0x82: {  	v36 =	vor.u32 v11, v17;
	v25 =	vor.u32 v0, v29;
	v22 =	vor.u32 v2, v29;
	v31 =	vld.idx.msk [tilespmem:v39+s0+$0x0], $0xffff  }
0x83: {  	v37 =	vor.u32 v12, v17;
	v26 =	vor.u32 v3, v29;
	v23 =	vor.u32 v5, v29;
	v34 =	vld.idx.msk [tilespmem:v42+s0+$0x0], $0xffff  }
0x84: {  	_ =	sdelay $0x3  }
0x85: {  	v24 =	vld.idx.msk [tilespmem:v24+s0+$0x0], $0xffff;
	v38 =	vor.u32 v14, v17;
	[tilespmem:v33+s24+$0x0] =	vst.idx.msk $0xffff, v28  }
0x86: {  	v54 =	vor.u32 v15, v17;
	[tilespmem:v35+s24+$0x0] =	vst.idx.msk $0xffff, v32  }
0x87: {  	v17 =	vor.u32 v16, v17;
	[tilespmem:v36+s24+$0x0] =	vst.idx.msk $0xffff, v27  }
0x88: {  	v55 =	vor.u32 v6, v29;
	[tilespmem:v37+s24+$0x0] =	vst.idx.msk $0xffff, v30  }
0x89: {  	[tilespmem:v19+s24+$0x0] =	vst.idx.msk $0xffff, v21  }
0x8a: {  	[tilespmem:v38+s24+$0x0] =	vst.idx.msk $0xffff, v31  }
0x8b: {  	[tilespmem:v54+s24+$0x0] =	vst.idx.msk $0xffff, v34  }
0x8c: {  	[tilespmem:v17+s24+$0x0] =	vst.idx.msk $0xffff, v24  }
0x8d: {  	v56 =	vor.u32 v8, v29;
	v19 =	vld.idx.msk [tilespmem:v55+s0+$0x0], $0xffff  }
0x8e: {  	v57 =	vor.u32 v9, v29;
	v24 =	vld.idx.msk [tilespmem:v25+s0+$0x0], $0xffff  }
0x8f: {  	v58 =	vor.u32 v4, v18;
	v17 =	vor.u32 v7, v29;
	v26 =	vld.idx.msk [tilespmem:v26+s0+$0x0], $0xffff  }
0x90: {  	v59 =	vor.u32 v10, v18;
	v22 =	vld.idx.msk [tilespmem:v22+s0+$0x0], $0xffff  }
0x91: {  	v60 =	vor.u32 v11, v18;
	v23 =	vld.idx.msk [tilespmem:v23+s0+$0x0], $0xffff  }
0x92: {  	v61 =	vor.u32 v12, v18;
	v21 =	vld.idx.msk [tilespmem:v56+s0+$0x0], $0xffff  }
0x93: {  	v25 =	vld.idx.msk [tilespmem:v57+s0+$0x0], $0xffff  }
0x94: {  	v62 =	vor.u32 v14, v18;
	v17 =	vld.idx.msk [tilespmem:v17+s0+$0x0], $0xffff;
	[tilespmem:v58+s24+$0x0] =	vst.idx.msk $0xffff, v24  }
0x95: {  	v63 =	vor.u32 v15, v18;
	[tilespmem:v59+s24+$0x0] =	vst.idx.msk $0xffff, v22  }
0x96: {  	v18 =	vor.u32 v16, v18;
	[tilespmem:v60+s24+$0x0] =	vst.idx.msk $0xffff, v26  }
0x97: {  	[tilespmem:v61+s24+$0x0] =	vst.idx.msk $0xffff, v23  }
0x98: {  	[tilespmem:v20+s24+$0x0] =	vst.idx.msk $0xffff, v19  }
0x99: {  	[tilespmem:v62+s24+$0x0] =	vst.idx.msk $0xffff, v17  }
0x9a: {  	[tilespmem:v63+s24+$0x0] =	vst.idx.msk $0xffff, v21  }
0x9b: {  	s6 =	rddreg [dreg:$0x9];
	s25 =	simm.s32 $0x0;
	[tilespmem:v18+s24+$0x0] =	vst.idx.msk $0xffff, v25  }
0x9c: {  	[hbm4b:s6+s19] =	stream.linear.scatter [tilespmem:s24], [sflag:$0x6], $0x2000, $0x38;
	[tilespmem:$0x11000] =	vst v63  }
.LBB2_6:
0x9d: {  	s6 =	sshll.u32 s25, $0x2;
	s11 =	rddreg [dreg:$0xa]  }
0x9e: {  	v17 =	vadd.s32 s19, v1;
	s11 =	sadd.s32 s6, s11  }
0x9f: {  	_ =	swait.ge [sflag:s26], $0x2000;
	v17 =	vand.u32 $0x3F, v17;
	s12 =	sshll.u32 s11, $0x7  }
0xa0: {  	[sflag:s26] =	ssyncset.done $0x0;
	v18 =	vshll.u32 v17, $0x7;
	s12 =	sand.u32 $0x1FFFFE00, s12  }
0xa1: {  	[sflag:s26] =	ssyncadd.s32 $0xFFFFE000;
	v19 =	vor.u32 v6, v18;
	s12 =	sadd.s32 s1, s12  }
0xa2: {  	v20 =	vor.u32 v0, v18;
	[tilespmem:s19], [sflag:$0x1] =	stream.strided.gather [hbm4b:s12+s31], $0x2000, s2, s31, $0x38;
	[tilespmem:$0x11000] =	vst v63  }
0xa3: {  	v22 =	vor.u32 v3, v18;
	_ =	swait.ge [sflag:s29], $0x2000  }
0xa4: {  	v23 =	vor.u32 v2, v18;
	[sflag:s29] =	ssyncset.done $0x0  }
0xa5: {  	v25 =	vor.u32 v5, v18;
	[sflag:s29] =	ssyncadd.s32 $0xFFFFE000  }
0xa6: {  	v26 =	vor.u32 v7, v18;
	v21 =	vld.idx.msk [tilespmem:v19+s3+$0x0], $0xffff  }
0xa7: {  	s18 =	simm.s32 $0x1;
	v34 =	vor.u32 v8, v18;
	v28 =	vld.idx.msk [tilespmem:v20+s3+$0x0], $0xffff  }
0xa8: {  	v24 =	vor.u32 v9, v18;
	v20 =	vadd.s32 s18, v1;
	v27 =	vld.idx.msk [tilespmem:v22+s3+$0x0], $0xffff  }
0xa9: {  	v33 =	vor.u32 v4, v17;
	v35 =	vor.u32 v10, v17;
	v32 =	vld.idx.msk [tilespmem:v23+s3+$0x0], $0xffff;
	v18 =	vand.u32 $0x3F, v20  }
0xaa: {  	v36 =	vor.u32 v11, v17;
	v37 =	vor.u32 v12, v17;
	v30 =	vld.idx.msk [tilespmem:v25+s3+$0x0], $0xffff;
	v29 =	vshll.u32 v18, $0x7  }
0xab: {  	v19 =	vor.u32 v13, v17;
	v31 =	vld.idx.msk [tilespmem:v26+s3+$0x0], $0xffff;
	v20 =	vor.u32 v13, v18;
	v25 =	vor.u32 v0, v29  }
0xac: {  	s18 =	simm.s32 $0x2;
	v34 =	vld.idx.msk [tilespmem:v34+s3+$0x0], $0xffff;
	v22 =	vor.u32 v2, v29;
	v26 =	vor.u32 v3, v29;
	v23 =	vor.u32 v5, v29  }
.LBB2_7:
0xad: {  	p6 =	sne.s32 s18, $0x3F;
	v38 =	vor.u32 v6, v29;
	v39 =	vor.u32 v7, v29;
	v40 =	vld.idx.msk [tilespmem:v24+s3+$0x0], $0xffff;
	v41 =	vor.u32 v14, v17;
	s12 =	smov.u32 s18;
	s18 =	sadd.s32 $0x1, s18  }
0xae: {  	v42 =	vor.u32 v8, v29;
	v24 =	vor.u32 v9, v29;
	[tilespmem:v33+s30+$0x0] =	vst.idx.msk $0xffff, v28  }
0xaf: {  	v28 =	vor.u32 v15, v17;
	[tilespmem:v35+s30+$0x0] =	vst.idx.msk $0xffff, v32  }
0xb0: {  	[tilespmem:v36+s30+$0x0] =	vst.idx.msk $0xffff, v27;
	v27 =	vor.u32 v16, v17;
	v17 =	vmov v18  }
0xb1: {  	[tilespmem:v37+s30+$0x0] =	vst.idx.msk $0xffff, v30  }
0xb2: {  	[tilespmem:v19+s30+$0x0] =	vst.idx.msk $0xffff, v21;
	v19 =	vmov v20  }
0xb3: {  	[tilespmem:v41+s30+$0x0] =	vst.idx.msk $0xffff, v31  }
0xb4: {  	[tilespmem:v28+s30+$0x0] =	vst.idx.msk $0xffff, v34  }
0xb5: {  	[tilespmem:v27+s30+$0x0] =	vst.idx.msk $0xffff, v40  }
0xb6: {  	v21 =	vld.idx.msk [tilespmem:v38+s3+$0x0], $0xffff  }
0xb7: {  	v28 =	vld.idx.msk [tilespmem:v25+s3+$0x0], $0xffff  }
.Ltmp4:
0xb8: {  	v18 =	vadd.s32 s12, v1;
	v27 =	vld.idx.msk [tilespmem:v26+s3+$0x0], $0xffff;
	(pc) =	sbr.rel @p6 .LBB2_7-.Ltmp4, $4  }
0xb9: {  	v18 =	vand.u32 $0x3F, v18;
	v33 =	vor.u32 v4, v17;
	v32 =	vld.idx.msk [tilespmem:v22+s3+$0x0], $0xffff  }
0xba: {  	v35 =	vor.u32 v10, v17;
	v29 =	vshll.u32 v18, $0x7;
	v20 =	vor.u32 v13, v18;
	v30 =	vld.idx.msk [tilespmem:v23+s3+$0x0], $0xffff  }
0xbb: {  	v36 =	vor.u32 v11, v17;
	v25 =	vor.u32 v0, v29;
	v22 =	vor.u32 v2, v29;
	v31 =	vld.idx.msk [tilespmem:v39+s3+$0x0], $0xffff  }
0xbc: {  	v37 =	vor.u32 v12, v17;
	v26 =	vor.u32 v3, v29;
	v23 =	vor.u32 v5, v29;
	v34 =	vld.idx.msk [tilespmem:v42+s3+$0x0], $0xffff  }
0xbd: {  	_ =	sdelay $0x3  }
0xbe: {  	v24 =	vld.idx.msk [tilespmem:v24+s3+$0x0], $0xffff;
	v38 =	vor.u32 v14, v17;
	[tilespmem:v33+s30+$0x0] =	vst.idx.msk $0xffff, v28  }
0xbf: {  	v28 =	vor.u32 v15, v17;
	[tilespmem:v35+s30+$0x0] =	vst.idx.msk $0xffff, v32  }
0xc0: {  	v17 =	vor.u32 v16, v17;
	[tilespmem:v36+s30+$0x0] =	vst.idx.msk $0xffff, v27  }
0xc1: {  	v27 =	vor.u32 v6, v29;
	[tilespmem:v37+s30+$0x0] =	vst.idx.msk $0xffff, v30  }
0xc2: {  	[tilespmem:v19+s30+$0x0] =	vst.idx.msk $0xffff, v21  }
0xc3: {  	[tilespmem:v38+s30+$0x0] =	vst.idx.msk $0xffff, v31  }
0xc4: {  	[tilespmem:v28+s30+$0x0] =	vst.idx.msk $0xffff, v34  }
0xc5: {  	[tilespmem:v17+s30+$0x0] =	vst.idx.msk $0xffff, v24  }
0xc6: {  	v21 =	vor.u32 v8, v29;
	v19 =	vld.idx.msk [tilespmem:v27+s3+$0x0], $0xffff  }
0xc7: {  	v17 =	vor.u32 v7, v29;
	v24 =	vld.idx.msk [tilespmem:v25+s3+$0x0], $0xffff  }
0xc8: {  	v25 =	vor.u32 v9, v29;
	v26 =	vld.idx.msk [tilespmem:v26+s3+$0x0], $0xffff;
	v27 =	vor.u32 v4, v18  }
0xc9: {  	v28 =	vor.u32 v10, v18;
	v22 =	vld.idx.msk [tilespmem:v22+s3+$0x0], $0xffff  }
0xca: {  	v23 =	vld.idx.msk [tilespmem:v23+s3+$0x0], $0xffff;
	v29 =	vor.u32 v11, v18  }
0xcb: {  	v30 =	vor.u32 v12, v18;
	v21 =	vld.idx.msk [tilespmem:v21+s3+$0x0], $0xffff  }
0xcc: {  	v17 =	vld.idx.msk [tilespmem:v17+s3+$0x0], $0xffff  }
0xcd: {  	v31 =	vor.u32 v14, v18;
	v25 =	vld.idx.msk [tilespmem:v25+s3+$0x0], $0xffff;
	[tilespmem:v27+s30+$0x0] =	vst.idx.msk $0xffff, v24  }
0xce: {  	[tilespmem:v28+s30+$0x0] =	vst.idx.msk $0xffff, v22;
	v22 =	vor.u32 v15, v18  }
0xcf: {  	v18 =	vor.u32 v16, v18;
	[tilespmem:v29+s30+$0x0] =	vst.idx.msk $0xffff, v26  }
0xd0: {  	s12 =	rddreg [dreg:$0xb];
	[tilespmem:v30+s30+$0x0] =	vst.idx.msk $0xffff, v23  }
0xd1: {  	s12 =	sadd.s32 s6, s12;
	[tilespmem:v20+s30+$0x0] =	vst.idx.msk $0xffff, v19  }
0xd2: {  	s12 =	sshll.u32 s12, $0xA;
	[tilespmem:v31+s30+$0x0] =	vst.idx.msk $0xffff, v17  }
0xd3: {  	s12 =	sand.u32 $0x1FFFF800, s12;
	[tilespmem:v22+s30+$0x0] =	vst.idx.msk $0xffff, v21  }
0xd4: {  	s13 =	simm.s32 $0x0;
	s18 =	sadd.s32 s6, s14;
	s12 =	sadd.s32 s4, s12;
	[tilespmem:v18+s30+$0x0] =	vst.idx.msk $0xffff, v25  }
0xd5: {  	v17 =	vadd.s32 s13, v1;
	[hbm4b:s12+s13] =	stream.linear.scatter [tilespmem:s30], [sflag:$0x7], $0x2000, $0x38;
	[tilespmem:$0x11000] =	vst v63  }
0xd6: {  	v17 =	vand.u32 $0x3F, v17;
	s13 =	sshll.u32 s18, $0x7;
	_ =	swait.ge [sflag:s28], $0x2000  }
0xd7: {  	v18 =	vshll.u32 v17, $0x7;
	s12 =	sand.u32 $0x1FFFFE80, s13;
	[sflag:s28] =	ssyncset.done $0x0  }
0xd8: {  	v19 =	vor.u32 v6, v18;
	s12 =	sadd.s32 s1, s12;
	[sflag:s28] =	ssyncadd.s32 $0xFFFFE000  }
0xd9: {  	v20 =	vor.u32 v0, v18;
	[tilespmem:s0], [sflag:$0x2] =	stream.strided.gather [hbm4b:s12+s31], $0x2000, s2, s31, $0x38;
	[tilespmem:$0x11000] =	vst v63  }
0xda: {  	v22 =	vor.u32 v3, v18;
	_ =	swait.ge [sflag:s7], $0x2000  }
0xdb: {  	v23 =	vor.u32 v2, v18;
	[sflag:s7] =	ssyncset.done $0x0  }
0xdc: {  	v25 =	vor.u32 v5, v18;
	[sflag:s7] =	ssyncadd.s32 $0xFFFFE000  }
0xdd: {  	v26 =	vor.u32 v7, v18;
	v21 =	vld.idx.msk [tilespmem:v19+s22+$0x0], $0xffff  }
0xde: {  	v63 =	vor.u32 v8, v18;
	s13 =	simm.s32 $0x1;
	v28 =	vld.idx.msk [tilespmem:v20+s22+$0x0], $0xffff  }
0xdf: {  	v24 =	vor.u32 v9, v18;
	v20 =	vadd.s32 s13, v1;
	v27 =	vld.idx.msk [tilespmem:v22+s22+$0x0], $0xffff  }
0xe0: {  	v33 =	vor.u32 v4, v17;
	v35 =	vor.u32 v10, v17;
	v32 =	vld.idx.msk [tilespmem:v23+s22+$0x0], $0xffff;
	v18 =	vand.u32 $0x3F, v20  }
0xe1: {  	v36 =	vor.u32 v11, v17;
	v37 =	vor.u32 v12, v17;
	v30 =	vld.idx.msk [tilespmem:v25+s22+$0x0], $0xffff;
	v29 =	vshll.u32 v18, $0x7  }
0xe2: {  	v19 =	vor.u32 v13, v17;
	v31 =	vld.idx.msk [tilespmem:v26+s22+$0x0], $0xffff;
	v20 =	vor.u32 v13, v18;
	v25 =	vor.u32 v0, v29  }
0xe3: {  	s12 =	simm.s32 $0x2;
	v34 =	vld.idx.msk [tilespmem:v63+s22+$0x0], $0xffff;
	v22 =	vor.u32 v2, v29;
	v26 =	vor.u32 v3, v29;
	v23 =	vor.u32 v5, v29  }
.LBB2_9:
0xe4: {  	p6 =	sne.s32 s12, $0x3F;
	v38 =	vor.u32 v6, v29;
	v39 =	vor.u32 v7, v29;
	v40 =	vld.idx.msk [tilespmem:v24+s22+$0x0], $0xffff;
	v41 =	vor.u32 v14, v17;
	s13 =	smov.u32 s12;
	s12 =	sadd.s32 $0x1, s12  }
0xe5: {  	v42 =	vor.u32 v8, v29;
	v24 =	vor.u32 v9, v29;
	[tilespmem:v33+s8+$0x0] =	vst.idx.msk $0xffff, v28  }
0xe6: {  	v28 =	vor.u32 v15, v17;
	[tilespmem:v35+s8+$0x0] =	vst.idx.msk $0xffff, v32  }
0xe7: {  	[tilespmem:v36+s8+$0x0] =	vst.idx.msk $0xffff, v27;
	v27 =	vor.u32 v16, v17;
	v17 =	vmov v18  }
0xe8: {  	[tilespmem:v37+s8+$0x0] =	vst.idx.msk $0xffff, v30  }
0xe9: {  	[tilespmem:v19+s8+$0x0] =	vst.idx.msk $0xffff, v21;
	v19 =	vmov v20  }
0xea: {  	[tilespmem:v41+s8+$0x0] =	vst.idx.msk $0xffff, v31  }
0xeb: {  	[tilespmem:v28+s8+$0x0] =	vst.idx.msk $0xffff, v34  }
0xec: {  	[tilespmem:v27+s8+$0x0] =	vst.idx.msk $0xffff, v40  }
0xed: {  	v21 =	vld.idx.msk [tilespmem:v38+s22+$0x0], $0xffff  }
0xee: {  	v28 =	vld.idx.msk [tilespmem:v25+s22+$0x0], $0xffff  }
.Ltmp5:
0xef: {  	v18 =	vadd.s32 s13, v1;
	v27 =	vld.idx.msk [tilespmem:v26+s22+$0x0], $0xffff;
	(pc) =	sbr.rel @p6 .LBB2_9-.Ltmp5, $4  }
0xf0: {  	v18 =	vand.u32 $0x3F, v18;
	v33 =	vor.u32 v4, v17;
	v32 =	vld.idx.msk [tilespmem:v22+s22+$0x0], $0xffff  }
0xf1: {  	v35 =	vor.u32 v10, v17;
	v29 =	vshll.u32 v18, $0x7;
	v20 =	vor.u32 v13, v18;
	v30 =	vld.idx.msk [tilespmem:v23+s22+$0x0], $0xffff  }
0xf2: {  	v36 =	vor.u32 v11, v17;
	v25 =	vor.u32 v0, v29;
	v22 =	vor.u32 v2, v29;
	v31 =	vld.idx.msk [tilespmem:v39+s22+$0x0], $0xffff  }
0xf3: {  	v37 =	vor.u32 v12, v17;
	v26 =	vor.u32 v3, v29;
	v23 =	vor.u32 v5, v29;
	v34 =	vld.idx.msk [tilespmem:v42+s22+$0x0], $0xffff  }
0xf4: {  	_ =	sdelay $0x3  }
0xf5: {  	v24 =	vld.idx.msk [tilespmem:v24+s22+$0x0], $0xffff;
	v38 =	vor.u32 v14, v17;
	[tilespmem:v33+s8+$0x0] =	vst.idx.msk $0xffff, v28  }
0xf6: {  	v28 =	vor.u32 v15, v17;
	[tilespmem:v35+s8+$0x0] =	vst.idx.msk $0xffff, v32  }
0xf7: {  	v17 =	vor.u32 v16, v17;
	[tilespmem:v36+s8+$0x0] =	vst.idx.msk $0xffff, v27  }
0xf8: {  	v27 =	vor.u32 v6, v29;
	[tilespmem:v37+s8+$0x0] =	vst.idx.msk $0xffff, v30  }
0xf9: {  	[tilespmem:v19+s8+$0x0] =	vst.idx.msk $0xffff, v21  }
0xfa: {  	[tilespmem:v38+s8+$0x0] =	vst.idx.msk $0xffff, v31  }
0xfb: {  	[tilespmem:v28+s8+$0x0] =	vst.idx.msk $0xffff, v34  }
0xfc: {  	[tilespmem:v17+s8+$0x0] =	vst.idx.msk $0xffff, v24  }
0xfd: {  	v21 =	vor.u32 v8, v29;
	v19 =	vld.idx.msk [tilespmem:v27+s22+$0x0], $0xffff  }
0xfe: {  	v17 =	vor.u32 v7, v29;
	v24 =	vld.idx.msk [tilespmem:v25+s22+$0x0], $0xffff  }
0xff: {  	v25 =	vor.u32 v9, v29;
	v26 =	vld.idx.msk [tilespmem:v26+s22+$0x0], $0xffff;
	v27 =	vor.u32 v4, v18  }
0x100: {  	v28 =	vor.u32 v10, v18;
	v22 =	vld.idx.msk [tilespmem:v22+s22+$0x0], $0xffff  }
0x101: {  	v23 =	vld.idx.msk [tilespmem:v23+s22+$0x0], $0xffff;
	v29 =	vor.u32 v11, v18  }
0x102: {  	v30 =	vor.u32 v12, v18;
	v21 =	vld.idx.msk [tilespmem:v21+s22+$0x0], $0xffff  }
0x103: {  	v17 =	vld.idx.msk [tilespmem:v17+s22+$0x0], $0xffff  }
0x104: {  	v31 =	vor.u32 v14, v18;
	v25 =	vld.idx.msk [tilespmem:v25+s22+$0x0], $0xffff;
	[tilespmem:v27+s8+$0x0] =	vst.idx.msk $0xffff, v24  }
0x105: {  	[tilespmem:v28+s8+$0x0] =	vst.idx.msk $0xffff, v22;
	v22 =	vor.u32 v15, v18  }
0x106: {  	v18 =	vor.u32 v16, v18;
	[tilespmem:v29+s8+$0x0] =	vst.idx.msk $0xffff, v26  }
0x107: {  	[tilespmem:v30+s8+$0x0] =	vst.idx.msk $0xffff, v23  }
0x108: {  	s12 =	sadd.s32 s6, s15;
	[tilespmem:v20+s8+$0x0] =	vst.idx.msk $0xffff, v19  }
0x109: {  	s12 =	sshll.u32 s12, $0xA;
	[tilespmem:v31+s8+$0x0] =	vst.idx.msk $0xffff, v17  }
0x10a: {  	s12 =	sand.u32 $0x1FFFFC00, s12;
	[tilespmem:v22+s8+$0x0] =	vst.idx.msk $0xffff, v21  }
0x10b: {  	s13 =	simm.s32 $0x0;
	s12 =	sadd.s32 s4, s12;
	[tilespmem:v18+s8+$0x0] =	vst.idx.msk $0xffff, v25  }
0x10c: {  	[hbm4b:s12+s13] =	stream.linear.scatter [tilespmem:s8], [sflag:$0x8], $0x2000, $0x38;
	[tilespmem:$0x11000] =	vst v63  }
0x10d: {  	v17 =	vadd.s32 s13, v1;
	s12 =	sadd.s32 s6, s16  }
0x10e: {  	v17 =	vand.u32 $0x3F, v17;
	_ =	swait.ge [sflag:s9], $0x2000;
	s12 =	sshll.u32 s12, $0x7  }
0x10f: {  	v18 =	vshll.u32 v17, $0x7;
	[sflag:s9] =	ssyncset.done $0x0;
	s12 =	sand.u32 $0x1FFFFF00, s12  }
0x110: {  	v19 =	vor.u32 v6, v18;
	[sflag:s9] =	ssyncadd.s32 $0xFFFFE000;
	s12 =	sadd.s32 s1, s12  }
0x111: {  	v20 =	vor.u32 v0, v18;
	[tilespmem:s3], [sflag:$0x3] =	stream.strided.gather [hbm4b:s12+s31], $0x2000, s2, s31, $0x38;
	[tilespmem:$0x11000] =	vst v63  }
0x112: {  	v22 =	vor.u32 v3, v18;
	_ =	swait.ge [sflag:s20], $0x2000  }
0x113: {  	v23 =	vor.u32 v2, v18;
	[sflag:s20] =	ssyncset.done $0x0  }
0x114: {  	v25 =	vor.u32 v5, v18;
	[sflag:s20] =	ssyncadd.s32 $0xFFFFE000  }
0x115: {  	v26 =	vor.u32 v7, v18;
	v21 =	vld.idx.msk [tilespmem:v19+s5+$0x0], $0xffff  }
0x116: {  	s13 =	simm.s32 $0x1;
	v63 =	vor.u32 v8, v18;
	v28 =	vld.idx.msk [tilespmem:v20+s5+$0x0], $0xffff  }
0x117: {  	v24 =	vor.u32 v9, v18;
	v20 =	vadd.s32 s13, v1;
	v27 =	vld.idx.msk [tilespmem:v22+s5+$0x0], $0xffff  }
0x118: {  	v33 =	vor.u32 v4, v17;
	v35 =	vor.u32 v10, v17;
	v32 =	vld.idx.msk [tilespmem:v23+s5+$0x0], $0xffff;
	v18 =	vand.u32 $0x3F, v20  }
0x119: {  	v36 =	vor.u32 v11, v17;
	v37 =	vor.u32 v12, v17;
	v30 =	vld.idx.msk [tilespmem:v25+s5+$0x0], $0xffff;
	v29 =	vshll.u32 v18, $0x7  }
0x11a: {  	v19 =	vor.u32 v13, v17;
	v31 =	vld.idx.msk [tilespmem:v26+s5+$0x0], $0xffff;
	v20 =	vor.u32 v13, v18;
	v25 =	vor.u32 v0, v29  }
0x11b: {  	s12 =	simm.s32 $0x2;
	v34 =	vld.idx.msk [tilespmem:v63+s5+$0x0], $0xffff;
	v22 =	vor.u32 v2, v29;
	v26 =	vor.u32 v3, v29;
	v23 =	vor.u32 v5, v29  }
.LBB2_11:
0x11c: {  	p6 =	sne.s32 s12, $0x3F;
	v38 =	vor.u32 v6, v29;
	v39 =	vor.u32 v7, v29;
	v40 =	vld.idx.msk [tilespmem:v24+s5+$0x0], $0xffff;
	v41 =	vor.u32 v14, v17;
	s13 =	smov.u32 s12;
	s12 =	sadd.s32 $0x1, s12  }
0x11d: {  	v42 =	vor.u32 v8, v29;
	v24 =	vor.u32 v9, v29;
	[tilespmem:v33+s21+$0x0] =	vst.idx.msk $0xffff, v28  }
0x11e: {  	v28 =	vor.u32 v15, v17;
	[tilespmem:v35+s21+$0x0] =	vst.idx.msk $0xffff, v32  }
0x11f: {  	[tilespmem:v36+s21+$0x0] =	vst.idx.msk $0xffff, v27;
	v27 =	vor.u32 v16, v17;
	v17 =	vmov v18  }
0x120: {  	[tilespmem:v37+s21+$0x0] =	vst.idx.msk $0xffff, v30  }
0x121: {  	[tilespmem:v19+s21+$0x0] =	vst.idx.msk $0xffff, v21;
	v19 =	vmov v20  }
0x122: {  	[tilespmem:v41+s21+$0x0] =	vst.idx.msk $0xffff, v31  }
0x123: {  	[tilespmem:v28+s21+$0x0] =	vst.idx.msk $0xffff, v34  }
0x124: {  	[tilespmem:v27+s21+$0x0] =	vst.idx.msk $0xffff, v40  }
0x125: {  	v21 =	vld.idx.msk [tilespmem:v38+s5+$0x0], $0xffff  }
0x126: {  	v28 =	vld.idx.msk [tilespmem:v25+s5+$0x0], $0xffff  }
.Ltmp6:
0x127: {  	v18 =	vadd.s32 s13, v1;
	v27 =	vld.idx.msk [tilespmem:v26+s5+$0x0], $0xffff;
	(pc) =	sbr.rel @p6 .LBB2_11-.Ltmp6, $4  }
0x128: {  	v18 =	vand.u32 $0x3F, v18;
	v33 =	vor.u32 v4, v17;
	v32 =	vld.idx.msk [tilespmem:v22+s5+$0x0], $0xffff  }
0x129: {  	v35 =	vor.u32 v10, v17;
	v29 =	vshll.u32 v18, $0x7;
	v20 =	vor.u32 v13, v18;
	v30 =	vld.idx.msk [tilespmem:v23+s5+$0x0], $0xffff  }
0x12a: {  	v36 =	vor.u32 v11, v17;
	v25 =	vor.u32 v0, v29;
	v22 =	vor.u32 v2, v29;
	v31 =	vld.idx.msk [tilespmem:v39+s5+$0x0], $0xffff  }
0x12b: {  	v37 =	vor.u32 v12, v17;
	v26 =	vor.u32 v3, v29;
	v23 =	vor.u32 v5, v29;
	v34 =	vld.idx.msk [tilespmem:v42+s5+$0x0], $0xffff  }
0x12c: {  	_ =	sdelay $0x3  }
0x12d: {  	v24 =	vld.idx.msk [tilespmem:v24+s5+$0x0], $0xffff;
	v38 =	vor.u32 v14, v17;
	[tilespmem:v33+s21+$0x0] =	vst.idx.msk $0xffff, v28  }
0x12e: {  	v28 =	vor.u32 v15, v17;
	[tilespmem:v35+s21+$0x0] =	vst.idx.msk $0xffff, v32  }
0x12f: {  	v17 =	vor.u32 v16, v17;
	[tilespmem:v36+s21+$0x0] =	vst.idx.msk $0xffff, v27  }
0x130: {  	v27 =	vor.u32 v6, v29;
	[tilespmem:v37+s21+$0x0] =	vst.idx.msk $0xffff, v30  }
0x131: {  	[tilespmem:v19+s21+$0x0] =	vst.idx.msk $0xffff, v21  }
0x132: {  	[tilespmem:v38+s21+$0x0] =	vst.idx.msk $0xffff, v31  }
0x133: {  	[tilespmem:v28+s21+$0x0] =	vst.idx.msk $0xffff, v34  }
0x134: {  	[tilespmem:v17+s21+$0x0] =	vst.idx.msk $0xffff, v24  }
0x135: {  	v21 =	vor.u32 v8, v29;
	v19 =	vld.idx.msk [tilespmem:v27+s5+$0x0], $0xffff  }
0x136: {  	v17 =	vor.u32 v7, v29;
	v24 =	vld.idx.msk [tilespmem:v25+s5+$0x0], $0xffff  }
0x137: {  	v25 =	vor.u32 v9, v29;
	v26 =	vld.idx.msk [tilespmem:v26+s5+$0x0], $0xffff;
	v27 =	vor.u32 v4, v18  }
0x138: {  	v28 =	vor.u32 v10, v18;
	v22 =	vld.idx.msk [tilespmem:v22+s5+$0x0], $0xffff  }
0x139: {  	v23 =	vld.idx.msk [tilespmem:v23+s5+$0x0], $0xffff;
	v29 =	vor.u32 v11, v18  }
0x13a: {  	v30 =	vor.u32 v12, v18;
	v21 =	vld.idx.msk [tilespmem:v21+s5+$0x0], $0xffff  }
0x13b: {  	v17 =	vld.idx.msk [tilespmem:v17+s5+$0x0], $0xffff  }
0x13c: {  	v31 =	vor.u32 v14, v18;
	v25 =	vld.idx.msk [tilespmem:v25+s5+$0x0], $0xffff;
	[tilespmem:v27+s21+$0x0] =	vst.idx.msk $0xffff, v24  }
0x13d: {  	[tilespmem:v28+s21+$0x0] =	vst.idx.msk $0xffff, v22;
	v22 =	vor.u32 v15, v18  }
0x13e: {  	v18 =	vor.u32 v16, v18;
	[tilespmem:v29+s21+$0x0] =	vst.idx.msk $0xffff, v26  }
0x13f: {  	[tilespmem:v30+s21+$0x0] =	vst.idx.msk $0xffff, v23  }
0x140: {  	[tilespmem:v20+s21+$0x0] =	vst.idx.msk $0xffff, v19  }
0x141: {  	s11 =	sshll.u32 s11, $0xA;
	[tilespmem:v31+s21+$0x0] =	vst.idx.msk $0xffff, v17  }
0x142: {  	s11 =	sand.u32 $0x1FFFF000, s11;
	[tilespmem:v22+s21+$0x0] =	vst.idx.msk $0xffff, v21  }
0x143: {  	s12 =	simm.s32 $0x0;
	s6 =	sadd.s32 s6, s17;
	s11 =	sadd.s32 s4, s11;
	[tilespmem:v18+s21+$0x0] =	vst.idx.msk $0xffff, v25  }
0x144: {  	v17 =	vadd.s32 s12, v1;
	[hbm4b:s11+s12] =	stream.linear.scatter [tilespmem:s21], [sflag:$0x5], $0x2000, $0x38;
	[tilespmem:$0x11000] =	vst v63  }
0x145: {  	s6 =	sshll.u32 s6, $0x7;
	v17 =	vand.u32 $0x3F, v17;
	_ =	swait.ge [sflag:s10], $0x2000  }
0x146: {  	s6 =	sand.u32 $0x1FFFFF80, s6;
	v18 =	vshll.u32 v17, $0x7;
	[sflag:s10] =	ssyncset.done $0x0  }
0x147: {  	s6 =	sadd.s32 s1, s6;
	v19 =	vor.u32 v6, v18;
	[sflag:s10] =	ssyncadd.s32 $0xFFFFE000  }
0x148: {  	v20 =	vor.u32 v0, v18;
	[tilespmem:s22], [sflag:$0x4] =	stream.strided.gather [hbm4b:s6+s31], $0x2000, s2, s31, $0x38;
	[tilespmem:$0x11000] =	vst v63  }
0x149: {  	v22 =	vor.u32 v3, v18;
	_ =	swait.ge [sflag:s23], $0x2000  }
0x14a: {  	v23 =	vor.u32 v2, v18;
	[sflag:s23] =	ssyncset.done $0x0  }
0x14b: {  	v25 =	vor.u32 v5, v18;
	[sflag:s23] =	ssyncadd.s32 $0xFFFFE000  }
0x14c: {  	v26 =	vor.u32 v7, v18;
	v21 =	vld.idx.msk [tilespmem:v19+s0+$0x0], $0xffff  }
0x14d: {  	s13 =	simm.s32 $0x1;
	v63 =	vor.u32 v8, v18;
	v28 =	vld.idx.msk [tilespmem:v20+s0+$0x0], $0xffff  }
0x14e: {  	v24 =	vor.u32 v9, v18;
	v20 =	vadd.s32 s13, v1;
	v27 =	vld.idx.msk [tilespmem:v22+s0+$0x0], $0xffff  }
0x14f: {  	v33 =	vor.u32 v4, v17;
	v35 =	vor.u32 v10, v17;
	v32 =	vld.idx.msk [tilespmem:v23+s0+$0x0], $0xffff;
	v18 =	vand.u32 $0x3F, v20  }
0x150: {  	v36 =	vor.u32 v11, v17;
	v37 =	vor.u32 v12, v17;
	v30 =	vld.idx.msk [tilespmem:v25+s0+$0x0], $0xffff;
	v29 =	vshll.u32 v18, $0x7  }
0x151: {  	v19 =	vor.u32 v13, v17;
	v31 =	vld.idx.msk [tilespmem:v26+s0+$0x0], $0xffff;
	v20 =	vor.u32 v13, v18;
	v25 =	vor.u32 v0, v29  }
0x152: {  	s6 =	simm.s32 $0x2;
	v34 =	vld.idx.msk [tilespmem:v63+s0+$0x0], $0xffff;
	v22 =	vor.u32 v2, v29;
	v26 =	vor.u32 v3, v29;
	v23 =	vor.u32 v5, v29  }
.LBB2_13:
0x153: {  	p6 =	sne.s32 s6, $0x3F;
	v38 =	vor.u32 v6, v29;
	v39 =	vor.u32 v7, v29;
	v40 =	vld.idx.msk [tilespmem:v24+s0+$0x0], $0xffff;
	v41 =	vor.u32 v14, v17;
	s11 =	smov.u32 s6;
	s6 =	sadd.s32 $0x1, s6  }
0x154: {  	v42 =	vor.u32 v8, v29;
	v24 =	vor.u32 v9, v29;
	[tilespmem:v33+s24+$0x0] =	vst.idx.msk $0xffff, v28  }
0x155: {  	v28 =	vor.u32 v15, v17;
	[tilespmem:v35+s24+$0x0] =	vst.idx.msk $0xffff, v32  }
0x156: {  	[tilespmem:v36+s24+$0x0] =	vst.idx.msk $0xffff, v27;
	v27 =	vor.u32 v16, v17;
	v17 =	vmov v18  }
0x157: {  	[tilespmem:v37+s24+$0x0] =	vst.idx.msk $0xffff, v30  }
0x158: {  	[tilespmem:v19+s24+$0x0] =	vst.idx.msk $0xffff, v21;
	v19 =	vmov v20  }
0x159: {  	[tilespmem:v41+s24+$0x0] =	vst.idx.msk $0xffff, v31  }
0x15a: {  	[tilespmem:v28+s24+$0x0] =	vst.idx.msk $0xffff, v34  }
0x15b: {  	[tilespmem:v27+s24+$0x0] =	vst.idx.msk $0xffff, v40  }
0x15c: {  	v21 =	vld.idx.msk [tilespmem:v38+s0+$0x0], $0xffff  }
0x15d: {  	v28 =	vld.idx.msk [tilespmem:v25+s0+$0x0], $0xffff  }
.Ltmp7:
0x15e: {  	v18 =	vadd.s32 s11, v1;
	v27 =	vld.idx.msk [tilespmem:v26+s0+$0x0], $0xffff;
	(pc) =	sbr.rel @p6 .LBB2_13-.Ltmp7, $4  }
0x15f: {  	v18 =	vand.u32 $0x3F, v18;
	v33 =	vor.u32 v4, v17;
	v32 =	vld.idx.msk [tilespmem:v22+s0+$0x0], $0xffff  }
0x160: {  	v35 =	vor.u32 v10, v17;
	v29 =	vshll.u32 v18, $0x7;
	v20 =	vor.u32 v13, v18;
	v30 =	vld.idx.msk [tilespmem:v23+s0+$0x0], $0xffff  }
0x161: {  	v36 =	vor.u32 v11, v17;
	v25 =	vor.u32 v0, v29;
	v22 =	vor.u32 v2, v29;
	v31 =	vld.idx.msk [tilespmem:v39+s0+$0x0], $0xffff  }
0x162: {  	v37 =	vor.u32 v12, v17;
	v26 =	vor.u32 v3, v29;
	v23 =	vor.u32 v5, v29;
	v34 =	vld.idx.msk [tilespmem:v42+s0+$0x0], $0xffff  }
0x163: {  	_ =	sdelay $0x3  }
0x164: {  	v24 =	vld.idx.msk [tilespmem:v24+s0+$0x0], $0xffff;
	v38 =	vor.u32 v14, v17;
	[tilespmem:v33+s24+$0x0] =	vst.idx.msk $0xffff, v28  }
0x165: {  	v54 =	vor.u32 v15, v17;
	[tilespmem:v35+s24+$0x0] =	vst.idx.msk $0xffff, v32  }
0x166: {  	v17 =	vor.u32 v16, v17;
	[tilespmem:v36+s24+$0x0] =	vst.idx.msk $0xffff, v27  }
0x167: {  	v55 =	vor.u32 v6, v29;
	[tilespmem:v37+s24+$0x0] =	vst.idx.msk $0xffff, v30  }
0x168: {  	[tilespmem:v19+s24+$0x0] =	vst.idx.msk $0xffff, v21  }
0x169: {  	[tilespmem:v38+s24+$0x0] =	vst.idx.msk $0xffff, v31  }
0x16a: {  	[tilespmem:v54+s24+$0x0] =	vst.idx.msk $0xffff, v34  }
0x16b: {  	[tilespmem:v17+s24+$0x0] =	vst.idx.msk $0xffff, v24  }
0x16c: {  	v56 =	vor.u32 v8, v29;
	v19 =	vld.idx.msk [tilespmem:v55+s0+$0x0], $0xffff  }
0x16d: {  	v57 =	vor.u32 v9, v29;
	v24 =	vld.idx.msk [tilespmem:v25+s0+$0x0], $0xffff  }
0x16e: {  	v58 =	vor.u32 v4, v18;
	v17 =	vor.u32 v7, v29;
	v26 =	vld.idx.msk [tilespmem:v26+s0+$0x0], $0xffff  }
0x16f: {  	v59 =	vor.u32 v10, v18;
	v22 =	vld.idx.msk [tilespmem:v22+s0+$0x0], $0xffff  }
0x170: {  	v60 =	vor.u32 v11, v18;
	v23 =	vld.idx.msk [tilespmem:v23+s0+$0x0], $0xffff  }
0x171: {  	v61 =	vor.u32 v12, v18;
	v21 =	vld.idx.msk [tilespmem:v56+s0+$0x0], $0xffff  }
0x172: {  	v25 =	vld.idx.msk [tilespmem:v57+s0+$0x0], $0xffff  }
0x173: {  	v62 =	vor.u32 v14, v18;
	v17 =	vld.idx.msk [tilespmem:v17+s0+$0x0], $0xffff;
	[tilespmem:v58+s24+$0x0] =	vst.idx.msk $0xffff, v24  }
0x174: {  	v63 =	vor.u32 v15, v18;
	[tilespmem:v59+s24+$0x0] =	vst.idx.msk $0xffff, v22  }
0x175: {  	v18 =	vor.u32 v16, v18;
	s25 =	sadd.s32 $0x1, s25;
	[tilespmem:v60+s24+$0x0] =	vst.idx.msk $0xffff, v26  }
0x176: {  	p6 =	sne.s32 s25, $0x3C;
	[tilespmem:v61+s24+$0x0] =	vst.idx.msk $0xffff, v23  }
.Ltmp8:
0x177: {  	[tilespmem:v20+s24+$0x0] =	vst.idx.msk $0xffff, v19;
	(pc) =	sbr.rel @p6 .LBB2_6-.Ltmp8, $4  }
0x178: {  	s6 =	sshll.u32 s18, $0xA;
	[tilespmem:v62+s24+$0x0] =	vst.idx.msk $0xffff, v17  }
0x179: {  	s6 =	sand.u32 $0x1FFFF400, s6;
	[tilespmem:v63+s24+$0x0] =	vst.idx.msk $0xffff, v21  }
0x17a: {  	s6 =	sadd.s32 s4, s6;
	[tilespmem:v18+s24+$0x0] =	vst.idx.msk $0xffff, v25  }
0x17b: {  	[hbm4b:s6+s5] =	stream.linear.scatter [tilespmem:s24], [sflag:$0x6], $0x2000, $0x38;
	[tilespmem:$0x11000] =	vst v63  }
0x17c: {  	s6 =	simm.s32 $0x0  }
0x17d: {  	v17 =	vadd.s32 s6, v1  }
0x17e: {  	v17 =	vand.u32 $0x3F, v17  }
0x17f: {  	v18 =	vshll.u32 v17, $0x7  }
0x180: {  	v19 =	vor.u32 v6, v18  }
0x181: {  	v20 =	vor.u32 v0, v18  }
0x182: {  	_ =	swait.ge [sflag:s29], $0x2000;
	v22 =	vor.u32 v3, v18  }
0x183: {  	[sflag:s29] =	ssyncset.done $0x0;
	v23 =	vor.u32 v2, v18  }
0x184: {  	[sflag:s29] =	ssyncadd.s32 $0xFFFFE000;
	v25 =	vor.u32 v5, v18  }
0x185: {  	v26 =	vor.u32 v7, v18;
	v21 =	vld.idx.msk [tilespmem:v19+s3+$0x0], $0xffff  }
0x186: {  	s25 =	simm.s32 $0x1;
	v34 =	vor.u32 v8, v18;
	v28 =	vld.idx.msk [tilespmem:v20+s3+$0x0], $0xffff  }
0x187: {  	v24 =	vor.u32 v9, v18;
	v20 =	vadd.s32 s25, v1;
	v27 =	vld.idx.msk [tilespmem:v22+s3+$0x0], $0xffff  }
0x188: {  	v33 =	vor.u32 v4, v17;
	v35 =	vor.u32 v10, v17;
	v32 =	vld.idx.msk [tilespmem:v23+s3+$0x0], $0xffff;
	v18 =	vand.u32 $0x3F, v20  }
0x189: {  	v36 =	vor.u32 v11, v17;
	v37 =	vor.u32 v12, v17;
	v30 =	vld.idx.msk [tilespmem:v25+s3+$0x0], $0xffff;
	v29 =	vshll.u32 v18, $0x7  }
0x18a: {  	v19 =	vor.u32 v13, v17;
	v31 =	vld.idx.msk [tilespmem:v26+s3+$0x0], $0xffff;
	v20 =	vor.u32 v13, v18;
	v25 =	vor.u32 v0, v29  }
0x18b: {  	s6 =	simm.s32 $0x2;
	v34 =	vld.idx.msk [tilespmem:v34+s3+$0x0], $0xffff;
	v22 =	vor.u32 v2, v29;
	v26 =	vor.u32 v3, v29;
	v23 =	vor.u32 v5, v29  }
.LBB2_16:
0x18c: {  	p6 =	sne.s32 s6, $0x3F;
	v38 =	vor.u32 v6, v29;
	v39 =	vor.u32 v7, v29;
	v40 =	vld.idx.msk [tilespmem:v24+s3+$0x0], $0xffff;
	v41 =	vor.u32 v14, v17;
	s11 =	smov.u32 s6;
	s6 =	sadd.s32 $0x1, s6  }
0x18d: {  	v42 =	vor.u32 v8, v29;
	v24 =	vor.u32 v9, v29;
	[tilespmem:v33+s30+$0x0] =	vst.idx.msk $0xffff, v28  }
0x18e: {  	v28 =	vor.u32 v15, v17;
	[tilespmem:v35+s30+$0x0] =	vst.idx.msk $0xffff, v32  }
0x18f: {  	[tilespmem:v36+s30+$0x0] =	vst.idx.msk $0xffff, v27;
	v27 =	vor.u32 v16, v17;
	v17 =	vmov v18  }
0x190: {  	[tilespmem:v37+s30+$0x0] =	vst.idx.msk $0xffff, v30  }
0x191: {  	[tilespmem:v19+s30+$0x0] =	vst.idx.msk $0xffff, v21;
	v19 =	vmov v20  }
0x192: {  	[tilespmem:v41+s30+$0x0] =	vst.idx.msk $0xffff, v31  }
0x193: {  	[tilespmem:v28+s30+$0x0] =	vst.idx.msk $0xffff, v34  }
0x194: {  	[tilespmem:v27+s30+$0x0] =	vst.idx.msk $0xffff, v40  }
0x195: {  	v21 =	vld.idx.msk [tilespmem:v38+s3+$0x0], $0xffff  }
0x196: {  	v28 =	vld.idx.msk [tilespmem:v25+s3+$0x0], $0xffff  }
.Ltmp9:
0x197: {  	v18 =	vadd.s32 s11, v1;
	v27 =	vld.idx.msk [tilespmem:v26+s3+$0x0], $0xffff;
	(pc) =	sbr.rel @p6 .LBB2_16-.Ltmp9, $4  }
0x198: {  	v18 =	vand.u32 $0x3F, v18;
	v33 =	vor.u32 v4, v17;
	v32 =	vld.idx.msk [tilespmem:v22+s3+$0x0], $0xffff  }
0x199: {  	v35 =	vor.u32 v10, v17;
	v29 =	vshll.u32 v18, $0x7;
	v20 =	vor.u32 v13, v18;
	v30 =	vld.idx.msk [tilespmem:v23+s3+$0x0], $0xffff  }
0x19a: {  	v36 =	vor.u32 v11, v17;
	v25 =	vor.u32 v0, v29;
	v22 =	vor.u32 v2, v29;
	v31 =	vld.idx.msk [tilespmem:v39+s3+$0x0], $0xffff  }
0x19b: {  	v37 =	vor.u32 v12, v17;
	v26 =	vor.u32 v3, v29;
	v23 =	vor.u32 v5, v29;
	v34 =	vld.idx.msk [tilespmem:v42+s3+$0x0], $0xffff  }
0x19c: {  	_ =	sdelay $0x3  }
0x19d: {  	v24 =	vld.idx.msk [tilespmem:v24+s3+$0x0], $0xffff;
	v38 =	vor.u32 v14, v17;
	[tilespmem:v33+s30+$0x0] =	vst.idx.msk $0xffff, v28  }
0x19e: {  	v28 =	vor.u32 v15, v17;
	[tilespmem:v35+s30+$0x0] =	vst.idx.msk $0xffff, v32  }
0x19f: {  	v17 =	vor.u32 v16, v17;
	[tilespmem:v36+s30+$0x0] =	vst.idx.msk $0xffff, v27  }
0x1a0: {  	v27 =	vor.u32 v6, v29;
	[tilespmem:v37+s30+$0x0] =	vst.idx.msk $0xffff, v30  }
0x1a1: {  	[tilespmem:v19+s30+$0x0] =	vst.idx.msk $0xffff, v21  }
0x1a2: {  	[tilespmem:v38+s30+$0x0] =	vst.idx.msk $0xffff, v31  }
0x1a3: {  	[tilespmem:v28+s30+$0x0] =	vst.idx.msk $0xffff, v34  }
0x1a4: {  	[tilespmem:v17+s30+$0x0] =	vst.idx.msk $0xffff, v24  }
0x1a5: {  	v21 =	vor.u32 v8, v29;
	v19 =	vld.idx.msk [tilespmem:v27+s3+$0x0], $0xffff  }
0x1a6: {  	v17 =	vor.u32 v7, v29;
	v24 =	vld.idx.msk [tilespmem:v25+s3+$0x0], $0xffff  }
0x1a7: {  	v25 =	vor.u32 v9, v29;
	v26 =	vld.idx.msk [tilespmem:v26+s3+$0x0], $0xffff;
	v27 =	vor.u32 v4, v18  }
0x1a8: {  	v28 =	vor.u32 v10, v18;
	v22 =	vld.idx.msk [tilespmem:v22+s3+$0x0], $0xffff  }
0x1a9: {  	v23 =	vld.idx.msk [tilespmem:v23+s3+$0x0], $0xffff;
	v29 =	vor.u32 v11, v18  }
0x1aa: {  	v30 =	vor.u32 v12, v18;
	v21 =	vld.idx.msk [tilespmem:v21+s3+$0x0], $0xffff  }
0x1ab: {  	v17 =	vld.idx.msk [tilespmem:v17+s3+$0x0], $0xffff  }
0x1ac: {  	v31 =	vor.u32 v14, v18;
	v25 =	vld.idx.msk [tilespmem:v25+s3+$0x0], $0xffff;
	[tilespmem:v27+s30+$0x0] =	vst.idx.msk $0xffff, v24  }
0x1ad: {  	[tilespmem:v28+s30+$0x0] =	vst.idx.msk $0xffff, v22;
	v22 =	vor.u32 v15, v18  }
0x1ae: {  	v18 =	vor.u32 v16, v18;
	[tilespmem:v29+s30+$0x0] =	vst.idx.msk $0xffff, v26  }
0x1af: {  	s6 =	simm.s32 $0x0;
	[tilespmem:v30+s30+$0x0] =	vst.idx.msk $0xffff, v23  }
0x1b0: {  	[tilespmem:v20+s30+$0x0] =	vst.idx.msk $0xffff, v19;
	v19 =	vadd.s32 s6, v1  }
0x1b1: {  	[tilespmem:v31+s30+$0x0] =	vst.idx.msk $0xffff, v17;
	v17 =	vand.u32 $0x3F, v19  }
0x1b2: {  	[tilespmem:v22+s30+$0x0] =	vst.idx.msk $0xffff, v21;
	v20 =	vshll.u32 v17, $0x7  }
0x1b3: {  	s11 =	rddreg [dreg:$0xc];
	[tilespmem:v18+s30+$0x0] =	vst.idx.msk $0xffff, v25;
	v18 =	vor.u32 v6, v20  }
0x1b4: {  	v19 =	vor.u32 v0, v20;
	[hbm4b:s11+s6] =	stream.linear.scatter [tilespmem:s30], [sflag:$0x7], $0x2000, $0x38;
	[tilespmem:$0x11000] =	vst v63  }
0x1b5: {  	v22 =	vor.u32 v3, v20;
	_ =	swait.ge [sflag:s7], $0x2000  }
0x1b6: {  	v23 =	vor.u32 v2, v20;
	[sflag:s7] =	ssyncset.done $0x0  }
0x1b7: {  	v25 =	vor.u32 v5, v20;
	[sflag:s7] =	ssyncadd.s32 $0xFFFFE000  }
0x1b8: {  	v26 =	vor.u32 v7, v20;
	v21 =	vld.idx.msk [tilespmem:v18+s22+$0x0], $0xffff  }
0x1b9: {  	s25 =	simm.s32 $0x1;
	v63 =	vor.u32 v8, v20;
	v28 =	vld.idx.msk [tilespmem:v19+s22+$0x0], $0xffff  }
0x1ba: {  	v24 =	vor.u32 v9, v20;
	v18 =	vadd.s32 s25, v1;
	v27 =	vld.idx.msk [tilespmem:v22+s22+$0x0], $0xffff  }
0x1bb: {  	v33 =	vor.u32 v4, v17;
	v35 =	vor.u32 v10, v17;
	v32 =	vld.idx.msk [tilespmem:v23+s22+$0x0], $0xffff;
	v18 =	vand.u32 $0x3F, v18  }
0x1bc: {  	v36 =	vor.u32 v11, v17;
	v37 =	vor.u32 v12, v17;
	v30 =	vld.idx.msk [tilespmem:v25+s22+$0x0], $0xffff;
	v29 =	vshll.u32 v18, $0x7  }
0x1bd: {  	v19 =	vor.u32 v13, v17;
	v31 =	vld.idx.msk [tilespmem:v26+s22+$0x0], $0xffff;
	v20 =	vor.u32 v13, v18;
	v25 =	vor.u32 v0, v29  }
0x1be: {  	s6 =	simm.s32 $0x2;
	v34 =	vld.idx.msk [tilespmem:v63+s22+$0x0], $0xffff;
	v22 =	vor.u32 v2, v29;
	v26 =	vor.u32 v3, v29;
	v23 =	vor.u32 v5, v29  }
.LBB2_18:
0x1bf: {  	p6 =	sne.s32 s6, $0x3F;
	v38 =	vor.u32 v6, v29;
	v39 =	vor.u32 v7, v29;
	v40 =	vld.idx.msk [tilespmem:v24+s22+$0x0], $0xffff;
	v41 =	vor.u32 v14, v17;
	s11 =	smov.u32 s6;
	s6 =	sadd.s32 $0x1, s6  }
0x1c0: {  	v42 =	vor.u32 v8, v29;
	v24 =	vor.u32 v9, v29;
	[tilespmem:v33+s8+$0x0] =	vst.idx.msk $0xffff, v28  }
0x1c1: {  	v28 =	vor.u32 v15, v17;
	[tilespmem:v35+s8+$0x0] =	vst.idx.msk $0xffff, v32  }
0x1c2: {  	[tilespmem:v36+s8+$0x0] =	vst.idx.msk $0xffff, v27;
	v27 =	vor.u32 v16, v17;
	v17 =	vmov v18  }
0x1c3: {  	[tilespmem:v37+s8+$0x0] =	vst.idx.msk $0xffff, v30  }
0x1c4: {  	[tilespmem:v19+s8+$0x0] =	vst.idx.msk $0xffff, v21;
	v19 =	vmov v20  }
0x1c5: {  	[tilespmem:v41+s8+$0x0] =	vst.idx.msk $0xffff, v31  }
0x1c6: {  	[tilespmem:v28+s8+$0x0] =	vst.idx.msk $0xffff, v34  }
0x1c7: {  	[tilespmem:v27+s8+$0x0] =	vst.idx.msk $0xffff, v40  }
0x1c8: {  	v21 =	vld.idx.msk [tilespmem:v38+s22+$0x0], $0xffff  }
0x1c9: {  	v28 =	vld.idx.msk [tilespmem:v25+s22+$0x0], $0xffff  }
.Ltmp10:
0x1ca: {  	v18 =	vadd.s32 s11, v1;
	v27 =	vld.idx.msk [tilespmem:v26+s22+$0x0], $0xffff;
	(pc) =	sbr.rel @p6 .LBB2_18-.Ltmp10, $4  }
0x1cb: {  	v18 =	vand.u32 $0x3F, v18;
	v33 =	vor.u32 v4, v17;
	v32 =	vld.idx.msk [tilespmem:v22+s22+$0x0], $0xffff  }
0x1cc: {  	v35 =	vor.u32 v10, v17;
	v29 =	vshll.u32 v18, $0x7;
	v20 =	vor.u32 v13, v18;
	v30 =	vld.idx.msk [tilespmem:v23+s22+$0x0], $0xffff  }
0x1cd: {  	v36 =	vor.u32 v11, v17;
	v25 =	vor.u32 v0, v29;
	v22 =	vor.u32 v2, v29;
	v31 =	vld.idx.msk [tilespmem:v39+s22+$0x0], $0xffff  }
0x1ce: {  	v37 =	vor.u32 v12, v17;
	v26 =	vor.u32 v3, v29;
	v23 =	vor.u32 v5, v29;
	v34 =	vld.idx.msk [tilespmem:v42+s22+$0x0], $0xffff  }
0x1cf: {  	_ =	sdelay $0x3  }
0x1d0: {  	v24 =	vld.idx.msk [tilespmem:v24+s22+$0x0], $0xffff;
	v38 =	vor.u32 v14, v17;
	[tilespmem:v33+s8+$0x0] =	vst.idx.msk $0xffff, v28  }
0x1d1: {  	v54 =	vor.u32 v15, v17;
	[tilespmem:v35+s8+$0x0] =	vst.idx.msk $0xffff, v32  }
0x1d2: {  	v17 =	vor.u32 v16, v17;
	[tilespmem:v36+s8+$0x0] =	vst.idx.msk $0xffff, v27  }
0x1d3: {  	v55 =	vor.u32 v6, v29;
	[tilespmem:v37+s8+$0x0] =	vst.idx.msk $0xffff, v30  }
0x1d4: {  	[tilespmem:v19+s8+$0x0] =	vst.idx.msk $0xffff, v21  }
0x1d5: {  	[tilespmem:v38+s8+$0x0] =	vst.idx.msk $0xffff, v31  }
0x1d6: {  	[tilespmem:v54+s8+$0x0] =	vst.idx.msk $0xffff, v34  }
0x1d7: {  	[tilespmem:v17+s8+$0x0] =	vst.idx.msk $0xffff, v24  }
0x1d8: {  	v56 =	vor.u32 v8, v29;
	v19 =	vld.idx.msk [tilespmem:v55+s22+$0x0], $0xffff  }
0x1d9: {  	v57 =	vor.u32 v9, v29;
	v24 =	vld.idx.msk [tilespmem:v25+s22+$0x0], $0xffff  }
0x1da: {  	v58 =	vor.u32 v4, v18;
	v17 =	vor.u32 v7, v29;
	v26 =	vld.idx.msk [tilespmem:v26+s22+$0x0], $0xffff  }
0x1db: {  	v59 =	vor.u32 v10, v18;
	v22 =	vld.idx.msk [tilespmem:v22+s22+$0x0], $0xffff  }
0x1dc: {  	v60 =	vor.u32 v11, v18;
	v23 =	vld.idx.msk [tilespmem:v23+s22+$0x0], $0xffff  }
0x1dd: {  	v61 =	vor.u32 v12, v18;
	v21 =	vld.idx.msk [tilespmem:v56+s22+$0x0], $0xffff  }
0x1de: {  	v25 =	vld.idx.msk [tilespmem:v57+s22+$0x0], $0xffff  }
0x1df: {  	v62 =	vor.u32 v14, v18;
	v17 =	vld.idx.msk [tilespmem:v17+s22+$0x0], $0xffff;
	[tilespmem:v58+s8+$0x0] =	vst.idx.msk $0xffff, v24  }
0x1e0: {  	v63 =	vor.u32 v15, v18;
	[tilespmem:v59+s8+$0x0] =	vst.idx.msk $0xffff, v22  }
0x1e1: {  	v18 =	vor.u32 v16, v18;
	[tilespmem:v60+s8+$0x0] =	vst.idx.msk $0xffff, v26  }
0x1e2: {  	[tilespmem:v61+s8+$0x0] =	vst.idx.msk $0xffff, v23  }
0x1e3: {  	[tilespmem:v20+s8+$0x0] =	vst.idx.msk $0xffff, v19  }
0x1e4: {  	[tilespmem:v62+s8+$0x0] =	vst.idx.msk $0xffff, v17  }
0x1e5: {  	[tilespmem:v63+s8+$0x0] =	vst.idx.msk $0xffff, v21  }
0x1e6: {  	s6 =	rddreg [dreg:$0xd];
	[tilespmem:v18+s8+$0x0] =	vst.idx.msk $0xffff, v25  }
0x1e7: {  	[hbm4b:s6+s5] =	stream.linear.scatter [tilespmem:s8], [sflag:$0x8], $0x2000, $0x38;
	[tilespmem:$0x11000] =	vst v63  }
0x1e8: {  	_ =	swait.ge [sflag:s26], $0x2000  }
0x1e9: {  	[sflag:s26] =	ssyncset.done $0x0  }
0x1ea: {  	[sflag:s26] =	ssyncadd.s32 $0xFFFFE000  }
0x1eb: {  	_ =	swait.ge [sflag:s28], $0x2000  }
0x1ec: {  	[sflag:s28] =	ssyncset.done $0x0  }
0x1ed: {  	[sflag:s28] =	ssyncadd.s32 $0xFFFFE000  }
0x1ee: {  	_ =	swait.ge [sflag:s9], $0x2000  }
.Ltmp11:
0x1ef: {  	[sflag:s9] =	ssyncset.done $0x0;
	(pc) =	sbr.rel @!p0 .LBB2_20-.Ltmp11, $4  }
0x1f0: {  	[sflag:s9] =	ssyncadd.s32 $0xFFFFE000  }
0x1f1: {  	_ =	swait.ge [sflag:s10], $0x2000  }
0x1f2: {  	[sflag:s10] =	ssyncset.done $0x0  }
0x1f3: {  	[sflag:s10] =	ssyncadd.s32 $0xFFFFE000  }
.Ltmp12:
0x1f4: {  	(pc) =	sbr.rel @p3 .LBB2_31-.Ltmp12, $1  }
0x1f5: {  	_ =	sdelay $0x3  }
.Ltmp13:
0x1f6: {  	(pc) =	sbr.rel @!p4 .LBB2_27-.Ltmp13, $1  }
0x1f7: {  	_ =	sdelay $0x3  }
0x1f8: {  	s6 =	simm.s32 $0x0  }
0x1f9: {  	v17 =	vadd.s32 s6, v1  }
0x1fa: {  	v17 =	vand.u32 $0x3F, v17  }
0x1fb: {  	v18 =	vshll.u32 v17, $0x7  }
0x1fc: {  	s11 =	rddreg [dreg:$0x12];
	s18 =	simm.s32 $0x9;
	v19 =	vor.u32 v6, v18  }
0x1fd: {  	[tilespmem:s6], [sflag:$0x9] =	stream.strided.gather [hbm4b:s11+s31], $0x2000, s2, s31, $0x38;
	v20 =	vor.u32 v0, v18;
	[tilespmem:$0x11000] =	vst v63  }
0x1fe: {  	_ =	swait.ge [sflag:s18], $0x2000;
	v22 =	vor.u32 v3, v18  }
0x1ff: {  	[sflag:s18] =	ssyncset.done $0x0;
	v23 =	vor.u32 v2, v18  }
0x200: {  	[sflag:s18] =	ssyncadd.s32 $0xFFFFE000;
	v25 =	vor.u32 v5, v18  }
0x201: {  	v26 =	vor.u32 v7, v18;
	v21 =	vld.idx.msk [tilespmem:v19+s5+$0x0], $0xffff  }
0x202: {  	s25 =	simm.s32 $0x1;
	v34 =	vor.u32 v8, v18;
	v28 =	vld.idx.msk [tilespmem:v20+s5+$0x0], $0xffff  }
0x203: {  	v24 =	vor.u32 v9, v18;
	v20 =	vadd.s32 s25, v1;
	v27 =	vld.idx.msk [tilespmem:v22+s5+$0x0], $0xffff  }
0x204: {  	v33 =	vor.u32 v4, v17;
	v35 =	vor.u32 v10, v17;
	v32 =	vld.idx.msk [tilespmem:v23+s5+$0x0], $0xffff;
	v18 =	vand.u32 $0x3F, v20  }
0x205: {  	v36 =	vor.u32 v11, v17;
	v37 =	vor.u32 v12, v17;
	v30 =	vld.idx.msk [tilespmem:v25+s5+$0x0], $0xffff;
	v29 =	vshll.u32 v18, $0x7  }
0x206: {  	v19 =	vor.u32 v13, v17;
	v31 =	vld.idx.msk [tilespmem:v26+s5+$0x0], $0xffff;
	v20 =	vor.u32 v13, v18;
	v25 =	vor.u32 v0, v29  }
0x207: {  	s6 =	simm.s32 $0x2;
	v34 =	vld.idx.msk [tilespmem:v34+s5+$0x0], $0xffff;
	v22 =	vor.u32 v2, v29;
	v26 =	vor.u32 v3, v29;
	v23 =	vor.u32 v5, v29  }
.LBB2_35:
0x208: {  	p6 =	sne.s32 s6, $0x3F;
	v38 =	vor.u32 v6, v29;
	v39 =	vor.u32 v7, v29;
	v40 =	vld.idx.msk [tilespmem:v24+s5+$0x0], $0xffff;
	v41 =	vor.u32 v14, v17;
	s11 =	smov.u32 s6;
	s6 =	sadd.s32 $0x1, s6  }
0x209: {  	v42 =	vor.u32 v8, v29;
	v24 =	vor.u32 v9, v29;
	[tilespmem:v33+s21+$0x0] =	vst.idx.msk $0xffff, v28  }
0x20a: {  	v28 =	vor.u32 v15, v17;
	[tilespmem:v35+s21+$0x0] =	vst.idx.msk $0xffff, v32  }
0x20b: {  	[tilespmem:v36+s21+$0x0] =	vst.idx.msk $0xffff, v27;
	v27 =	vor.u32 v16, v17;
	v17 =	vmov v18  }
0x20c: {  	[tilespmem:v37+s21+$0x0] =	vst.idx.msk $0xffff, v30  }
0x20d: {  	[tilespmem:v19+s21+$0x0] =	vst.idx.msk $0xffff, v21;
	v19 =	vmov v20  }
0x20e: {  	[tilespmem:v41+s21+$0x0] =	vst.idx.msk $0xffff, v31  }
0x20f: {  	[tilespmem:v28+s21+$0x0] =	vst.idx.msk $0xffff, v34  }
0x210: {  	[tilespmem:v27+s21+$0x0] =	vst.idx.msk $0xffff, v40  }
0x211: {  	v21 =	vld.idx.msk [tilespmem:v38+s5+$0x0], $0xffff  }
0x212: {  	v28 =	vld.idx.msk [tilespmem:v25+s5+$0x0], $0xffff  }
.Ltmp14:
0x213: {  	v18 =	vadd.s32 s11, v1;
	v27 =	vld.idx.msk [tilespmem:v26+s5+$0x0], $0xffff;
	(pc) =	sbr.rel @p6 .LBB2_35-.Ltmp14, $4  }
0x214: {  	v18 =	vand.u32 $0x3F, v18;
	v33 =	vor.u32 v4, v17;
	v32 =	vld.idx.msk [tilespmem:v22+s5+$0x0], $0xffff  }
0x215: {  	v35 =	vor.u32 v10, v17;
	v29 =	vshll.u32 v18, $0x7;
	v20 =	vor.u32 v13, v18;
	v30 =	vld.idx.msk [tilespmem:v23+s5+$0x0], $0xffff  }
0x216: {  	v36 =	vor.u32 v11, v17;
	v25 =	vor.u32 v0, v29;
	v22 =	vor.u32 v2, v29;
	v31 =	vld.idx.msk [tilespmem:v39+s5+$0x0], $0xffff  }
0x217: {  	v37 =	vor.u32 v12, v17;
	v26 =	vor.u32 v3, v29;
	v23 =	vor.u32 v5, v29;
	v34 =	vld.idx.msk [tilespmem:v42+s5+$0x0], $0xffff  }
0x218: {  	_ =	sdelay $0x3  }
0x219: {  	v24 =	vld.idx.msk [tilespmem:v24+s5+$0x0], $0xffff;
	v38 =	vor.u32 v14, v17;
	[tilespmem:v33+s21+$0x0] =	vst.idx.msk $0xffff, v28  }
0x21a: {  	v54 =	vor.u32 v15, v17;
	[tilespmem:v35+s21+$0x0] =	vst.idx.msk $0xffff, v32  }
0x21b: {  	v17 =	vor.u32 v16, v17;
	[tilespmem:v36+s21+$0x0] =	vst.idx.msk $0xffff, v27  }
0x21c: {  	v55 =	vor.u32 v6, v29;
	[tilespmem:v37+s21+$0x0] =	vst.idx.msk $0xffff, v30  }
0x21d: {  	[tilespmem:v19+s21+$0x0] =	vst.idx.msk $0xffff, v21  }
0x21e: {  	[tilespmem:v38+s21+$0x0] =	vst.idx.msk $0xffff, v31  }
0x21f: {  	[tilespmem:v54+s21+$0x0] =	vst.idx.msk $0xffff, v34  }
0x220: {  	[tilespmem:v17+s21+$0x0] =	vst.idx.msk $0xffff, v24  }
0x221: {  	v56 =	vor.u32 v8, v29;
	v19 =	vld.idx.msk [tilespmem:v55+s5+$0x0], $0xffff  }
0x222: {  	v57 =	vor.u32 v9, v29;
	v24 =	vld.idx.msk [tilespmem:v25+s5+$0x0], $0xffff  }
0x223: {  	v58 =	vor.u32 v4, v18;
	v17 =	vor.u32 v7, v29;
	v26 =	vld.idx.msk [tilespmem:v26+s5+$0x0], $0xffff  }
0x224: {  	v59 =	vor.u32 v10, v18;
	v22 =	vld.idx.msk [tilespmem:v22+s5+$0x0], $0xffff  }
0x225: {  	v60 =	vor.u32 v11, v18;
	v23 =	vld.idx.msk [tilespmem:v23+s5+$0x0], $0xffff  }
0x226: {  	v61 =	vor.u32 v12, v18;
	v21 =	vld.idx.msk [tilespmem:v56+s5+$0x0], $0xffff  }
0x227: {  	v25 =	vld.idx.msk [tilespmem:v57+s5+$0x0], $0xffff  }
0x228: {  	v62 =	vor.u32 v14, v18;
	v17 =	vld.idx.msk [tilespmem:v17+s5+$0x0], $0xffff;
	[tilespmem:v58+s21+$0x0] =	vst.idx.msk $0xffff, v24  }
0x229: {  	v63 =	vor.u32 v15, v18;
	[tilespmem:v59+s21+$0x0] =	vst.idx.msk $0xffff, v22  }
0x22a: {  	v18 =	vor.u32 v16, v18;
	[tilespmem:v60+s21+$0x0] =	vst.idx.msk $0xffff, v26  }
0x22b: {  	[tilespmem:v61+s21+$0x0] =	vst.idx.msk $0xffff, v23  }
0x22c: {  	[tilespmem:v20+s21+$0x0] =	vst.idx.msk $0xffff, v19  }
0x22d: {  	[tilespmem:v62+s21+$0x0] =	vst.idx.msk $0xffff, v17  }
0x22e: {  	[tilespmem:v63+s21+$0x0] =	vst.idx.msk $0xffff, v21  }
.Ltmp15:
0x22f: {  	s6 =	rddreg [dreg:$0x14];
	s25 =	simm.s32 $0x9;
	[tilespmem:v18+s21+$0x0] =	vst.idx.msk $0xffff, v25;
	(pc) =	sbr.rel .LBB2_37-.Ltmp15, $4  }
0x230: {  	[hbm4b:s6+s5] =	stream.linear.scatter [tilespmem:s21], [sflag:$0x9], $0x2000, $0x38;
	[tilespmem:$0x11000] =	vst v63  }
0x231: {  	_ =	swait.ge [sflag:s25], $0x2000  }
0x232: {  	[sflag:s25] =	ssyncset.done $0x0  }
0x233: {  	s11 =	rddreg [dreg:$0x18];
	[sflag:s25] =	ssyncadd.s32 $0xFFFFE000  }
.LBB2_20:
.Ltmp16:
0x234: {  	(pc) =	sbr.rel @p1 .LBB2_28-.Ltmp16, $1  }
0x235: {  	_ =	sdelay $0x3  }
.Ltmp17:
0x236: {  	(pc) =	sbr.rel @!p2 .LBB2_37-.Ltmp17, $2  }
0x237: {  	_ =	sdelay $0x2  }
0x238: {  	s11 =	rddreg [dreg:$0x18]  }
0x239: {  	s6 =	simm.s32 $0x0  }
0x23a: {  	v17 =	vadd.s32 s6, v1  }
0x23b: {  	v17 =	vand.u32 $0x3F, v17  }
0x23c: {  	v18 =	vshll.u32 v17, $0x7  }
0x23d: {  	s11 =	rddreg [dreg:$0xe];
	s18 =	simm.s32 $0x9;
	v19 =	vor.u32 v6, v18  }
0x23e: {  	[tilespmem:s6], [sflag:$0x9] =	stream.strided.gather [hbm4b:s11+s31], $0x2000, s2, s31, $0x38;
	v20 =	vor.u32 v0, v18;
	[tilespmem:$0x11000] =	vst v63  }
0x23f: {  	_ =	swait.ge [sflag:s18], $0x2000;
	v22 =	vor.u32 v3, v18  }
0x240: {  	[sflag:s18] =	ssyncset.done $0x0;
	v23 =	vor.u32 v2, v18  }
0x241: {  	[sflag:s18] =	ssyncadd.s32 $0xFFFFE000;
	v25 =	vor.u32 v5, v18  }
0x242: {  	v26 =	vor.u32 v7, v18;
	v21 =	vld.idx.msk [tilespmem:v19+s5+$0x0], $0xffff  }
0x243: {  	s25 =	simm.s32 $0x1;
	v34 =	vor.u32 v8, v18;
	v28 =	vld.idx.msk [tilespmem:v20+s5+$0x0], $0xffff  }
0x244: {  	v24 =	vor.u32 v9, v18;
	v20 =	vadd.s32 s25, v1;
	v27 =	vld.idx.msk [tilespmem:v22+s5+$0x0], $0xffff  }
0x245: {  	v33 =	vor.u32 v4, v17;
	v35 =	vor.u32 v10, v17;
	v32 =	vld.idx.msk [tilespmem:v23+s5+$0x0], $0xffff;
	v18 =	vand.u32 $0x3F, v20  }
0x246: {  	v36 =	vor.u32 v11, v17;
	v37 =	vor.u32 v12, v17;
	v30 =	vld.idx.msk [tilespmem:v25+s5+$0x0], $0xffff;
	v29 =	vshll.u32 v18, $0x7  }
0x247: {  	v19 =	vor.u32 v13, v17;
	v31 =	vld.idx.msk [tilespmem:v26+s5+$0x0], $0xffff;
	v20 =	vor.u32 v13, v18;
	v25 =	vor.u32 v0, v29  }
0x248: {  	s6 =	simm.s32 $0x2;
	v34 =	vld.idx.msk [tilespmem:v34+s5+$0x0], $0xffff;
	v22 =	vor.u32 v2, v29;
	v26 =	vor.u32 v3, v29;
	v23 =	vor.u32 v5, v29  }
.LBB2_23:
0x249: {  	p6 =	sne.s32 s6, $0x3F;
	v38 =	vor.u32 v6, v29;
	v39 =	vor.u32 v7, v29;
	v40 =	vld.idx.msk [tilespmem:v24+s5+$0x0], $0xffff;
	v41 =	vor.u32 v14, v17;
	s11 =	smov.u32 s6;
	s6 =	sadd.s32 $0x1, s6  }
0x24a: {  	v42 =	vor.u32 v8, v29;
	v24 =	vor.u32 v9, v29;
	[tilespmem:v33+s21+$0x0] =	vst.idx.msk $0xffff, v28  }
0x24b: {  	v28 =	vor.u32 v15, v17;
	[tilespmem:v35+s21+$0x0] =	vst.idx.msk $0xffff, v32  }
0x24c: {  	[tilespmem:v36+s21+$0x0] =	vst.idx.msk $0xffff, v27;
	v27 =	vor.u32 v16, v17;
	v17 =	vmov v18  }
0x24d: {  	[tilespmem:v37+s21+$0x0] =	vst.idx.msk $0xffff, v30  }
0x24e: {  	[tilespmem:v19+s21+$0x0] =	vst.idx.msk $0xffff, v21;
	v19 =	vmov v20  }
0x24f: {  	[tilespmem:v41+s21+$0x0] =	vst.idx.msk $0xffff, v31  }
0x250: {  	[tilespmem:v28+s21+$0x0] =	vst.idx.msk $0xffff, v34  }
0x251: {  	[tilespmem:v27+s21+$0x0] =	vst.idx.msk $0xffff, v40  }
0x252: {  	v21 =	vld.idx.msk [tilespmem:v38+s5+$0x0], $0xffff  }
0x253: {  	v28 =	vld.idx.msk [tilespmem:v25+s5+$0x0], $0xffff  }
.Ltmp18:
0x254: {  	v18 =	vadd.s32 s11, v1;
	v27 =	vld.idx.msk [tilespmem:v26+s5+$0x0], $0xffff;
	(pc) =	sbr.rel @p6 .LBB2_23-.Ltmp18, $4  }
0x255: {  	v18 =	vand.u32 $0x3F, v18;
	v33 =	vor.u32 v4, v17;
	v32 =	vld.idx.msk [tilespmem:v22+s5+$0x0], $0xffff  }
0x256: {  	v35 =	vor.u32 v10, v17;
	v29 =	vshll.u32 v18, $0x7;
	v20 =	vor.u32 v13, v18;
	v30 =	vld.idx.msk [tilespmem:v23+s5+$0x0], $0xffff  }
0x257: {  	v36 =	vor.u32 v11, v17;
	v25 =	vor.u32 v0, v29;
	v22 =	vor.u32 v2, v29;
	v31 =	vld.idx.msk [tilespmem:v39+s5+$0x0], $0xffff  }
0x258: {  	v37 =	vor.u32 v12, v17;
	v26 =	vor.u32 v3, v29;
	v23 =	vor.u32 v5, v29;
	v34 =	vld.idx.msk [tilespmem:v42+s5+$0x0], $0xffff  }
0x259: {  	_ =	sdelay $0x3  }
0x25a: {  	v24 =	vld.idx.msk [tilespmem:v24+s5+$0x0], $0xffff;
	v38 =	vor.u32 v14, v17;
	[tilespmem:v33+s21+$0x0] =	vst.idx.msk $0xffff, v28  }
0x25b: {  	v54 =	vor.u32 v15, v17;
	[tilespmem:v35+s21+$0x0] =	vst.idx.msk $0xffff, v32  }
0x25c: {  	v17 =	vor.u32 v16, v17;
	[tilespmem:v36+s21+$0x0] =	vst.idx.msk $0xffff, v27  }
0x25d: {  	v55 =	vor.u32 v6, v29;
	[tilespmem:v37+s21+$0x0] =	vst.idx.msk $0xffff, v30  }
0x25e: {  	[tilespmem:v19+s21+$0x0] =	vst.idx.msk $0xffff, v21  }
0x25f: {  	[tilespmem:v38+s21+$0x0] =	vst.idx.msk $0xffff, v31  }
0x260: {  	[tilespmem:v54+s21+$0x0] =	vst.idx.msk $0xffff, v34  }
0x261: {  	[tilespmem:v17+s21+$0x0] =	vst.idx.msk $0xffff, v24  }
0x262: {  	v56 =	vor.u32 v8, v29;
	v19 =	vld.idx.msk [tilespmem:v55+s5+$0x0], $0xffff  }
0x263: {  	v57 =	vor.u32 v9, v29;
	v24 =	vld.idx.msk [tilespmem:v25+s5+$0x0], $0xffff  }
0x264: {  	v58 =	vor.u32 v4, v18;
	v17 =	vor.u32 v7, v29;
	v26 =	vld.idx.msk [tilespmem:v26+s5+$0x0], $0xffff  }
0x265: {  	v59 =	vor.u32 v10, v18;
	v22 =	vld.idx.msk [tilespmem:v22+s5+$0x0], $0xffff  }
0x266: {  	v60 =	vor.u32 v11, v18;
	v23 =	vld.idx.msk [tilespmem:v23+s5+$0x0], $0xffff  }
0x267: {  	v61 =	vor.u32 v12, v18;
	v21 =	vld.idx.msk [tilespmem:v56+s5+$0x0], $0xffff  }
0x268: {  	v25 =	vld.idx.msk [tilespmem:v57+s5+$0x0], $0xffff  }
0x269: {  	v62 =	vor.u32 v14, v18;
	v17 =	vld.idx.msk [tilespmem:v17+s5+$0x0], $0xffff;
	[tilespmem:v58+s21+$0x0] =	vst.idx.msk $0xffff, v24  }
0x26a: {  	v63 =	vor.u32 v15, v18;
	[tilespmem:v59+s21+$0x0] =	vst.idx.msk $0xffff, v22  }
0x26b: {  	v18 =	vor.u32 v16, v18;
	[tilespmem:v60+s21+$0x0] =	vst.idx.msk $0xffff, v26  }
0x26c: {  	[tilespmem:v61+s21+$0x0] =	vst.idx.msk $0xffff, v23  }
0x26d: {  	[tilespmem:v20+s21+$0x0] =	vst.idx.msk $0xffff, v19  }
0x26e: {  	[tilespmem:v62+s21+$0x0] =	vst.idx.msk $0xffff, v17  }
0x26f: {  	[tilespmem:v63+s21+$0x0] =	vst.idx.msk $0xffff, v21  }
.Ltmp19:
0x270: {  	s6 =	rddreg [dreg:$0xf];
	s25 =	simm.s32 $0x9;
	[tilespmem:v18+s21+$0x0] =	vst.idx.msk $0xffff, v25;
	(pc) =	sbr.rel .LBB2_37-.Ltmp19, $4  }
0x271: {  	[hbm4b:s6+s5] =	stream.linear.scatter [tilespmem:s21], [sflag:$0x9], $0x2000, $0x38;
	[tilespmem:$0x11000] =	vst v63  }
0x272: {  	_ =	swait.ge [sflag:s25], $0x2000  }
0x273: {  	[sflag:s25] =	ssyncset.done $0x0  }
0x274: {  	s11 =	rddreg [dreg:$0x18];
	[sflag:s25] =	ssyncadd.s32 $0xFFFFE000  }
.LBB2_31:
0x275: {  	s6 =	simm.s32 $0x0  }
0x276: {  	v17 =	vadd.s32 s6, v1  }
0x277: {  	v17 =	vand.u32 $0x3F, v17  }
0x278: {  	v18 =	vshll.u32 v17, $0x7  }
0x279: {  	s11 =	rddreg [dreg:$0x10];
	s18 =	simm.s32 $0x9;
	v19 =	vor.u32 v6, v18  }
0x27a: {  	[tilespmem:s6], [sflag:$0x9] =	stream.strided.gather [hbm4b:s11+s31], $0x2000, s2, s31, $0x38;
	v20 =	vor.u32 v0, v18;
	[tilespmem:$0x11000] =	vst v63  }
0x27b: {  	_ =	swait.ge [sflag:s18], $0x2000;
	v22 =	vor.u32 v3, v18  }
0x27c: {  	[sflag:s18] =	ssyncset.done $0x0;
	v23 =	vor.u32 v2, v18  }
0x27d: {  	[sflag:s18] =	ssyncadd.s32 $0xFFFFE000;
	v25 =	vor.u32 v5, v18  }
0x27e: {  	v26 =	vor.u32 v7, v18;
	v21 =	vld.idx.msk [tilespmem:v19+s5+$0x0], $0xffff  }
0x27f: {  	s25 =	simm.s32 $0x1;
	v34 =	vor.u32 v8, v18;
	v28 =	vld.idx.msk [tilespmem:v20+s5+$0x0], $0xffff  }
0x280: {  	v24 =	vor.u32 v9, v18;
	v20 =	vadd.s32 s25, v1;
	v27 =	vld.idx.msk [tilespmem:v22+s5+$0x0], $0xffff  }
0x281: {  	v33 =	vor.u32 v4, v17;
	v35 =	vor.u32 v10, v17;
	v32 =	vld.idx.msk [tilespmem:v23+s5+$0x0], $0xffff;
	v18 =	vand.u32 $0x3F, v20  }
0x282: {  	v36 =	vor.u32 v11, v17;
	v37 =	vor.u32 v12, v17;
	v30 =	vld.idx.msk [tilespmem:v25+s5+$0x0], $0xffff;
	v29 =	vshll.u32 v18, $0x7  }
0x283: {  	v19 =	vor.u32 v13, v17;
	v31 =	vld.idx.msk [tilespmem:v26+s5+$0x0], $0xffff;
	v20 =	vor.u32 v13, v18;
	v25 =	vor.u32 v0, v29  }
0x284: {  	s6 =	simm.s32 $0x2;
	v34 =	vld.idx.msk [tilespmem:v34+s5+$0x0], $0xffff;
	v22 =	vor.u32 v2, v29;
	v26 =	vor.u32 v3, v29;
	v23 =	vor.u32 v5, v29  }
.LBB2_32:
0x285: {  	p6 =	sne.s32 s6, $0x3F;
	v38 =	vor.u32 v6, v29;
	v39 =	vor.u32 v7, v29;
	v40 =	vld.idx.msk [tilespmem:v24+s5+$0x0], $0xffff;
	v41 =	vor.u32 v14, v17;
	s11 =	smov.u32 s6;
	s6 =	sadd.s32 $0x1, s6  }
0x286: {  	v42 =	vor.u32 v8, v29;
	v24 =	vor.u32 v9, v29;
	[tilespmem:v33+s21+$0x0] =	vst.idx.msk $0xffff, v28  }
0x287: {  	v28 =	vor.u32 v15, v17;
	[tilespmem:v35+s21+$0x0] =	vst.idx.msk $0xffff, v32  }
0x288: {  	[tilespmem:v36+s21+$0x0] =	vst.idx.msk $0xffff, v27;
	v27 =	vor.u32 v16, v17;
	v17 =	vmov v18  }
0x289: {  	[tilespmem:v37+s21+$0x0] =	vst.idx.msk $0xffff, v30  }
0x28a: {  	[tilespmem:v19+s21+$0x0] =	vst.idx.msk $0xffff, v21;
	v19 =	vmov v20  }
0x28b: {  	[tilespmem:v41+s21+$0x0] =	vst.idx.msk $0xffff, v31  }
0x28c: {  	[tilespmem:v28+s21+$0x0] =	vst.idx.msk $0xffff, v34  }
0x28d: {  	[tilespmem:v27+s21+$0x0] =	vst.idx.msk $0xffff, v40  }
0x28e: {  	v21 =	vld.idx.msk [tilespmem:v38+s5+$0x0], $0xffff  }
0x28f: {  	v28 =	vld.idx.msk [tilespmem:v25+s5+$0x0], $0xffff  }
.Ltmp20:
0x290: {  	v18 =	vadd.s32 s11, v1;
	v27 =	vld.idx.msk [tilespmem:v26+s5+$0x0], $0xffff;
	(pc) =	sbr.rel @p6 .LBB2_32-.Ltmp20, $4  }
0x291: {  	v18 =	vand.u32 $0x3F, v18;
	v33 =	vor.u32 v4, v17;
	v32 =	vld.idx.msk [tilespmem:v22+s5+$0x0], $0xffff  }
0x292: {  	v35 =	vor.u32 v10, v17;
	v29 =	vshll.u32 v18, $0x7;
	v20 =	vor.u32 v13, v18;
	v30 =	vld.idx.msk [tilespmem:v23+s5+$0x0], $0xffff  }
0x293: {  	v36 =	vor.u32 v11, v17;
	v25 =	vor.u32 v0, v29;
	v22 =	vor.u32 v2, v29;
	v31 =	vld.idx.msk [tilespmem:v39+s5+$0x0], $0xffff  }
0x294: {  	v37 =	vor.u32 v12, v17;
	v26 =	vor.u32 v3, v29;
	v23 =	vor.u32 v5, v29;
	v34 =	vld.idx.msk [tilespmem:v42+s5+$0x0], $0xffff  }
0x295: {  	_ =	sdelay $0x3  }
0x296: {  	v24 =	vld.idx.msk [tilespmem:v24+s5+$0x0], $0xffff;
	v38 =	vor.u32 v14, v17;
	[tilespmem:v33+s21+$0x0] =	vst.idx.msk $0xffff, v28  }
0x297: {  	v54 =	vor.u32 v15, v17;
	[tilespmem:v35+s21+$0x0] =	vst.idx.msk $0xffff, v32  }
0x298: {  	v17 =	vor.u32 v16, v17;
	[tilespmem:v36+s21+$0x0] =	vst.idx.msk $0xffff, v27  }
0x299: {  	v55 =	vor.u32 v6, v29;
	[tilespmem:v37+s21+$0x0] =	vst.idx.msk $0xffff, v30  }
0x29a: {  	[tilespmem:v19+s21+$0x0] =	vst.idx.msk $0xffff, v21  }
0x29b: {  	[tilespmem:v38+s21+$0x0] =	vst.idx.msk $0xffff, v31  }
0x29c: {  	[tilespmem:v54+s21+$0x0] =	vst.idx.msk $0xffff, v34  }
0x29d: {  	[tilespmem:v17+s21+$0x0] =	vst.idx.msk $0xffff, v24  }
0x29e: {  	v56 =	vor.u32 v8, v29;
	v19 =	vld.idx.msk [tilespmem:v55+s5+$0x0], $0xffff  }
0x29f: {  	v57 =	vor.u32 v9, v29;
	v24 =	vld.idx.msk [tilespmem:v25+s5+$0x0], $0xffff  }
0x2a0: {  	v58 =	vor.u32 v4, v18;
	v17 =	vor.u32 v7, v29;
	v26 =	vld.idx.msk [tilespmem:v26+s5+$0x0], $0xffff  }
0x2a1: {  	v59 =	vor.u32 v10, v18;
	v22 =	vld.idx.msk [tilespmem:v22+s5+$0x0], $0xffff  }
0x2a2: {  	v60 =	vor.u32 v11, v18;
	v23 =	vld.idx.msk [tilespmem:v23+s5+$0x0], $0xffff  }
0x2a3: {  	v61 =	vor.u32 v12, v18;
	v21 =	vld.idx.msk [tilespmem:v56+s5+$0x0], $0xffff  }
0x2a4: {  	v25 =	vld.idx.msk [tilespmem:v57+s5+$0x0], $0xffff  }
0x2a5: {  	v62 =	vor.u32 v14, v18;
	v17 =	vld.idx.msk [tilespmem:v17+s5+$0x0], $0xffff;
	[tilespmem:v58+s21+$0x0] =	vst.idx.msk $0xffff, v24  }
0x2a6: {  	v63 =	vor.u32 v15, v18;
	[tilespmem:v59+s21+$0x0] =	vst.idx.msk $0xffff, v22  }
0x2a7: {  	v18 =	vor.u32 v16, v18;
	[tilespmem:v60+s21+$0x0] =	vst.idx.msk $0xffff, v26  }
0x2a8: {  	[tilespmem:v61+s21+$0x0] =	vst.idx.msk $0xffff, v23  }
0x2a9: {  	[tilespmem:v20+s21+$0x0] =	vst.idx.msk $0xffff, v19  }
0x2aa: {  	[tilespmem:v62+s21+$0x0] =	vst.idx.msk $0xffff, v17  }
0x2ab: {  	[tilespmem:v63+s21+$0x0] =	vst.idx.msk $0xffff, v21  }
.Ltmp21:
0x2ac: {  	s6 =	rddreg [dreg:$0x11];
	s25 =	simm.s32 $0x9;
	[tilespmem:v18+s21+$0x0] =	vst.idx.msk $0xffff, v25;
	(pc) =	sbr.rel .LBB2_37-.Ltmp21, $4  }
0x2ad: {  	[hbm4b:s6+s5] =	stream.linear.scatter [tilespmem:s21], [sflag:$0x9], $0x2000, $0x38;
	[tilespmem:$0x11000] =	vst v63  }
0x2ae: {  	_ =	swait.ge [sflag:s25], $0x2000  }
0x2af: {  	[sflag:s25] =	ssyncset.done $0x0  }
0x2b0: {  	s11 =	rddreg [dreg:$0x18];
	[sflag:s25] =	ssyncadd.s32 $0xFFFFE000  }
.LBB2_28:
0x2b1: {  	s6 =	simm.s32 $0x0  }
0x2b2: {  	v17 =	vadd.s32 s6, v1  }
0x2b3: {  	v17 =	vand.u32 $0x3F, v17  }
0x2b4: {  	v18 =	vshll.u32 v17, $0x7  }
0x2b5: {  	s11 =	rddreg [dreg:$0x16];
	s18 =	simm.s32 $0x9;
	v19 =	vor.u32 v6, v18  }
0x2b6: {  	[tilespmem:s6], [sflag:$0x9] =	stream.strided.gather [hbm4b:s11+s31], $0x2000, s2, s31, $0x38;
	v20 =	vor.u32 v0, v18;
	[tilespmem:$0x11000] =	vst v63  }
0x2b7: {  	_ =	swait.ge [sflag:s18], $0x2000;
	v22 =	vor.u32 v3, v18  }
0x2b8: {  	[sflag:s18] =	ssyncset.done $0x0;
	v23 =	vor.u32 v2, v18  }
0x2b9: {  	[sflag:s18] =	ssyncadd.s32 $0xFFFFE000;
	v25 =	vor.u32 v5, v18  }
0x2ba: {  	v26 =	vor.u32 v7, v18;
	v21 =	vld.idx.msk [tilespmem:v19+s5+$0x0], $0xffff  }
0x2bb: {  	s25 =	simm.s32 $0x1;
	v34 =	vor.u32 v8, v18;
	v28 =	vld.idx.msk [tilespmem:v20+s5+$0x0], $0xffff  }
0x2bc: {  	v24 =	vor.u32 v9, v18;
	v20 =	vadd.s32 s25, v1;
	v27 =	vld.idx.msk [tilespmem:v22+s5+$0x0], $0xffff  }
0x2bd: {  	v33 =	vor.u32 v4, v17;
	v35 =	vor.u32 v10, v17;
	v32 =	vld.idx.msk [tilespmem:v23+s5+$0x0], $0xffff;
	v18 =	vand.u32 $0x3F, v20  }
0x2be: {  	v36 =	vor.u32 v11, v17;
	v37 =	vor.u32 v12, v17;
	v30 =	vld.idx.msk [tilespmem:v25+s5+$0x0], $0xffff;
	v29 =	vshll.u32 v18, $0x7  }
0x2bf: {  	v19 =	vor.u32 v13, v17;
	v31 =	vld.idx.msk [tilespmem:v26+s5+$0x0], $0xffff;
	v20 =	vor.u32 v13, v18;
	v25 =	vor.u32 v0, v29  }
0x2c0: {  	s6 =	simm.s32 $0x2;
	v34 =	vld.idx.msk [tilespmem:v34+s5+$0x0], $0xffff;
	v22 =	vor.u32 v2, v29;
	v26 =	vor.u32 v3, v29;
	v23 =	vor.u32 v5, v29  }
.LBB2_29:
0x2c1: {  	p6 =	sne.s32 s6, $0x3F;
	v38 =	vor.u32 v6, v29;
	v39 =	vor.u32 v7, v29;
	v40 =	vld.idx.msk [tilespmem:v24+s5+$0x0], $0xffff;
	v41 =	vor.u32 v14, v17;
	s11 =	smov.u32 s6;
	s6 =	sadd.s32 $0x1, s6  }
0x2c2: {  	v42 =	vor.u32 v8, v29;
	v24 =	vor.u32 v9, v29;
	[tilespmem:v33+s21+$0x0] =	vst.idx.msk $0xffff, v28  }
0x2c3: {  	v28 =	vor.u32 v15, v17;
	[tilespmem:v35+s21+$0x0] =	vst.idx.msk $0xffff, v32  }
0x2c4: {  	[tilespmem:v36+s21+$0x0] =	vst.idx.msk $0xffff, v27;
	v27 =	vor.u32 v16, v17;
	v17 =	vmov v18  }
0x2c5: {  	[tilespmem:v37+s21+$0x0] =	vst.idx.msk $0xffff, v30  }
0x2c6: {  	[tilespmem:v19+s21+$0x0] =	vst.idx.msk $0xffff, v21;
	v19 =	vmov v20  }
0x2c7: {  	[tilespmem:v41+s21+$0x0] =	vst.idx.msk $0xffff, v31  }
0x2c8: {  	[tilespmem:v28+s21+$0x0] =	vst.idx.msk $0xffff, v34  }
0x2c9: {  	[tilespmem:v27+s21+$0x0] =	vst.idx.msk $0xffff, v40  }
0x2ca: {  	v21 =	vld.idx.msk [tilespmem:v38+s5+$0x0], $0xffff  }
0x2cb: {  	v28 =	vld.idx.msk [tilespmem:v25+s5+$0x0], $0xffff  }
.Ltmp22:
0x2cc: {  	v18 =	vadd.s32 s11, v1;
	v27 =	vld.idx.msk [tilespmem:v26+s5+$0x0], $0xffff;
	(pc) =	sbr.rel @p6 .LBB2_29-.Ltmp22, $4  }
0x2cd: {  	v18 =	vand.u32 $0x3F, v18;
	v33 =	vor.u32 v4, v17;
	v32 =	vld.idx.msk [tilespmem:v22+s5+$0x0], $0xffff  }
0x2ce: {  	v35 =	vor.u32 v10, v17;
	v29 =	vshll.u32 v18, $0x7;
	v20 =	vor.u32 v13, v18;
	v30 =	vld.idx.msk [tilespmem:v23+s5+$0x0], $0xffff  }
0x2cf: {  	v36 =	vor.u32 v11, v17;
	v25 =	vor.u32 v0, v29;
	v22 =	vor.u32 v2, v29;
	v31 =	vld.idx.msk [tilespmem:v39+s5+$0x0], $0xffff  }
0x2d0: {  	v37 =	vor.u32 v12, v17;
	v26 =	vor.u32 v3, v29;
	v23 =	vor.u32 v5, v29;
	v34 =	vld.idx.msk [tilespmem:v42+s5+$0x0], $0xffff  }
0x2d1: {  	_ =	sdelay $0x3  }
0x2d2: {  	v24 =	vld.idx.msk [tilespmem:v24+s5+$0x0], $0xffff;
	v38 =	vor.u32 v14, v17;
	[tilespmem:v33+s21+$0x0] =	vst.idx.msk $0xffff, v28  }
0x2d3: {  	v54 =	vor.u32 v15, v17;
	[tilespmem:v35+s21+$0x0] =	vst.idx.msk $0xffff, v32  }
0x2d4: {  	v17 =	vor.u32 v16, v17;
	[tilespmem:v36+s21+$0x0] =	vst.idx.msk $0xffff, v27  }
0x2d5: {  	v55 =	vor.u32 v6, v29;
	[tilespmem:v37+s21+$0x0] =	vst.idx.msk $0xffff, v30  }
0x2d6: {  	[tilespmem:v19+s21+$0x0] =	vst.idx.msk $0xffff, v21  }
0x2d7: {  	[tilespmem:v38+s21+$0x0] =	vst.idx.msk $0xffff, v31  }
0x2d8: {  	[tilespmem:v54+s21+$0x0] =	vst.idx.msk $0xffff, v34  }
0x2d9: {  	[tilespmem:v17+s21+$0x0] =	vst.idx.msk $0xffff, v24  }
0x2da: {  	v56 =	vor.u32 v8, v29;
	v19 =	vld.idx.msk [tilespmem:v55+s5+$0x0], $0xffff  }
0x2db: {  	v57 =	vor.u32 v9, v29;
	v24 =	vld.idx.msk [tilespmem:v25+s5+$0x0], $0xffff  }
0x2dc: {  	v58 =	vor.u32 v4, v18;
	v17 =	vor.u32 v7, v29;
	v26 =	vld.idx.msk [tilespmem:v26+s5+$0x0], $0xffff  }
0x2dd: {  	v59 =	vor.u32 v10, v18;
	v22 =	vld.idx.msk [tilespmem:v22+s5+$0x0], $0xffff  }
0x2de: {  	v60 =	vor.u32 v11, v18;
	v23 =	vld.idx.msk [tilespmem:v23+s5+$0x0], $0xffff  }
0x2df: {  	v61 =	vor.u32 v12, v18;
	v21 =	vld.idx.msk [tilespmem:v56+s5+$0x0], $0xffff  }
0x2e0: {  	v25 =	vld.idx.msk [tilespmem:v57+s5+$0x0], $0xffff  }
0x2e1: {  	v62 =	vor.u32 v14, v18;
	v17 =	vld.idx.msk [tilespmem:v17+s5+$0x0], $0xffff;
	[tilespmem:v58+s21+$0x0] =	vst.idx.msk $0xffff, v24  }
0x2e2: {  	v63 =	vor.u32 v15, v18;
	[tilespmem:v59+s21+$0x0] =	vst.idx.msk $0xffff, v22  }
0x2e3: {  	v18 =	vor.u32 v16, v18;
	[tilespmem:v60+s21+$0x0] =	vst.idx.msk $0xffff, v26  }
0x2e4: {  	[tilespmem:v61+s21+$0x0] =	vst.idx.msk $0xffff, v23  }
0x2e5: {  	[tilespmem:v20+s21+$0x0] =	vst.idx.msk $0xffff, v19  }
0x2e6: {  	[tilespmem:v62+s21+$0x0] =	vst.idx.msk $0xffff, v17  }
0x2e7: {  	[tilespmem:v63+s21+$0x0] =	vst.idx.msk $0xffff, v21  }
.Ltmp23:
0x2e8: {  	s6 =	rddreg [dreg:$0x17];
	s25 =	simm.s32 $0x9;
	[tilespmem:v18+s21+$0x0] =	vst.idx.msk $0xffff, v25;
	(pc) =	sbr.rel .LBB2_37-.Ltmp23, $4  }
0x2e9: {  	[hbm4b:s6+s5] =	stream.linear.scatter [tilespmem:s21], [sflag:$0x9], $0x2000, $0x38;
	[tilespmem:$0x11000] =	vst v63  }
0x2ea: {  	_ =	swait.ge [sflag:s25], $0x2000  }
0x2eb: {  	[sflag:s25] =	ssyncset.done $0x0  }
0x2ec: {  	s11 =	rddreg [dreg:$0x18];
	[sflag:s25] =	ssyncadd.s32 $0xFFFFE000  }
.LBB2_38:
0x2ed: {  	_ =	sfence.sel $0x180000  }
0x2ee: {  	[bflag:$0x0] =	sbarrier.arrive $0xFFFF  }
0x2ef: {  	_ =	strace $0x90000047  }
0x2f0: {  	s0 =	stileid.u32;
	[bflag:$0x2] =	sbarrier.arrive $0xFFFF  }
0x2f1: {  	p0 =	sne.s32 s0, $0x0;
	s0 =	rddreg [dreg:$0x3]  }
0x2f2: {  	s0 =	sadd.s32 @!p0 $0x100000, s0  }
0x2f3: {  	[sflag:s0] =	ssyncadd.tile.s32 @!p0 $0x1;
	_ =	shalt  }
.Lfunc_end2:
_tile_overlayer_lowered:
.L_overlay_start_2:
0x2f4: {  	(tag) =	ssettag $0x2  }
0x2f5: {  	s0 =	rddreg [dreg:$0x0];
	s2 =	stileid.u32  }
0x2f6: {  	s1 =	rddreg [dreg:$0x1];
	p0 =	sne.s32 s2, $0x0  }
0x2f7: {  	s3 =	rddreg [dreg:$0x2];
	[bflag:$0x3] =	sbarrier.arrive $0xFFFF;
	s2 =	simm.s32 @!p0 $0x1C09  }
0x2f8: {  	[timem:s3], [sflag:s2] =	dma.local @!p0 [hbm:s0], s1  }
0x2f9: {  	s0 =	simm.s32 @!p0 $0x9  }
0x2fa: {  	_ =	swait.ge @!p0 [sflag:s0], s1  }
0x2fb: {  	s1 =	ssub.s32 @!p0 $0x0, s1;
	[sflag:s0] =	ssyncset.done @!p0 $0x0  }
0x2fc: {  	[sflag:s0] =	ssyncadd.s32 @!p0 s1  }
0x2fd: {  	[bflag:$0x3] =	sbarrier.arrive $0xFFFF  }
0x2fe: {  	_ =	shalt  }

</sc_bundles>
